<compile_context>
chip_gen: v7x
topology: tpu7x:2x2x1
jax: 0.10.2.dev20260603
libtpu: 0.0.44.dev20260713+nightly
codegen_flags: <defaults>
</compile_context>

<pallas_src>
import functools

import jax
import jax.numpy as jnp
from jax import lax
from jax.experimental import pallas as pl
from jax.experimental.pallas import tpu as pltpu
from jax.experimental.pallas import tpu_sc as plsc

N = 10000
D = 128
C = 40
K = 10
ALPHA = 0.1

NP = 10112
CP = 48
CH = CP // 2
DUMMY = 10000

CHUNK = 128
EP = 327680

DEG_TILES = 32
DEG_CPT = 80
LOOP_CPT = 160

NBUF = 8
LOOKAHEAD = 4
DEG_NBUF = 8

RPT = NP // 16
CMB = 79
NCMB = RPT // CMB



def _sc_deg_body(col_hbm, ones_hbm, zero_hbm, out_hbm,
                 col_all, ones_v, s_sh, ssem):
    c = lax.axis_index("c")
    sid = lax.axis_index("s")
    t = c * 16 + sid
    r0 = sid * RPT

    pltpu.sync_copy(col_hbm.at[t], col_all)
    pltpu.sync_copy(ones_hbm, ones_v)
    pltpu.sync_copy(zero_hbm.at[pl.ds(r0, RPT)], s_sh.at[pl.ds(r0, RPT)])
    plsc.subcore_barrier()

    def fire(j):
        pltpu.async_copy(ones_v, s_sh.at[col_all.at[j]], ssem, add=True)

    def drain_one():
        pltpu.make_async_copy(ones_v, s_sh.at[col_all.at[0]], ssem).wait()

    for b in range(DEG_NBUF):
        fire(b)

    def outer(i, carry):
        jo = i * DEG_NBUF
        for b in range(DEG_NBUF):
            drain_one()

            @pl.when(jo + DEG_NBUF + b < DEG_CPT)
            def _():
                fire(jo + DEG_NBUF + b)
        return carry

    lax.fori_loop(0, DEG_CPT // DEG_NBUF, outer, 0)

    plsc.subcore_barrier()
    pltpu.sync_copy(s_sh.at[pl.ds(r0, RPT)], out_hbm.at[c, pl.ds(r0, RPT)])


_sc_degrees = functools.partial(
    pl.kernel,
    out_type=jax.ShapeDtypeStruct((2, NP, 16), jnp.float32),
    mesh=plsc.VectorSubcoreMesh(core_axis_name="c", subcore_axis_name="s"),
    scratch_types=[
        pltpu.VMEM((DEG_CPT, CHUNK), jnp.int32),
        pltpu.VMEM((CHUNK, 16), jnp.float32),
        pltpu.VMEM_SHARED((NP, 16), jnp.float32),
        pltpu.SemaphoreType.DMA,
    ],
    compiler_params=pltpu.CompilerParams(use_tc_tiling_on_sc=False),
)(_sc_deg_body)



def _sc_loop_body(g0_hbm, c0_hbm, c1_hbm, row_hbm, col_hbm, zero_hbm,
                  g_out,
                  row_all, col_all, rows, cs, cg, cc0a, cc1a,
                  s_sh, g_sh, gsem, ssem, zsem):
    cidx = lax.axis_index("c")
    sid = lax.axis_index("s")
    r0 = sid * RPT

    pltpu.sync_copy(row_hbm.at[sid], row_all)
    pltpu.sync_copy(col_hbm.at[sid], col_all)
    pltpu.sync_copy(g0_hbm.at[cidx, pl.ds(r0, RPT)], g_sh.at[pl.ds(r0, RPT)])
    pltpu.sync_copy(zero_hbm.at[pl.ds(r0, RPT)], s_sh.at[pl.ds(r0, RPT)])
    pltpu.sync_copy(c0_hbm.at[cidx, pl.ds(r0, RPT)], cc0a)
    pltpu.sync_copy(c1_hbm.at[pl.ds(r0, RPT)], cc1a)
    plsc.subcore_barrier()

    def gather_start(j, b):
        pltpu.async_copy(g_sh.at[row_all.at[j]], rows.at[b], gsem.at[b])

    def gather_wait(b):
        pltpu.make_async_copy(g_sh.at[row_all.at[b]], rows.at[b],
                              gsem.at[b]).wait()

    def scatter_start(j, b):
        pltpu.async_copy(rows.at[b], s_sh.at[col_all.at[j]], ssem.at[b],
                         add=True)

    def scatter_wait(b):
        pltpu.make_async_copy(rows.at[b], s_sh.at[col_all.at[b]],
                              ssem.at[b]).wait()

    def one_iter(it, carry):
        for b in range(LOOKAHEAD):
            gather_start(b, b)

        def ring(i, carry2):
            jo = i * NBUF
            for b in range(NBUF):
                j = jo + b
                bg = (b + LOOKAHEAD) % NBUF
                gather_wait(b)
                scatter_start(j, b)

                @pl.when(j >= LOOKAHEAD)
                def _():
                    scatter_wait(bg)

                @pl.when(j + LOOKAHEAD < LOOP_CPT)
                def _():
                    gather_start(j + LOOKAHEAD, bg)
            return carry2

        lax.fori_loop(0, LOOP_CPT // NBUF, ring, 0)
        for b in range(NBUF - LOOKAHEAD, NBUF):
            scatter_wait(b)
        plsc.subcore_barrier()

        for q in range(NCMB):
            rq = r0 + q * CMB
            pltpu.sync_copy(s_sh.at[pl.ds(rq, CMB)], cs)
            pltpu.sync_copy(g_sh.at[pl.ds(rq, CMB)], cg)
            pltpu.async_copy(zero_hbm.at[pl.ds(rq, CMB)],
                             s_sh.at[pl.ds(rq, CMB)], zsem)

            def vrow(i, carry3):
                i0 = q * CMB + i
                sl0 = pl.ds(0, 16)
                sl8 = pl.ds(8, 16)
                a0 = (cc1a[i0, sl0] * (cs[i, sl0] + cg[i, sl0])
                      + cc0a[i0, sl0])
                a8 = (cc1a[i0, sl8] * (cs[i, sl8] + cg[i, sl8])
                      + cc0a[i0, sl8])
                cg[i, sl0] = a0
                cg[i, sl8] = a8
                return carry3

            lax.fori_loop(0, CMB, vrow, 0)
            pltpu.sync_copy(cg, g_sh.at[pl.ds(rq, CMB)])

        for q in range(NCMB):
            pltpu.make_async_copy(zero_hbm.at[pl.ds(r0, CMB)],
                                  s_sh.at[pl.ds(r0, CMB)], zsem).wait()
        plsc.subcore_barrier()
        return carry

    lax.fori_loop(0, K, one_iter, 0)
    pltpu.sync_copy(g_sh.at[pl.ds(r0, RPT)], g_out.at[cidx, pl.ds(r0, RPT)])


_sc_loop = functools.partial(
    pl.kernel,
    out_type=jax.ShapeDtypeStruct((2, NP, CH), jnp.float32),
    mesh=plsc.VectorSubcoreMesh(core_axis_name="c", subcore_axis_name="s"),
    scratch_types=[
        pltpu.VMEM((LOOP_CPT, CHUNK), jnp.int32),
        pltpu.VMEM((LOOP_CPT, CHUNK), jnp.int32),
        pltpu.VMEM((NBUF, CHUNK, CH), jnp.float32),
        pltpu.VMEM((CMB, CH), jnp.float32),
        pltpu.VMEM((CMB, CH), jnp.float32),
        pltpu.VMEM((RPT, CH), jnp.float32),
        pltpu.VMEM((RPT, CH), jnp.float32),
        pltpu.VMEM_SHARED((NP, CH), jnp.float32),
        pltpu.VMEM_SHARED((NP, CH), jnp.float32),
        pltpu.SemaphoreType.DMA((NBUF,)),
        pltpu.SemaphoreType.DMA((NBUF,)),
        pltpu.SemaphoreType.DMA,
    ],
    compiler_params=pltpu.CompilerParams(use_tc_tiling_on_sc=False),
)(_sc_loop_body)



_BLK = 128
_GRID = NP // _BLK

def _row_spec():
    return pl.BlockSpec((_BLK, CP), lambda i: (i, 0))


def _lin_body(x_ref, w_ref, b_ref, o_ref):
    acc = jnp.dot(x_ref[...], w_ref[...], preferred_element_type=jnp.float32)
    o_ref[...] = jnp.maximum(acc + b_ref[...], 0.0)


def _tc_linear(x_pad, w_pad, b_pad):
    return pl.pallas_call(
        _lin_body,
        grid=(_GRID,),
        in_specs=[
            pl.BlockSpec((_BLK, D), lambda i: (i, 0)),
            pl.BlockSpec((D, CP), lambda i: (0, 0)),
            pl.BlockSpec((1, CP), lambda i: (0, 0)),
        ],
        out_specs=_row_spec(),
        out_shape=jax.ShapeDtypeStruct((NP, CP), jnp.float32),
    )(x_pad, w_pad, b_pad)


def _init_body(d0_ref, d1_ref, h0_ref, g_ref, c0_ref, c1_ref, dinv_ref):
    deg = d0_ref[...][:, 0:1] + d1_ref[...][:, 0:1] + 1.0
    dinv = lax.rsqrt(deg)
    g = dinv * h0_ref[...]
    g_ref[0] = g[:, :CH]
    g_ref[1] = g[:, CH:]
    c0_ref[0] = ALPHA * g[:, :CH]
    c0_ref[1] = ALPHA * g[:, CH:]
    c1_ref[...] = jnp.broadcast_to((1.0 - ALPHA) * dinv * dinv, (_BLK, CH))
    dinv_ref[...] = jnp.broadcast_to(dinv, (_BLK, CP))


def _tc_init(s_deg, h0):
    dspec = pl.BlockSpec((_BLK, 16), lambda i: (i, 0))
    hspec = pl.BlockSpec((2, _BLK, CH), lambda i: (0, i, 0))
    return pl.pallas_call(
        _init_body,
        grid=(_GRID,),
        in_specs=[dspec, dspec, _row_spec()],
        out_specs=[hspec, hspec,
                   pl.BlockSpec((_BLK, CH), lambda i: (i, 0)), _row_spec()],
        out_shape=[jax.ShapeDtypeStruct((2, NP, CH), jnp.float32),
                   jax.ShapeDtypeStruct((2, NP, CH), jnp.float32),
                   jax.ShapeDtypeStruct((NP, CH), jnp.float32),
                   jax.ShapeDtypeStruct((NP, CP), jnp.float32)],
    )(s_deg[0], s_deg[1], h0)


def _final_body(g_ref, dinv_ref, o_ref):
    g = jnp.concatenate([g_ref[0], g_ref[1]], axis=1)
    h = g / dinv_ref[...]
    col = lax.broadcasted_iota(jnp.int32, (_BLK, CP), 1)
    hm = jnp.where(col < C, h, -1e30)
    m = jnp.max(hm, axis=1, keepdims=True)
    e = jnp.exp(hm - m)
    lse = jnp.log(jnp.sum(e, axis=1, keepdims=True)) + m
    o_ref[...] = hm - lse


def _tc_final(g_fin, dinv):
    return pl.pallas_call(
        _final_body,
        grid=(_GRID,),
        in_specs=[pl.BlockSpec((2, _BLK, CH), lambda i: (0, i, 0)),
                  _row_spec()],
        out_specs=_row_spec(),
        out_shape=jax.ShapeDtypeStruct((NP, CP), jnp.float32),
    )(g_fin, dinv)



def kernel(x, edge_index, W, b):
    x_pad = jnp.pad(x, ((0, NP - N), (0, 0)))
    w_pad = jnp.pad(W, ((0, 0), (0, CP - C)))
    b_pad = jnp.pad(b, (0, CP - C)).reshape(1, CP)

    e = edge_index.shape[1]
    row_flat = jnp.pad(edge_index[0], (0, EP - e), constant_values=DUMMY)
    col_flat = jnp.pad(edge_index[1], (0, EP - e), constant_values=DUMMY)
    col_deg = col_flat.reshape(DEG_TILES, DEG_CPT, CHUNK)
    row2 = row_flat.reshape(16, LOOP_CPT, CHUNK)
    col2 = col_flat.reshape(16, LOOP_CPT, CHUNK)

    ones16 = jnp.ones((CHUNK, 16), jnp.float32)
    zero16 = jnp.zeros((NP, 16), jnp.float32)
    zero24 = jnp.zeros((NP, CH), jnp.float32)

    h0 = _tc_linear(x_pad, w_pad, b_pad)
    s_deg = _sc_degrees(col_deg, ones16, zero16)
    g0h, c0h, c1h, dinv = _tc_init(s_deg, h0)

    g_fin = _sc_loop(g0h, c0h, c1h, row2, col2, zero24)

    z = _tc_final(g_fin, dinv)
    return z[:N, :C]

# --- scband reference (transcript-rebuilt; emitter-appended) ---
"""Pipeline reference for scband-appnp-53592601919957 (READ-ONLY COPY).

The authoritative reference and input builder live on the scoring server;
editing this copy changes nothing except your own understanding.
"""

import jax, jax.numpy as jnp
import numpy as np

N = 10000
E = 320000
D = 128
C = 40
K = 10
ALPHA = 0.1


def setup_inputs(seed: int = 0) -> dict:
    key = jax.random.key(seed)
    k1, k2, k3, k4 = jax.random.split(key, 4)
    x = jax.random.normal(k1, (N, D), dtype=jnp.float32)
    edge_index = jax.random.randint(k2, (2, E), 0, N, dtype=jnp.int32)
    # Linear layer params (in_features=D, out_features=C), Glorot-ish init
    W = jax.random.normal(k3, (D, C), dtype=jnp.float32) * (1.0 / np.sqrt(D))
    b = jnp.zeros((C,), dtype=jnp.float32)
    return {"x": x, "edge_index": edge_index, "W": W, "b": b}


def reference(x, edge_index, W, b):
    # dropout is identity in eval mode
    row = edge_index[0]
    col = edge_index[1]
    # add self-loops (APPNP/GCN default)
    loop = jnp.arange(N, dtype=edge_index.dtype)
    row = jnp.concatenate([row, loop])
    col = jnp.concatenate([col, loop])
    # symmetric GCN normalization
    deg = jax.ops.segment_sum(jnp.ones_like(col, dtype=jnp.float32), col, num_segments=N)
    dinv = jnp.where(deg > 0, 1.0 / jnp.sqrt(deg), 0.0)
    norm = dinv[row] * dinv[col]
    # lin + relu
    h = jax.nn.relu(x @ W + b)
    x0 = h
    # K steps of personalized-pagerank propagation
    for _ in range(K):
        msg = h[row] * norm[:, None]
        agg = jax.ops.segment_sum(msg, col, num_segments=N)
        h = (1.0 - ALPHA) * agg + ALPHA * x0
    return jax.nn.log_softmax(h, axis=1)

if __name__ == "__main__":
    import jax
    _d = setup_inputs()
    print(jax.jit(kernel)(*tuple(_d.values())))

</pallas_src>

<mosaic_0001>
#map = affine_map<(d0, d1) -> (0, 0, 0)>
#map1 = affine_map<(d0, d1) -> (0, 0)>
module attributes {stable_mosaic.version = 14 : i64} {
  func.func @_sc_deg_body(%arg0: i32, %arg1: i32, %arg2: memref<32x80x128xi32, #tpu.memory_space<hbm>>, %arg3: memref<128x16xf32, #tpu.memory_space<hbm>>, %arg4: memref<10112x16xf32, #tpu.memory_space<hbm>>, %arg5: memref<2x10112x16xf32, #tpu.memory_space<hbm>>, %arg6: memref<80x128xi32, #tpu.memory_space<vmem>>, %arg7: memref<128x16xf32, #tpu.memory_space<vmem>>, %arg8: memref<10112x16xf32, #tpu.memory_space<vmem_shared>>, %arg9: memref<!tpu.dma_semaphore, #tpu.memory_space<semaphore_mem>>) attributes {dimension_semantics = [#tpu.dimension_semantics<core_parallel>, #tpu.dimension_semantics<subcore_parallel>], iteration_bounds = array<i64: 2, 16>, scalar_prefetch = 0 : i64, scratch_operands = 4 : i64, tpu.core_type = #tpu.core_type<sc_vector_subcore>, window_params = [{transform_indices = #map}, {transform_indices = #map1}, {transform_indices = #map1}, {transform_indices = #map}]} {
    %mul3A = arith.constant 16 : i32
    %mul3A_0 = arith.muli %arg0, %mul3A : i32
    %add3A = arith.addi %mul3A_0, %arg1 : i32
    %mul3A_1 = arith.constant 632 : i32
    %mul3A_2 = arith.muli %arg1, %mul3A_1 : i32
    "tpu.region"() ({
      %run_scoped3A = tpu.sem_alloc : memref<!tpu.dma_semaphore, #tpu.memory_space<semaphore_mem>>
      %dma_start3A_64 = arith.constant 0 : i32
      %dma_start3A_65 = arith.constant 0 : i32
      %dma_start3A_66 = tpu.memref_slice %arg2[%add3A, %dma_start3A_64, %dma_start3A_65] : memref<32x80x128xi32, #tpu.memory_space<hbm>> -> memref<1x80x128xi32, #tpu.memory_space<hbm>>
      %dma_start3A_67 = tpu.memref_squeeze %dma_start3A_66 : memref<1x80x128xi32, #tpu.memory_space<hbm>> -> memref<80x128xi32, #tpu.memory_space<hbm>>
      %dma_start3A_68 = arith.constant 0 : i32
      %dma_start3A_69 = arith.constant 0 : i32
      %dma_start3A_70 = tpu.memref_slice %arg2[%add3A, %dma_start3A_68, %dma_start3A_69] : memref<32x80x128xi32, #tpu.memory_space<hbm>> -> memref<1x80x128xi32, #tpu.memory_space<hbm>>
      %dma_start3A_71 = tpu.memref_squeeze %dma_start3A_70 : memref<1x80x128xi32, #tpu.memory_space<hbm>> -> memref<80x128xi32, #tpu.memory_space<hbm>>
      tpu.enqueue_dma source(%dma_start3A_71 : memref<80x128xi32, #tpu.memory_space<hbm>>) target(%arg6 : memref<80x128xi32, #tpu.memory_space<vmem>>) target_semaphore(%run_scoped3A : memref<!tpu.dma_semaphore, #tpu.memory_space<semaphore_mem>>)
      %dma_wait3A = arith.constant 0 : i32
      %dma_wait3A_72 = arith.constant 0 : i32
      %dma_wait3A_73 = tpu.memref_slice %arg2[%add3A, %dma_wait3A, %dma_wait3A_72] : memref<32x80x128xi32, #tpu.memory_space<hbm>> -> memref<1x80x128xi32, #tpu.memory_space<hbm>>
      %dma_wait3A_74 = tpu.memref_squeeze %dma_wait3A_73 : memref<1x80x128xi32, #tpu.memory_space<hbm>> -> memref<80x128xi32, #tpu.memory_space<hbm>>
      %dma_wait3A_75 = arith.constant 0 : i32
      %dma_wait3A_76 = arith.constant 0 : i32
      %dma_wait3A_77 = tpu.memref_slice %arg2[%add3A, %dma_wait3A_75, %dma_wait3A_76] : memref<32x80x128xi32, #tpu.memory_space<hbm>> -> memref<1x80x128xi32, #tpu.memory_space<hbm>>
      %dma_wait3A_78 = tpu.memref_squeeze %dma_wait3A_77 : memref<1x80x128xi32, #tpu.memory_space<hbm>> -> memref<80x128xi32, #tpu.memory_space<hbm>>
      tpu.wait_dma2 semaphore(%run_scoped3A : memref<!tpu.dma_semaphore, #tpu.memory_space<semaphore_mem>>) src(%dma_wait3A_78 : memref<80x128xi32, #tpu.memory_space<hbm>>) dst(%arg6 : memref<80x128xi32, #tpu.memory_space<vmem>>)
      tpu.yield
    }) : () -> ()
    "tpu.region"() ({
      %run_scoped3A = tpu.sem_alloc : memref<!tpu.dma_semaphore, #tpu.memory_space<semaphore_mem>>
      tpu.enqueue_dma source(%arg3 : memref<128x16xf32, #tpu.memory_space<hbm>>) target(%arg7 : memref<128x16xf32, #tpu.memory_space<vmem>>) target_semaphore(%run_scoped3A : memref<!tpu.dma_semaphore, #tpu.memory_space<semaphore_mem>>)
      tpu.wait_dma2 semaphore(%run_scoped3A : memref<!tpu.dma_semaphore, #tpu.memory_space<semaphore_mem>>) src(%arg3 : memref<128x16xf32, #tpu.memory_space<hbm>>) dst(%arg7 : memref<128x16xf32, #tpu.memory_space<vmem>>)
      tpu.yield
    }) : () -> ()
    "tpu.region"() ({
      %run_scoped3A = tpu.sem_alloc : memref<!tpu.dma_semaphore, #tpu.memory_space<semaphore_mem>>
      %dma_start3A_64 = arith.constant 0 : i32
      %dma_start3A_65 = tpu.memref_slice %arg8[%mul3A_2, %dma_start3A_64] : memref<10112x16xf32, #tpu.memory_space<vmem_shared>> -> memref<632x16xf32, #tpu.memory_space<vmem_shared>>
      %dma_start3A_66 = arith.constant 0 : i32
      %dma_start3A_67 = tpu.memref_slice %arg4[%mul3A_2, %dma_start3A_66] : memref<10112x16xf32, #tpu.memory_space<hbm>> -> memref<632x16xf32, #tpu.memory_space<hbm>>
      tpu.enqueue_dma source(%dma_start3A_67 : memref<632x16xf32, #tpu.memory_space<hbm>>) target(%dma_start3A_65 : memref<632x16xf32, #tpu.memory_space<vmem_shared>>) target_semaphore(%run_scoped3A : memref<!tpu.dma_semaphore, #tpu.memory_space<semaphore_mem>>)
      %dma_wait3A = arith.constant 0 : i32
      %dma_wait3A_68 = tpu.memref_slice %arg8[%mul3A_2, %dma_wait3A] : memref<10112x16xf32, #tpu.memory_space<vmem_shared>> -> memref<632x16xf32, #tpu.memory_space<vmem_shared>>
      %dma_wait3A_69 = arith.constant 0 : i32
      %dma_wait3A_70 = tpu.memref_slice %arg4[%mul3A_2, %dma_wait3A_69] : memref<10112x16xf32, #tpu.memory_space<hbm>> -> memref<632x16xf32, #tpu.memory_space<hbm>>
      tpu.wait_dma2 semaphore(%run_scoped3A : memref<!tpu.dma_semaphore, #tpu.memory_space<semaphore_mem>>) src(%dma_wait3A_70 : memref<632x16xf32, #tpu.memory_space<hbm>>) dst(%dma_wait3A_68 : memref<632x16xf32, #tpu.memory_space<vmem_shared>>)
      tpu.yield
    }) : () -> ()
    %barrier3A = arith.constant 0 : index
    tpu.barrier barrier_id(%barrier3A)
    %dma_start3A = arith.constant 0 : i32
    %dma_start3A_3 = arith.constant 0 : i32
    %dma_start3A_4 = tpu.memref_slice %arg6[%dma_start3A, %dma_start3A_3] : memref<80x128xi32, #tpu.memory_space<vmem>> -> memref<1x128xi32, #tpu.memory_space<vmem>>
    %dma_start3A_5 = tpu.memref_squeeze %dma_start3A_4 : memref<1x128xi32, #tpu.memory_space<vmem>> -> memref<128xi32, #tpu.memory_space<vmem>>
    %dma_start3A_6 = arith.constant 0 : i32
    %dma_start3A_7 = arith.constant 0 : i32
    %dma_start3A_8 = tpu.memref_slice %arg8[%dma_start3A_6, %dma_start3A_7] : memref<10112x16xf32, #tpu.memory_space<vmem_shared>> -> memref<10112x16xf32, #tpu.memory_space<vmem_shared>>
    tpu.enqueue_indirect_dma source(%arg7 : memref<128x16xf32, #tpu.memory_space<vmem>>) target(%dma_start3A_8 : memref<10112x16xf32, #tpu.memory_space<vmem_shared>>) offsets(%dma_start3A_5 : memref<128xi32, #tpu.memory_space<vmem>>) semaphore(%arg9 : memref<!tpu.dma_semaphore, #tpu.memory_space<semaphore_mem>>) {add = true}
    %dma_start3A_9 = arith.constant 1 : i32
    %dma_start3A_10 = arith.constant 0 : i32
    %dma_start3A_11 = tpu.memref_slice %arg6[%dma_start3A_9, %dma_start3A_10] : memref<80x128xi32, #tpu.memory_space<vmem>> -> memref<1x128xi32, #tpu.memory_space<vmem>>
    %dma_start3A_12 = tpu.memref_squeeze %dma_start3A_11 : memref<1x128xi32, #tpu.memory_space<vmem>> -> memref<128xi32, #tpu.memory_space<vmem>>
    %dma_start3A_13 = arith.constant 0 : i32
    %dma_start3A_14 = arith.constant 0 : i32
    %dma_start3A_15 = tpu.memref_slice %arg8[%dma_start3A_13, %dma_start3A_14] : memref<10112x16xf32, #tpu.memory_space<vmem_shared>> -> memref<10112x16xf32, #tpu.memory_space<vmem_shared>>
    tpu.enqueue_indirect_dma source(%arg7 : memref<128x16xf32, #tpu.memory_space<vmem>>) target(%dma_start3A_15 : memref<10112x16xf32, #tpu.memory_space<vmem_shared>>) offsets(%dma_start3A_12 : memref<128xi32, #tpu.memory_space<vmem>>) semaphore(%arg9 : memref<!tpu.dma_semaphore, #tpu.memory_space<semaphore_mem>>) {add = true}
    %dma_start3A_16 = arith.constant 2 : i32
    %dma_start3A_17 = arith.constant 0 : i32
    %dma_start3A_18 = tpu.memref_slice %arg6[%dma_start3A_16, %dma_start3A_17] : memref<80x128xi32, #tpu.memory_space<vmem>> -> memref<1x128xi32, #tpu.memory_space<vmem>>
    %dma_start3A_19 = tpu.memref_squeeze %dma_start3A_18 : memref<1x128xi32, #tpu.memory_space<vmem>> -> memref<128xi32, #tpu.memory_space<vmem>>
    %dma_start3A_20 = arith.constant 0 : i32
    %dma_start3A_21 = arith.constant 0 : i32
    %dma_start3A_22 = tpu.memref_slice %arg8[%dma_start3A_20, %dma_start3A_21] : memref<10112x16xf32, #tpu.memory_space<vmem_shared>> -> memref<10112x16xf32, #tpu.memory_space<vmem_shared>>
    tpu.enqueue_indirect_dma source(%arg7 : memref<128x16xf32, #tpu.memory_space<vmem>>) target(%dma_start3A_22 : memref<10112x16xf32, #tpu.memory_space<vmem_shared>>) offsets(%dma_start3A_19 : memref<128xi32, #tpu.memory_space<vmem>>) semaphore(%arg9 : memref<!tpu.dma_semaphore, #tpu.memory_space<semaphore_mem>>) {add = true}
    %dma_start3A_23 = arith.constant 3 : i32
    %dma_start3A_24 = arith.constant 0 : i32
    %dma_start3A_25 = tpu.memref_slice %arg6[%dma_start3A_23, %dma_start3A_24] : memref<80x128xi32, #tpu.memory_space<vmem>> -> memref<1x128xi32, #tpu.memory_space<vmem>>
    %dma_start3A_26 = tpu.memref_squeeze %dma_start3A_25 : memref<1x128xi32, #tpu.memory_space<vmem>> -> memref<128xi32, #tpu.memory_space<vmem>>
    %dma_start3A_27 = arith.constant 0 : i32
    %dma_start3A_28 = arith.constant 0 : i32
    %dma_start3A_29 = tpu.memref_slice %arg8[%dma_start3A_27, %dma_start3A_28] : memref<10112x16xf32, #tpu.memory_space<vmem_shared>> -> memref<10112x16xf32, #tpu.memory_space<vmem_shared>>
    tpu.enqueue_indirect_dma source(%arg7 : memref<128x16xf32, #tpu.memory_space<vmem>>) target(%dma_start3A_29 : memref<10112x16xf32, #tpu.memory_space<vmem_shared>>) offsets(%dma_start3A_26 : memref<128xi32, #tpu.memory_space<vmem>>) semaphore(%arg9 : memref<!tpu.dma_semaphore, #tpu.memory_space<semaphore_mem>>) {add = true}
    %dma_start3A_30 = arith.constant 4 : i32
    %dma_start3A_31 = arith.constant 0 : i32
    %dma_start3A_32 = tpu.memref_slice %arg6[%dma_start3A_30, %dma_start3A_31] : memref<80x128xi32, #tpu.memory_space<vmem>> -> memref<1x128xi32, #tpu.memory_space<vmem>>
    %dma_start3A_33 = tpu.memref_squeeze %dma_start3A_32 : memref<1x128xi32, #tpu.memory_space<vmem>> -> memref<128xi32, #tpu.memory_space<vmem>>
    %dma_start3A_34 = arith.constant 0 : i32
    %dma_start3A_35 = arith.constant 0 : i32
    %dma_start3A_36 = tpu.memref_slice %arg8[%dma_start3A_34, %dma_start3A_35] : memref<10112x16xf32, #tpu.memory_space<vmem_shared>> -> memref<10112x16xf32, #tpu.memory_space<vmem_shared>>
    tpu.enqueue_indirect_dma source(%arg7 : memref<128x16xf32, #tpu.memory_space<vmem>>) target(%dma_start3A_36 : memref<10112x16xf32, #tpu.memory_space<vmem_shared>>) offsets(%dma_start3A_33 : memref<128xi32, #tpu.memory_space<vmem>>) semaphore(%arg9 : memref<!tpu.dma_semaphore, #tpu.memory_space<semaphore_mem>>) {add = true}
    %dma_start3A_37 = arith.constant 5 : i32
    %dma_start3A_38 = arith.constant 0 : i32
    %dma_start3A_39 = tpu.memref_slice %arg6[%dma_start3A_37, %dma_start3A_38] : memref<80x128xi32, #tpu.memory_space<vmem>> -> memref<1x128xi32, #tpu.memory_space<vmem>>
    %dma_start3A_40 = tpu.memref_squeeze %dma_start3A_39 : memref<1x128xi32, #tpu.memory_space<vmem>> -> memref<128xi32, #tpu.memory_space<vmem>>
    %dma_start3A_41 = arith.constant 0 : i32
    %dma_start3A_42 = arith.constant 0 : i32
    %dma_start3A_43 = tpu.memref_slice %arg8[%dma_start3A_41, %dma_start3A_42] : memref<10112x16xf32, #tpu.memory_space<vmem_shared>> -> memref<10112x16xf32, #tpu.memory_space<vmem_shared>>
    tpu.enqueue_indirect_dma source(%arg7 : memref<128x16xf32, #tpu.memory_space<vmem>>) target(%dma_start3A_43 : memref<10112x16xf32, #tpu.memory_space<vmem_shared>>) offsets(%dma_start3A_40 : memref<128xi32, #tpu.memory_space<vmem>>) semaphore(%arg9 : memref<!tpu.dma_semaphore, #tpu.memory_space<semaphore_mem>>) {add = true}
    %dma_start3A_44 = arith.constant 6 : i32
    %dma_start3A_45 = arith.constant 0 : i32
    %dma_start3A_46 = tpu.memref_slice %arg6[%dma_start3A_44, %dma_start3A_45] : memref<80x128xi32, #tpu.memory_space<vmem>> -> memref<1x128xi32, #tpu.memory_space<vmem>>
    %dma_start3A_47 = tpu.memref_squeeze %dma_start3A_46 : memref<1x128xi32, #tpu.memory_space<vmem>> -> memref<128xi32, #tpu.memory_space<vmem>>
    %dma_start3A_48 = arith.constant 0 : i32
    %dma_start3A_49 = arith.constant 0 : i32
    %dma_start3A_50 = tpu.memref_slice %arg8[%dma_start3A_48, %dma_start3A_49] : memref<10112x16xf32, #tpu.memory_space<vmem_shared>> -> memref<10112x16xf32, #tpu.memory_space<vmem_shared>>
    tpu.enqueue_indirect_dma source(%arg7 : memref<128x16xf32, #tpu.memory_space<vmem>>) target(%dma_start3A_50 : memref<10112x16xf32, #tpu.memory_space<vmem_shared>>) offsets(%dma_start3A_47 : memref<128xi32, #tpu.memory_space<vmem>>) semaphore(%arg9 : memref<!tpu.dma_semaphore, #tpu.memory_space<semaphore_mem>>) {add = true}
    %dma_start3A_51 = arith.constant 7 : i32
    %dma_start3A_52 = arith.constant 0 : i32
    %dma_start3A_53 = tpu.memref_slice %arg6[%dma_start3A_51, %dma_start3A_52] : memref<80x128xi32, #tpu.memory_space<vmem>> -> memref<1x128xi32, #tpu.memory_space<vmem>>
    %dma_start3A_54 = tpu.memref_squeeze %dma_start3A_53 : memref<1x128xi32, #tpu.memory_space<vmem>> -> memref<128xi32, #tpu.memory_space<vmem>>
    %dma_start3A_55 = arith.constant 0 : i32
    %dma_start3A_56 = arith.constant 0 : i32
    %dma_start3A_57 = tpu.memref_slice %arg8[%dma_start3A_55, %dma_start3A_56] : memref<10112x16xf32, #tpu.memory_space<vmem_shared>> -> memref<10112x16xf32, #tpu.memory_space<vmem_shared>>
    tpu.enqueue_indirect_dma source(%arg7 : memref<128x16xf32, #tpu.memory_space<vmem>>) target(%dma_start3A_57 : memref<10112x16xf32, #tpu.memory_space<vmem_shared>>) offsets(%dma_start3A_54 : memref<128xi32, #tpu.memory_space<vmem>>) semaphore(%arg9 : memref<!tpu.dma_semaphore, #tpu.memory_space<semaphore_mem>>) {add = true}
    %scan3A = arith.constant 0 : i32
    %scan3A_58 = arith.constant 0 : i32
    %scan3A_59 = arith.constant 10 : i32
    %scan3A_60 = arith.addi %scan3A_58, %scan3A_59 : i32
    %scan3A_61 = arith.constant 1 : i32
    scf.for %scan3A_64 = %scan3A_58 to %scan3A_60 step %scan3A_61  : i32 {
      %mul3A_65 = arith.constant 8 : i32
      %mul3A_66 = arith.muli %scan3A_64, %mul3A_65 : i32
      %dma_wait3A = arith.constant 0 : i32
      %dma_wait3A_67 = arith.constant 0 : i32
      %dma_wait3A_68 = tpu.memref_slice %arg6[%dma_wait3A, %dma_wait3A_67] : memref<80x128xi32, #tpu.memory_space<vmem>> -> memref<1x128xi32, #tpu.memory_space<vmem>>
      %dma_wait3A_69 = tpu.memref_squeeze %dma_wait3A_68 : memref<1x128xi32, #tpu.memory_space<vmem>> -> memref<128xi32, #tpu.memory_space<vmem>>
      %dma_wait3A_70 = arith.constant 0 : i32
      %dma_wait3A_71 = arith.constant 0 : i32
      %dma_wait3A_72 = tpu.memref_slice %arg8[%dma_wait3A_70, %dma_wait3A_71] : memref<10112x16xf32, #tpu.memory_space<vmem_shared>> -> memref<10112x16xf32, #tpu.memory_space<vmem_shared>>
      tpu.wait_indirect_dma semaphore(%arg9 : memref<!tpu.dma_semaphore, #tpu.memory_space<semaphore_mem>>) src(%arg7 : memref<128x16xf32, #tpu.memory_space<vmem>>) dst(%dma_wait3A_72 : memref<10112x16xf32, #tpu.memory_space<vmem_shared>>)
      %add3A_73 = arith.constant 8 : i32
      %add3A_74 = arith.addi %mul3A_66, %add3A_73 : i32
      %add3A_75 = arith.constant 0 : i32
      %add3A_76 = arith.addi %add3A_74, %add3A_75 : i32
      %lt3A = arith.constant 80 : i32
      %lt3A_77 = arith.cmpi slt, %add3A_76, %lt3A : i32
      %convert_element_type3A = arith.extui %lt3A_77 : i1 to i32
      %cond3A = arith.constant 0 : i32
      %cond3A_78 = arith.cmpi ne, %convert_element_type3A, %cond3A : i32
      scf.if %cond3A_78 {
        %add3A_191 = arith.constant 8 : i32
        %add3A_192 = arith.addi %mul3A_66, %add3A_191 : i32
        %add3A_193 = arith.constant 0 : i32
        %add3A_194 = arith.addi %add3A_192, %add3A_193 : i32
        %dma_start3A_195 = arith.constant 0 : i32
        %dma_start3A_196 = tpu.memref_slice %arg6[%add3A_194, %dma_start3A_195] : memref<80x128xi32, #tpu.memory_space<vmem>> -> memref<1x128xi32, #tpu.memory_space<vmem>>
        %dma_start3A_197 = tpu.memref_squeeze %dma_start3A_196 : memref<1x128xi32, #tpu.memory_space<vmem>> -> memref<128xi32, #tpu.memory_space<vmem>>
        %dma_start3A_198 = arith.constant 0 : i32
        %dma_start3A_199 = arith.constant 0 : i32
        %dma_start3A_200 = tpu.memref_slice %arg8[%dma_start3A_198, %dma_start3A_199] : memref<10112x16xf32, #tpu.memory_space<vmem_shared>> -> memref<10112x16xf32, #tpu.memory_space<vmem_shared>>
        tpu.enqueue_indirect_dma source(%arg7 : memref<128x16xf32, #tpu.memory_space<vmem>>) target(%dma_start3A_200 : memref<10112x16xf32, #tpu.memory_space<vmem_shared>>) offsets(%dma_start3A_197 : memref<128xi32, #tpu.memory_space<vmem>>) semaphore(%arg9 : memref<!tpu.dma_semaphore, #tpu.memory_space<semaphore_mem>>) {add = true}
      } else {
      }
      %dma_wait3A_79 = arith.constant 0 : i32
      %dma_wait3A_80 = arith.constant 0 : i32
      %dma_wait3A_81 = tpu.memref_slice %arg6[%dma_wait3A_79, %dma_wait3A_80] : memref<80x128xi32, #tpu.memory_space<vmem>> -> memref<1x128xi32, #tpu.memory_space<vmem>>
      %dma_wait3A_82 = tpu.memref_squeeze %dma_wait3A_81 : memref<1x128xi32, #tpu.memory_space<vmem>> -> memref<128xi32, #tpu.memory_space<vmem>>
      %dma_wait3A_83 = arith.constant 0 : i32
      %dma_wait3A_84 = arith.constant 0 : i32
      %dma_wait3A_85 = tpu.memref_slice %arg8[%dma_wait3A_83, %dma_wait3A_84] : memref<10112x16xf32, #tpu.memory_space<vmem_shared>> -> memref<10112x16xf32, #tpu.memory_space<vmem_shared>>
      tpu.wait_indirect_dma semaphore(%arg9 : memref<!tpu.dma_semaphore, #tpu.memory_space<semaphore_mem>>) src(%arg7 : memref<128x16xf32, #tpu.memory_space<vmem>>) dst(%dma_wait3A_85 : memref<10112x16xf32, #tpu.memory_space<vmem_shared>>)
      %add3A_86 = arith.constant 8 : i32
      %add3A_87 = arith.addi %mul3A_66, %add3A_86 : i32
      %add3A_88 = arith.constant 1 : i32
      %add3A_89 = arith.addi %add3A_87, %add3A_88 : i32
      %lt3A_90 = arith.constant 80 : i32
      %lt3A_91 = arith.cmpi slt, %add3A_89, %lt3A_90 : i32
      %convert_element_type3A_92 = arith.extui %lt3A_91 : i1 to i32
      %cond3A_93 = arith.constant 0 : i32
      %cond3A_94 = arith.cmpi ne, %convert_element_type3A_92, %cond3A_93 : i32
      scf.if %cond3A_94 {
        %add3A_191 = arith.constant 8 : i32
        %add3A_192 = arith.addi %mul3A_66, %add3A_191 : i32
        %add3A_193 = arith.constant 1 : i32
        %add3A_194 = arith.addi %add3A_192, %add3A_193 : i32
        %dma_start3A_195 = arith.constant 0 : i32
        %dma_start3A_196 = tpu.memref_slice %arg6[%add3A_194, %dma_start3A_195] : memref<80x128xi32, #tpu.memory_space<vmem>> -> memref<1x128xi32, #tpu.memory_space<vmem>>
        %dma_start3A_197 = tpu.memref_squeeze %dma_start3A_196 : memref<1x128xi32, #tpu.memory_space<vmem>> -> memref<128xi32, #tpu.memory_space<vmem>>
        %dma_start3A_198 = arith.constant 0 : i32
        %dma_start3A_199 = arith.constant 0 : i32
        %dma_start3A_200 = tpu.memref_slice %arg8[%dma_start3A_198, %dma_start3A_199] : memref<10112x16xf32, #tpu.memory_space<vmem_shared>> -> memref<10112x16xf32, #tpu.memory_space<vmem_shared>>
        tpu.enqueue_indirect_dma source(%arg7 : memref<128x16xf32, #tpu.memory_space<vmem>>) target(%dma_start3A_200 : memref<10112x16xf32, #tpu.memory_space<vmem_shared>>) offsets(%dma_start3A_197 : memref<128xi32, #tpu.memory_space<vmem>>) semaphore(%arg9 : memref<!tpu.dma_semaphore, #tpu.memory_space<semaphore_mem>>) {add = true}
      } else {
      }
      %dma_wait3A_95 = arith.constant 0 : i32
      %dma_wait3A_96 = arith.constant 0 : i32
      %dma_wait3A_97 = tpu.memref_slice %arg6[%dma_wait3A_95, %dma_wait3A_96] : memref<80x128xi32, #tpu.memory_space<vmem>> -> memref<1x128xi32, #tpu.memory_space<vmem>>
      %dma_wait3A_98 = tpu.memref_squeeze %dma_wait3A_97 : memref<1x128xi32, #tpu.memory_space<vmem>> -> memref<128xi32, #tpu.memory_space<vmem>>
      %dma_wait3A_99 = arith.constant 0 : i32
      %dma_wait3A_100 = arith.constant 0 : i32
      %dma_wait3A_101 = tpu.memref_slice %arg8[%dma_wait3A_99, %dma_wait3A_100] : memref<10112x16xf32, #tpu.memory_space<vmem_shared>> -> memref<10112x16xf32, #tpu.memory_space<vmem_shared>>
      tpu.wait_indirect_dma semaphore(%arg9 : memref<!tpu.dma_semaphore, #tpu.memory_space<semaphore_mem>>) src(%arg7 : memref<128x16xf32, #tpu.memory_space<vmem>>) dst(%dma_wait3A_101 : memref<10112x16xf32, #tpu.memory_space<vmem_shared>>)
      %add3A_102 = arith.constant 8 : i32
      %add3A_103 = arith.addi %mul3A_66, %add3A_102 : i32
      %add3A_104 = arith.constant 2 : i32
      %add3A_105 = arith.addi %add3A_103, %add3A_104 : i32
      %lt3A_106 = arith.constant 80 : i32
      %lt3A_107 = arith.cmpi slt, %add3A_105, %lt3A_106 : i32
      %convert_element_type3A_108 = arith.extui %lt3A_107 : i1 to i32
      %cond3A_109 = arith.constant 0 : i32
      %cond3A_110 = arith.cmpi ne, %convert_element_type3A_108, %cond3A_109 : i32
      scf.if %cond3A_110 {
        %add3A_191 = arith.constant 8 : i32
        %add3A_192 = arith.addi %mul3A_66, %add3A_191 : i32
        %add3A_193 = arith.constant 2 : i32
        %add3A_194 = arith.addi %add3A_192, %add3A_193 : i32
        %dma_start3A_195 = arith.constant 0 : i32
        %dma_start3A_196 = tpu.memref_slice %arg6[%add3A_194, %dma_start3A_195] : memref<80x128xi32, #tpu.memory_space<vmem>> -> memref<1x128xi32, #tpu.memory_space<vmem>>
        %dma_start3A_197 = tpu.memref_squeeze %dma_start3A_196 : memref<1x128xi32, #tpu.memory_space<vmem>> -> memref<128xi32, #tpu.memory_space<vmem>>
        %dma_start3A_198 = arith.constant 0 : i32
        %dma_start3A_199 = arith.constant 0 : i32
        %dma_start3A_200 = tpu.memref_slice %arg8[%dma_start3A_198, %dma_start3A_199] : memref<10112x16xf32, #tpu.memory_space<vmem_shared>> -> memref<10112x16xf32, #tpu.memory_space<vmem_shared>>
        tpu.enqueue_indirect_dma source(%arg7 : memref<128x16xf32, #tpu.memory_space<vmem>>) target(%dma_start3A_200 : memref<10112x16xf32, #tpu.memory_space<vmem_shared>>) offsets(%dma_start3A_197 : memref<128xi32, #tpu.memory_space<vmem>>) semaphore(%arg9 : memref<!tpu.dma_semaphore, #tpu.memory_space<semaphore_mem>>) {add = true}
      } else {
      }
      %dma_wait3A_111 = arith.constant 0 : i32
      %dma_wait3A_112 = arith.constant 0 : i32
      %dma_wait3A_113 = tpu.memref_slice %arg6[%dma_wait3A_111, %dma_wait3A_112] : memref<80x128xi32, #tpu.memory_space<vmem>> -> memref<1x128xi32, #tpu.memory_space<vmem>>
      %dma_wait3A_114 = tpu.memref_squeeze %dma_wait3A_113 : memref<1x128xi32, #tpu.memory_space<vmem>> -> memref<128xi32, #tpu.memory_space<vmem>>
      %dma_wait3A_115 = arith.constant 0 : i32
      %dma_wait3A_116 = arith.constant 0 : i32
      %dma_wait3A_117 = tpu.memref_slice %arg8[%dma_wait3A_115, %dma_wait3A_116] : memref<10112x16xf32, #tpu.memory_space<vmem_shared>> -> memref<10112x16xf32, #tpu.memory_space<vmem_shared>>
      tpu.wait_indirect_dma semaphore(%arg9 : memref<!tpu.dma_semaphore, #tpu.memory_space<semaphore_mem>>) src(%arg7 : memref<128x16xf32, #tpu.memory_space<vmem>>) dst(%dma_wait3A_117 : memref<10112x16xf32, #tpu.memory_space<vmem_shared>>)
      %add3A_118 = arith.constant 8 : i32
      %add3A_119 = arith.addi %mul3A_66, %add3A_118 : i32
      %add3A_120 = arith.constant 3 : i32
      %add3A_121 = arith.addi %add3A_119, %add3A_120 : i32
      %lt3A_122 = arith.constant 80 : i32
      %lt3A_123 = arith.cmpi slt, %add3A_121, %lt3A_122 : i32
      %convert_element_type3A_124 = arith.extui %lt3A_123 : i1 to i32
      %cond3A_125 = arith.constant 0 : i32
      %cond3A_126 = arith.cmpi ne, %convert_element_type3A_124, %cond3A_125 : i32
      scf.if %cond3A_126 {
        %add3A_191 = arith.constant 8 : i32
        %add3A_192 = arith.addi %mul3A_66, %add3A_191 : i32
        %add3A_193 = arith.constant 3 : i32
        %add3A_194 = arith.addi %add3A_192, %add3A_193 : i32
        %dma_start3A_195 = arith.constant 0 : i32
        %dma_start3A_196 = tpu.memref_slice %arg6[%add3A_194, %dma_start3A_195] : memref<80x128xi32, #tpu.memory_space<vmem>> -> memref<1x128xi32, #tpu.memory_space<vmem>>
        %dma_start3A_197 = tpu.memref_squeeze %dma_start3A_196 : memref<1x128xi32, #tpu.memory_space<vmem>> -> memref<128xi32, #tpu.memory_space<vmem>>
        %dma_start3A_198 = arith.constant 0 : i32
        %dma_start3A_199 = arith.constant 0 : i32
        %dma_start3A_200 = tpu.memref_slice %arg8[%dma_start3A_198, %dma_start3A_199] : memref<10112x16xf32, #tpu.memory_space<vmem_shared>> -> memref<10112x16xf32, #tpu.memory_space<vmem_shared>>
        tpu.enqueue_indirect_dma source(%arg7 : memref<128x16xf32, #tpu.memory_space<vmem>>) target(%dma_start3A_200 : memref<10112x16xf32, #tpu.memory_space<vmem_shared>>) offsets(%dma_start3A_197 : memref<128xi32, #tpu.memory_space<vmem>>) semaphore(%arg9 : memref<!tpu.dma_semaphore, #tpu.memory_space<semaphore_mem>>) {add = true}
      } else {
      }
      %dma_wait3A_127 = arith.constant 0 : i32
      %dma_wait3A_128 = arith.constant 0 : i32
      %dma_wait3A_129 = tpu.memref_slice %arg6[%dma_wait3A_127, %dma_wait3A_128] : memref<80x128xi32, #tpu.memory_space<vmem>> -> memref<1x128xi32, #tpu.memory_space<vmem>>
      %dma_wait3A_130 = tpu.memref_squeeze %dma_wait3A_129 : memref<1x128xi32, #tpu.memory_space<vmem>> -> memref<128xi32, #tpu.memory_space<vmem>>
      %dma_wait3A_131 = arith.constant 0 : i32
      %dma_wait3A_132 = arith.constant 0 : i32
      %dma_wait3A_133 = tpu.memref_slice %arg8[%dma_wait3A_131, %dma_wait3A_132] : memref<10112x16xf32, #tpu.memory_space<vmem_shared>> -> memref<10112x16xf32, #tpu.memory_space<vmem_shared>>
      tpu.wait_indirect_dma semaphore(%arg9 : memref<!tpu.dma_semaphore, #tpu.memory_space<semaphore_mem>>) src(%arg7 : memref<128x16xf32, #tpu.memory_space<vmem>>) dst(%dma_wait3A_133 : memref<10112x16xf32, #tpu.memory_space<vmem_shared>>)
      %add3A_134 = arith.constant 8 : i32
      %add3A_135 = arith.addi %mul3A_66, %add3A_134 : i32
      %add3A_136 = arith.constant 4 : i32
      %add3A_137 = arith.addi %add3A_135, %add3A_136 : i32
      %lt3A_138 = arith.constant 80 : i32
      %lt3A_139 = arith.cmpi slt, %add3A_137, %lt3A_138 : i32
      %convert_element_type3A_140 = arith.extui %lt3A_139 : i1 to i32
      %cond3A_141 = arith.constant 0 : i32
      %cond3A_142 = arith.cmpi ne, %convert_element_type3A_140, %cond3A_141 : i32
      scf.if %cond3A_142 {
        %add3A_191 = arith.constant 8 : i32
        %add3A_192 = arith.addi %mul3A_66, %add3A_191 : i32
        %add3A_193 = arith.constant 4 : i32
        %add3A_194 = arith.addi %add3A_192, %add3A_193 : i32
        %dma_start3A_195 = arith.constant 0 : i32
        %dma_start3A_196 = tpu.memref_slice %arg6[%add3A_194, %dma_start3A_195] : memref<80x128xi32, #tpu.memory_space<vmem>> -> memref<1x128xi32, #tpu.memory_space<vmem>>
        %dma_start3A_197 = tpu.memref_squeeze %dma_start3A_196 : memref<1x128xi32, #tpu.memory_space<vmem>> -> memref<128xi32, #tpu.memory_space<vmem>>
        %dma_start3A_198 = arith.constant 0 : i32
        %dma_start3A_199 = arith.constant 0 : i32
        %dma_start3A_200 = tpu.memref_slice %arg8[%dma_start3A_198, %dma_start3A_199] : memref<10112x16xf32, #tpu.memory_space<vmem_shared>> -> memref<10112x16xf32, #tpu.memory_space<vmem_shared>>
        tpu.enqueue_indirect_dma source(%arg7 : memref<128x16xf32, #tpu.memory_space<vmem>>) target(%dma_start3A_200 : memref<10112x16xf32, #tpu.memory_space<vmem_shared>>) offsets(%dma_start3A_197 : memref<128xi32, #tpu.memory_space<vmem>>) semaphore(%arg9 : memref<!tpu.dma_semaphore, #tpu.memory_space<semaphore_mem>>) {add = true}
      } else {
      }
      %dma_wait3A_143 = arith.constant 0 : i32
      %dma_wait3A_144 = arith.constant 0 : i32
      %dma_wait3A_145 = tpu.memref_slice %arg6[%dma_wait3A_143, %dma_wait3A_144] : memref<80x128xi32, #tpu.memory_space<vmem>> -> memref<1x128xi32, #tpu.memory_space<vmem>>
      %dma_wait3A_146 = tpu.memref_squeeze %dma_wait3A_145 : memref<1x128xi32, #tpu.memory_space<vmem>> -> memref<128xi32, #tpu.memory_space<vmem>>
      %dma_wait3A_147 = arith.constant 0 : i32
      %dma_wait3A_148 = arith.constant 0 : i32
      %dma_wait3A_149 = tpu.memref_slice %arg8[%dma_wait3A_147, %dma_wait3A_148] : memref<10112x16xf32, #tpu.memory_space<vmem_shared>> -> memref<10112x16xf32, #tpu.memory_space<vmem_shared>>
      tpu.wait_indirect_dma semaphore(%arg9 : memref<!tpu.dma_semaphore, #tpu.memory_space<semaphore_mem>>) src(%arg7 : memref<128x16xf32, #tpu.memory_space<vmem>>) dst(%dma_wait3A_149 : memref<10112x16xf32, #tpu.memory_space<vmem_shared>>)
      %add3A_150 = arith.constant 8 : i32
      %add3A_151 = arith.addi %mul3A_66, %add3A_150 : i32
      %add3A_152 = arith.constant 5 : i32
      %add3A_153 = arith.addi %add3A_151, %add3A_152 : i32
      %lt3A_154 = arith.constant 80 : i32
      %lt3A_155 = arith.cmpi slt, %add3A_153, %lt3A_154 : i32
      %convert_element_type3A_156 = arith.extui %lt3A_155 : i1 to i32
      %cond3A_157 = arith.constant 0 : i32
      %cond3A_158 = arith.cmpi ne, %convert_element_type3A_156, %cond3A_157 : i32
      scf.if %cond3A_158 {
        %add3A_191 = arith.constant 8 : i32
        %add3A_192 = arith.addi %mul3A_66, %add3A_191 : i32
        %add3A_193 = arith.constant 5 : i32
        %add3A_194 = arith.addi %add3A_192, %add3A_193 : i32
        %dma_start3A_195 = arith.constant 0 : i32
        %dma_start3A_196 = tpu.memref_slice %arg6[%add3A_194, %dma_start3A_195] : memref<80x128xi32, #tpu.memory_space<vmem>> -> memref<1x128xi32, #tpu.memory_space<vmem>>
        %dma_start3A_197 = tpu.memref_squeeze %dma_start3A_196 : memref<1x128xi32, #tpu.memory_space<vmem>> -> memref<128xi32, #tpu.memory_space<vmem>>
        %dma_start3A_198 = arith.constant 0 : i32
        %dma_start3A_199 = arith.constant 0 : i32
        %dma_start3A_200 = tpu.memref_slice %arg8[%dma_start3A_198, %dma_start3A_199] : memref<10112x16xf32, #tpu.memory_space<vmem_shared>> -> memref<10112x16xf32, #tpu.memory_space<vmem_shared>>
        tpu.enqueue_indirect_dma source(%arg7 : memref<128x16xf32, #tpu.memory_space<vmem>>) target(%dma_start3A_200 : memref<10112x16xf32, #tpu.memory_space<vmem_shared>>) offsets(%dma_start3A_197 : memref<128xi32, #tpu.memory_space<vmem>>) semaphore(%arg9 : memref<!tpu.dma_semaphore, #tpu.memory_space<semaphore_mem>>) {add = true}
      } else {
      }
      %dma_wait3A_159 = arith.constant 0 : i32
      %dma_wait3A_160 = arith.constant 0 : i32
      %dma_wait3A_161 = tpu.memref_slice %arg6[%dma_wait3A_159, %dma_wait3A_160] : memref<80x128xi32, #tpu.memory_space<vmem>> -> memref<1x128xi32, #tpu.memory_space<vmem>>
      %dma_wait3A_162 = tpu.memref_squeeze %dma_wait3A_161 : memref<1x128xi32, #tpu.memory_space<vmem>> -> memref<128xi32, #tpu.memory_space<vmem>>
      %dma_wait3A_163 = arith.constant 0 : i32
      %dma_wait3A_164 = arith.constant 0 : i32
      %dma_wait3A_165 = tpu.memref_slice %arg8[%dma_wait3A_163, %dma_wait3A_164] : memref<10112x16xf32, #tpu.memory_space<vmem_shared>> -> memref<10112x16xf32, #tpu.memory_space<vmem_shared>>
      tpu.wait_indirect_dma semaphore(%arg9 : memref<!tpu.dma_semaphore, #tpu.memory_space<semaphore_mem>>) src(%arg7 : memref<128x16xf32, #tpu.memory_space<vmem>>) dst(%dma_wait3A_165 : memref<10112x16xf32, #tpu.memory_space<vmem_shared>>)
      %add3A_166 = arith.constant 8 : i32
      %add3A_167 = arith.addi %mul3A_66, %add3A_166 : i32
      %add3A_168 = arith.constant 6 : i32
      %add3A_169 = arith.addi %add3A_167, %add3A_168 : i32
      %lt3A_170 = arith.constant 80 : i32
      %lt3A_171 = arith.cmpi slt, %add3A_169, %lt3A_170 : i32
      %convert_element_type3A_172 = arith.extui %lt3A_171 : i1 to i32
      %cond3A_173 = arith.constant 0 : i32
      %cond3A_174 = arith.cmpi ne, %convert_element_type3A_172, %cond3A_173 : i32
      scf.if %cond3A_174 {
        %add3A_191 = arith.constant 8 : i32
        %add3A_192 = arith.addi %mul3A_66, %add3A_191 : i32
        %add3A_193 = arith.constant 6 : i32
        %add3A_194 = arith.addi %add3A_192, %add3A_193 : i32
        %dma_start3A_195 = arith.constant 0 : i32
        %dma_start3A_196 = tpu.memref_slice %arg6[%add3A_194, %dma_start3A_195] : memref<80x128xi32, #tpu.memory_space<vmem>> -> memref<1x128xi32, #tpu.memory_space<vmem>>
        %dma_start3A_197 = tpu.memref_squeeze %dma_start3A_196 : memref<1x128xi32, #tpu.memory_space<vmem>> -> memref<128xi32, #tpu.memory_space<vmem>>
        %dma_start3A_198 = arith.constant 0 : i32
        %dma_start3A_199 = arith.constant 0 : i32
        %dma_start3A_200 = tpu.memref_slice %arg8[%dma_start3A_198, %dma_start3A_199] : memref<10112x16xf32, #tpu.memory_space<vmem_shared>> -> memref<10112x16xf32, #tpu.memory_space<vmem_shared>>
        tpu.enqueue_indirect_dma source(%arg7 : memref<128x16xf32, #tpu.memory_space<vmem>>) target(%dma_start3A_200 : memref<10112x16xf32, #tpu.memory_space<vmem_shared>>) offsets(%dma_start3A_197 : memref<128xi32, #tpu.memory_space<vmem>>) semaphore(%arg9 : memref<!tpu.dma_semaphore, #tpu.memory_space<semaphore_mem>>) {add = true}
      } else {
      }
      %dma_wait3A_175 = arith.constant 0 : i32
      %dma_wait3A_176 = arith.constant 0 : i32
      %dma_wait3A_177 = tpu.memref_slice %arg6[%dma_wait3A_175, %dma_wait3A_176] : memref<80x128xi32, #tpu.memory_space<vmem>> -> memref<1x128xi32, #tpu.memory_space<vmem>>
      %dma_wait3A_178 = tpu.memref_squeeze %dma_wait3A_177 : memref<1x128xi32, #tpu.memory_space<vmem>> -> memref<128xi32, #tpu.memory_space<vmem>>
      %dma_wait3A_179 = arith.constant 0 : i32
      %dma_wait3A_180 = arith.constant 0 : i32
      %dma_wait3A_181 = tpu.memref_slice %arg8[%dma_wait3A_179, %dma_wait3A_180] : memref<10112x16xf32, #tpu.memory_space<vmem_shared>> -> memref<10112x16xf32, #tpu.memory_space<vmem_shared>>
      tpu.wait_indirect_dma semaphore(%arg9 : memref<!tpu.dma_semaphore, #tpu.memory_space<semaphore_mem>>) src(%arg7 : memref<128x16xf32, #tpu.memory_space<vmem>>) dst(%dma_wait3A_181 : memref<10112x16xf32, #tpu.memory_space<vmem_shared>>)
      %add3A_182 = arith.constant 8 : i32
      %add3A_183 = arith.addi %mul3A_66, %add3A_182 : i32
      %add3A_184 = arith.constant 7 : i32
      %add3A_185 = arith.addi %add3A_183, %add3A_184 : i32
      %lt3A_186 = arith.constant 80 : i32
      %lt3A_187 = arith.cmpi slt, %add3A_185, %lt3A_186 : i32
      %convert_element_type3A_188 = arith.extui %lt3A_187 : i1 to i32
      %cond3A_189 = arith.constant 0 : i32
      %cond3A_190 = arith.cmpi ne, %convert_element_type3A_188, %cond3A_189 : i32
      scf.if %cond3A_190 {
        %add3A_191 = arith.constant 8 : i32
        %add3A_192 = arith.addi %mul3A_66, %add3A_191 : i32
        %add3A_193 = arith.constant 7 : i32
        %add3A_194 = arith.addi %add3A_192, %add3A_193 : i32
        %dma_start3A_195 = arith.constant 0 : i32
        %dma_start3A_196 = tpu.memref_slice %arg6[%add3A_194, %dma_start3A_195] : memref<80x128xi32, #tpu.memory_space<vmem>> -> memref<1x128xi32, #tpu.memory_space<vmem>>
        %dma_start3A_197 = tpu.memref_squeeze %dma_start3A_196 : memref<1x128xi32, #tpu.memory_space<vmem>> -> memref<128xi32, #tpu.memory_space<vmem>>
        %dma_start3A_198 = arith.constant 0 : i32
        %dma_start3A_199 = arith.constant 0 : i32
        %dma_start3A_200 = tpu.memref_slice %arg8[%dma_start3A_198, %dma_start3A_199] : memref<10112x16xf32, #tpu.memory_space<vmem_shared>> -> memref<10112x16xf32, #tpu.memory_space<vmem_shared>>
        tpu.enqueue_indirect_dma source(%arg7 : memref<128x16xf32, #tpu.memory_space<vmem>>) target(%dma_start3A_200 : memref<10112x16xf32, #tpu.memory_space<vmem_shared>>) offsets(%dma_start3A_197 : memref<128xi32, #tpu.memory_space<vmem>>) semaphore(%arg9 : memref<!tpu.dma_semaphore, #tpu.memory_space<semaphore_mem>>) {add = true}
      } else {
      }
    }
    %scan3A_62 = arith.constant 10 : i32
    %barrier3A_63 = arith.constant 0 : index
    tpu.barrier barrier_id(%barrier3A_63)
    "tpu.region"() ({
      %run_scoped3A = tpu.sem_alloc : memref<!tpu.dma_semaphore, #tpu.memory_space<semaphore_mem>>
      %dma_start3A_64 = arith.constant 0 : i32
      %dma_start3A_65 = tpu.memref_slice %arg5[%arg0, %mul3A_2, %dma_start3A_64] : memref<2x10112x16xf32, #tpu.memory_space<hbm>> -> memref<1x632x16xf32, #tpu.memory_space<hbm>>
      %dma_start3A_66 = tpu.memref_squeeze %dma_start3A_65 : memref<1x632x16xf32, #tpu.memory_space<hbm>> -> memref<632x16xf32, #tpu.memory_space<hbm>>
      %dma_start3A_67 = arith.constant 0 : i32
      %dma_start3A_68 = tpu.memref_slice %arg8[%mul3A_2, %dma_start3A_67] : memref<10112x16xf32, #tpu.memory_space<vmem_shared>> -> memref<632x16xf32, #tpu.memory_space<vmem_shared>>
      tpu.enqueue_dma source(%dma_start3A_68 : memref<632x16xf32, #tpu.memory_space<vmem_shared>>) target(%dma_start3A_66 : memref<632x16xf32, #tpu.memory_space<hbm>>) target_semaphore(%run_scoped3A : memref<!tpu.dma_semaphore, #tpu.memory_space<semaphore_mem>>)
      %dma_wait3A = arith.constant 0 : i32
      %dma_wait3A_69 = tpu.memref_slice %arg5[%arg0, %mul3A_2, %dma_wait3A] : memref<2x10112x16xf32, #tpu.memory_space<hbm>> -> memref<1x632x16xf32, #tpu.memory_space<hbm>>
      %dma_wait3A_70 = tpu.memref_squeeze %dma_wait3A_69 : memref<1x632x16xf32, #tpu.memory_space<hbm>> -> memref<632x16xf32, #tpu.memory_space<hbm>>
      %dma_wait3A_71 = arith.constant 0 : i32
      %dma_wait3A_72 = tpu.memref_slice %arg8[%mul3A_2, %dma_wait3A_71] : memref<10112x16xf32, #tpu.memory_space<vmem_shared>> -> memref<632x16xf32, #tpu.memory_space<vmem_shared>>
      tpu.wait_dma2 semaphore(%run_scoped3A : memref<!tpu.dma_semaphore, #tpu.memory_space<semaphore_mem>>) src(%dma_wait3A_72 : memref<632x16xf32, #tpu.memory_space<vmem_shared>>) dst(%dma_wait3A_70 : memref<632x16xf32, #tpu.memory_space<hbm>>)
      tpu.yield
    }) : () -> ()
    return
  }
}

#map = affine_map<(d0, d1) -> (0, 0, 0)>
#map1 = affine_map<(d0, d1) -> (0, 0)>
module attributes {stable_mosaic.version = 14 : i64} {
  func.func @_sc_loop_body(%arg0: i32, %arg1: i32, %arg2: memref<2x10112x24xf32, #tpu.memory_space<hbm>>, %arg3: memref<2x10112x24xf32, #tpu.memory_space<hbm>>, %arg4: memref<10112x24xf32, #tpu.memory_space<hbm>>, %arg5: memref<16x160x128xi32, #tpu.memory_space<hbm>>, %arg6: memref<16x160x128xi32, #tpu.memory_space<hbm>>, %arg7: memref<10112x24xf32, #tpu.memory_space<hbm>>, %arg8: memref<2x10112x24xf32, #tpu.memory_space<hbm>>, %arg9: memref<160x128xi32, #tpu.memory_space<vmem>>, %arg10: memref<160x128xi32, #tpu.memory_space<vmem>>, %arg11: memref<8x128x24xf32, #tpu.memory_space<vmem>>, %arg12: memref<79x24xf32, #tpu.memory_space<vmem>>, %arg13: memref<79x24xf32, #tpu.memory_space<vmem>>, %arg14: memref<632x24xf32, #tpu.memory_space<vmem>>, %arg15: memref<632x24xf32, #tpu.memory_space<vmem>>, %arg16: memref<10112x24xf32, #tpu.memory_space<vmem_shared>>, %arg17: memref<10112x24xf32, #tpu.memory_space<vmem_shared>>, %arg18: memref<8x!tpu.dma_semaphore, #tpu.memory_space<semaphore_mem>>, %arg19: memref<8x!tpu.dma_semaphore, #tpu.memory_space<semaphore_mem>>, %arg20: memref<!tpu.dma_semaphore, #tpu.memory_space<semaphore_mem>>) attributes {dimension_semantics = [#tpu.dimension_semantics<core_parallel>, #tpu.dimension_semantics<subcore_parallel>], iteration_bounds = array<i64: 2, 16>, scalar_prefetch = 0 : i64, scratch_operands = 12 : i64, tpu.core_type = #tpu.core_type<sc_vector_subcore>, window_params = [{transform_indices = #map}, {transform_indices = #map}, {transform_indices = #map1}, {transform_indices = #map}, {transform_indices = #map}, {transform_indices = #map1}, {transform_indices = #map}]} {
    %mul3A = arith.constant 632 : i32
    %mul3A_0 = arith.muli %arg1, %mul3A : i32
    "tpu.region"() ({
      %run_scoped3A = tpu.sem_alloc : memref<!tpu.dma_semaphore, #tpu.memory_space<semaphore_mem>>
      %dma_start3A = arith.constant 0 : i32
      %dma_start3A_6 = arith.constant 0 : i32
      %dma_start3A_7 = tpu.memref_slice %arg5[%arg1, %dma_start3A, %dma_start3A_6] : memref<16x160x128xi32, #tpu.memory_space<hbm>> -> memref<1x160x128xi32, #tpu.memory_space<hbm>>
      %dma_start3A_8 = tpu.memref_squeeze %dma_start3A_7 : memref<1x160x128xi32, #tpu.memory_space<hbm>> -> memref<160x128xi32, #tpu.memory_space<hbm>>
      %dma_start3A_9 = arith.constant 0 : i32
      %dma_start3A_10 = arith.constant 0 : i32
      %dma_start3A_11 = tpu.memref_slice %arg5[%arg1, %dma_start3A_9, %dma_start3A_10] : memref<16x160x128xi32, #tpu.memory_space<hbm>> -> memref<1x160x128xi32, #tpu.memory_space<hbm>>
      %dma_start3A_12 = tpu.memref_squeeze %dma_start3A_11 : memref<1x160x128xi32, #tpu.memory_space<hbm>> -> memref<160x128xi32, #tpu.memory_space<hbm>>
      tpu.enqueue_dma source(%dma_start3A_12 : memref<160x128xi32, #tpu.memory_space<hbm>>) target(%arg9 : memref<160x128xi32, #tpu.memory_space<vmem>>) target_semaphore(%run_scoped3A : memref<!tpu.dma_semaphore, #tpu.memory_space<semaphore_mem>>)
      %dma_wait3A = arith.constant 0 : i32
      %dma_wait3A_13 = arith.constant 0 : i32
      %dma_wait3A_14 = tpu.memref_slice %arg5[%arg1, %dma_wait3A, %dma_wait3A_13] : memref<16x160x128xi32, #tpu.memory_space<hbm>> -> memref<1x160x128xi32, #tpu.memory_space<hbm>>
      %dma_wait3A_15 = tpu.memref_squeeze %dma_wait3A_14 : memref<1x160x128xi32, #tpu.memory_space<hbm>> -> memref<160x128xi32, #tpu.memory_space<hbm>>
      %dma_wait3A_16 = arith.constant 0 : i32
      %dma_wait3A_17 = arith.constant 0 : i32
      %dma_wait3A_18 = tpu.memref_slice %arg5[%arg1, %dma_wait3A_16, %dma_wait3A_17] : memref<16x160x128xi32, #tpu.memory_space<hbm>> -> memref<1x160x128xi32, #tpu.memory_space<hbm>>
      %dma_wait3A_19 = tpu.memref_squeeze %dma_wait3A_18 : memref<1x160x128xi32, #tpu.memory_space<hbm>> -> memref<160x128xi32, #tpu.memory_space<hbm>>
      tpu.wait_dma2 semaphore(%run_scoped3A : memref<!tpu.dma_semaphore, #tpu.memory_space<semaphore_mem>>) src(%dma_wait3A_19 : memref<160x128xi32, #tpu.memory_space<hbm>>) dst(%arg9 : memref<160x128xi32, #tpu.memory_space<vmem>>)
      tpu.yield
    }) : () -> ()
    "tpu.region"() ({
      %run_scoped3A = tpu.sem_alloc : memref<!tpu.dma_semaphore, #tpu.memory_space<semaphore_mem>>
      %dma_start3A = arith.constant 0 : i32
      %dma_start3A_6 = arith.constant 0 : i32
      %dma_start3A_7 = tpu.memref_slice %arg6[%arg1, %dma_start3A, %dma_start3A_6] : memref<16x160x128xi32, #tpu.memory_space<hbm>> -> memref<1x160x128xi32, #tpu.memory_space<hbm>>
      %dma_start3A_8 = tpu.memref_squeeze %dma_start3A_7 : memref<1x160x128xi32, #tpu.memory_space<hbm>> -> memref<160x128xi32, #tpu.memory_space<hbm>>
      %dma_start3A_9 = arith.constant 0 : i32
      %dma_start3A_10 = arith.constant 0 : i32
      %dma_start3A_11 = tpu.memref_slice %arg6[%arg1, %dma_start3A_9, %dma_start3A_10] : memref<16x160x128xi32, #tpu.memory_space<hbm>> -> memref<1x160x128xi32, #tpu.memory_space<hbm>>
      %dma_start3A_12 = tpu.memref_squeeze %dma_start3A_11 : memref<1x160x128xi32, #tpu.memory_space<hbm>> -> memref<160x128xi32, #tpu.memory_space<hbm>>
      tpu.enqueue_dma source(%dma_start3A_12 : memref<160x128xi32, #tpu.memory_space<hbm>>) target(%arg10 : memref<160x128xi32, #tpu.memory_space<vmem>>) target_semaphore(%run_scoped3A : memref<!tpu.dma_semaphore, #tpu.memory_space<semaphore_mem>>)
      %dma_wait3A = arith.constant 0 : i32
      %dma_wait3A_13 = arith.constant 0 : i32
      %dma_wait3A_14 = tpu.memref_slice %arg6[%arg1, %dma_wait3A, %dma_wait3A_13] : memref<16x160x128xi32, #tpu.memory_space<hbm>> -> memref<1x160x128xi32, #tpu.memory_space<hbm>>
      %dma_wait3A_15 = tpu.memref_squeeze %dma_wait3A_14 : memref<1x160x128xi32, #tpu.memory_space<hbm>> -> memref<160x128xi32, #tpu.memory_space<hbm>>
      %dma_wait3A_16 = arith.constant 0 : i32
      %dma_wait3A_17 = arith.constant 0 : i32
      %dma_wait3A_18 = tpu.memref_slice %arg6[%arg1, %dma_wait3A_16, %dma_wait3A_17] : memref<16x160x128xi32, #tpu.memory_space<hbm>> -> memref<1x160x128xi32, #tpu.memory_space<hbm>>
      %dma_wait3A_19 = tpu.memref_squeeze %dma_wait3A_18 : memref<1x160x128xi32, #tpu.memory_space<hbm>> -> memref<160x128xi32, #tpu.memory_space<hbm>>
      tpu.wait_dma2 semaphore(%run_scoped3A : memref<!tpu.dma_semaphore, #tpu.memory_space<semaphore_mem>>) src(%dma_wait3A_19 : memref<160x128xi32, #tpu.memory_space<hbm>>) dst(%arg10 : memref<160x128xi32, #tpu.memory_space<vmem>>)
      tpu.yield
    }) : () -> ()
    "tpu.region"() ({
      %run_scoped3A = tpu.sem_alloc : memref<!tpu.dma_semaphore, #tpu.memory_space<semaphore_mem>>
      %dma_start3A = arith.constant 0 : i32
      %dma_start3A_6 = tpu.memref_slice %arg17[%mul3A_0, %dma_start3A] : memref<10112x24xf32, #tpu.memory_space<vmem_shared>> -> memref<632x24xf32, #tpu.memory_space<vmem_shared>>
      %dma_start3A_7 = arith.constant 0 : i32
      %dma_start3A_8 = tpu.memref_slice %arg2[%arg0, %mul3A_0, %dma_start3A_7] : memref<2x10112x24xf32, #tpu.memory_space<hbm>> -> memref<1x632x24xf32, #tpu.memory_space<hbm>>
      %dma_start3A_9 = tpu.memref_squeeze %dma_start3A_8 : memref<1x632x24xf32, #tpu.memory_space<hbm>> -> memref<632x24xf32, #tpu.memory_space<hbm>>
      tpu.enqueue_dma source(%dma_start3A_9 : memref<632x24xf32, #tpu.memory_space<hbm>>) target(%dma_start3A_6 : memref<632x24xf32, #tpu.memory_space<vmem_shared>>) target_semaphore(%run_scoped3A : memref<!tpu.dma_semaphore, #tpu.memory_space<semaphore_mem>>)
      %dma_wait3A = arith.constant 0 : i32
      %dma_wait3A_10 = tpu.memref_slice %arg17[%mul3A_0, %dma_wait3A] : memref<10112x24xf32, #tpu.memory_space<vmem_shared>> -> memref<632x24xf32, #tpu.memory_space<vmem_shared>>
      %dma_wait3A_11 = arith.constant 0 : i32
      %dma_wait3A_12 = tpu.memref_slice %arg2[%arg0, %mul3A_0, %dma_wait3A_11] : memref<2x10112x24xf32, #tpu.memory_space<hbm>> -> memref<1x632x24xf32, #tpu.memory_space<hbm>>
      %dma_wait3A_13 = tpu.memref_squeeze %dma_wait3A_12 : memref<1x632x24xf32, #tpu.memory_space<hbm>> -> memref<632x24xf32, #tpu.memory_space<hbm>>
      tpu.wait_dma2 semaphore(%run_scoped3A : memref<!tpu.dma_semaphore, #tpu.memory_space<semaphore_mem>>) src(%dma_wait3A_13 : memref<632x24xf32, #tpu.memory_space<hbm>>) dst(%dma_wait3A_10 : memref<632x24xf32, #tpu.memory_space<vmem_shared>>)
      tpu.yield
    }) : () -> ()
    "tpu.region"() ({
      %run_scoped3A = tpu.sem_alloc : memref<!tpu.dma_semaphore, #tpu.memory_space<semaphore_mem>>
      %dma_start3A = arith.constant 0 : i32
      %dma_start3A_6 = tpu.memref_slice %arg16[%mul3A_0, %dma_start3A] : memref<10112x24xf32, #tpu.memory_space<vmem_shared>> -> memref<632x24xf32, #tpu.memory_space<vmem_shared>>
      %dma_start3A_7 = arith.constant 0 : i32
      %dma_start3A_8 = tpu.memref_slice %arg7[%mul3A_0, %dma_start3A_7] : memref<10112x24xf32, #tpu.memory_space<hbm>> -> memref<632x24xf32, #tpu.memory_space<hbm>>
      tpu.enqueue_dma source(%dma_start3A_8 : memref<632x24xf32, #tpu.memory_space<hbm>>) target(%dma_start3A_6 : memref<632x24xf32, #tpu.memory_space<vmem_shared>>) target_semaphore(%run_scoped3A : memref<!tpu.dma_semaphore, #tpu.memory_space<semaphore_mem>>)
      %dma_wait3A = arith.constant 0 : i32
      %dma_wait3A_9 = tpu.memref_slice %arg16[%mul3A_0, %dma_wait3A] : memref<10112x24xf32, #tpu.memory_space<vmem_shared>> -> memref<632x24xf32, #tpu.memory_space<vmem_shared>>
      %dma_wait3A_10 = arith.constant 0 : i32
      %dma_wait3A_11 = tpu.memref_slice %arg7[%mul3A_0, %dma_wait3A_10] : memref<10112x24xf32, #tpu.memory_space<hbm>> -> memref<632x24xf32, #tpu.memory_space<hbm>>
      tpu.wait_dma2 semaphore(%run_scoped3A : memref<!tpu.dma_semaphore, #tpu.memory_space<semaphore_mem>>) src(%dma_wait3A_11 : memref<632x24xf32, #tpu.memory_space<hbm>>) dst(%dma_wait3A_9 : memref<632x24xf32, #tpu.memory_space<vmem_shared>>)
      tpu.yield
    }) : () -> ()
    "tpu.region"() ({
      %run_scoped3A = tpu.sem_alloc : memref<!tpu.dma_semaphore, #tpu.memory_space<semaphore_mem>>
      %dma_start3A = arith.constant 0 : i32
      %dma_start3A_6 = tpu.memref_slice %arg3[%arg0, %mul3A_0, %dma_start3A] : memref<2x10112x24xf32, #tpu.memory_space<hbm>> -> memref<1x632x24xf32, #tpu.memory_space<hbm>>
      %dma_start3A_7 = tpu.memref_squeeze %dma_start3A_6 : memref<1x632x24xf32, #tpu.memory_space<hbm>> -> memref<632x24xf32, #tpu.memory_space<hbm>>
      %dma_start3A_8 = arith.constant 0 : i32
      %dma_start3A_9 = tpu.memref_slice %arg3[%arg0, %mul3A_0, %dma_start3A_8] : memref<2x10112x24xf32, #tpu.memory_space<hbm>> -> memref<1x632x24xf32, #tpu.memory_space<hbm>>
      %dma_start3A_10 = tpu.memref_squeeze %dma_start3A_9 : memref<1x632x24xf32, #tpu.memory_space<hbm>> -> memref<632x24xf32, #tpu.memory_space<hbm>>
      tpu.enqueue_dma source(%dma_start3A_10 : memref<632x24xf32, #tpu.memory_space<hbm>>) target(%arg14 : memref<632x24xf32, #tpu.memory_space<vmem>>) target_semaphore(%run_scoped3A : memref<!tpu.dma_semaphore, #tpu.memory_space<semaphore_mem>>)
      %dma_wait3A = arith.constant 0 : i32
      %dma_wait3A_11 = tpu.memref_slice %arg3[%arg0, %mul3A_0, %dma_wait3A] : memref<2x10112x24xf32, #tpu.memory_space<hbm>> -> memref<1x632x24xf32, #tpu.memory_space<hbm>>
      %dma_wait3A_12 = tpu.memref_squeeze %dma_wait3A_11 : memref<1x632x24xf32, #tpu.memory_space<hbm>> -> memref<632x24xf32, #tpu.memory_space<hbm>>
      %dma_wait3A_13 = arith.constant 0 : i32
      %dma_wait3A_14 = tpu.memref_slice %arg3[%arg0, %mul3A_0, %dma_wait3A_13] : memref<2x10112x24xf32, #tpu.memory_space<hbm>> -> memref<1x632x24xf32, #tpu.memory_space<hbm>>
      %dma_wait3A_15 = tpu.memref_squeeze %dma_wait3A_14 : memref<1x632x24xf32, #tpu.memory_space<hbm>> -> memref<632x24xf32, #tpu.memory_space<hbm>>
      tpu.wait_dma2 semaphore(%run_scoped3A : memref<!tpu.dma_semaphore, #tpu.memory_space<semaphore_mem>>) src(%dma_wait3A_15 : memref<632x24xf32, #tpu.memory_space<hbm>>) dst(%arg14 : memref<632x24xf32, #tpu.memory_space<vmem>>)
      tpu.yield
    }) : () -> ()
    "tpu.region"() ({
      %run_scoped3A = tpu.sem_alloc : memref<!tpu.dma_semaphore, #tpu.memory_space<semaphore_mem>>
      %dma_start3A = arith.constant 0 : i32
      %dma_start3A_6 = tpu.memref_slice %arg4[%mul3A_0, %dma_start3A] : memref<10112x24xf32, #tpu.memory_space<hbm>> -> memref<632x24xf32, #tpu.memory_space<hbm>>
      %dma_start3A_7 = arith.constant 0 : i32
      %dma_start3A_8 = tpu.memref_slice %arg4[%mul3A_0, %dma_start3A_7] : memref<10112x24xf32, #tpu.memory_space<hbm>> -> memref<632x24xf32, #tpu.memory_space<hbm>>
      tpu.enqueue_dma source(%dma_start3A_8 : memref<632x24xf32, #tpu.memory_space<hbm>>) target(%arg15 : memref<632x24xf32, #tpu.memory_space<vmem>>) target_semaphore(%run_scoped3A : memref<!tpu.dma_semaphore, #tpu.memory_space<semaphore_mem>>)
      %dma_wait3A = arith.constant 0 : i32
      %dma_wait3A_9 = tpu.memref_slice %arg4[%mul3A_0, %dma_wait3A] : memref<10112x24xf32, #tpu.memory_space<hbm>> -> memref<632x24xf32, #tpu.memory_space<hbm>>
      %dma_wait3A_10 = arith.constant 0 : i32
      %dma_wait3A_11 = tpu.memref_slice %arg4[%mul3A_0, %dma_wait3A_10] : memref<10112x24xf32, #tpu.memory_space<hbm>> -> memref<632x24xf32, #tpu.memory_space<hbm>>
      tpu.wait_dma2 semaphore(%run_scoped3A : memref<!tpu.dma_semaphore, #tpu.memory_space<semaphore_mem>>) src(%dma_wait3A_11 : memref<632x24xf32, #tpu.memory_space<hbm>>) dst(%arg15 : memref<632x24xf32, #tpu.memory_space<vmem>>)
      tpu.yield
    }) : () -> ()
    %barrier3A = arith.constant 0 : index
    tpu.barrier barrier_id(%barrier3A)
    %scan3A = arith.constant 0 : i32
    %scan3A_1 = arith.constant 0 : i32
    %scan3A_2 = arith.constant 10 : i32
    %scan3A_3 = arith.addi %scan3A_1, %scan3A_2 : i32
    %scan3A_4 = arith.constant 1 : i32
    scf.for %scan3A_6 = %scan3A_1 to %scan3A_3 step %scan3A_4  : i32 {
      %dma_start3A = arith.constant 0 : i32
      %dma_start3A_7 = arith.constant 0 : i32
      %dma_start3A_8 = arith.constant 0 : i32
      %dma_start3A_9 = arith.constant 0 : i32
      %dma_start3A_10 = arith.constant 0 : i32
      %dma_start3A_11 = tpu.memref_slice %arg11[%dma_start3A_7, %dma_start3A_9, %dma_start3A_10] : memref<8x128x24xf32, #tpu.memory_space<vmem>> -> memref<1x128x24xf32, #tpu.memory_space<vmem>>
      %dma_start3A_12 = tpu.memref_squeeze %dma_start3A_11 : memref<1x128x24xf32, #tpu.memory_space<vmem>> -> memref<128x24xf32, #tpu.memory_space<vmem>>
      %dma_start3A_13 = arith.constant 0 : i32
      %dma_start3A_14 = tpu.memref_slice %arg9[%dma_start3A, %dma_start3A_13] : memref<160x128xi32, #tpu.memory_space<vmem>> -> memref<1x128xi32, #tpu.memory_space<vmem>>
      %dma_start3A_15 = tpu.memref_squeeze %dma_start3A_14 : memref<1x128xi32, #tpu.memory_space<vmem>> -> memref<128xi32, #tpu.memory_space<vmem>>
      %dma_start3A_16 = arith.constant 0 : i32
      %dma_start3A_17 = arith.constant 0 : i32
      %dma_start3A_18 = tpu.memref_slice %arg17[%dma_start3A_16, %dma_start3A_17] : memref<10112x24xf32, #tpu.memory_space<vmem_shared>> -> memref<10112x24xf32, #tpu.memory_space<vmem_shared>>
      %dma_start3A_19 = tpu.memref_slice %arg18[%dma_start3A_8] : memref<8x!tpu.dma_semaphore, #tpu.memory_space<semaphore_mem>> -> memref<1x!tpu.dma_semaphore, #tpu.memory_space<semaphore_mem>>
      %dma_start3A_20 = tpu.memref_squeeze %dma_start3A_19 : memref<1x!tpu.dma_semaphore, #tpu.memory_space<semaphore_mem>> -> memref<!tpu.dma_semaphore, #tpu.memory_space<semaphore_mem>>
      tpu.enqueue_indirect_dma source(%dma_start3A_18 : memref<10112x24xf32, #tpu.memory_space<vmem_shared>>) target(%dma_start3A_12 : memref<128x24xf32, #tpu.memory_space<vmem>>) offsets(%dma_start3A_15 : memref<128xi32, #tpu.memory_space<vmem>>) semaphore(%dma_start3A_20 : memref<!tpu.dma_semaphore, #tpu.memory_space<semaphore_mem>>)
      %dma_start3A_21 = arith.constant 1 : i32
      %dma_start3A_22 = arith.constant 1 : i32
      %dma_start3A_23 = arith.constant 1 : i32
      %dma_start3A_24 = arith.constant 0 : i32
      %dma_start3A_25 = arith.constant 0 : i32
      %dma_start3A_26 = tpu.memref_slice %arg11[%dma_start3A_22, %dma_start3A_24, %dma_start3A_25] : memref<8x128x24xf32, #tpu.memory_space<vmem>> -> memref<1x128x24xf32, #tpu.memory_space<vmem>>
      %dma_start3A_27 = tpu.memref_squeeze %dma_start3A_26 : memref<1x128x24xf32, #tpu.memory_space<vmem>> -> memref<128x24xf32, #tpu.memory_space<vmem>>
      %dma_start3A_28 = arith.constant 0 : i32
      %dma_start3A_29 = tpu.memref_slice %arg9[%dma_start3A_21, %dma_start3A_28] : memref<160x128xi32, #tpu.memory_space<vmem>> -> memref<1x128xi32, #tpu.memory_space<vmem>>
      %dma_start3A_30 = tpu.memref_squeeze %dma_start3A_29 : memref<1x128xi32, #tpu.memory_space<vmem>> -> memref<128xi32, #tpu.memory_space<vmem>>
      %dma_start3A_31 = arith.constant 0 : i32
      %dma_start3A_32 = arith.constant 0 : i32
      %dma_start3A_33 = tpu.memref_slice %arg17[%dma_start3A_31, %dma_start3A_32] : memref<10112x24xf32, #tpu.memory_space<vmem_shared>> -> memref<10112x24xf32, #tpu.memory_space<vmem_shared>>
      %dma_start3A_34 = tpu.memref_slice %arg18[%dma_start3A_23] : memref<8x!tpu.dma_semaphore, #tpu.memory_space<semaphore_mem>> -> memref<1x!tpu.dma_semaphore, #tpu.memory_space<semaphore_mem>>
      %dma_start3A_35 = tpu.memref_squeeze %dma_start3A_34 : memref<1x!tpu.dma_semaphore, #tpu.memory_space<semaphore_mem>> -> memref<!tpu.dma_semaphore, #tpu.memory_space<semaphore_mem>>
      tpu.enqueue_indirect_dma source(%dma_start3A_33 : memref<10112x24xf32, #tpu.memory_space<vmem_shared>>) target(%dma_start3A_27 : memref<128x24xf32, #tpu.memory_space<vmem>>) offsets(%dma_start3A_30 : memref<128xi32, #tpu.memory_space<vmem>>) semaphore(%dma_start3A_35 : memref<!tpu.dma_semaphore, #tpu.memory_space<semaphore_mem>>)
      %dma_start3A_36 = arith.constant 2 : i32
      %dma_start3A_37 = arith.constant 2 : i32
      %dma_start3A_38 = arith.constant 2 : i32
      %dma_start3A_39 = arith.constant 0 : i32
      %dma_start3A_40 = arith.constant 0 : i32
      %dma_start3A_41 = tpu.memref_slice %arg11[%dma_start3A_37, %dma_start3A_39, %dma_start3A_40] : memref<8x128x24xf32, #tpu.memory_space<vmem>> -> memref<1x128x24xf32, #tpu.memory_space<vmem>>
      %dma_start3A_42 = tpu.memref_squeeze %dma_start3A_41 : memref<1x128x24xf32, #tpu.memory_space<vmem>> -> memref<128x24xf32, #tpu.memory_space<vmem>>
      %dma_start3A_43 = arith.constant 0 : i32
      %dma_start3A_44 = tpu.memref_slice %arg9[%dma_start3A_36, %dma_start3A_43] : memref<160x128xi32, #tpu.memory_space<vmem>> -> memref<1x128xi32, #tpu.memory_space<vmem>>
      %dma_start3A_45 = tpu.memref_squeeze %dma_start3A_44 : memref<1x128xi32, #tpu.memory_space<vmem>> -> memref<128xi32, #tpu.memory_space<vmem>>
      %dma_start3A_46 = arith.constant 0 : i32
      %dma_start3A_47 = arith.constant 0 : i32
      %dma_start3A_48 = tpu.memref_slice %arg17[%dma_start3A_46, %dma_start3A_47] : memref<10112x24xf32, #tpu.memory_space<vmem_shared>> -> memref<10112x24xf32, #tpu.memory_space<vmem_shared>>
      %dma_start3A_49 = tpu.memref_slice %arg18[%dma_start3A_38] : memref<8x!tpu.dma_semaphore, #tpu.memory_space<semaphore_mem>> -> memref<1x!tpu.dma_semaphore, #tpu.memory_space<semaphore_mem>>
      %dma_start3A_50 = tpu.memref_squeeze %dma_start3A_49 : memref<1x!tpu.dma_semaphore, #tpu.memory_space<semaphore_mem>> -> memref<!tpu.dma_semaphore, #tpu.memory_space<semaphore_mem>>
      tpu.enqueue_indirect_dma source(%dma_start3A_48 : memref<10112x24xf32, #tpu.memory_space<vmem_shared>>) target(%dma_start3A_42 : memref<128x24xf32, #tpu.memory_space<vmem>>) offsets(%dma_start3A_45 : memref<128xi32, #tpu.memory_space<vmem>>) semaphore(%dma_start3A_50 : memref<!tpu.dma_semaphore, #tpu.memory_space<semaphore_mem>>)
      %dma_start3A_51 = arith.constant 3 : i32
      %dma_start3A_52 = arith.constant 3 : i32
      %dma_start3A_53 = arith.constant 3 : i32
      %dma_start3A_54 = arith.constant 0 : i32
      %dma_start3A_55 = arith.constant 0 : i32
      %dma_start3A_56 = tpu.memref_slice %arg11[%dma_start3A_52, %dma_start3A_54, %dma_start3A_55] : memref<8x128x24xf32, #tpu.memory_space<vmem>> -> memref<1x128x24xf32, #tpu.memory_space<vmem>>
      %dma_start3A_57 = tpu.memref_squeeze %dma_start3A_56 : memref<1x128x24xf32, #tpu.memory_space<vmem>> -> memref<128x24xf32, #tpu.memory_space<vmem>>
      %dma_start3A_58 = arith.constant 0 : i32
      %dma_start3A_59 = tpu.memref_slice %arg9[%dma_start3A_51, %dma_start3A_58] : memref<160x128xi32, #tpu.memory_space<vmem>> -> memref<1x128xi32, #tpu.memory_space<vmem>>
      %dma_start3A_60 = tpu.memref_squeeze %dma_start3A_59 : memref<1x128xi32, #tpu.memory_space<vmem>> -> memref<128xi32, #tpu.memory_space<vmem>>
      %dma_start3A_61 = arith.constant 0 : i32
      %dma_start3A_62 = arith.constant 0 : i32
      %dma_start3A_63 = tpu.memref_slice %arg17[%dma_start3A_61, %dma_start3A_62] : memref<10112x24xf32, #tpu.memory_space<vmem_shared>> -> memref<10112x24xf32, #tpu.memory_space<vmem_shared>>
      %dma_start3A_64 = tpu.memref_slice %arg18[%dma_start3A_53] : memref<8x!tpu.dma_semaphore, #tpu.memory_space<semaphore_mem>> -> memref<1x!tpu.dma_semaphore, #tpu.memory_space<semaphore_mem>>
      %dma_start3A_65 = tpu.memref_squeeze %dma_start3A_64 : memref<1x!tpu.dma_semaphore, #tpu.memory_space<semaphore_mem>> -> memref<!tpu.dma_semaphore, #tpu.memory_space<semaphore_mem>>
      tpu.enqueue_indirect_dma source(%dma_start3A_63 : memref<10112x24xf32, #tpu.memory_space<vmem_shared>>) target(%dma_start3A_57 : memref<128x24xf32, #tpu.memory_space<vmem>>) offsets(%dma_start3A_60 : memref<128xi32, #tpu.memory_space<vmem>>) semaphore(%dma_start3A_65 : memref<!tpu.dma_semaphore, #tpu.memory_space<semaphore_mem>>)
      %scan3A_66 = arith.constant 0 : i32
      %scan3A_67 = arith.constant 0 : i32
      %scan3A_68 = arith.constant 20 : i32
      %scan3A_69 = arith.addi %scan3A_67, %scan3A_68 : i32
      %scan3A_70 = arith.constant 1 : i32
      scf.for %scan3A_260 = %scan3A_67 to %scan3A_69 step %scan3A_70  : i32 {
        %mul3A_261 = arith.constant 8 : i32
        %mul3A_262 = arith.muli %scan3A_260, %mul3A_261 : i32
        %add3A_263 = arith.constant 0 : i32
        %add3A_264 = arith.addi %mul3A_262, %add3A_263 : i32
        %dma_wait3A_265 = arith.constant 0 : i32
        %dma_wait3A_266 = arith.constant 0 : i32
        %dma_wait3A_267 = arith.constant 0 : i32
        %dma_wait3A_268 = arith.constant 0 : i32
        %dma_wait3A_269 = arith.constant 0 : i32
        %dma_wait3A_270 = tpu.memref_slice %arg11[%dma_wait3A_266, %dma_wait3A_268, %dma_wait3A_269] : memref<8x128x24xf32, #tpu.memory_space<vmem>> -> memref<1x128x24xf32, #tpu.memory_space<vmem>>
        %dma_wait3A_271 = tpu.memref_squeeze %dma_wait3A_270 : memref<1x128x24xf32, #tpu.memory_space<vmem>> -> memref<128x24xf32, #tpu.memory_space<vmem>>
        %dma_wait3A_272 = arith.constant 0 : i32
        %dma_wait3A_273 = tpu.memref_slice %arg9[%dma_wait3A_265, %dma_wait3A_272] : memref<160x128xi32, #tpu.memory_space<vmem>> -> memref<1x128xi32, #tpu.memory_space<vmem>>
        %dma_wait3A_274 = tpu.memref_squeeze %dma_wait3A_273 : memref<1x128xi32, #tpu.memory_space<vmem>> -> memref<128xi32, #tpu.memory_space<vmem>>
        %dma_wait3A_275 = arith.constant 0 : i32
        %dma_wait3A_276 = arith.constant 0 : i32
        %dma_wait3A_277 = tpu.memref_slice %arg17[%dma_wait3A_275, %dma_wait3A_276] : memref<10112x24xf32, #tpu.memory_space<vmem_shared>> -> memref<10112x24xf32, #tpu.memory_space<vmem_shared>>
        %dma_wait3A_278 = tpu.memref_slice %arg18[%dma_wait3A_267] : memref<8x!tpu.dma_semaphore, #tpu.memory_space<semaphore_mem>> -> memref<1x!tpu.dma_semaphore, #tpu.memory_space<semaphore_mem>>
        %dma_wait3A_279 = tpu.memref_squeeze %dma_wait3A_278 : memref<1x!tpu.dma_semaphore, #tpu.memory_space<semaphore_mem>> -> memref<!tpu.dma_semaphore, #tpu.memory_space<semaphore_mem>>
        tpu.wait_indirect_dma semaphore(%dma_wait3A_279 : memref<!tpu.dma_semaphore, #tpu.memory_space<semaphore_mem>>) src(%dma_wait3A_277 : memref<10112x24xf32, #tpu.memory_space<vmem_shared>>) dst(%dma_wait3A_271 : memref<128x24xf32, #tpu.memory_space<vmem>>)
        %dma_start3A_280 = arith.constant 0 : i32
        %dma_start3A_281 = arith.constant 0 : i32
        %dma_start3A_282 = arith.constant 0 : i32
        %dma_start3A_283 = arith.constant 0 : i32
        %dma_start3A_284 = tpu.memref_slice %arg11[%dma_start3A_280, %dma_start3A_282, %dma_start3A_283] : memref<8x128x24xf32, #tpu.memory_space<vmem>> -> memref<1x128x24xf32, #tpu.memory_space<vmem>>
        %dma_start3A_285 = tpu.memref_squeeze %dma_start3A_284 : memref<1x128x24xf32, #tpu.memory_space<vmem>> -> memref<128x24xf32, #tpu.memory_space<vmem>>
        %dma_start3A_286 = arith.constant 0 : i32
        %dma_start3A_287 = tpu.memref_slice %arg10[%add3A_264, %dma_start3A_286] : memref<160x128xi32, #tpu.memory_space<vmem>> -> memref<1x128xi32, #tpu.memory_space<vmem>>
        %dma_start3A_288 = tpu.memref_squeeze %dma_start3A_287 : memref<1x128xi32, #tpu.memory_space<vmem>> -> memref<128xi32, #tpu.memory_space<vmem>>
        %dma_start3A_289 = arith.constant 0 : i32
        %dma_start3A_290 = arith.constant 0 : i32
        %dma_start3A_291 = tpu.memref_slice %arg16[%dma_start3A_289, %dma_start3A_290] : memref<10112x24xf32, #tpu.memory_space<vmem_shared>> -> memref<10112x24xf32, #tpu.memory_space<vmem_shared>>
        %dma_start3A_292 = tpu.memref_slice %arg19[%dma_start3A_281] : memref<8x!tpu.dma_semaphore, #tpu.memory_space<semaphore_mem>> -> memref<1x!tpu.dma_semaphore, #tpu.memory_space<semaphore_mem>>
        %dma_start3A_293 = tpu.memref_squeeze %dma_start3A_292 : memref<1x!tpu.dma_semaphore, #tpu.memory_space<semaphore_mem>> -> memref<!tpu.dma_semaphore, #tpu.memory_space<semaphore_mem>>
        tpu.enqueue_indirect_dma source(%dma_start3A_285 : memref<128x24xf32, #tpu.memory_space<vmem>>) target(%dma_start3A_291 : memref<10112x24xf32, #tpu.memory_space<vmem_shared>>) offsets(%dma_start3A_288 : memref<128xi32, #tpu.memory_space<vmem>>) semaphore(%dma_start3A_293 : memref<!tpu.dma_semaphore, #tpu.memory_space<semaphore_mem>>) {add = true}
        %ge3A = arith.constant 4 : i32
        %ge3A_294 = arith.cmpi sge, %add3A_264, %ge3A : i32
        %convert_element_type3A = arith.extui %ge3A_294 : i1 to i32
        %cond3A = arith.constant 0 : i32
        %cond3A_295 = arith.cmpi ne, %convert_element_type3A, %cond3A : i32
        scf.if %cond3A_295 {
          %dma_wait3A_603 = arith.constant 4 : i32
          %dma_wait3A_604 = arith.constant 4 : i32
          %dma_wait3A_605 = arith.constant 4 : i32
          %dma_wait3A_606 = arith.constant 0 : i32
          %dma_wait3A_607 = arith.constant 0 : i32
          %dma_wait3A_608 = tpu.memref_slice %arg11[%dma_wait3A_603, %dma_wait3A_606, %dma_wait3A_607] : memref<8x128x24xf32, #tpu.memory_space<vmem>> -> memref<1x128x24xf32, #tpu.memory_space<vmem>>
          %dma_wait3A_609 = tpu.memref_squeeze %dma_wait3A_608 : memref<1x128x24xf32, #tpu.memory_space<vmem>> -> memref<128x24xf32, #tpu.memory_space<vmem>>
          %dma_wait3A_610 = arith.constant 0 : i32
          %dma_wait3A_611 = tpu.memref_slice %arg10[%dma_wait3A_604, %dma_wait3A_610] : memref<160x128xi32, #tpu.memory_space<vmem>> -> memref<1x128xi32, #tpu.memory_space<vmem>>
          %dma_wait3A_612 = tpu.memref_squeeze %dma_wait3A_611 : memref<1x128xi32, #tpu.memory_space<vmem>> -> memref<128xi32, #tpu.memory_space<vmem>>
          %dma_wait3A_613 = arith.constant 0 : i32
          %dma_wait3A_614 = arith.constant 0 : i32
          %dma_wait3A_615 = tpu.memref_slice %arg16[%dma_wait3A_613, %dma_wait3A_614] : memref<10112x24xf32, #tpu.memory_space<vmem_shared>> -> memref<10112x24xf32, #tpu.memory_space<vmem_shared>>
          %dma_wait3A_616 = tpu.memref_slice %arg19[%dma_wait3A_605] : memref<8x!tpu.dma_semaphore, #tpu.memory_space<semaphore_mem>> -> memref<1x!tpu.dma_semaphore, #tpu.memory_space<semaphore_mem>>
          %dma_wait3A_617 = tpu.memref_squeeze %dma_wait3A_616 : memref<1x!tpu.dma_semaphore, #tpu.memory_space<semaphore_mem>> -> memref<!tpu.dma_semaphore, #tpu.memory_space<semaphore_mem>>
          tpu.wait_indirect_dma semaphore(%dma_wait3A_617 : memref<!tpu.dma_semaphore, #tpu.memory_space<semaphore_mem>>) src(%dma_wait3A_609 : memref<128x24xf32, #tpu.memory_space<vmem>>) dst(%dma_wait3A_615 : memref<10112x24xf32, #tpu.memory_space<vmem_shared>>)
        } else {
        }
        %add3A_296 = arith.constant 4 : i32
        %add3A_297 = arith.addi %add3A_264, %add3A_296 : i32
        %lt3A = arith.constant 160 : i32
        %lt3A_298 = arith.cmpi slt, %add3A_297, %lt3A : i32
        %convert_element_type3A_299 = arith.extui %lt3A_298 : i1 to i32
        %cond3A_300 = arith.constant 0 : i32
        %cond3A_301 = arith.cmpi ne, %convert_element_type3A_299, %cond3A_300 : i32
        scf.if %cond3A_301 {
          %add3A_603 = arith.constant 4 : i32
          %add3A_604 = arith.addi %add3A_264, %add3A_603 : i32
          %dma_start3A_605 = arith.constant 4 : i32
          %dma_start3A_606 = arith.constant 4 : i32
          %dma_start3A_607 = arith.constant 0 : i32
          %dma_start3A_608 = arith.constant 0 : i32
          %dma_start3A_609 = tpu.memref_slice %arg11[%dma_start3A_605, %dma_start3A_607, %dma_start3A_608] : memref<8x128x24xf32, #tpu.memory_space<vmem>> -> memref<1x128x24xf32, #tpu.memory_space<vmem>>
          %dma_start3A_610 = tpu.memref_squeeze %dma_start3A_609 : memref<1x128x24xf32, #tpu.memory_space<vmem>> -> memref<128x24xf32, #tpu.memory_space<vmem>>
          %dma_start3A_611 = arith.constant 0 : i32
          %dma_start3A_612 = tpu.memref_slice %arg9[%add3A_604, %dma_start3A_611] : memref<160x128xi32, #tpu.memory_space<vmem>> -> memref<1x128xi32, #tpu.memory_space<vmem>>
          %dma_start3A_613 = tpu.memref_squeeze %dma_start3A_612 : memref<1x128xi32, #tpu.memory_space<vmem>> -> memref<128xi32, #tpu.memory_space<vmem>>
          %dma_start3A_614 = arith.constant 0 : i32
          %dma_start3A_615 = arith.constant 0 : i32
          %dma_start3A_616 = tpu.memref_slice %arg17[%dma_start3A_614, %dma_start3A_615] : memref<10112x24xf32, #tpu.memory_space<vmem_shared>> -> memref<10112x24xf32, #tpu.memory_space<vmem_shared>>
          %dma_start3A_617 = tpu.memref_slice %arg18[%dma_start3A_606] : memref<8x!tpu.dma_semaphore, #tpu.memory_space<semaphore_mem>> -> memref<1x!tpu.dma_semaphore, #tpu.memory_space<semaphore_mem>>
          %dma_start3A_618 = tpu.memref_squeeze %dma_start3A_617 : memref<1x!tpu.dma_semaphore, #tpu.memory_space<semaphore_mem>> -> memref<!tpu.dma_semaphore, #tpu.memory_space<semaphore_mem>>
          tpu.enqueue_indirect_dma source(%dma_start3A_616 : memref<10112x24xf32, #tpu.memory_space<vmem_shared>>) target(%dma_start3A_610 : memref<128x24xf32, #tpu.memory_space<vmem>>) offsets(%dma_start3A_613 : memref<128xi32, #tpu.memory_space<vmem>>) semaphore(%dma_start3A_618 : memref<!tpu.dma_semaphore, #tpu.memory_space<semaphore_mem>>)
        } else {
        }
        %add3A_302 = arith.constant 1 : i32
        %add3A_303 = arith.addi %mul3A_262, %add3A_302 : i32
        %dma_wait3A_304 = arith.constant 1 : i32
        %dma_wait3A_305 = arith.constant 1 : i32
        %dma_wait3A_306 = arith.constant 1 : i32
        %dma_wait3A_307 = arith.constant 0 : i32
        %dma_wait3A_308 = arith.constant 0 : i32
        %dma_wait3A_309 = tpu.memref_slice %arg11[%dma_wait3A_305, %dma_wait3A_307, %dma_wait3A_308] : memref<8x128x24xf32, #tpu.memory_space<vmem>> -> memref<1x128x24xf32, #tpu.memory_space<vmem>>
        %dma_wait3A_310 = tpu.memref_squeeze %dma_wait3A_309 : memref<1x128x24xf32, #tpu.memory_space<vmem>> -> memref<128x24xf32, #tpu.memory_space<vmem>>
        %dma_wait3A_311 = arith.constant 0 : i32
        %dma_wait3A_312 = tpu.memref_slice %arg9[%dma_wait3A_304, %dma_wait3A_311] : memref<160x128xi32, #tpu.memory_space<vmem>> -> memref<1x128xi32, #tpu.memory_space<vmem>>
        %dma_wait3A_313 = tpu.memref_squeeze %dma_wait3A_312 : memref<1x128xi32, #tpu.memory_space<vmem>> -> memref<128xi32, #tpu.memory_space<vmem>>
        %dma_wait3A_314 = arith.constant 0 : i32
        %dma_wait3A_315 = arith.constant 0 : i32
        %dma_wait3A_316 = tpu.memref_slice %arg17[%dma_wait3A_314, %dma_wait3A_315] : memref<10112x24xf32, #tpu.memory_space<vmem_shared>> -> memref<10112x24xf32, #tpu.memory_space<vmem_shared>>
        %dma_wait3A_317 = tpu.memref_slice %arg18[%dma_wait3A_306] : memref<8x!tpu.dma_semaphore, #tpu.memory_space<semaphore_mem>> -> memref<1x!tpu.dma_semaphore, #tpu.memory_space<semaphore_mem>>
        %dma_wait3A_318 = tpu.memref_squeeze %dma_wait3A_317 : memref<1x!tpu.dma_semaphore, #tpu.memory_space<semaphore_mem>> -> memref<!tpu.dma_semaphore, #tpu.memory_space<semaphore_mem>>
        tpu.wait_indirect_dma semaphore(%dma_wait3A_318 : memref<!tpu.dma_semaphore, #tpu.memory_space<semaphore_mem>>) src(%dma_wait3A_316 : memref<10112x24xf32, #tpu.memory_space<vmem_shared>>) dst(%dma_wait3A_310 : memref<128x24xf32, #tpu.memory_space<vmem>>)
        %dma_start3A_319 = arith.constant 1 : i32
        %dma_start3A_320 = arith.constant 1 : i32
        %dma_start3A_321 = arith.constant 0 : i32
        %dma_start3A_322 = arith.constant 0 : i32
        %dma_start3A_323 = tpu.memref_slice %arg11[%dma_start3A_319, %dma_start3A_321, %dma_start3A_322] : memref<8x128x24xf32, #tpu.memory_space<vmem>> -> memref<1x128x24xf32, #tpu.memory_space<vmem>>
        %dma_start3A_324 = tpu.memref_squeeze %dma_start3A_323 : memref<1x128x24xf32, #tpu.memory_space<vmem>> -> memref<128x24xf32, #tpu.memory_space<vmem>>
        %dma_start3A_325 = arith.constant 0 : i32
        %dma_start3A_326 = tpu.memref_slice %arg10[%add3A_303, %dma_start3A_325] : memref<160x128xi32, #tpu.memory_space<vmem>> -> memref<1x128xi32, #tpu.memory_space<vmem>>
        %dma_start3A_327 = tpu.memref_squeeze %dma_start3A_326 : memref<1x128xi32, #tpu.memory_space<vmem>> -> memref<128xi32, #tpu.memory_space<vmem>>
        %dma_start3A_328 = arith.constant 0 : i32
        %dma_start3A_329 = arith.constant 0 : i32
        %dma_start3A_330 = tpu.memref_slice %arg16[%dma_start3A_328, %dma_start3A_329] : memref<10112x24xf32, #tpu.memory_space<vmem_shared>> -> memref<10112x24xf32, #tpu.memory_space<vmem_shared>>
        %dma_start3A_331 = tpu.memref_slice %arg19[%dma_start3A_320] : memref<8x!tpu.dma_semaphore, #tpu.memory_space<semaphore_mem>> -> memref<1x!tpu.dma_semaphore, #tpu.memory_space<semaphore_mem>>
        %dma_start3A_332 = tpu.memref_squeeze %dma_start3A_331 : memref<1x!tpu.dma_semaphore, #tpu.memory_space<semaphore_mem>> -> memref<!tpu.dma_semaphore, #tpu.memory_space<semaphore_mem>>
        tpu.enqueue_indirect_dma source(%dma_start3A_324 : memref<128x24xf32, #tpu.memory_space<vmem>>) target(%dma_start3A_330 : memref<10112x24xf32, #tpu.memory_space<vmem_shared>>) offsets(%dma_start3A_327 : memref<128xi32, #tpu.memory_space<vmem>>) semaphore(%dma_start3A_332 : memref<!tpu.dma_semaphore, #tpu.memory_space<semaphore_mem>>) {add = true}
        %ge3A_333 = arith.constant 4 : i32
        %ge3A_334 = arith.cmpi sge, %add3A_303, %ge3A_333 : i32
        %convert_element_type3A_335 = arith.extui %ge3A_334 : i1 to i32
        %cond3A_336 = arith.constant 0 : i32
        %cond3A_337 = arith.cmpi ne, %convert_element_type3A_335, %cond3A_336 : i32
        scf.if %cond3A_337 {
          %dma_wait3A_603 = arith.constant 5 : i32
          %dma_wait3A_604 = arith.constant 5 : i32
          %dma_wait3A_605 = arith.constant 5 : i32
          %dma_wait3A_606 = arith.constant 0 : i32
          %dma_wait3A_607 = arith.constant 0 : i32
          %dma_wait3A_608 = tpu.memref_slice %arg11[%dma_wait3A_603, %dma_wait3A_606, %dma_wait3A_607] : memref<8x128x24xf32, #tpu.memory_space<vmem>> -> memref<1x128x24xf32, #tpu.memory_space<vmem>>
          %dma_wait3A_609 = tpu.memref_squeeze %dma_wait3A_608 : memref<1x128x24xf32, #tpu.memory_space<vmem>> -> memref<128x24xf32, #tpu.memory_space<vmem>>
          %dma_wait3A_610 = arith.constant 0 : i32
          %dma_wait3A_611 = tpu.memref_slice %arg10[%dma_wait3A_604, %dma_wait3A_610] : memref<160x128xi32, #tpu.memory_space<vmem>> -> memref<1x128xi32, #tpu.memory_space<vmem>>
          %dma_wait3A_612 = tpu.memref_squeeze %dma_wait3A_611 : memref<1x128xi32, #tpu.memory_space<vmem>> -> memref<128xi32, #tpu.memory_space<vmem>>
          %dma_wait3A_613 = arith.constant 0 : i32
          %dma_wait3A_614 = arith.constant 0 : i32
          %dma_wait3A_615 = tpu.memref_slice %arg16[%dma_wait3A_613, %dma_wait3A_614] : memref<10112x24xf32, #tpu.memory_space<vmem_shared>> -> memref<10112x24xf32, #tpu.memory_space<vmem_shared>>
          %dma_wait3A_616 = tpu.memref_slice %arg19[%dma_wait3A_605] : memref<8x!tpu.dma_semaphore, #tpu.memory_space<semaphore_mem>> -> memref<1x!tpu.dma_semaphore, #tpu.memory_space<semaphore_mem>>
          %dma_wait3A_617 = tpu.memref_squeeze %dma_wait3A_616 : memref<1x!tpu.dma_semaphore, #tpu.memory_space<semaphore_mem>> -> memref<!tpu.dma_semaphore, #tpu.memory_space<semaphore_mem>>
          tpu.wait_indirect_dma semaphore(%dma_wait3A_617 : memref<!tpu.dma_semaphore, #tpu.memory_space<semaphore_mem>>) src(%dma_wait3A_609 : memref<128x24xf32, #tpu.memory_space<vmem>>) dst(%dma_wait3A_615 : memref<10112x24xf32, #tpu.memory_space<vmem_shared>>)
        } else {
        }
        %add3A_338 = arith.constant 4 : i32
        %add3A_339 = arith.addi %add3A_303, %add3A_338 : i32
        %lt3A_340 = arith.constant 160 : i32
        %lt3A_341 = arith.cmpi slt, %add3A_339, %lt3A_340 : i32
        %convert_element_type3A_342 = arith.extui %lt3A_341 : i1 to i32
        %cond3A_343 = arith.constant 0 : i32
        %cond3A_344 = arith.cmpi ne, %convert_element_type3A_342, %cond3A_343 : i32
        scf.if %cond3A_344 {
          %add3A_603 = arith.constant 4 : i32
          %add3A_604 = arith.addi %add3A_303, %add3A_603 : i32
          %dma_start3A_605 = arith.constant 5 : i32
          %dma_start3A_606 = arith.constant 5 : i32
          %dma_start3A_607 = arith.constant 0 : i32
          %dma_start3A_608 = arith.constant 0 : i32
          %dma_start3A_609 = tpu.memref_slice %arg11[%dma_start3A_605, %dma_start3A_607, %dma_start3A_608] : memref<8x128x24xf32, #tpu.memory_space<vmem>> -> memref<1x128x24xf32, #tpu.memory_space<vmem>>
          %dma_start3A_610 = tpu.memref_squeeze %dma_start3A_609 : memref<1x128x24xf32, #tpu.memory_space<vmem>> -> memref<128x24xf32, #tpu.memory_space<vmem>>
          %dma_start3A_611 = arith.constant 0 : i32
          %dma_start3A_612 = tpu.memref_slice %arg9[%add3A_604, %dma_start3A_611] : memref<160x128xi32, #tpu.memory_space<vmem>> -> memref<1x128xi32, #tpu.memory_space<vmem>>
          %dma_start3A_613 = tpu.memref_squeeze %dma_start3A_612 : memref<1x128xi32, #tpu.memory_space<vmem>> -> memref<128xi32, #tpu.memory_space<vmem>>
          %dma_start3A_614 = arith.constant 0 : i32
          %dma_start3A_615 = arith.constant 0 : i32
          %dma_start3A_616 = tpu.memref_slice %arg17[%dma_start3A_614, %dma_start3A_615] : memref<10112x24xf32, #tpu.memory_space<vmem_shared>> -> memref<10112x24xf32, #tpu.memory_space<vmem_shared>>
          %dma_start3A_617 = tpu.memref_slice %arg18[%dma_start3A_606] : memref<8x!tpu.dma_semaphore, #tpu.memory_space<semaphore_mem>> -> memref<1x!tpu.dma_semaphore, #tpu.memory_space<semaphore_mem>>
          %dma_start3A_618 = tpu.memref_squeeze %dma_start3A_617 : memref<1x!tpu.dma_semaphore, #tpu.memory_space<semaphore_mem>> -> memref<!tpu.dma_semaphore, #tpu.memory_space<semaphore_mem>>
          tpu.enqueue_indirect_dma source(%dma_start3A_616 : memref<10112x24xf32, #tpu.memory_space<vmem_shared>>) target(%dma_start3A_610 : memref<128x24xf32, #tpu.memory_space<vmem>>) offsets(%dma_start3A_613 : memref<128xi32, #tpu.memory_space<vmem>>) semaphore(%dma_start3A_618 : memref<!tpu.dma_semaphore, #tpu.memory_space<semaphore_mem>>)
        } else {
        }
        %add3A_345 = arith.constant 2 : i32
        %add3A_346 = arith.addi %mul3A_262, %add3A_345 : i32
        %dma_wait3A_347 = arith.constant 2 : i32
        %dma_wait3A_348 = arith.constant 2 : i32
        %dma_wait3A_349 = arith.constant 2 : i32
        %dma_wait3A_350 = arith.constant 0 : i32
        %dma_wait3A_351 = arith.constant 0 : i32
        %dma_wait3A_352 = tpu.memref_slice %arg11[%dma_wait3A_348, %dma_wait3A_350, %dma_wait3A_351] : memref<8x128x24xf32, #tpu.memory_space<vmem>> -> memref<1x128x24xf32, #tpu.memory_space<vmem>>
        %dma_wait3A_353 = tpu.memref_squeeze %dma_wait3A_352 : memref<1x128x24xf32, #tpu.memory_space<vmem>> -> memref<128x24xf32, #tpu.memory_space<vmem>>
        %dma_wait3A_354 = arith.constant 0 : i32
        %dma_wait3A_355 = tpu.memref_slice %arg9[%dma_wait3A_347, %dma_wait3A_354] : memref<160x128xi32, #tpu.memory_space<vmem>> -> memref<1x128xi32, #tpu.memory_space<vmem>>
        %dma_wait3A_356 = tpu.memref_squeeze %dma_wait3A_355 : memref<1x128xi32, #tpu.memory_space<vmem>> -> memref<128xi32, #tpu.memory_space<vmem>>
        %dma_wait3A_357 = arith.constant 0 : i32
        %dma_wait3A_358 = arith.constant 0 : i32
        %dma_wait3A_359 = tpu.memref_slice %arg17[%dma_wait3A_357, %dma_wait3A_358] : memref<10112x24xf32, #tpu.memory_space<vmem_shared>> -> memref<10112x24xf32, #tpu.memory_space<vmem_shared>>
        %dma_wait3A_360 = tpu.memref_slice %arg18[%dma_wait3A_349] : memref<8x!tpu.dma_semaphore, #tpu.memory_space<semaphore_mem>> -> memref<1x!tpu.dma_semaphore, #tpu.memory_space<semaphore_mem>>
        %dma_wait3A_361 = tpu.memref_squeeze %dma_wait3A_360 : memref<1x!tpu.dma_semaphore, #tpu.memory_space<semaphore_mem>> -> memref<!tpu.dma_semaphore, #tpu.memory_space<semaphore_mem>>
        tpu.wait_indirect_dma semaphore(%dma_wait3A_361 : memref<!tpu.dma_semaphore, #tpu.memory_space<semaphore_mem>>) src(%dma_wait3A_359 : memref<10112x24xf32, #tpu.memory_space<vmem_shared>>) dst(%dma_wait3A_353 : memref<128x24xf32, #tpu.memory_space<vmem>>)
        %dma_start3A_362 = arith.constant 2 : i32
        %dma_start3A_363 = arith.constant 2 : i32
        %dma_start3A_364 = arith.constant 0 : i32
        %dma_start3A_365 = arith.constant 0 : i32
        %dma_start3A_366 = tpu.memref_slice %arg11[%dma_start3A_362, %dma_start3A_364, %dma_start3A_365] : memref<8x128x24xf32, #tpu.memory_space<vmem>> -> memref<1x128x24xf32, #tpu.memory_space<vmem>>
        %dma_start3A_367 = tpu.memref_squeeze %dma_start3A_366 : memref<1x128x24xf32, #tpu.memory_space<vmem>> -> memref<128x24xf32, #tpu.memory_space<vmem>>
        %dma_start3A_368 = arith.constant 0 : i32
        %dma_start3A_369 = tpu.memref_slice %arg10[%add3A_346, %dma_start3A_368] : memref<160x128xi32, #tpu.memory_space<vmem>> -> memref<1x128xi32, #tpu.memory_space<vmem>>
        %dma_start3A_370 = tpu.memref_squeeze %dma_start3A_369 : memref<1x128xi32, #tpu.memory_space<vmem>> -> memref<128xi32, #tpu.memory_space<vmem>>
        %dma_start3A_371 = arith.constant 0 : i32
        %dma_start3A_372 = arith.constant 0 : i32
        %dma_start3A_373 = tpu.memref_slice %arg16[%dma_start3A_371, %dma_start3A_372] : memref<10112x24xf32, #tpu.memory_space<vmem_shared>> -> memref<10112x24xf32, #tpu.memory_space<vmem_shared>>
        %dma_start3A_374 = tpu.memref_slice %arg19[%dma_start3A_363] : memref<8x!tpu.dma_semaphore, #tpu.memory_space<semaphore_mem>> -> memref<1x!tpu.dma_semaphore, #tpu.memory_space<semaphore_mem>>
        %dma_start3A_375 = tpu.memref_squeeze %dma_start3A_374 : memref<1x!tpu.dma_semaphore, #tpu.memory_space<semaphore_mem>> -> memref<!tpu.dma_semaphore, #tpu.memory_space<semaphore_mem>>
        tpu.enqueue_indirect_dma source(%dma_start3A_367 : memref<128x24xf32, #tpu.memory_space<vmem>>) target(%dma_start3A_373 : memref<10112x24xf32, #tpu.memory_space<vmem_shared>>) offsets(%dma_start3A_370 : memref<128xi32, #tpu.memory_space<vmem>>) semaphore(%dma_start3A_375 : memref<!tpu.dma_semaphore, #tpu.memory_space<semaphore_mem>>) {add = true}
        %ge3A_376 = arith.constant 4 : i32
        %ge3A_377 = arith.cmpi sge, %add3A_346, %ge3A_376 : i32
        %convert_element_type3A_378 = arith.extui %ge3A_377 : i1 to i32
        %cond3A_379 = arith.constant 0 : i32
        %cond3A_380 = arith.cmpi ne, %convert_element_type3A_378, %cond3A_379 : i32
        scf.if %cond3A_380 {
          %dma_wait3A_603 = arith.constant 6 : i32
          %dma_wait3A_604 = arith.constant 6 : i32
          %dma_wait3A_605 = arith.constant 6 : i32
          %dma_wait3A_606 = arith.constant 0 : i32
          %dma_wait3A_607 = arith.constant 0 : i32
          %dma_wait3A_608 = tpu.memref_slice %arg11[%dma_wait3A_603, %dma_wait3A_606, %dma_wait3A_607] : memref<8x128x24xf32, #tpu.memory_space<vmem>> -> memref<1x128x24xf32, #tpu.memory_space<vmem>>
          %dma_wait3A_609 = tpu.memref_squeeze %dma_wait3A_608 : memref<1x128x24xf32, #tpu.memory_space<vmem>> -> memref<128x24xf32, #tpu.memory_space<vmem>>
          %dma_wait3A_610 = arith.constant 0 : i32
          %dma_wait3A_611 = tpu.memref_slice %arg10[%dma_wait3A_604, %dma_wait3A_610] : memref<160x128xi32, #tpu.memory_space<vmem>> -> memref<1x128xi32, #tpu.memory_space<vmem>>
          %dma_wait3A_612 = tpu.memref_squeeze %dma_wait3A_611 : memref<1x128xi32, #tpu.memory_space<vmem>> -> memref<128xi32, #tpu.memory_space<vmem>>
          %dma_wait3A_613 = arith.constant 0 : i32
          %dma_wait3A_614 = arith.constant 0 : i32
          %dma_wait3A_615 = tpu.memref_slice %arg16[%dma_wait3A_613, %dma_wait3A_614] : memref<10112x24xf32, #tpu.memory_space<vmem_shared>> -> memref<10112x24xf32, #tpu.memory_space<vmem_shared>>
          %dma_wait3A_616 = tpu.memref_slice %arg19[%dma_wait3A_605] : memref<8x!tpu.dma_semaphore, #tpu.memory_space<semaphore_mem>> -> memref<1x!tpu.dma_semaphore, #tpu.memory_space<semaphore_mem>>
          %dma_wait3A_617 = tpu.memref_squeeze %dma_wait3A_616 : memref<1x!tpu.dma_semaphore, #tpu.memory_space<semaphore_mem>> -> memref<!tpu.dma_semaphore, #tpu.memory_space<semaphore_mem>>
          tpu.wait_indirect_dma semaphore(%dma_wait3A_617 : memref<!tpu.dma_semaphore, #tpu.memory_space<semaphore_mem>>) src(%dma_wait3A_609 : memref<128x24xf32, #tpu.memory_space<vmem>>) dst(%dma_wait3A_615 : memref<10112x24xf32, #tpu.memory_space<vmem_shared>>)
        } else {
        }
        %add3A_381 = arith.constant 4 : i32
        %add3A_382 = arith.addi %add3A_346, %add3A_381 : i32
        %lt3A_383 = arith.constant 160 : i32
        %lt3A_384 = arith.cmpi slt, %add3A_382, %lt3A_383 : i32
        %convert_element_type3A_385 = arith.extui %lt3A_384 : i1 to i32
        %cond3A_386 = arith.constant 0 : i32
        %cond3A_387 = arith.cmpi ne, %convert_element_type3A_385, %cond3A_386 : i32
        scf.if %cond3A_387 {
          %add3A_603 = arith.constant 4 : i32
          %add3A_604 = arith.addi %add3A_346, %add3A_603 : i32
          %dma_start3A_605 = arith.constant 6 : i32
          %dma_start3A_606 = arith.constant 6 : i32
          %dma_start3A_607 = arith.constant 0 : i32
          %dma_start3A_608 = arith.constant 0 : i32
          %dma_start3A_609 = tpu.memref_slice %arg11[%dma_start3A_605, %dma_start3A_607, %dma_start3A_608] : memref<8x128x24xf32, #tpu.memory_space<vmem>> -> memref<1x128x24xf32, #tpu.memory_space<vmem>>
          %dma_start3A_610 = tpu.memref_squeeze %dma_start3A_609 : memref<1x128x24xf32, #tpu.memory_space<vmem>> -> memref<128x24xf32, #tpu.memory_space<vmem>>
          %dma_start3A_611 = arith.constant 0 : i32
          %dma_start3A_612 = tpu.memref_slice %arg9[%add3A_604, %dma_start3A_611] : memref<160x128xi32, #tpu.memory_space<vmem>> -> memref<1x128xi32, #tpu.memory_space<vmem>>
          %dma_start3A_613 = tpu.memref_squeeze %dma_start3A_612 : memref<1x128xi32, #tpu.memory_space<vmem>> -> memref<128xi32, #tpu.memory_space<vmem>>
          %dma_start3A_614 = arith.constant 0 : i32
          %dma_start3A_615 = arith.constant 0 : i32
          %dma_start3A_616 = tpu.memref_slice %arg17[%dma_start3A_614, %dma_start3A_615] : memref<10112x24xf32, #tpu.memory_space<vmem_shared>> -> memref<10112x24xf32, #tpu.memory_space<vmem_shared>>
          %dma_start3A_617 = tpu.memref_slice %arg18[%dma_start3A_606] : memref<8x!tpu.dma_semaphore, #tpu.memory_space<semaphore_mem>> -> memref<1x!tpu.dma_semaphore, #tpu.memory_space<semaphore_mem>>
          %dma_start3A_618 = tpu.memref_squeeze %dma_start3A_617 : memref<1x!tpu.dma_semaphore, #tpu.memory_space<semaphore_mem>> -> memref<!tpu.dma_semaphore, #tpu.memory_space<semaphore_mem>>
          tpu.enqueue_indirect_dma source(%dma_start3A_616 : memref<10112x24xf32, #tpu.memory_space<vmem_shared>>) target(%dma_start3A_610 : memref<128x24xf32, #tpu.memory_space<vmem>>) offsets(%dma_start3A_613 : memref<128xi32, #tpu.memory_space<vmem>>) semaphore(%dma_start3A_618 : memref<!tpu.dma_semaphore, #tpu.memory_space<semaphore_mem>>)
        } else {
        }
        %add3A_388 = arith.constant 3 : i32
        %add3A_389 = arith.addi %mul3A_262, %add3A_388 : i32
        %dma_wait3A_390 = arith.constant 3 : i32
        %dma_wait3A_391 = arith.constant 3 : i32
        %dma_wait3A_392 = arith.constant 3 : i32
        %dma_wait3A_393 = arith.constant 0 : i32
        %dma_wait3A_394 = arith.constant 0 : i32
        %dma_wait3A_395 = tpu.memref_slice %arg11[%dma_wait3A_391, %dma_wait3A_393, %dma_wait3A_394] : memref<8x128x24xf32, #tpu.memory_space<vmem>> -> memref<1x128x24xf32, #tpu.memory_space<vmem>>
        %dma_wait3A_396 = tpu.memref_squeeze %dma_wait3A_395 : memref<1x128x24xf32, #tpu.memory_space<vmem>> -> memref<128x24xf32, #tpu.memory_space<vmem>>
        %dma_wait3A_397 = arith.constant 0 : i32
        %dma_wait3A_398 = tpu.memref_slice %arg9[%dma_wait3A_390, %dma_wait3A_397] : memref<160x128xi32, #tpu.memory_space<vmem>> -> memref<1x128xi32, #tpu.memory_space<vmem>>
        %dma_wait3A_399 = tpu.memref_squeeze %dma_wait3A_398 : memref<1x128xi32, #tpu.memory_space<vmem>> -> memref<128xi32, #tpu.memory_space<vmem>>
        %dma_wait3A_400 = arith.constant 0 : i32
        %dma_wait3A_401 = arith.constant 0 : i32
        %dma_wait3A_402 = tpu.memref_slice %arg17[%dma_wait3A_400, %dma_wait3A_401] : memref<10112x24xf32, #tpu.memory_space<vmem_shared>> -> memref<10112x24xf32, #tpu.memory_space<vmem_shared>>
        %dma_wait3A_403 = tpu.memref_slice %arg18[%dma_wait3A_392] : memref<8x!tpu.dma_semaphore, #tpu.memory_space<semaphore_mem>> -> memref<1x!tpu.dma_semaphore, #tpu.memory_space<semaphore_mem>>
        %dma_wait3A_404 = tpu.memref_squeeze %dma_wait3A_403 : memref<1x!tpu.dma_semaphore, #tpu.memory_space<semaphore_mem>> -> memref<!tpu.dma_semaphore, #tpu.memory_space<semaphore_mem>>
        tpu.wait_indirect_dma semaphore(%dma_wait3A_404 : memref<!tpu.dma_semaphore, #tpu.memory_space<semaphore_mem>>) src(%dma_wait3A_402 : memref<10112x24xf32, #tpu.memory_space<vmem_shared>>) dst(%dma_wait3A_396 : memref<128x24xf32, #tpu.memory_space<vmem>>)
        %dma_start3A_405 = arith.constant 3 : i32
        %dma_start3A_406 = arith.constant 3 : i32
        %dma_start3A_407 = arith.constant 0 : i32
        %dma_start3A_408 = arith.constant 0 : i32
        %dma_start3A_409 = tpu.memref_slice %arg11[%dma_start3A_405, %dma_start3A_407, %dma_start3A_408] : memref<8x128x24xf32, #tpu.memory_space<vmem>> -> memref<1x128x24xf32, #tpu.memory_space<vmem>>
        %dma_start3A_410 = tpu.memref_squeeze %dma_start3A_409 : memref<1x128x24xf32, #tpu.memory_space<vmem>> -> memref<128x24xf32, #tpu.memory_space<vmem>>
        %dma_start3A_411 = arith.constant 0 : i32
        %dma_start3A_412 = tpu.memref_slice %arg10[%add3A_389, %dma_start3A_411] : memref<160x128xi32, #tpu.memory_space<vmem>> -> memref<1x128xi32, #tpu.memory_space<vmem>>
        %dma_start3A_413 = tpu.memref_squeeze %dma_start3A_412 : memref<1x128xi32, #tpu.memory_space<vmem>> -> memref<128xi32, #tpu.memory_space<vmem>>
        %dma_start3A_414 = arith.constant 0 : i32
        %dma_start3A_415 = arith.constant 0 : i32
        %dma_start3A_416 = tpu.memref_slice %arg16[%dma_start3A_414, %dma_start3A_415] : memref<10112x24xf32, #tpu.memory_space<vmem_shared>> -> memref<10112x24xf32, #tpu.memory_space<vmem_shared>>
        %dma_start3A_417 = tpu.memref_slice %arg19[%dma_start3A_406] : memref<8x!tpu.dma_semaphore, #tpu.memory_space<semaphore_mem>> -> memref<1x!tpu.dma_semaphore, #tpu.memory_space<semaphore_mem>>
        %dma_start3A_418 = tpu.memref_squeeze %dma_start3A_417 : memref<1x!tpu.dma_semaphore, #tpu.memory_space<semaphore_mem>> -> memref<!tpu.dma_semaphore, #tpu.memory_space<semaphore_mem>>
        tpu.enqueue_indirect_dma source(%dma_start3A_410 : memref<128x24xf32, #tpu.memory_space<vmem>>) target(%dma_start3A_416 : memref<10112x24xf32, #tpu.memory_space<vmem_shared>>) offsets(%dma_start3A_413 : memref<128xi32, #tpu.memory_space<vmem>>) semaphore(%dma_start3A_418 : memref<!tpu.dma_semaphore, #tpu.memory_space<semaphore_mem>>) {add = true}
        %ge3A_419 = arith.constant 4 : i32
        %ge3A_420 = arith.cmpi sge, %add3A_389, %ge3A_419 : i32
        %convert_element_type3A_421 = arith.extui %ge3A_420 : i1 to i32
        %cond3A_422 = arith.constant 0 : i32
        %cond3A_423 = arith.cmpi ne, %convert_element_type3A_421, %cond3A_422 : i32
        scf.if %cond3A_423 {
          %dma_wait3A_603 = arith.constant 7 : i32
          %dma_wait3A_604 = arith.constant 7 : i32
          %dma_wait3A_605 = arith.constant 7 : i32
          %dma_wait3A_606 = arith.constant 0 : i32
          %dma_wait3A_607 = arith.constant 0 : i32
          %dma_wait3A_608 = tpu.memref_slice %arg11[%dma_wait3A_603, %dma_wait3A_606, %dma_wait3A_607] : memref<8x128x24xf32, #tpu.memory_space<vmem>> -> memref<1x128x24xf32, #tpu.memory_space<vmem>>
          %dma_wait3A_609 = tpu.memref_squeeze %dma_wait3A_608 : memref<1x128x24xf32, #tpu.memory_space<vmem>> -> memref<128x24xf32, #tpu.memory_space<vmem>>
          %dma_wait3A_610 = arith.constant 0 : i32
          %dma_wait3A_611 = tpu.memref_slice %arg10[%dma_wait3A_604, %dma_wait3A_610] : memref<160x128xi32, #tpu.memory_space<vmem>> -> memref<1x128xi32, #tpu.memory_space<vmem>>
          %dma_wait3A_612 = tpu.memref_squeeze %dma_wait3A_611 : memref<1x128xi32, #tpu.memory_space<vmem>> -> memref<128xi32, #tpu.memory_space<vmem>>
          %dma_wait3A_613 = arith.constant 0 : i32
          %dma_wait3A_614 = arith.constant 0 : i32
          %dma_wait3A_615 = tpu.memref_slice %arg16[%dma_wait3A_613, %dma_wait3A_614] : memref<10112x24xf32, #tpu.memory_space<vmem_shared>> -> memref<10112x24xf32, #tpu.memory_space<vmem_shared>>
          %dma_wait3A_616 = tpu.memref_slice %arg19[%dma_wait3A_605] : memref<8x!tpu.dma_semaphore, #tpu.memory_space<semaphore_mem>> -> memref<1x!tpu.dma_semaphore, #tpu.memory_space<semaphore_mem>>
          %dma_wait3A_617 = tpu.memref_squeeze %dma_wait3A_616 : memref<1x!tpu.dma_semaphore, #tpu.memory_space<semaphore_mem>> -> memref<!tpu.dma_semaphore, #tpu.memory_space<semaphore_mem>>
          tpu.wait_indirect_dma semaphore(%dma_wait3A_617 : memref<!tpu.dma_semaphore, #tpu.memory_space<semaphore_mem>>) src(%dma_wait3A_609 : memref<128x24xf32, #tpu.memory_space<vmem>>) dst(%dma_wait3A_615 : memref<10112x24xf32, #tpu.memory_space<vmem_shared>>)
        } else {
        }
        %add3A_424 = arith.constant 4 : i32
        %add3A_425 = arith.addi %add3A_389, %add3A_424 : i32
        %lt3A_426 = arith.constant 160 : i32
        %lt3A_427 = arith.cmpi slt, %add3A_425, %lt3A_426 : i32
        %convert_element_type3A_428 = arith.extui %lt3A_427 : i1 to i32
        %cond3A_429 = arith.constant 0 : i32
        %cond3A_430 = arith.cmpi ne, %convert_element_type3A_428, %cond3A_429 : i32
        scf.if %cond3A_430 {
          %add3A_603 = arith.constant 4 : i32
          %add3A_604 = arith.addi %add3A_389, %add3A_603 : i32
          %dma_start3A_605 = arith.constant 7 : i32
          %dma_start3A_606 = arith.constant 7 : i32
          %dma_start3A_607 = arith.constant 0 : i32
          %dma_start3A_608 = arith.constant 0 : i32
          %dma_start3A_609 = tpu.memref_slice %arg11[%dma_start3A_605, %dma_start3A_607, %dma_start3A_608] : memref<8x128x24xf32, #tpu.memory_space<vmem>> -> memref<1x128x24xf32, #tpu.memory_space<vmem>>
          %dma_start3A_610 = tpu.memref_squeeze %dma_start3A_609 : memref<1x128x24xf32, #tpu.memory_space<vmem>> -> memref<128x24xf32, #tpu.memory_space<vmem>>
          %dma_start3A_611 = arith.constant 0 : i32
          %dma_start3A_612 = tpu.memref_slice %arg9[%add3A_604, %dma_start3A_611] : memref<160x128xi32, #tpu.memory_space<vmem>> -> memref<1x128xi32, #tpu.memory_space<vmem>>
          %dma_start3A_613 = tpu.memref_squeeze %dma_start3A_612 : memref<1x128xi32, #tpu.memory_space<vmem>> -> memref<128xi32, #tpu.memory_space<vmem>>
          %dma_start3A_614 = arith.constant 0 : i32
          %dma_start3A_615 = arith.constant 0 : i32
          %dma_start3A_616 = tpu.memref_slice %arg17[%dma_start3A_614, %dma_start3A_615] : memref<10112x24xf32, #tpu.memory_space<vmem_shared>> -> memref<10112x24xf32, #tpu.memory_space<vmem_shared>>
          %dma_start3A_617 = tpu.memref_slice %arg18[%dma_start3A_606] : memref<8x!tpu.dma_semaphore, #tpu.memory_space<semaphore_mem>> -> memref<1x!tpu.dma_semaphore, #tpu.memory_space<semaphore_mem>>
          %dma_start3A_618 = tpu.memref_squeeze %dma_start3A_617 : memref<1x!tpu.dma_semaphore, #tpu.memory_space<semaphore_mem>> -> memref<!tpu.dma_semaphore, #tpu.memory_space<semaphore_mem>>
          tpu.enqueue_indirect_dma source(%dma_start3A_616 : memref<10112x24xf32, #tpu.memory_space<vmem_shared>>) target(%dma_start3A_610 : memref<128x24xf32, #tpu.memory_space<vmem>>) offsets(%dma_start3A_613 : memref<128xi32, #tpu.memory_space<vmem>>) semaphore(%dma_start3A_618 : memref<!tpu.dma_semaphore, #tpu.memory_space<semaphore_mem>>)
        } else {
        }
        %add3A_431 = arith.constant 4 : i32
        %add3A_432 = arith.addi %mul3A_262, %add3A_431 : i32
        %dma_wait3A_433 = arith.constant 4 : i32
        %dma_wait3A_434 = arith.constant 4 : i32
        %dma_wait3A_435 = arith.constant 4 : i32
        %dma_wait3A_436 = arith.constant 0 : i32
        %dma_wait3A_437 = arith.constant 0 : i32
        %dma_wait3A_438 = tpu.memref_slice %arg11[%dma_wait3A_434, %dma_wait3A_436, %dma_wait3A_437] : memref<8x128x24xf32, #tpu.memory_space<vmem>> -> memref<1x128x24xf32, #tpu.memory_space<vmem>>
        %dma_wait3A_439 = tpu.memref_squeeze %dma_wait3A_438 : memref<1x128x24xf32, #tpu.memory_space<vmem>> -> memref<128x24xf32, #tpu.memory_space<vmem>>
        %dma_wait3A_440 = arith.constant 0 : i32
        %dma_wait3A_441 = tpu.memref_slice %arg9[%dma_wait3A_433, %dma_wait3A_440] : memref<160x128xi32, #tpu.memory_space<vmem>> -> memref<1x128xi32, #tpu.memory_space<vmem>>
        %dma_wait3A_442 = tpu.memref_squeeze %dma_wait3A_441 : memref<1x128xi32, #tpu.memory_space<vmem>> -> memref<128xi32, #tpu.memory_space<vmem>>
        %dma_wait3A_443 = arith.constant 0 : i32
        %dma_wait3A_444 = arith.constant 0 : i32
        %dma_wait3A_445 = tpu.memref_slice %arg17[%dma_wait3A_443, %dma_wait3A_444] : memref<10112x24xf32, #tpu.memory_space<vmem_shared>> -> memref<10112x24xf32, #tpu.memory_space<vmem_shared>>
        %dma_wait3A_446 = tpu.memref_slice %arg18[%dma_wait3A_435] : memref<8x!tpu.dma_semaphore, #tpu.memory_space<semaphore_mem>> -> memref<1x!tpu.dma_semaphore, #tpu.memory_space<semaphore_mem>>
        %dma_wait3A_447 = tpu.memref_squeeze %dma_wait3A_446 : memref<1x!tpu.dma_semaphore, #tpu.memory_space<semaphore_mem>> -> memref<!tpu.dma_semaphore, #tpu.memory_space<semaphore_mem>>
        tpu.wait_indirect_dma semaphore(%dma_wait3A_447 : memref<!tpu.dma_semaphore, #tpu.memory_space<semaphore_mem>>) src(%dma_wait3A_445 : memref<10112x24xf32, #tpu.memory_space<vmem_shared>>) dst(%dma_wait3A_439 : memref<128x24xf32, #tpu.memory_space<vmem>>)
        %dma_start3A_448 = arith.constant 4 : i32
        %dma_start3A_449 = arith.constant 4 : i32
        %dma_start3A_450 = arith.constant 0 : i32
        %dma_start3A_451 = arith.constant 0 : i32
        %dma_start3A_452 = tpu.memref_slice %arg11[%dma_start3A_448, %dma_start3A_450, %dma_start3A_451] : memref<8x128x24xf32, #tpu.memory_space<vmem>> -> memref<1x128x24xf32, #tpu.memory_space<vmem>>
        %dma_start3A_453 = tpu.memref_squeeze %dma_start3A_452 : memref<1x128x24xf32, #tpu.memory_space<vmem>> -> memref<128x24xf32, #tpu.memory_space<vmem>>
        %dma_start3A_454 = arith.constant 0 : i32
        %dma_start3A_455 = tpu.memref_slice %arg10[%add3A_432, %dma_start3A_454] : memref<160x128xi32, #tpu.memory_space<vmem>> -> memref<1x128xi32, #tpu.memory_space<vmem>>
        %dma_start3A_456 = tpu.memref_squeeze %dma_start3A_455 : memref<1x128xi32, #tpu.memory_space<vmem>> -> memref<128xi32, #tpu.memory_space<vmem>>
        %dma_start3A_457 = arith.constant 0 : i32
        %dma_start3A_458 = arith.constant 0 : i32
        %dma_start3A_459 = tpu.memref_slice %arg16[%dma_start3A_457, %dma_start3A_458] : memref<10112x24xf32, #tpu.memory_space<vmem_shared>> -> memref<10112x24xf32, #tpu.memory_space<vmem_shared>>
        %dma_start3A_460 = tpu.memref_slice %arg19[%dma_start3A_449] : memref<8x!tpu.dma_semaphore, #tpu.memory_space<semaphore_mem>> -> memref<1x!tpu.dma_semaphore, #tpu.memory_space<semaphore_mem>>
        %dma_start3A_461 = tpu.memref_squeeze %dma_start3A_460 : memref<1x!tpu.dma_semaphore, #tpu.memory_space<semaphore_mem>> -> memref<!tpu.dma_semaphore, #tpu.memory_space<semaphore_mem>>
        tpu.enqueue_indirect_dma source(%dma_start3A_453 : memref<128x24xf32, #tpu.memory_space<vmem>>) target(%dma_start3A_459 : memref<10112x24xf32, #tpu.memory_space<vmem_shared>>) offsets(%dma_start3A_456 : memref<128xi32, #tpu.memory_space<vmem>>) semaphore(%dma_start3A_461 : memref<!tpu.dma_semaphore, #tpu.memory_space<semaphore_mem>>) {add = true}
        %ge3A_462 = arith.constant 4 : i32
        %ge3A_463 = arith.cmpi sge, %add3A_432, %ge3A_462 : i32
        %convert_element_type3A_464 = arith.extui %ge3A_463 : i1 to i32
        %cond3A_465 = arith.constant 0 : i32
        %cond3A_466 = arith.cmpi ne, %convert_element_type3A_464, %cond3A_465 : i32
        scf.if %cond3A_466 {
          %dma_wait3A_603 = arith.constant 0 : i32
          %dma_wait3A_604 = arith.constant 0 : i32
          %dma_wait3A_605 = arith.constant 0 : i32
          %dma_wait3A_606 = arith.constant 0 : i32
          %dma_wait3A_607 = arith.constant 0 : i32
          %dma_wait3A_608 = tpu.memref_slice %arg11[%dma_wait3A_603, %dma_wait3A_606, %dma_wait3A_607] : memref<8x128x24xf32, #tpu.memory_space<vmem>> -> memref<1x128x24xf32, #tpu.memory_space<vmem>>
          %dma_wait3A_609 = tpu.memref_squeeze %dma_wait3A_608 : memref<1x128x24xf32, #tpu.memory_space<vmem>> -> memref<128x24xf32, #tpu.memory_space<vmem>>
          %dma_wait3A_610 = arith.constant 0 : i32
          %dma_wait3A_611 = tpu.memref_slice %arg10[%dma_wait3A_604, %dma_wait3A_610] : memref<160x128xi32, #tpu.memory_space<vmem>> -> memref<1x128xi32, #tpu.memory_space<vmem>>
          %dma_wait3A_612 = tpu.memref_squeeze %dma_wait3A_611 : memref<1x128xi32, #tpu.memory_space<vmem>> -> memref<128xi32, #tpu.memory_space<vmem>>
          %dma_wait3A_613 = arith.constant 0 : i32
          %dma_wait3A_614 = arith.constant 0 : i32
          %dma_wait3A_615 = tpu.memref_slice %arg16[%dma_wait3A_613, %dma_wait3A_614] : memref<10112x24xf32, #tpu.memory_space<vmem_shared>> -> memref<10112x24xf32, #tpu.memory_space<vmem_shared>>
          %dma_wait3A_616 = tpu.memref_slice %arg19[%dma_wait3A_605] : memref<8x!tpu.dma_semaphore, #tpu.memory_space<semaphore_mem>> -> memref<1x!tpu.dma_semaphore, #tpu.memory_space<semaphore_mem>>
          %dma_wait3A_617 = tpu.memref_squeeze %dma_wait3A_616 : memref<1x!tpu.dma_semaphore, #tpu.memory_space<semaphore_mem>> -> memref<!tpu.dma_semaphore, #tpu.memory_space<semaphore_mem>>
          tpu.wait_indirect_dma semaphore(%dma_wait3A_617 : memref<!tpu.dma_semaphore, #tpu.memory_space<semaphore_mem>>) src(%dma_wait3A_609 : memref<128x24xf32, #tpu.memory_space<vmem>>) dst(%dma_wait3A_615 : memref<10112x24xf32, #tpu.memory_space<vmem_shared>>)
        } else {
        }
        %add3A_467 = arith.constant 4 : i32
        %add3A_468 = arith.addi %add3A_432, %add3A_467 : i32
        %lt3A_469 = arith.constant 160 : i32
        %lt3A_470 = arith.cmpi slt, %add3A_468, %lt3A_469 : i32
        %convert_element_type3A_471 = arith.extui %lt3A_470 : i1 to i32
        %cond3A_472 = arith.constant 0 : i32
        %cond3A_473 = arith.cmpi ne, %convert_element_type3A_471, %cond3A_472 : i32
        scf.if %cond3A_473 {
          %add3A_603 = arith.constant 4 : i32
          %add3A_604 = arith.addi %add3A_432, %add3A_603 : i32
          %dma_start3A_605 = arith.constant 0 : i32
          %dma_start3A_606 = arith.constant 0 : i32
          %dma_start3A_607 = arith.constant 0 : i32
          %dma_start3A_608 = arith.constant 0 : i32
          %dma_start3A_609 = tpu.memref_slice %arg11[%dma_start3A_605, %dma_start3A_607, %dma_start3A_608] : memref<8x128x24xf32, #tpu.memory_space<vmem>> -> memref<1x128x24xf32, #tpu.memory_space<vmem>>
          %dma_start3A_610 = tpu.memref_squeeze %dma_start3A_609 : memref<1x128x24xf32, #tpu.memory_space<vmem>> -> memref<128x24xf32, #tpu.memory_space<vmem>>
          %dma_start3A_611 = arith.constant 0 : i32
          %dma_start3A_612 = tpu.memref_slice %arg9[%add3A_604, %dma_start3A_611] : memref<160x128xi32, #tpu.memory_space<vmem>> -> memref<1x128xi32, #tpu.memory_space<vmem>>
          %dma_start3A_613 = tpu.memref_squeeze %dma_start3A_612 : memref<1x128xi32, #tpu.memory_space<vmem>> -> memref<128xi32, #tpu.memory_space<vmem>>
          %dma_start3A_614 = arith.constant 0 : i32
          %dma_start3A_615 = arith.constant 0 : i32
          %dma_start3A_616 = tpu.memref_slice %arg17[%dma_start3A_614, %dma_start3A_615] : memref<10112x24xf32, #tpu.memory_space<vmem_shared>> -> memref<10112x24xf32, #tpu.memory_space<vmem_shared>>
          %dma_start3A_617 = tpu.memref_slice %arg18[%dma_start3A_606] : memref<8x!tpu.dma_semaphore, #tpu.memory_space<semaphore_mem>> -> memref<1x!tpu.dma_semaphore, #tpu.memory_space<semaphore_mem>>
          %dma_start3A_618 = tpu.memref_squeeze %dma_start3A_617 : memref<1x!tpu.dma_semaphore, #tpu.memory_space<semaphore_mem>> -> memref<!tpu.dma_semaphore, #tpu.memory_space<semaphore_mem>>
          tpu.enqueue_indirect_dma source(%dma_start3A_616 : memref<10112x24xf32, #tpu.memory_space<vmem_shared>>) target(%dma_start3A_610 : memref<128x24xf32, #tpu.memory_space<vmem>>) offsets(%dma_start3A_613 : memref<128xi32, #tpu.memory_space<vmem>>) semaphore(%dma_start3A_618 : memref<!tpu.dma_semaphore, #tpu.memory_space<semaphore_mem>>)
        } else {
        }
        %add3A_474 = arith.constant 5 : i32
        %add3A_475 = arith.addi %mul3A_262, %add3A_474 : i32
        %dma_wait3A_476 = arith.constant 5 : i32
        %dma_wait3A_477 = arith.constant 5 : i32
        %dma_wait3A_478 = arith.constant 5 : i32
        %dma_wait3A_479 = arith.constant 0 : i32
        %dma_wait3A_480 = arith.constant 0 : i32
        %dma_wait3A_481 = tpu.memref_slice %arg11[%dma_wait3A_477, %dma_wait3A_479, %dma_wait3A_480] : memref<8x128x24xf32, #tpu.memory_space<vmem>> -> memref<1x128x24xf32, #tpu.memory_space<vmem>>
        %dma_wait3A_482 = tpu.memref_squeeze %dma_wait3A_481 : memref<1x128x24xf32, #tpu.memory_space<vmem>> -> memref<128x24xf32, #tpu.memory_space<vmem>>
        %dma_wait3A_483 = arith.constant 0 : i32
        %dma_wait3A_484 = tpu.memref_slice %arg9[%dma_wait3A_476, %dma_wait3A_483] : memref<160x128xi32, #tpu.memory_space<vmem>> -> memref<1x128xi32, #tpu.memory_space<vmem>>
        %dma_wait3A_485 = tpu.memref_squeeze %dma_wait3A_484 : memref<1x128xi32, #tpu.memory_space<vmem>> -> memref<128xi32, #tpu.memory_space<vmem>>
        %dma_wait3A_486 = arith.constant 0 : i32
        %dma_wait3A_487 = arith.constant 0 : i32
        %dma_wait3A_488 = tpu.memref_slice %arg17[%dma_wait3A_486, %dma_wait3A_487] : memref<10112x24xf32, #tpu.memory_space<vmem_shared>> -> memref<10112x24xf32, #tpu.memory_space<vmem_shared>>
        %dma_wait3A_489 = tpu.memref_slice %arg18[%dma_wait3A_478] : memref<8x!tpu.dma_semaphore, #tpu.memory_space<semaphore_mem>> -> memref<1x!tpu.dma_semaphore, #tpu.memory_space<semaphore_mem>>
        %dma_wait3A_490 = tpu.memref_squeeze %dma_wait3A_489 : memref<1x!tpu.dma_semaphore, #tpu.memory_space<semaphore_mem>> -> memref<!tpu.dma_semaphore, #tpu.memory_space<semaphore_mem>>
        tpu.wait_indirect_dma semaphore(%dma_wait3A_490 : memref<!tpu.dma_semaphore, #tpu.memory_space<semaphore_mem>>) src(%dma_wait3A_488 : memref<10112x24xf32, #tpu.memory_space<vmem_shared>>) dst(%dma_wait3A_482 : memref<128x24xf32, #tpu.memory_space<vmem>>)
        %dma_start3A_491 = arith.constant 5 : i32
        %dma_start3A_492 = arith.constant 5 : i32
        %dma_start3A_493 = arith.constant 0 : i32
        %dma_start3A_494 = arith.constant 0 : i32
        %dma_start3A_495 = tpu.memref_slice %arg11[%dma_start3A_491, %dma_start3A_493, %dma_start3A_494] : memref<8x128x24xf32, #tpu.memory_space<vmem>> -> memref<1x128x24xf32, #tpu.memory_space<vmem>>
        %dma_start3A_496 = tpu.memref_squeeze %dma_start3A_495 : memref<1x128x24xf32, #tpu.memory_space<vmem>> -> memref<128x24xf32, #tpu.memory_space<vmem>>
        %dma_start3A_497 = arith.constant 0 : i32
        %dma_start3A_498 = tpu.memref_slice %arg10[%add3A_475, %dma_start3A_497] : memref<160x128xi32, #tpu.memory_space<vmem>> -> memref<1x128xi32, #tpu.memory_space<vmem>>
        %dma_start3A_499 = tpu.memref_squeeze %dma_start3A_498 : memref<1x128xi32, #tpu.memory_space<vmem>> -> memref<128xi32, #tpu.memory_space<vmem>>
        %dma_start3A_500 = arith.constant 0 : i32
        %dma_start3A_501 = arith.constant 0 : i32
        %dma_start3A_502 = tpu.memref_slice %arg16[%dma_start3A_500, %dma_start3A_501] : memref<10112x24xf32, #tpu.memory_space<vmem_shared>> -> memref<10112x24xf32, #tpu.memory_space<vmem_shared>>
        %dma_start3A_503 = tpu.memref_slice %arg19[%dma_start3A_492] : memref<8x!tpu.dma_semaphore, #tpu.memory_space<semaphore_mem>> -> memref<1x!tpu.dma_semaphore, #tpu.memory_space<semaphore_mem>>
        %dma_start3A_504 = tpu.memref_squeeze %dma_start3A_503 : memref<1x!tpu.dma_semaphore, #tpu.memory_space<semaphore_mem>> -> memref<!tpu.dma_semaphore, #tpu.memory_space<semaphore_mem>>
        tpu.enqueue_indirect_dma source(%dma_start3A_496 : memref<128x24xf32, #tpu.memory_space<vmem>>) target(%dma_start3A_502 : memref<10112x24xf32, #tpu.memory_space<vmem_shared>>) offsets(%dma_start3A_499 : memref<128xi32, #tpu.memory_space<vmem>>) semaphore(%dma_start3A_504 : memref<!tpu.dma_semaphore, #tpu.memory_space<semaphore_mem>>) {add = true}
        %ge3A_505 = arith.constant 4 : i32
        %ge3A_506 = arith.cmpi sge, %add3A_475, %ge3A_505 : i32
        %convert_element_type3A_507 = arith.extui %ge3A_506 : i1 to i32
        %cond3A_508 = arith.constant 0 : i32
        %cond3A_509 = arith.cmpi ne, %convert_element_type3A_507, %cond3A_508 : i32
        scf.if %cond3A_509 {
          %dma_wait3A_603 = arith.constant 1 : i32
          %dma_wait3A_604 = arith.constant 1 : i32
          %dma_wait3A_605 = arith.constant 1 : i32
          %dma_wait3A_606 = arith.constant 0 : i32
          %dma_wait3A_607 = arith.constant 0 : i32
          %dma_wait3A_608 = tpu.memref_slice %arg11[%dma_wait3A_603, %dma_wait3A_606, %dma_wait3A_607] : memref<8x128x24xf32, #tpu.memory_space<vmem>> -> memref<1x128x24xf32, #tpu.memory_space<vmem>>
          %dma_wait3A_609 = tpu.memref_squeeze %dma_wait3A_608 : memref<1x128x24xf32, #tpu.memory_space<vmem>> -> memref<128x24xf32, #tpu.memory_space<vmem>>
          %dma_wait3A_610 = arith.constant 0 : i32
          %dma_wait3A_611 = tpu.memref_slice %arg10[%dma_wait3A_604, %dma_wait3A_610] : memref<160x128xi32, #tpu.memory_space<vmem>> -> memref<1x128xi32, #tpu.memory_space<vmem>>
          %dma_wait3A_612 = tpu.memref_squeeze %dma_wait3A_611 : memref<1x128xi32, #tpu.memory_space<vmem>> -> memref<128xi32, #tpu.memory_space<vmem>>
          %dma_wait3A_613 = arith.constant 0 : i32
          %dma_wait3A_614 = arith.constant 0 : i32
          %dma_wait3A_615 = tpu.memref_slice %arg16[%dma_wait3A_613, %dma_wait3A_614] : memref<10112x24xf32, #tpu.memory_space<vmem_shared>> -> memref<10112x24xf32, #tpu.memory_space<vmem_shared>>
          %dma_wait3A_616 = tpu.memref_slice %arg19[%dma_wait3A_605] : memref<8x!tpu.dma_semaphore, #tpu.memory_space<semaphore_mem>> -> memref<1x!tpu.dma_semaphore, #tpu.memory_space<semaphore_mem>>
          %dma_wait3A_617 = tpu.memref_squeeze %dma_wait3A_616 : memref<1x!tpu.dma_semaphore, #tpu.memory_space<semaphore_mem>> -> memref<!tpu.dma_semaphore, #tpu.memory_space<semaphore_mem>>
          tpu.wait_indirect_dma semaphore(%dma_wait3A_617 : memref<!tpu.dma_semaphore, #tpu.memory_space<semaphore_mem>>) src(%dma_wait3A_609 : memref<128x24xf32, #tpu.memory_space<vmem>>) dst(%dma_wait3A_615 : memref<10112x24xf32, #tpu.memory_space<vmem_shared>>)
        } else {
        }
        %add3A_510 = arith.constant 4 : i32
        %add3A_511 = arith.addi %add3A_475, %add3A_510 : i32
        %lt3A_512 = arith.constant 160 : i32
        %lt3A_513 = arith.cmpi slt, %add3A_511, %lt3A_512 : i32
        %convert_element_type3A_514 = arith.extui %lt3A_513 : i1 to i32
        %cond3A_515 = arith.constant 0 : i32
        %cond3A_516 = arith.cmpi ne, %convert_element_type3A_514, %cond3A_515 : i32
        scf.if %cond3A_516 {
          %add3A_603 = arith.constant 4 : i32
          %add3A_604 = arith.addi %add3A_475, %add3A_603 : i32
          %dma_start3A_605 = arith.constant 1 : i32
          %dma_start3A_606 = arith.constant 1 : i32
          %dma_start3A_607 = arith.constant 0 : i32
          %dma_start3A_608 = arith.constant 0 : i32
          %dma_start3A_609 = tpu.memref_slice %arg11[%dma_start3A_605, %dma_start3A_607, %dma_start3A_608] : memref<8x128x24xf32, #tpu.memory_space<vmem>> -> memref<1x128x24xf32, #tpu.memory_space<vmem>>
          %dma_start3A_610 = tpu.memref_squeeze %dma_start3A_609 : memref<1x128x24xf32, #tpu.memory_space<vmem>> -> memref<128x24xf32, #tpu.memory_space<vmem>>
          %dma_start3A_611 = arith.constant 0 : i32
          %dma_start3A_612 = tpu.memref_slice %arg9[%add3A_604, %dma_start3A_611] : memref<160x128xi32, #tpu.memory_space<vmem>> -> memref<1x128xi32, #tpu.memory_space<vmem>>
          %dma_start3A_613 = tpu.memref_squeeze %dma_start3A_612 : memref<1x128xi32, #tpu.memory_space<vmem>> -> memref<128xi32, #tpu.memory_space<vmem>>
          %dma_start3A_614 = arith.constant 0 : i32
          %dma_start3A_615 = arith.constant 0 : i32
          %dma_start3A_616 = tpu.memref_slice %arg17[%dma_start3A_614, %dma_start3A_615] : memref<10112x24xf32, #tpu.memory_space<vmem_shared>> -> memref<10112x24xf32, #tpu.memory_space<vmem_shared>>
          %dma_start3A_617 = tpu.memref_slice %arg18[%dma_start3A_606] : memref<8x!tpu.dma_semaphore, #tpu.memory_space<semaphore_mem>> -> memref<1x!tpu.dma_semaphore, #tpu.memory_space<semaphore_mem>>
          %dma_start3A_618 = tpu.memref_squeeze %dma_start3A_617 : memref<1x!tpu.dma_semaphore, #tpu.memory_space<semaphore_mem>> -> memref<!tpu.dma_semaphore, #tpu.memory_space<semaphore_mem>>
          tpu.enqueue_indirect_dma source(%dma_start3A_616 : memref<10112x24xf32, #tpu.memory_space<vmem_shared>>) target(%dma_start3A_610 : memref<128x24xf32, #tpu.memory_space<vmem>>) offsets(%dma_start3A_613 : memref<128xi32, #tpu.memory_space<vmem>>) semaphore(%dma_start3A_618 : memref<!tpu.dma_semaphore, #tpu.memory_space<semaphore_mem>>)
        } else {
        }
        %add3A_517 = arith.constant 6 : i32
        %add3A_518 = arith.addi %mul3A_262, %add3A_517 : i32
        %dma_wait3A_519 = arith.constant 6 : i32
        %dma_wait3A_520 = arith.constant 6 : i32
        %dma_wait3A_521 = arith.constant 6 : i32
        %dma_wait3A_522 = arith.constant 0 : i32
        %dma_wait3A_523 = arith.constant 0 : i32
        %dma_wait3A_524 = tpu.memref_slice %arg11[%dma_wait3A_520, %dma_wait3A_522, %dma_wait3A_523] : memref<8x128x24xf32, #tpu.memory_space<vmem>> -> memref<1x128x24xf32, #tpu.memory_space<vmem>>
        %dma_wait3A_525 = tpu.memref_squeeze %dma_wait3A_524 : memref<1x128x24xf32, #tpu.memory_space<vmem>> -> memref<128x24xf32, #tpu.memory_space<vmem>>
        %dma_wait3A_526 = arith.constant 0 : i32
        %dma_wait3A_527 = tpu.memref_slice %arg9[%dma_wait3A_519, %dma_wait3A_526] : memref<160x128xi32, #tpu.memory_space<vmem>> -> memref<1x128xi32, #tpu.memory_space<vmem>>
        %dma_wait3A_528 = tpu.memref_squeeze %dma_wait3A_527 : memref<1x128xi32, #tpu.memory_space<vmem>> -> memref<128xi32, #tpu.memory_space<vmem>>
        %dma_wait3A_529 = arith.constant 0 : i32
        %dma_wait3A_530 = arith.constant 0 : i32
        %dma_wait3A_531 = tpu.memref_slice %arg17[%dma_wait3A_529, %dma_wait3A_530] : memref<10112x24xf32, #tpu.memory_space<vmem_shared>> -> memref<10112x24xf32, #tpu.memory_space<vmem_shared>>
        %dma_wait3A_532 = tpu.memref_slice %arg18[%dma_wait3A_521] : memref<8x!tpu.dma_semaphore, #tpu.memory_space<semaphore_mem>> -> memref<1x!tpu.dma_semaphore, #tpu.memory_space<semaphore_mem>>
        %dma_wait3A_533 = tpu.memref_squeeze %dma_wait3A_532 : memref<1x!tpu.dma_semaphore, #tpu.memory_space<semaphore_mem>> -> memref<!tpu.dma_semaphore, #tpu.memory_space<semaphore_mem>>
        tpu.wait_indirect_dma semaphore(%dma_wait3A_533 : memref<!tpu.dma_semaphore, #tpu.memory_space<semaphore_mem>>) src(%dma_wait3A_531 : memref<10112x24xf32, #tpu.memory_space<vmem_shared>>) dst(%dma_wait3A_525 : memref<128x24xf32, #tpu.memory_space<vmem>>)
        %dma_start3A_534 = arith.constant 6 : i32
        %dma_start3A_535 = arith.constant 6 : i32
        %dma_start3A_536 = arith.constant 0 : i32
        %dma_start3A_537 = arith.constant 0 : i32
        %dma_start3A_538 = tpu.memref_slice %arg11[%dma_start3A_534, %dma_start3A_536, %dma_start3A_537] : memref<8x128x24xf32, #tpu.memory_space<vmem>> -> memref<1x128x24xf32, #tpu.memory_space<vmem>>
        %dma_start3A_539 = tpu.memref_squeeze %dma_start3A_538 : memref<1x128x24xf32, #tpu.memory_space<vmem>> -> memref<128x24xf32, #tpu.memory_space<vmem>>
        %dma_start3A_540 = arith.constant 0 : i32
        %dma_start3A_541 = tpu.memref_slice %arg10[%add3A_518, %dma_start3A_540] : memref<160x128xi32, #tpu.memory_space<vmem>> -> memref<1x128xi32, #tpu.memory_space<vmem>>
        %dma_start3A_542 = tpu.memref_squeeze %dma_start3A_541 : memref<1x128xi32, #tpu.memory_space<vmem>> -> memref<128xi32, #tpu.memory_space<vmem>>
        %dma_start3A_543 = arith.constant 0 : i32
        %dma_start3A_544 = arith.constant 0 : i32
        %dma_start3A_545 = tpu.memref_slice %arg16[%dma_start3A_543, %dma_start3A_544] : memref<10112x24xf32, #tpu.memory_space<vmem_shared>> -> memref<10112x24xf32, #tpu.memory_space<vmem_shared>>
        %dma_start3A_546 = tpu.memref_slice %arg19[%dma_start3A_535] : memref<8x!tpu.dma_semaphore, #tpu.memory_space<semaphore_mem>> -> memref<1x!tpu.dma_semaphore, #tpu.memory_space<semaphore_mem>>
        %dma_start3A_547 = tpu.memref_squeeze %dma_start3A_546 : memref<1x!tpu.dma_semaphore, #tpu.memory_space<semaphore_mem>> -> memref<!tpu.dma_semaphore, #tpu.memory_space<semaphore_mem>>
        tpu.enqueue_indirect_dma source(%dma_start3A_539 : memref<128x24xf32, #tpu.memory_space<vmem>>) target(%dma_start3A_545 : memref<10112x24xf32, #tpu.memory_space<vmem_shared>>) offsets(%dma_start3A_542 : memref<128xi32, #tpu.memory_space<vmem>>) semaphore(%dma_start3A_547 : memref<!tpu.dma_semaphore, #tpu.memory_space<semaphore_mem>>) {add = true}
        %ge3A_548 = arith.constant 4 : i32
        %ge3A_549 = arith.cmpi sge, %add3A_518, %ge3A_548 : i32
        %convert_element_type3A_550 = arith.extui %ge3A_549 : i1 to i32
        %cond3A_551 = arith.constant 0 : i32
        %cond3A_552 = arith.cmpi ne, %convert_element_type3A_550, %cond3A_551 : i32
        scf.if %cond3A_552 {
          %dma_wait3A_603 = arith.constant 2 : i32
          %dma_wait3A_604 = arith.constant 2 : i32
          %dma_wait3A_605 = arith.constant 2 : i32
          %dma_wait3A_606 = arith.constant 0 : i32
          %dma_wait3A_607 = arith.constant 0 : i32
          %dma_wait3A_608 = tpu.memref_slice %arg11[%dma_wait3A_603, %dma_wait3A_606, %dma_wait3A_607] : memref<8x128x24xf32, #tpu.memory_space<vmem>> -> memref<1x128x24xf32, #tpu.memory_space<vmem>>
          %dma_wait3A_609 = tpu.memref_squeeze %dma_wait3A_608 : memref<1x128x24xf32, #tpu.memory_space<vmem>> -> memref<128x24xf32, #tpu.memory_space<vmem>>
          %dma_wait3A_610 = arith.constant 0 : i32
          %dma_wait3A_611 = tpu.memref_slice %arg10[%dma_wait3A_604, %dma_wait3A_610] : memref<160x128xi32, #tpu.memory_space<vmem>> -> memref<1x128xi32, #tpu.memory_space<vmem>>
          %dma_wait3A_612 = tpu.memref_squeeze %dma_wait3A_611 : memref<1x128xi32, #tpu.memory_space<vmem>> -> memref<128xi32, #tpu.memory_space<vmem>>
          %dma_wait3A_613 = arith.constant 0 : i32
          %dma_wait3A_614 = arith.constant 0 : i32
          %dma_wait3A_615 = tpu.memref_slice %arg16[%dma_wait3A_613, %dma_wait3A_614] : memref<10112x24xf32, #tpu.memory_space<vmem_shared>> -> memref<10112x24xf32, #tpu.memory_space<vmem_shared>>
          %dma_wait3A_616 = tpu.memref_slice %arg19[%dma_wait3A_605] : memref<8x!tpu.dma_semaphore, #tpu.memory_space<semaphore_mem>> -> memref<1x!tpu.dma_semaphore, #tpu.memory_space<semaphore_mem>>
          %dma_wait3A_617 = tpu.memref_squeeze %dma_wait3A_616 : memref<1x!tpu.dma_semaphore, #tpu.memory_space<semaphore_mem>> -> memref<!tpu.dma_semaphore, #tpu.memory_space<semaphore_mem>>
          tpu.wait_indirect_dma semaphore(%dma_wait3A_617 : memref<!tpu.dma_semaphore, #tpu.memory_space<semaphore_mem>>) src(%dma_wait3A_609 : memref<128x24xf32, #tpu.memory_space<vmem>>) dst(%dma_wait3A_615 : memref<10112x24xf32, #tpu.memory_space<vmem_shared>>)
        } else {
        }
        %add3A_553 = arith.constant 4 : i32
        %add3A_554 = arith.addi %add3A_518, %add3A_553 : i32
        %lt3A_555 = arith.constant 160 : i32
        %lt3A_556 = arith.cmpi slt, %add3A_554, %lt3A_555 : i32
        %convert_element_type3A_557 = arith.extui %lt3A_556 : i1 to i32
        %cond3A_558 = arith.constant 0 : i32
        %cond3A_559 = arith.cmpi ne, %convert_element_type3A_557, %cond3A_558 : i32
        scf.if %cond3A_559 {
          %add3A_603 = arith.constant 4 : i32
          %add3A_604 = arith.addi %add3A_518, %add3A_603 : i32
          %dma_start3A_605 = arith.constant 2 : i32
          %dma_start3A_606 = arith.constant 2 : i32
          %dma_start3A_607 = arith.constant 0 : i32
          %dma_start3A_608 = arith.constant 0 : i32
          %dma_start3A_609 = tpu.memref_slice %arg11[%dma_start3A_605, %dma_start3A_607, %dma_start3A_608] : memref<8x128x24xf32, #tpu.memory_space<vmem>> -> memref<1x128x24xf32, #tpu.memory_space<vmem>>
          %dma_start3A_610 = tpu.memref_squeeze %dma_start3A_609 : memref<1x128x24xf32, #tpu.memory_space<vmem>> -> memref<128x24xf32, #tpu.memory_space<vmem>>
          %dma_start3A_611 = arith.constant 0 : i32
          %dma_start3A_612 = tpu.memref_slice %arg9[%add3A_604, %dma_start3A_611] : memref<160x128xi32, #tpu.memory_space<vmem>> -> memref<1x128xi32, #tpu.memory_space<vmem>>
          %dma_start3A_613 = tpu.memref_squeeze %dma_start3A_612 : memref<1x128xi32, #tpu.memory_space<vmem>> -> memref<128xi32, #tpu.memory_space<vmem>>
          %dma_start3A_614 = arith.constant 0 : i32
          %dma_start3A_615 = arith.constant 0 : i32
          %dma_start3A_616 = tpu.memref_slice %arg17[%dma_start3A_614, %dma_start3A_615] : memref<10112x24xf32, #tpu.memory_space<vmem_shared>> -> memref<10112x24xf32, #tpu.memory_space<vmem_shared>>
          %dma_start3A_617 = tpu.memref_slice %arg18[%dma_start3A_606] : memref<8x!tpu.dma_semaphore, #tpu.memory_space<semaphore_mem>> -> memref<1x!tpu.dma_semaphore, #tpu.memory_space<semaphore_mem>>
          %dma_start3A_618 = tpu.memref_squeeze %dma_start3A_617 : memref<1x!tpu.dma_semaphore, #tpu.memory_space<semaphore_mem>> -> memref<!tpu.dma_semaphore, #tpu.memory_space<semaphore_mem>>
          tpu.enqueue_indirect_dma source(%dma_start3A_616 : memref<10112x24xf32, #tpu.memory_space<vmem_shared>>) target(%dma_start3A_610 : memref<128x24xf32, #tpu.memory_space<vmem>>) offsets(%dma_start3A_613 : memref<128xi32, #tpu.memory_space<vmem>>) semaphore(%dma_start3A_618 : memref<!tpu.dma_semaphore, #tpu.memory_space<semaphore_mem>>)
        } else {
        }
        %add3A_560 = arith.constant 7 : i32
        %add3A_561 = arith.addi %mul3A_262, %add3A_560 : i32
        %dma_wait3A_562 = arith.constant 7 : i32
        %dma_wait3A_563 = arith.constant 7 : i32
        %dma_wait3A_564 = arith.constant 7 : i32
        %dma_wait3A_565 = arith.constant 0 : i32
        %dma_wait3A_566 = arith.constant 0 : i32
        %dma_wait3A_567 = tpu.memref_slice %arg11[%dma_wait3A_563, %dma_wait3A_565, %dma_wait3A_566] : memref<8x128x24xf32, #tpu.memory_space<vmem>> -> memref<1x128x24xf32, #tpu.memory_space<vmem>>
        %dma_wait3A_568 = tpu.memref_squeeze %dma_wait3A_567 : memref<1x128x24xf32, #tpu.memory_space<vmem>> -> memref<128x24xf32, #tpu.memory_space<vmem>>
        %dma_wait3A_569 = arith.constant 0 : i32
        %dma_wait3A_570 = tpu.memref_slice %arg9[%dma_wait3A_562, %dma_wait3A_569] : memref<160x128xi32, #tpu.memory_space<vmem>> -> memref<1x128xi32, #tpu.memory_space<vmem>>
        %dma_wait3A_571 = tpu.memref_squeeze %dma_wait3A_570 : memref<1x128xi32, #tpu.memory_space<vmem>> -> memref<128xi32, #tpu.memory_space<vmem>>
        %dma_wait3A_572 = arith.constant 0 : i32
        %dma_wait3A_573 = arith.constant 0 : i32
        %dma_wait3A_574 = tpu.memref_slice %arg17[%dma_wait3A_572, %dma_wait3A_573] : memref<10112x24xf32, #tpu.memory_space<vmem_shared>> -> memref<10112x24xf32, #tpu.memory_space<vmem_shared>>
        %dma_wait3A_575 = tpu.memref_slice %arg18[%dma_wait3A_564] : memref<8x!tpu.dma_semaphore, #tpu.memory_space<semaphore_mem>> -> memref<1x!tpu.dma_semaphore, #tpu.memory_space<semaphore_mem>>
        %dma_wait3A_576 = tpu.memref_squeeze %dma_wait3A_575 : memref<1x!tpu.dma_semaphore, #tpu.memory_space<semaphore_mem>> -> memref<!tpu.dma_semaphore, #tpu.memory_space<semaphore_mem>>
        tpu.wait_indirect_dma semaphore(%dma_wait3A_576 : memref<!tpu.dma_semaphore, #tpu.memory_space<semaphore_mem>>) src(%dma_wait3A_574 : memref<10112x24xf32, #tpu.memory_space<vmem_shared>>) dst(%dma_wait3A_568 : memref<128x24xf32, #tpu.memory_space<vmem>>)
        %dma_start3A_577 = arith.constant 7 : i32
        %dma_start3A_578 = arith.constant 7 : i32
        %dma_start3A_579 = arith.constant 0 : i32
        %dma_start3A_580 = arith.constant 0 : i32
        %dma_start3A_581 = tpu.memref_slice %arg11[%dma_start3A_577, %dma_start3A_579, %dma_start3A_580] : memref<8x128x24xf32, #tpu.memory_space<vmem>> -> memref<1x128x24xf32, #tpu.memory_space<vmem>>
        %dma_start3A_582 = tpu.memref_squeeze %dma_start3A_581 : memref<1x128x24xf32, #tpu.memory_space<vmem>> -> memref<128x24xf32, #tpu.memory_space<vmem>>
        %dma_start3A_583 = arith.constant 0 : i32
        %dma_start3A_584 = tpu.memref_slice %arg10[%add3A_561, %dma_start3A_583] : memref<160x128xi32, #tpu.memory_space<vmem>> -> memref<1x128xi32, #tpu.memory_space<vmem>>
        %dma_start3A_585 = tpu.memref_squeeze %dma_start3A_584 : memref<1x128xi32, #tpu.memory_space<vmem>> -> memref<128xi32, #tpu.memory_space<vmem>>
        %dma_start3A_586 = arith.constant 0 : i32
        %dma_start3A_587 = arith.constant 0 : i32
        %dma_start3A_588 = tpu.memref_slice %arg16[%dma_start3A_586, %dma_start3A_587] : memref<10112x24xf32, #tpu.memory_space<vmem_shared>> -> memref<10112x24xf32, #tpu.memory_space<vmem_shared>>
        %dma_start3A_589 = tpu.memref_slice %arg19[%dma_start3A_578] : memref<8x!tpu.dma_semaphore, #tpu.memory_space<semaphore_mem>> -> memref<1x!tpu.dma_semaphore, #tpu.memory_space<semaphore_mem>>
        %dma_start3A_590 = tpu.memref_squeeze %dma_start3A_589 : memref<1x!tpu.dma_semaphore, #tpu.memory_space<semaphore_mem>> -> memref<!tpu.dma_semaphore, #tpu.memory_space<semaphore_mem>>
        tpu.enqueue_indirect_dma source(%dma_start3A_582 : memref<128x24xf32, #tpu.memory_space<vmem>>) target(%dma_start3A_588 : memref<10112x24xf32, #tpu.memory_space<vmem_shared>>) offsets(%dma_start3A_585 : memref<128xi32, #tpu.memory_space<vmem>>) semaphore(%dma_start3A_590 : memref<!tpu.dma_semaphore, #tpu.memory_space<semaphore_mem>>) {add = true}
        %ge3A_591 = arith.constant 4 : i32
        %ge3A_592 = arith.cmpi sge, %add3A_561, %ge3A_591 : i32
        %convert_element_type3A_593 = arith.extui %ge3A_592 : i1 to i32
        %cond3A_594 = arith.constant 0 : i32
        %cond3A_595 = arith.cmpi ne, %convert_element_type3A_593, %cond3A_594 : i32
        scf.if %cond3A_595 {
          %dma_wait3A_603 = arith.constant 3 : i32
          %dma_wait3A_604 = arith.constant 3 : i32
          %dma_wait3A_605 = arith.constant 3 : i32
          %dma_wait3A_606 = arith.constant 0 : i32
          %dma_wait3A_607 = arith.constant 0 : i32
          %dma_wait3A_608 = tpu.memref_slice %arg11[%dma_wait3A_603, %dma_wait3A_606, %dma_wait3A_607] : memref<8x128x24xf32, #tpu.memory_space<vmem>> -> memref<1x128x24xf32, #tpu.memory_space<vmem>>
          %dma_wait3A_609 = tpu.memref_squeeze %dma_wait3A_608 : memref<1x128x24xf32, #tpu.memory_space<vmem>> -> memref<128x24xf32, #tpu.memory_space<vmem>>
          %dma_wait3A_610 = arith.constant 0 : i32
          %dma_wait3A_611 = tpu.memref_slice %arg10[%dma_wait3A_604, %dma_wait3A_610] : memref<160x128xi32, #tpu.memory_space<vmem>> -> memref<1x128xi32, #tpu.memory_space<vmem>>
          %dma_wait3A_612 = tpu.memref_squeeze %dma_wait3A_611 : memref<1x128xi32, #tpu.memory_space<vmem>> -> memref<128xi32, #tpu.memory_space<vmem>>
          %dma_wait3A_613 = arith.constant 0 : i32
          %dma_wait3A_614 = arith.constant 0 : i32
          %dma_wait3A_615 = tpu.memref_slice %arg16[%dma_wait3A_613, %dma_wait3A_614] : memref<10112x24xf32, #tpu.memory_space<vmem_shared>> -> memref<10112x24xf32, #tpu.memory_space<vmem_shared>>
          %dma_wait3A_616 = tpu.memref_slice %arg19[%dma_wait3A_605] : memref<8x!tpu.dma_semaphore, #tpu.memory_space<semaphore_mem>> -> memref<1x!tpu.dma_semaphore, #tpu.memory_space<semaphore_mem>>
          %dma_wait3A_617 = tpu.memref_squeeze %dma_wait3A_616 : memref<1x!tpu.dma_semaphore, #tpu.memory_space<semaphore_mem>> -> memref<!tpu.dma_semaphore, #tpu.memory_space<semaphore_mem>>
          tpu.wait_indirect_dma semaphore(%dma_wait3A_617 : memref<!tpu.dma_semaphore, #tpu.memory_space<semaphore_mem>>) src(%dma_wait3A_609 : memref<128x24xf32, #tpu.memory_space<vmem>>) dst(%dma_wait3A_615 : memref<10112x24xf32, #tpu.memory_space<vmem_shared>>)
        } else {
        }
        %add3A_596 = arith.constant 4 : i32
        %add3A_597 = arith.addi %add3A_561, %add3A_596 : i32
        %lt3A_598 = arith.constant 160 : i32
        %lt3A_599 = arith.cmpi slt, %add3A_597, %lt3A_598 : i32
        %convert_element_type3A_600 = arith.extui %lt3A_599 : i1 to i32
        %cond3A_601 = arith.constant 0 : i32
        %cond3A_602 = arith.cmpi ne, %convert_element_type3A_600, %cond3A_601 : i32
        scf.if %cond3A_602 {
          %add3A_603 = arith.constant 4 : i32
          %add3A_604 = arith.addi %add3A_561, %add3A_603 : i32
          %dma_start3A_605 = arith.constant 3 : i32
          %dma_start3A_606 = arith.constant 3 : i32
          %dma_start3A_607 = arith.constant 0 : i32
          %dma_start3A_608 = arith.constant 0 : i32
          %dma_start3A_609 = tpu.memref_slice %arg11[%dma_start3A_605, %dma_start3A_607, %dma_start3A_608] : memref<8x128x24xf32, #tpu.memory_space<vmem>> -> memref<1x128x24xf32, #tpu.memory_space<vmem>>
          %dma_start3A_610 = tpu.memref_squeeze %dma_start3A_609 : memref<1x128x24xf32, #tpu.memory_space<vmem>> -> memref<128x24xf32, #tpu.memory_space<vmem>>
          %dma_start3A_611 = arith.constant 0 : i32
          %dma_start3A_612 = tpu.memref_slice %arg9[%add3A_604, %dma_start3A_611] : memref<160x128xi32, #tpu.memory_space<vmem>> -> memref<1x128xi32, #tpu.memory_space<vmem>>
          %dma_start3A_613 = tpu.memref_squeeze %dma_start3A_612 : memref<1x128xi32, #tpu.memory_space<vmem>> -> memref<128xi32, #tpu.memory_space<vmem>>
          %dma_start3A_614 = arith.constant 0 : i32
          %dma_start3A_615 = arith.constant 0 : i32
          %dma_start3A_616 = tpu.memref_slice %arg17[%dma_start3A_614, %dma_start3A_615] : memref<10112x24xf32, #tpu.memory_space<vmem_shared>> -> memref<10112x24xf32, #tpu.memory_space<vmem_shared>>
          %dma_start3A_617 = tpu.memref_slice %arg18[%dma_start3A_606] : memref<8x!tpu.dma_semaphore, #tpu.memory_space<semaphore_mem>> -> memref<1x!tpu.dma_semaphore, #tpu.memory_space<semaphore_mem>>
          %dma_start3A_618 = tpu.memref_squeeze %dma_start3A_617 : memref<1x!tpu.dma_semaphore, #tpu.memory_space<semaphore_mem>> -> memref<!tpu.dma_semaphore, #tpu.memory_space<semaphore_mem>>
          tpu.enqueue_indirect_dma source(%dma_start3A_616 : memref<10112x24xf32, #tpu.memory_space<vmem_shared>>) target(%dma_start3A_610 : memref<128x24xf32, #tpu.memory_space<vmem>>) offsets(%dma_start3A_613 : memref<128xi32, #tpu.memory_space<vmem>>) semaphore(%dma_start3A_618 : memref<!tpu.dma_semaphore, #tpu.memory_space<semaphore_mem>>)
        } else {
        }
      }
      %scan3A_71 = arith.constant 20 : i32
      %dma_wait3A = arith.constant 4 : i32
      %dma_wait3A_72 = arith.constant 4 : i32
      %dma_wait3A_73 = arith.constant 4 : i32
      %dma_wait3A_74 = arith.constant 0 : i32
      %dma_wait3A_75 = arith.constant 0 : i32
      %dma_wait3A_76 = tpu.memref_slice %arg11[%dma_wait3A, %dma_wait3A_74, %dma_wait3A_75] : memref<8x128x24xf32, #tpu.memory_space<vmem>> -> memref<1x128x24xf32, #tpu.memory_space<vmem>>
      %dma_wait3A_77 = tpu.memref_squeeze %dma_wait3A_76 : memref<1x128x24xf32, #tpu.memory_space<vmem>> -> memref<128x24xf32, #tpu.memory_space<vmem>>
      %dma_wait3A_78 = arith.constant 0 : i32
      %dma_wait3A_79 = tpu.memref_slice %arg10[%dma_wait3A_72, %dma_wait3A_78] : memref<160x128xi32, #tpu.memory_space<vmem>> -> memref<1x128xi32, #tpu.memory_space<vmem>>
      %dma_wait3A_80 = tpu.memref_squeeze %dma_wait3A_79 : memref<1x128xi32, #tpu.memory_space<vmem>> -> memref<128xi32, #tpu.memory_space<vmem>>
      %dma_wait3A_81 = arith.constant 0 : i32
      %dma_wait3A_82 = arith.constant 0 : i32
      %dma_wait3A_83 = tpu.memref_slice %arg16[%dma_wait3A_81, %dma_wait3A_82] : memref<10112x24xf32, #tpu.memory_space<vmem_shared>> -> memref<10112x24xf32, #tpu.memory_space<vmem_shared>>
      %dma_wait3A_84 = tpu.memref_slice %arg19[%dma_wait3A_73] : memref<8x!tpu.dma_semaphore, #tpu.memory_space<semaphore_mem>> -> memref<1x!tpu.dma_semaphore, #tpu.memory_space<semaphore_mem>>
      %dma_wait3A_85 = tpu.memref_squeeze %dma_wait3A_84 : memref<1x!tpu.dma_semaphore, #tpu.memory_space<semaphore_mem>> -> memref<!tpu.dma_semaphore, #tpu.memory_space<semaphore_mem>>
      tpu.wait_indirect_dma semaphore(%dma_wait3A_85 : memref<!tpu.dma_semaphore, #tpu.memory_space<semaphore_mem>>) src(%dma_wait3A_77 : memref<128x24xf32, #tpu.memory_space<vmem>>) dst(%dma_wait3A_83 : memref<10112x24xf32, #tpu.memory_space<vmem_shared>>)
      %dma_wait3A_86 = arith.constant 5 : i32
      %dma_wait3A_87 = arith.constant 5 : i32
      %dma_wait3A_88 = arith.constant 5 : i32
      %dma_wait3A_89 = arith.constant 0 : i32
      %dma_wait3A_90 = arith.constant 0 : i32
      %dma_wait3A_91 = tpu.memref_slice %arg11[%dma_wait3A_86, %dma_wait3A_89, %dma_wait3A_90] : memref<8x128x24xf32, #tpu.memory_space<vmem>> -> memref<1x128x24xf32, #tpu.memory_space<vmem>>
      %dma_wait3A_92 = tpu.memref_squeeze %dma_wait3A_91 : memref<1x128x24xf32, #tpu.memory_space<vmem>> -> memref<128x24xf32, #tpu.memory_space<vmem>>
      %dma_wait3A_93 = arith.constant 0 : i32
      %dma_wait3A_94 = tpu.memref_slice %arg10[%dma_wait3A_87, %dma_wait3A_93] : memref<160x128xi32, #tpu.memory_space<vmem>> -> memref<1x128xi32, #tpu.memory_space<vmem>>
      %dma_wait3A_95 = tpu.memref_squeeze %dma_wait3A_94 : memref<1x128xi32, #tpu.memory_space<vmem>> -> memref<128xi32, #tpu.memory_space<vmem>>
      %dma_wait3A_96 = arith.constant 0 : i32
      %dma_wait3A_97 = arith.constant 0 : i32
      %dma_wait3A_98 = tpu.memref_slice %arg16[%dma_wait3A_96, %dma_wait3A_97] : memref<10112x24xf32, #tpu.memory_space<vmem_shared>> -> memref<10112x24xf32, #tpu.memory_space<vmem_shared>>
      %dma_wait3A_99 = tpu.memref_slice %arg19[%dma_wait3A_88] : memref<8x!tpu.dma_semaphore, #tpu.memory_space<semaphore_mem>> -> memref<1x!tpu.dma_semaphore, #tpu.memory_space<semaphore_mem>>
      %dma_wait3A_100 = tpu.memref_squeeze %dma_wait3A_99 : memref<1x!tpu.dma_semaphore, #tpu.memory_space<semaphore_mem>> -> memref<!tpu.dma_semaphore, #tpu.memory_space<semaphore_mem>>
      tpu.wait_indirect_dma semaphore(%dma_wait3A_100 : memref<!tpu.dma_semaphore, #tpu.memory_space<semaphore_mem>>) src(%dma_wait3A_92 : memref<128x24xf32, #tpu.memory_space<vmem>>) dst(%dma_wait3A_98 : memref<10112x24xf32, #tpu.memory_space<vmem_shared>>)
      %dma_wait3A_101 = arith.constant 6 : i32
      %dma_wait3A_102 = arith.constant 6 : i32
      %dma_wait3A_103 = arith.constant 6 : i32
      %dma_wait3A_104 = arith.constant 0 : i32
      %dma_wait3A_105 = arith.constant 0 : i32
      %dma_wait3A_106 = tpu.memref_slice %arg11[%dma_wait3A_101, %dma_wait3A_104, %dma_wait3A_105] : memref<8x128x24xf32, #tpu.memory_space<vmem>> -> memref<1x128x24xf32, #tpu.memory_space<vmem>>
      %dma_wait3A_107 = tpu.memref_squeeze %dma_wait3A_106 : memref<1x128x24xf32, #tpu.memory_space<vmem>> -> memref<128x24xf32, #tpu.memory_space<vmem>>
      %dma_wait3A_108 = arith.constant 0 : i32
      %dma_wait3A_109 = tpu.memref_slice %arg10[%dma_wait3A_102, %dma_wait3A_108] : memref<160x128xi32, #tpu.memory_space<vmem>> -> memref<1x128xi32, #tpu.memory_space<vmem>>
      %dma_wait3A_110 = tpu.memref_squeeze %dma_wait3A_109 : memref<1x128xi32, #tpu.memory_space<vmem>> -> memref<128xi32, #tpu.memory_space<vmem>>
      %dma_wait3A_111 = arith.constant 0 : i32
      %dma_wait3A_112 = arith.constant 0 : i32
      %dma_wait3A_113 = tpu.memref_slice %arg16[%dma_wait3A_111, %dma_wait3A_112] : memref<10112x24xf32, #tpu.memory_space<vmem_shared>> -> memref<10112x24xf32, #tpu.memory_space<vmem_shared>>
      %dma_wait3A_114 = tpu.memref_slice %arg19[%dma_wait3A_103] : memref<8x!tpu.dma_semaphore, #tpu.memory_space<semaphore_mem>> -> memref<1x!tpu.dma_semaphore, #tpu.memory_space<semaphore_mem>>
      %dma_wait3A_115 = tpu.memref_squeeze %dma_wait3A_114 : memref<1x!tpu.dma_semaphore, #tpu.memory_space<semaphore_mem>> -> memref<!tpu.dma_semaphore, #tpu.memory_space<semaphore_mem>>
      tpu.wait_indirect_dma semaphore(%dma_wait3A_115 : memref<!tpu.dma_semaphore, #tpu.memory_space<semaphore_mem>>) src(%dma_wait3A_107 : memref<128x24xf32, #tpu.memory_space<vmem>>) dst(%dma_wait3A_113 : memref<10112x24xf32, #tpu.memory_space<vmem_shared>>)
      %dma_wait3A_116 = arith.constant 7 : i32
      %dma_wait3A_117 = arith.constant 7 : i32
      %dma_wait3A_118 = arith.constant 7 : i32
      %dma_wait3A_119 = arith.constant 0 : i32
      %dma_wait3A_120 = arith.constant 0 : i32
      %dma_wait3A_121 = tpu.memref_slice %arg11[%dma_wait3A_116, %dma_wait3A_119, %dma_wait3A_120] : memref<8x128x24xf32, #tpu.memory_space<vmem>> -> memref<1x128x24xf32, #tpu.memory_space<vmem>>
      %dma_wait3A_122 = tpu.memref_squeeze %dma_wait3A_121 : memref<1x128x24xf32, #tpu.memory_space<vmem>> -> memref<128x24xf32, #tpu.memory_space<vmem>>
      %dma_wait3A_123 = arith.constant 0 : i32
      %dma_wait3A_124 = tpu.memref_slice %arg10[%dma_wait3A_117, %dma_wait3A_123] : memref<160x128xi32, #tpu.memory_space<vmem>> -> memref<1x128xi32, #tpu.memory_space<vmem>>
      %dma_wait3A_125 = tpu.memref_squeeze %dma_wait3A_124 : memref<1x128xi32, #tpu.memory_space<vmem>> -> memref<128xi32, #tpu.memory_space<vmem>>
      %dma_wait3A_126 = arith.constant 0 : i32
      %dma_wait3A_127 = arith.constant 0 : i32
      %dma_wait3A_128 = tpu.memref_slice %arg16[%dma_wait3A_126, %dma_wait3A_127] : memref<10112x24xf32, #tpu.memory_space<vmem_shared>> -> memref<10112x24xf32, #tpu.memory_space<vmem_shared>>
      %dma_wait3A_129 = tpu.memref_slice %arg19[%dma_wait3A_118] : memref<8x!tpu.dma_semaphore, #tpu.memory_space<semaphore_mem>> -> memref<1x!tpu.dma_semaphore, #tpu.memory_space<semaphore_mem>>
      %dma_wait3A_130 = tpu.memref_squeeze %dma_wait3A_129 : memref<1x!tpu.dma_semaphore, #tpu.memory_space<semaphore_mem>> -> memref<!tpu.dma_semaphore, #tpu.memory_space<semaphore_mem>>
      tpu.wait_indirect_dma semaphore(%dma_wait3A_130 : memref<!tpu.dma_semaphore, #tpu.memory_space<semaphore_mem>>) src(%dma_wait3A_122 : memref<128x24xf32, #tpu.memory_space<vmem>>) dst(%dma_wait3A_128 : memref<10112x24xf32, #tpu.memory_space<vmem_shared>>)
      %barrier3A_131 = arith.constant 0 : index
      tpu.barrier barrier_id(%barrier3A_131)
      %add3A = arith.constant 0 : i32
      %add3A_132 = arith.addi %mul3A_0, %add3A : i32
      "tpu.region"() ({
        %run_scoped3A = tpu.sem_alloc : memref<!tpu.dma_semaphore, #tpu.memory_space<semaphore_mem>>
        %dma_start3A_260 = arith.constant 0 : i32
        %dma_start3A_261 = tpu.memref_slice %arg16[%add3A_132, %dma_start3A_260] : memref<10112x24xf32, #tpu.memory_space<vmem_shared>> -> memref<79x24xf32, #tpu.memory_space<vmem_shared>>
        %dma_start3A_262 = arith.constant 0 : i32
        %dma_start3A_263 = tpu.memref_slice %arg16[%add3A_132, %dma_start3A_262] : memref<10112x24xf32, #tpu.memory_space<vmem_shared>> -> memref<79x24xf32, #tpu.memory_space<vmem_shared>>
        tpu.enqueue_dma source(%dma_start3A_263 : memref<79x24xf32, #tpu.memory_space<vmem_shared>>) target(%arg12 : memref<79x24xf32, #tpu.memory_space<vmem>>) target_semaphore(%run_scoped3A : memref<!tpu.dma_semaphore, #tpu.memory_space<semaphore_mem>>)
        %dma_wait3A_264 = arith.constant 0 : i32
        %dma_wait3A_265 = tpu.memref_slice %arg16[%add3A_132, %dma_wait3A_264] : memref<10112x24xf32, #tpu.memory_space<vmem_shared>> -> memref<79x24xf32, #tpu.memory_space<vmem_shared>>
        %dma_wait3A_266 = arith.constant 0 : i32
        %dma_wait3A_267 = tpu.memref_slice %arg16[%add3A_132, %dma_wait3A_266] : memref<10112x24xf32, #tpu.memory_space<vmem_shared>> -> memref<79x24xf32, #tpu.memory_space<vmem_shared>>
        tpu.wait_dma2 semaphore(%run_scoped3A : memref<!tpu.dma_semaphore, #tpu.memory_space<semaphore_mem>>) src(%dma_wait3A_267 : memref<79x24xf32, #tpu.memory_space<vmem_shared>>) dst(%arg12 : memref<79x24xf32, #tpu.memory_space<vmem>>)
        tpu.yield
      }) : () -> ()
      "tpu.region"() ({
        %run_scoped3A = tpu.sem_alloc : memref<!tpu.dma_semaphore, #tpu.memory_space<semaphore_mem>>
        %dma_start3A_260 = arith.constant 0 : i32
        %dma_start3A_261 = tpu.memref_slice %arg17[%add3A_132, %dma_start3A_260] : memref<10112x24xf32, #tpu.memory_space<vmem_shared>> -> memref<79x24xf32, #tpu.memory_space<vmem_shared>>
        %dma_start3A_262 = arith.constant 0 : i32
        %dma_start3A_263 = tpu.memref_slice %arg17[%add3A_132, %dma_start3A_262] : memref<10112x24xf32, #tpu.memory_space<vmem_shared>> -> memref<79x24xf32, #tpu.memory_space<vmem_shared>>
        tpu.enqueue_dma source(%dma_start3A_263 : memref<79x24xf32, #tpu.memory_space<vmem_shared>>) target(%arg13 : memref<79x24xf32, #tpu.memory_space<vmem>>) target_semaphore(%run_scoped3A : memref<!tpu.dma_semaphore, #tpu.memory_space<semaphore_mem>>)
        %dma_wait3A_264 = arith.constant 0 : i32
        %dma_wait3A_265 = tpu.memref_slice %arg17[%add3A_132, %dma_wait3A_264] : memref<10112x24xf32, #tpu.memory_space<vmem_shared>> -> memref<79x24xf32, #tpu.memory_space<vmem_shared>>
        %dma_wait3A_266 = arith.constant 0 : i32
        %dma_wait3A_267 = tpu.memref_slice %arg17[%add3A_132, %dma_wait3A_266] : memref<10112x24xf32, #tpu.memory_space<vmem_shared>> -> memref<79x24xf32, #tpu.memory_space<vmem_shared>>
        tpu.wait_dma2 semaphore(%run_scoped3A : memref<!tpu.dma_semaphore, #tpu.memory_space<semaphore_mem>>) src(%dma_wait3A_267 : memref<79x24xf32, #tpu.memory_space<vmem_shared>>) dst(%arg13 : memref<79x24xf32, #tpu.memory_space<vmem>>)
        tpu.yield
      }) : () -> ()
      %dma_start3A_133 = arith.constant 0 : i32
      %dma_start3A_134 = tpu.memref_slice %arg16[%add3A_132, %dma_start3A_133] : memref<10112x24xf32, #tpu.memory_space<vmem_shared>> -> memref<79x24xf32, #tpu.memory_space<vmem_shared>>
      %dma_start3A_135 = arith.constant 0 : i32
      %dma_start3A_136 = tpu.memref_slice %arg7[%add3A_132, %dma_start3A_135] : memref<10112x24xf32, #tpu.memory_space<hbm>> -> memref<79x24xf32, #tpu.memory_space<hbm>>
      tpu.enqueue_dma source(%dma_start3A_136 : memref<79x24xf32, #tpu.memory_space<hbm>>) target(%dma_start3A_134 : memref<79x24xf32, #tpu.memory_space<vmem_shared>>) target_semaphore(%arg20 : memref<!tpu.dma_semaphore, #tpu.memory_space<semaphore_mem>>)
      %scan3A_137 = arith.constant 0 : i32
      %scan3A_138 = arith.constant 0 : i32
      %scan3A_139 = arith.constant 79 : i32
      %scan3A_140 = arith.addi %scan3A_138, %scan3A_139 : i32
      %scan3A_141 = arith.constant 1 : i32
      scf.for %scan3A_260 = %scan3A_138 to %scan3A_140 step %scan3A_141  : i32 {
        %add3A_261 = arith.constant 0 : i32
        %add3A_262 = arith.addi %add3A_261, %scan3A_260 : i32
        %get3A = arith.index_cast %add3A_262 : i32 to index
        %get3A_263 = arith.constant 0 : index
        %get3A_264 = tpu.vector_load %arg15[%get3A, %get3A_263] {strides = array<i32>} : memref<632x24xf32, #tpu.memory_space<vmem>>, vector<1x16xf32>,
        %get3A_265 = vector.shape_cast %get3A_264 : vector<1x16xf32> to vector<16xf32>
        %get3A_266 = arith.index_cast %scan3A_260 : i32 to index
        %get3A_267 = arith.constant 0 : index
        %get3A_268 = tpu.vector_load %arg12[%get3A_266, %get3A_267] {strides = array<i32>} : memref<79x24xf32, #tpu.memory_space<vmem>>, vector<1x16xf32>,
        %get3A_269 = vector.shape_cast %get3A_268 : vector<1x16xf32> to vector<16xf32>
        %get3A_270 = arith.index_cast %scan3A_260 : i32 to index
        %get3A_271 = arith.constant 0 : index
        %get3A_272 = tpu.vector_load %arg13[%get3A_270, %get3A_271] {strides = array<i32>} : memref<79x24xf32, #tpu.memory_space<vmem>>, vector<1x16xf32>,
        %get3A_273 = vector.shape_cast %get3A_272 : vector<1x16xf32> to vector<16xf32>
        %add3A_274 = arith.addf %get3A_269, %get3A_273 : vector<16xf32>
        %mul3A_275 = arith.mulf %get3A_265, %add3A_274 : vector<16xf32>
        %get3A_276 = arith.index_cast %add3A_262 : i32 to index
        %get3A_277 = arith.constant 0 : index
        %get3A_278 = tpu.vector_load %arg14[%get3A_276, %get3A_277] {strides = array<i32>} : memref<632x24xf32, #tpu.memory_space<vmem>>, vector<1x16xf32>,
        %get3A_279 = vector.shape_cast %get3A_278 : vector<1x16xf32> to vector<16xf32>
        %add3A_280 = arith.addf %mul3A_275, %get3A_279 : vector<16xf32>
        %get3A_281 = arith.index_cast %add3A_262 : i32 to index
        %get3A_282 = arith.constant 8 : index
        %get3A_283 = tpu.vector_load %arg15[%get3A_281, %get3A_282] {strides = array<i32>} : memref<632x24xf32, #tpu.memory_space<vmem>>, vector<1x16xf32>,
        %get3A_284 = vector.shape_cast %get3A_283 : vector<1x16xf32> to vector<16xf32>
        %get3A_285 = arith.index_cast %scan3A_260 : i32 to index
        %get3A_286 = arith.constant 8 : index
        %get3A_287 = tpu.vector_load %arg12[%get3A_285, %get3A_286] {strides = array<i32>} : memref<79x24xf32, #tpu.memory_space<vmem>>, vector<1x16xf32>,
        %get3A_288 = vector.shape_cast %get3A_287 : vector<1x16xf32> to vector<16xf32>
        %get3A_289 = arith.index_cast %scan3A_260 : i32 to index
        %get3A_290 = arith.constant 8 : index
        %get3A_291 = tpu.vector_load %arg13[%get3A_289, %get3A_290] {strides = array<i32>} : memref<79x24xf32, #tpu.memory_space<vmem>>, vector<1x16xf32>,
        %get3A_292 = vector.shape_cast %get3A_291 : vector<1x16xf32> to vector<16xf32>
        %add3A_293 = arith.addf %get3A_288, %get3A_292 : vector<16xf32>
        %mul3A_294 = arith.mulf %get3A_284, %add3A_293 : vector<16xf32>
        %get3A_295 = arith.index_cast %add3A_262 : i32 to index
        %get3A_296 = arith.constant 8 : index
        %get3A_297 = tpu.vector_load %arg14[%get3A_295, %get3A_296] {strides = array<i32>} : memref<632x24xf32, #tpu.memory_space<vmem>>, vector<1x16xf32>,
        %get3A_298 = vector.shape_cast %get3A_297 : vector<1x16xf32> to vector<16xf32>
        %add3A_299 = arith.addf %mul3A_294, %get3A_298 : vector<16xf32>
        %swap3A = arith.index_cast %scan3A_260 : i32 to index
        %swap3A_300 = arith.constant 0 : index
        %swap3A_301 = tpu.vector_load %arg13[%swap3A, %swap3A_300] {strides = array<i32>} : memref<79x24xf32, #tpu.memory_space<vmem>>, vector<1x16xf32>,
        %swap3A_302 = vector.shape_cast %swap3A_301 : vector<1x16xf32> to vector<16xf32>
        %swap3A_303 = vector.shape_cast %add3A_280 : vector<16xf32> to vector<1x16xf32>
        tpu.vector_store %arg13[%swap3A, %swap3A_300], %swap3A_303 {strides = array<i32>} : memref<79x24xf32, #tpu.memory_space<vmem>>, vector<1x16xf32>,
        %swap3A_304 = arith.index_cast %scan3A_260 : i32 to index
        %swap3A_305 = arith.constant 8 : index
        %swap3A_306 = tpu.vector_load %arg13[%swap3A_304, %swap3A_305] {strides = array<i32>} : memref<79x24xf32, #tpu.memory_space<vmem>>, vector<1x16xf32>,
        %swap3A_307 = vector.shape_cast %swap3A_306 : vector<1x16xf32> to vector<16xf32>
        %swap3A_308 = vector.shape_cast %add3A_299 : vector<16xf32> to vector<1x16xf32>
        tpu.vector_store %arg13[%swap3A_304, %swap3A_305], %swap3A_308 {strides = array<i32>} : memref<79x24xf32, #tpu.memory_space<vmem>>, vector<1x16xf32>,
      }
      %scan3A_142 = arith.constant 79 : i32
      "tpu.region"() ({
        %run_scoped3A = tpu.sem_alloc : memref<!tpu.dma_semaphore, #tpu.memory_space<semaphore_mem>>
        %dma_start3A_260 = arith.constant 0 : i32
        %dma_start3A_261 = tpu.memref_slice %arg17[%add3A_132, %dma_start3A_260] : memref<10112x24xf32, #tpu.memory_space<vmem_shared>> -> memref<79x24xf32, #tpu.memory_space<vmem_shared>>
        %dma_start3A_262 = arith.constant 0 : i32
        %dma_start3A_263 = tpu.memref_slice %arg17[%add3A_132, %dma_start3A_262] : memref<10112x24xf32, #tpu.memory_space<vmem_shared>> -> memref<79x24xf32, #tpu.memory_space<vmem_shared>>
        tpu.enqueue_dma source(%arg13 : memref<79x24xf32, #tpu.memory_space<vmem>>) target(%dma_start3A_263 : memref<79x24xf32, #tpu.memory_space<vmem_shared>>) target_semaphore(%run_scoped3A : memref<!tpu.dma_semaphore, #tpu.memory_space<semaphore_mem>>)
        %dma_wait3A_264 = arith.constant 0 : i32
        %dma_wait3A_265 = tpu.memref_slice %arg17[%add3A_132, %dma_wait3A_264] : memref<10112x24xf32, #tpu.memory_space<vmem_shared>> -> memref<79x24xf32, #tpu.memory_space<vmem_shared>>
        %dma_wait3A_266 = arith.constant 0 : i32
        %dma_wait3A_267 = tpu.memref_slice %arg17[%add3A_132, %dma_wait3A_266] : memref<10112x24xf32, #tpu.memory_space<vmem_shared>> -> memref<79x24xf32, #tpu.memory_space<vmem_shared>>
        tpu.wait_dma2 semaphore(%run_scoped3A : memref<!tpu.dma_semaphore, #tpu.memory_space<semaphore_mem>>) src(%arg13 : memref<79x24xf32, #tpu.memory_space<vmem>>) dst(%dma_wait3A_267 : memref<79x24xf32, #tpu.memory_space<vmem_shared>>)
        tpu.yield
      }) : () -> ()
      %add3A_143 = arith.constant 79 : i32
      %add3A_144 = arith.addi %mul3A_0, %add3A_143 : i32
      "tpu.region"() ({
        %run_scoped3A = tpu.sem_alloc : memref<!tpu.dma_semaphore, #tpu.memory_space<semaphore_mem>>
        %dma_start3A_260 = arith.constant 0 : i32
        %dma_start3A_261 = tpu.memref_slice %arg16[%add3A_144, %dma_start3A_260] : memref<10112x24xf32, #tpu.memory_space<vmem_shared>> -> memref<79x24xf32, #tpu.memory_space<vmem_shared>>
        %dma_start3A_262 = arith.constant 0 : i32
        %dma_start3A_263 = tpu.memref_slice %arg16[%add3A_144, %dma_start3A_262] : memref<10112x24xf32, #tpu.memory_space<vmem_shared>> -> memref<79x24xf32, #tpu.memory_space<vmem_shared>>
        tpu.enqueue_dma source(%dma_start3A_263 : memref<79x24xf32, #tpu.memory_space<vmem_shared>>) target(%arg12 : memref<79x24xf32, #tpu.memory_space<vmem>>) target_semaphore(%run_scoped3A : memref<!tpu.dma_semaphore, #tpu.memory_space<semaphore_mem>>)
        %dma_wait3A_264 = arith.constant 0 : i32
        %dma_wait3A_265 = tpu.memref_slice %arg16[%add3A_144, %dma_wait3A_264] : memref<10112x24xf32, #tpu.memory_space<vmem_shared>> -> memref<79x24xf32, #tpu.memory_space<vmem_shared>>
        %dma_wait3A_266 = arith.constant 0 : i32
        %dma_wait3A_267 = tpu.memref_slice %arg16[%add3A_144, %dma_wait3A_266] : memref<10112x24xf32, #tpu.memory_space<vmem_shared>> -> memref<79x24xf32, #tpu.memory_space<vmem_shared>>
        tpu.wait_dma2 semaphore(%run_scoped3A : memref<!tpu.dma_semaphore, #tpu.memory_space<semaphore_mem>>) src(%dma_wait3A_267 : memref<79x24xf32, #tpu.memory_space<vmem_shared>>) dst(%arg12 : memref<79x24xf32, #tpu.memory_space<vmem>>)
        tpu.yield
      }) : () -> ()
      "tpu.region"() ({
        %run_scoped3A = tpu.sem_alloc : memref<!tpu.dma_semaphore, #tpu.memory_space<semaphore_mem>>
        %dma_start3A_260 = arith.constant 0 : i32
        %dma_start3A_261 = tpu.memref_slice %arg17[%add3A_144, %dma_start3A_260] : memref<10112x24xf32, #tpu.memory_space<vmem_shared>> -> memref<79x24xf32, #tpu.memory_space<vmem_shared>>
        %dma_start3A_262 = arith.constant 0 : i32
        %dma_start3A_263 = tpu.memref_slice %arg17[%add3A_144, %dma_start3A_262] : memref<10112x24xf32, #tpu.memory_space<vmem_shared>> -> memref<79x24xf32, #tpu.memory_space<vmem_shared>>
        tpu.enqueue_dma source(%dma_start3A_263 : memref<79x24xf32, #tpu.memory_space<vmem_shared>>) target(%arg13 : memref<79x24xf32, #tpu.memory_space<vmem>>) target_semaphore(%run_scoped3A : memref<!tpu.dma_semaphore, #tpu.memory_space<semaphore_mem>>)
        %dma_wait3A_264 = arith.constant 0 : i32
        %dma_wait3A_265 = tpu.memref_slice %arg17[%add3A_144, %dma_wait3A_264] : memref<10112x24xf32, #tpu.memory_space<vmem_shared>> -> memref<79x24xf32, #tpu.memory_space<vmem_shared>>
        %dma_wait3A_266 = arith.constant 0 : i32
        %dma_wait3A_267 = tpu.memref_slice %arg17[%add3A_144, %dma_wait3A_266] : memref<10112x24xf32, #tpu.memory_space<vmem_shared>> -> memref<79x24xf32, #tpu.memory_space<vmem_shared>>
        tpu.wait_dma2 semaphore(%run_scoped3A : memref<!tpu.dma_semaphore, #tpu.memory_space<semaphore_mem>>) src(%dma_wait3A_267 : memref<79x24xf32, #tpu.memory_space<vmem_shared>>) dst(%arg13 : memref<79x24xf32, #tpu.memory_space<vmem>>)
        tpu.yield
      }) : () -> ()
      %dma_start3A_145 = arith.constant 0 : i32
      %dma_start3A_146 = tpu.memref_slice %arg16[%add3A_144, %dma_start3A_145] : memref<10112x24xf32, #tpu.memory_space<vmem_shared>> -> memref<79x24xf32, #tpu.memory_space<vmem_shared>>
      %dma_start3A_147 = arith.constant 0 : i32
      %dma_start3A_148 = tpu.memref_slice %arg7[%add3A_144, %dma_start3A_147] : memref<10112x24xf32, #tpu.memory_space<hbm>> -> memref<79x24xf32, #tpu.memory_space<hbm>>
      tpu.enqueue_dma source(%dma_start3A_148 : memref<79x24xf32, #tpu.memory_space<hbm>>) target(%dma_start3A_146 : memref<79x24xf32, #tpu.memory_space<vmem_shared>>) target_semaphore(%arg20 : memref<!tpu.dma_semaphore, #tpu.memory_space<semaphore_mem>>)
      %scan3A_149 = arith.constant 0 : i32
      %scan3A_150 = arith.constant 0 : i32
      %scan3A_151 = arith.constant 79 : i32
      %scan3A_152 = arith.addi %scan3A_150, %scan3A_151 : i32
      %scan3A_153 = arith.constant 1 : i32
      scf.for %scan3A_260 = %scan3A_150 to %scan3A_152 step %scan3A_153  : i32 {
        %add3A_261 = arith.constant 79 : i32
        %add3A_262 = arith.addi %add3A_261, %scan3A_260 : i32
        %get3A = arith.index_cast %add3A_262 : i32 to index
        %get3A_263 = arith.constant 0 : index
        %get3A_264 = tpu.vector_load %arg15[%get3A, %get3A_263] {strides = array<i32>} : memref<632x24xf32, #tpu.memory_space<vmem>>, vector<1x16xf32>,
        %get3A_265 = vector.shape_cast %get3A_264 : vector<1x16xf32> to vector<16xf32>
        %get3A_266 = arith.index_cast %scan3A_260 : i32 to index
        %get3A_267 = arith.constant 0 : index
        %get3A_268 = tpu.vector_load %arg12[%get3A_266, %get3A_267] {strides = array<i32>} : memref<79x24xf32, #tpu.memory_space<vmem>>, vector<1x16xf32>,
        %get3A_269 = vector.shape_cast %get3A_268 : vector<1x16xf32> to vector<16xf32>
        %get3A_270 = arith.index_cast %scan3A_260 : i32 to index
        %get3A_271 = arith.constant 0 : index
        %get3A_272 = tpu.vector_load %arg13[%get3A_270, %get3A_271] {strides = array<i32>} : memref<79x24xf32, #tpu.memory_space<vmem>>, vector<1x16xf32>,
        %get3A_273 = vector.shape_cast %get3A_272 : vector<1x16xf32> to vector<16xf32>
        %add3A_274 = arith.addf %get3A_269, %get3A_273 : vector<16xf32>
        %mul3A_275 = arith.mulf %get3A_265, %add3A_274 : vector<16xf32>
        %get3A_276 = arith.index_cast %add3A_262 : i32 to index
        %get3A_277 = arith.constant 0 : index
        %get3A_278 = tpu.vector_load %arg14[%get3A_276, %get3A_277] {strides = array<i32>} : memref<632x24xf32, #tpu.memory_space<vmem>>, vector<1x16xf32>,
        %get3A_279 = vector.shape_cast %get3A_278 : vector<1x16xf32> to vector<16xf32>
        %add3A_280 = arith.addf %mul3A_275, %get3A_279 : vector<16xf32>
        %get3A_281 = arith.index_cast %add3A_262 : i32 to index
        %get3A_282 = arith.constant 8 : index
        %get3A_283 = tpu.vector_load %arg15[%get3A_281, %get3A_282] {strides = array<i32>} : memref<632x24xf32, #tpu.memory_space<vmem>>, vector<1x16xf32>,
        %get3A_284 = vector.shape_cast %get3A_283 : vector<1x16xf32> to vector<16xf32>
        %get3A_285 = arith.index_cast %scan3A_260 : i32 to index
        %get3A_286 = arith.constant 8 : index
        %get3A_287 = tpu.vector_load %arg12[%get3A_285, %get3A_286] {strides = array<i32>} : memref<79x24xf32, #tpu.memory_space<vmem>>, vector<1x16xf32>,
        %get3A_288 = vector.shape_cast %get3A_287 : vector<1x16xf32> to vector<16xf32>
        %get3A_289 = arith.index_cast %scan3A_260 : i32 to index
        %get3A_290 = arith.constant 8 : index
        %get3A_291 = tpu.vector_load %arg13[%get3A_289, %get3A_290] {strides = array<i32>} : memref<79x24xf32, #tpu.memory_space<vmem>>, vector<1x16xf32>,
        %get3A_292 = vector.shape_cast %get3A_291 : vector<1x16xf32> to vector<16xf32>
        %add3A_293 = arith.addf %get3A_288, %get3A_292 : vector<16xf32>
        %mul3A_294 = arith.mulf %get3A_284, %add3A_293 : vector<16xf32>
        %get3A_295 = arith.index_cast %add3A_262 : i32 to index
        %get3A_296 = arith.constant 8 : index
        %get3A_297 = tpu.vector_load %arg14[%get3A_295, %get3A_296] {strides = array<i32>} : memref<632x24xf32, #tpu.memory_space<vmem>>, vector<1x16xf32>,
        %get3A_298 = vector.shape_cast %get3A_297 : vector<1x16xf32> to vector<16xf32>
        %add3A_299 = arith.addf %mul3A_294, %get3A_298 : vector<16xf32>
        %swap3A = arith.index_cast %scan3A_260 : i32 to index
        %swap3A_300 = arith.constant 0 : index
        %swap3A_301 = tpu.vector_load %arg13[%swap3A, %swap3A_300] {strides = array<i32>} : memref<79x24xf32, #tpu.memory_space<vmem>>, vector<1x16xf32>,
        %swap3A_302 = vector.shape_cast %swap3A_301 : vector<1x16xf32> to vector<16xf32>
        %swap3A_303 = vector.shape_cast %add3A_280 : vector<16xf32> to vector<1x16xf32>
        tpu.vector_store %arg13[%swap3A, %swap3A_300], %swap3A_303 {strides = array<i32>} : memref<79x24xf32, #tpu.memory_space<vmem>>, vector<1x16xf32>,
        %swap3A_304 = arith.index_cast %scan3A_260 : i32 to index
        %swap3A_305 = arith.constant 8 : index
        %swap3A_306 = tpu.vector_load %arg13[%swap3A_304, %swap3A_305] {strides = array<i32>} : memref<79x24xf32, #tpu.memory_space<vmem>>, vector<1x16xf32>,
        %swap3A_307 = vector.shape_cast %swap3A_306 : vector<1x16xf32> to vector<16xf32>
        %swap3A_308 = vector.shape_cast %add3A_299 : vector<16xf32> to vector<1x16xf32>
        tpu.vector_store %arg13[%swap3A_304, %swap3A_305], %swap3A_308 {strides = array<i32>} : memref<79x24xf32, #tpu.memory_space<vmem>>, vector<1x16xf32>,
      }
      %scan3A_154 = arith.constant 79 : i32
      "tpu.region"() ({
        %run_scoped3A = tpu.sem_alloc : memref<!tpu.dma_semaphore, #tpu.memory_space<semaphore_mem>>
        %dma_start3A_260 = arith.constant 0 : i32
        %dma_start3A_261 = tpu.memref_slice %arg17[%add3A_144, %dma_start3A_260] : memref<10112x24xf32, #tpu.memory_space<vmem_shared>> -> memref<79x24xf32, #tpu.memory_space<vmem_shared>>
        %dma_start3A_262 = arith.constant 0 : i32
        %dma_start3A_263 = tpu.memref_slice %arg17[%add3A_144, %dma_start3A_262] : memref<10112x24xf32, #tpu.memory_space<vmem_shared>> -> memref<79x24xf32, #tpu.memory_space<vmem_shared>>
        tpu.enqueue_dma source(%arg13 : memref<79x24xf32, #tpu.memory_space<vmem>>) target(%dma_start3A_263 : memref<79x24xf32, #tpu.memory_space<vmem_shared>>) target_semaphore(%run_scoped3A : memref<!tpu.dma_semaphore, #tpu.memory_space<semaphore_mem>>)
        %dma_wait3A_264 = arith.constant 0 : i32
        %dma_wait3A_265 = tpu.memref_slice %arg17[%add3A_144, %dma_wait3A_264] : memref<10112x24xf32, #tpu.memory_space<vmem_shared>> -> memref<79x24xf32, #tpu.memory_space<vmem_shared>>
        %dma_wait3A_266 = arith.constant 0 : i32
        %dma_wait3A_267 = tpu.memref_slice %arg17[%add3A_144, %dma_wait3A_266] : memref<10112x24xf32, #tpu.memory_space<vmem_shared>> -> memref<79x24xf32, #tpu.memory_space<vmem_shared>>
        tpu.wait_dma2 semaphore(%run_scoped3A : memref<!tpu.dma_semaphore, #tpu.memory_space<semaphore_mem>>) src(%arg13 : memref<79x24xf32, #tpu.memory_space<vmem>>) dst(%dma_wait3A_267 : memref<79x24xf32, #tpu.memory_space<vmem_shared>>)
        tpu.yield
      }) : () -> ()
      %add3A_155 = arith.constant 158 : i32
      %add3A_156 = arith.addi %mul3A_0, %add3A_155 : i32
      "tpu.region"() ({
        %run_scoped3A = tpu.sem_alloc : memref<!tpu.dma_semaphore, #tpu.memory_space<semaphore_mem>>
        %dma_start3A_260 = arith.constant 0 : i32
        %dma_start3A_261 = tpu.memref_slice %arg16[%add3A_156, %dma_start3A_260] : memref<10112x24xf32, #tpu.memory_space<vmem_shared>> -> memref<79x24xf32, #tpu.memory_space<vmem_shared>>
        %dma_start3A_262 = arith.constant 0 : i32
        %dma_start3A_263 = tpu.memref_slice %arg16[%add3A_156, %dma_start3A_262] : memref<10112x24xf32, #tpu.memory_space<vmem_shared>> -> memref<79x24xf32, #tpu.memory_space<vmem_shared>>
        tpu.enqueue_dma source(%dma_start3A_263 : memref<79x24xf32, #tpu.memory_space<vmem_shared>>) target(%arg12 : memref<79x24xf32, #tpu.memory_space<vmem>>) target_semaphore(%run_scoped3A : memref<!tpu.dma_semaphore, #tpu.memory_space<semaphore_mem>>)
        %dma_wait3A_264 = arith.constant 0 : i32
        %dma_wait3A_265 = tpu.memref_slice %arg16[%add3A_156, %dma_wait3A_264] : memref<10112x24xf32, #tpu.memory_space<vmem_shared>> -> memref<79x24xf32, #tpu.memory_space<vmem_shared>>
        %dma_wait3A_266 = arith.constant 0 : i32
        %dma_wait3A_267 = tpu.memref_slice %arg16[%add3A_156, %dma_wait3A_266] : memref<10112x24xf32, #tpu.memory_space<vmem_shared>> -> memref<79x24xf32, #tpu.memory_space<vmem_shared>>
        tpu.wait_dma2 semaphore(%run_scoped3A : memref<!tpu.dma_semaphore, #tpu.memory_space<semaphore_mem>>) src(%dma_wait3A_267 : memref<79x24xf32, #tpu.memory_space<vmem_shared>>) dst(%arg12 : memref<79x24xf32, #tpu.memory_space<vmem>>)
        tpu.yield
      }) : () -> ()
      "tpu.region"() ({
        %run_scoped3A = tpu.sem_alloc : memref<!tpu.dma_semaphore, #tpu.memory_space<semaphore_mem>>
        %dma_start3A_260 = arith.constant 0 : i32
        %dma_start3A_261 = tpu.memref_slice %arg17[%add3A_156, %dma_start3A_260] : memref<10112x24xf32, #tpu.memory_space<vmem_shared>> -> memref<79x24xf32, #tpu.memory_space<vmem_shared>>
        %dma_start3A_262 = arith.constant 0 : i32
        %dma_start3A_263 = tpu.memref_slice %arg17[%add3A_156, %dma_start3A_262] : memref<10112x24xf32, #tpu.memory_space<vmem_shared>> -> memref<79x24xf32, #tpu.memory_space<vmem_shared>>
        tpu.enqueue_dma source(%dma_start3A_263 : memref<79x24xf32, #tpu.memory_space<vmem_shared>>) target(%arg13 : memref<79x24xf32, #tpu.memory_space<vmem>>) target_semaphore(%run_scoped3A : memref<!tpu.dma_semaphore, #tpu.memory_space<semaphore_mem>>)
        %dma_wait3A_264 = arith.constant 0 : i32
        %dma_wait3A_265 = tpu.memref_slice %arg17[%add3A_156, %dma_wait3A_264] : memref<10112x24xf32, #tpu.memory_space<vmem_shared>> -> memref<79x24xf32, #tpu.memory_space<vmem_shared>>
        %dma_wait3A_266 = arith.constant 0 : i32
        %dma_wait3A_267 = tpu.memref_slice %arg17[%add3A_156, %dma_wait3A_266] : memref<10112x24xf32, #tpu.memory_space<vmem_shared>> -> memref<79x24xf32, #tpu.memory_space<vmem_shared>>
        tpu.wait_dma2 semaphore(%run_scoped3A : memref<!tpu.dma_semaphore, #tpu.memory_space<semaphore_mem>>) src(%dma_wait3A_267 : memref<79x24xf32, #tpu.memory_space<vmem_shared>>) dst(%arg13 : memref<79x24xf32, #tpu.memory_space<vmem>>)
        tpu.yield
      }) : () -> ()
      %dma_start3A_157 = arith.constant 0 : i32
      %dma_start3A_158 = tpu.memref_slice %arg16[%add3A_156, %dma_start3A_157] : memref<10112x24xf32, #tpu.memory_space<vmem_shared>> -> memref<79x24xf32, #tpu.memory_space<vmem_shared>>
      %dma_start3A_159 = arith.constant 0 : i32
      %dma_start3A_160 = tpu.memref_slice %arg7[%add3A_156, %dma_start3A_159] : memref<10112x24xf32, #tpu.memory_space<hbm>> -> memref<79x24xf32, #tpu.memory_space<hbm>>
      tpu.enqueue_dma source(%dma_start3A_160 : memref<79x24xf32, #tpu.memory_space<hbm>>) target(%dma_start3A_158 : memref<79x24xf32, #tpu.memory_space<vmem_shared>>) target_semaphore(%arg20 : memref<!tpu.dma_semaphore, #tpu.memory_space<semaphore_mem>>)
      %scan3A_161 = arith.constant 0 : i32
      %scan3A_162 = arith.constant 0 : i32
      %scan3A_163 = arith.constant 79 : i32
      %scan3A_164 = arith.addi %scan3A_162, %scan3A_163 : i32
      %scan3A_165 = arith.constant 1 : i32
      scf.for %scan3A_260 = %scan3A_162 to %scan3A_164 step %scan3A_165  : i32 {
        %add3A_261 = arith.constant 158 : i32
        %add3A_262 = arith.addi %add3A_261, %scan3A_260 : i32
        %get3A = arith.index_cast %add3A_262 : i32 to index
        %get3A_263 = arith.constant 0 : index
        %get3A_264 = tpu.vector_load %arg15[%get3A, %get3A_263] {strides = array<i32>} : memref<632x24xf32, #tpu.memory_space<vmem>>, vector<1x16xf32>,
        %get3A_265 = vector.shape_cast %get3A_264 : vector<1x16xf32> to vector<16xf32>
        %get3A_266 = arith.index_cast %scan3A_260 : i32 to index
        %get3A_267 = arith.constant 0 : index
        %get3A_268 = tpu.vector_load %arg12[%get3A_266, %get3A_267] {strides = array<i32>} : memref<79x24xf32, #tpu.memory_space<vmem>>, vector<1x16xf32>,
        %get3A_269 = vector.shape_cast %get3A_268 : vector<1x16xf32> to vector<16xf32>
        %get3A_270 = arith.index_cast %scan3A_260 : i32 to index
        %get3A_271 = arith.constant 0 : index
        %get3A_272 = tpu.vector_load %arg13[%get3A_270, %get3A_271] {strides = array<i32>} : memref<79x24xf32, #tpu.memory_space<vmem>>, vector<1x16xf32>,
        %get3A_273 = vector.shape_cast %get3A_272 : vector<1x16xf32> to vector<16xf32>
        %add3A_274 = arith.addf %get3A_269, %get3A_273 : vector<16xf32>
        %mul3A_275 = arith.mulf %get3A_265, %add3A_274 : vector<16xf32>
        %get3A_276 = arith.index_cast %add3A_262 : i32 to index
        %get3A_277 = arith.constant 0 : index
        %get3A_278 = tpu.vector_load %arg14[%get3A_276, %get3A_277] {strides = array<i32>} : memref<632x24xf32, #tpu.memory_space<vmem>>, vector<1x16xf32>,
        %get3A_279 = vector.shape_cast %get3A_278 : vector<1x16xf32> to vector<16xf32>
        %add3A_280 = arith.addf %mul3A_275, %get3A_279 : vector<16xf32>
        %get3A_281 = arith.index_cast %add3A_262 : i32 to index
        %get3A_282 = arith.constant 8 : index
        %get3A_283 = tpu.vector_load %arg15[%get3A_281, %get3A_282] {strides = array<i32>} : memref<632x24xf32, #tpu.memory_space<vmem>>, vector<1x16xf32>,
        %get3A_284 = vector.shape_cast %get3A_283 : vector<1x16xf32> to vector<16xf32>
        %get3A_285 = arith.index_cast %scan3A_260 : i32 to index
        %get3A_286 = arith.constant 8 : index
        %get3A_287 = tpu.vector_load %arg12[%get3A_285, %get3A_286] {strides = array<i32>} : memref<79x24xf32, #tpu.memory_space<vmem>>, vector<1x16xf32>,
        %get3A_288 = vector.shape_cast %get3A_287 : vector<1x16xf32> to vector<16xf32>
        %get3A_289 = arith.index_cast %scan3A_260 : i32 to index
        %get3A_290 = arith.constant 8 : index
        %get3A_291 = tpu.vector_load %arg13[%get3A_289, %get3A_290] {strides = array<i32>} : memref<79x24xf32, #tpu.memory_space<vmem>>, vector<1x16xf32>,
        %get3A_292 = vector.shape_cast %get3A_291 : vector<1x16xf32> to vector<16xf32>
        %add3A_293 = arith.addf %get3A_288, %get3A_292 : vector<16xf32>
        %mul3A_294 = arith.mulf %get3A_284, %add3A_293 : vector<16xf32>
        %get3A_295 = arith.index_cast %add3A_262 : i32 to index
        %get3A_296 = arith.constant 8 : index
        %get3A_297 = tpu.vector_load %arg14[%get3A_295, %get3A_296] {strides = array<i32>} : memref<632x24xf32, #tpu.memory_space<vmem>>, vector<1x16xf32>,
        %get3A_298 = vector.shape_cast %get3A_297 : vector<1x16xf32> to vector<16xf32>
        %add3A_299 = arith.addf %mul3A_294, %get3A_298 : vector<16xf32>
        %swap3A = arith.index_cast %scan3A_260 : i32 to index
        %swap3A_300 = arith.constant 0 : index
        %swap3A_301 = tpu.vector_load %arg13[%swap3A, %swap3A_300] {strides = array<i32>} : memref<79x24xf32, #tpu.memory_space<vmem>>, vector<1x16xf32>,
        %swap3A_302 = vector.shape_cast %swap3A_301 : vector<1x16xf32> to vector<16xf32>
        %swap3A_303 = vector.shape_cast %add3A_280 : vector<16xf32> to vector<1x16xf32>
        tpu.vector_store %arg13[%swap3A, %swap3A_300], %swap3A_303 {strides = array<i32>} : memref<79x24xf32, #tpu.memory_space<vmem>>, vector<1x16xf32>,
        %swap3A_304 = arith.index_cast %scan3A_260 : i32 to index
        %swap3A_305 = arith.constant 8 : index
        %swap3A_306 = tpu.vector_load %arg13[%swap3A_304, %swap3A_305] {strides = array<i32>} : memref<79x24xf32, #tpu.memory_space<vmem>>, vector<1x16xf32>,
        %swap3A_307 = vector.shape_cast %swap3A_306 : vector<1x16xf32> to vector<16xf32>
        %swap3A_308 = vector.shape_cast %add3A_299 : vector<16xf32> to vector<1x16xf32>
        tpu.vector_store %arg13[%swap3A_304, %swap3A_305], %swap3A_308 {strides = array<i32>} : memref<79x24xf32, #tpu.memory_space<vmem>>, vector<1x16xf32>,
      }
      %scan3A_166 = arith.constant 79 : i32
      "tpu.region"() ({
        %run_scoped3A = tpu.sem_alloc : memref<!tpu.dma_semaphore, #tpu.memory_space<semaphore_mem>>
        %dma_start3A_260 = arith.constant 0 : i32
        %dma_start3A_261 = tpu.memref_slice %arg17[%add3A_156, %dma_start3A_260] : memref<10112x24xf32, #tpu.memory_space<vmem_shared>> -> memref<79x24xf32, #tpu.memory_space<vmem_shared>>
        %dma_start3A_262 = arith.constant 0 : i32
        %dma_start3A_263 = tpu.memref_slice %arg17[%add3A_156, %dma_start3A_262] : memref<10112x24xf32, #tpu.memory_space<vmem_shared>> -> memref<79x24xf32, #tpu.memory_space<vmem_shared>>
        tpu.enqueue_dma source(%arg13 : memref<79x24xf32, #tpu.memory_space<vmem>>) target(%dma_start3A_263 : memref<79x24xf32, #tpu.memory_space<vmem_shared>>) target_semaphore(%run_scoped3A : memref<!tpu.dma_semaphore, #tpu.memory_space<semaphore_mem>>)
        %dma_wait3A_264 = arith.constant 0 : i32
        %dma_wait3A_265 = tpu.memref_slice %arg17[%add3A_156, %dma_wait3A_264] : memref<10112x24xf32, #tpu.memory_space<vmem_shared>> -> memref<79x24xf32, #tpu.memory_space<vmem_shared>>
        %dma_wait3A_266 = arith.constant 0 : i32
        %dma_wait3A_267 = tpu.memref_slice %arg17[%add3A_156, %dma_wait3A_266] : memref<10112x24xf32, #tpu.memory_space<vmem_shared>> -> memref<79x24xf32, #tpu.memory_space<vmem_shared>>
        tpu.wait_dma2 semaphore(%run_scoped3A : memref<!tpu.dma_semaphore, #tpu.memory_space<semaphore_mem>>) src(%arg13 : memref<79x24xf32, #tpu.memory_space<vmem>>) dst(%dma_wait3A_267 : memref<79x24xf32, #tpu.memory_space<vmem_shared>>)
        tpu.yield
      }) : () -> ()
      %add3A_167 = arith.constant 237 : i32
      %add3A_168 = arith.addi %mul3A_0, %add3A_167 : i32
      "tpu.region"() ({
        %run_scoped3A = tpu.sem_alloc : memref<!tpu.dma_semaphore, #tpu.memory_space<semaphore_mem>>
        %dma_start3A_260 = arith.constant 0 : i32
        %dma_start3A_261 = tpu.memref_slice %arg16[%add3A_168, %dma_start3A_260] : memref<10112x24xf32, #tpu.memory_space<vmem_shared>> -> memref<79x24xf32, #tpu.memory_space<vmem_shared>>
        %dma_start3A_262 = arith.constant 0 : i32
        %dma_start3A_263 = tpu.memref_slice %arg16[%add3A_168, %dma_start3A_262] : memref<10112x24xf32, #tpu.memory_space<vmem_shared>> -> memref<79x24xf32, #tpu.memory_space<vmem_shared>>
        tpu.enqueue_dma source(%dma_start3A_263 : memref<79x24xf32, #tpu.memory_space<vmem_shared>>) target(%arg12 : memref<79x24xf32, #tpu.memory_space<vmem>>) target_semaphore(%run_scoped3A : memref<!tpu.dma_semaphore, #tpu.memory_space<semaphore_mem>>)
        %dma_wait3A_264 = arith.constant 0 : i32
        %dma_wait3A_265 = tpu.memref_slice %arg16[%add3A_168, %dma_wait3A_264] : memref<10112x24xf32, #tpu.memory_space<vmem_shared>> -> memref<79x24xf32, #tpu.memory_space<vmem_shared>>
        %dma_wait3A_266 = arith.constant 0 : i32
        %dma_wait3A_267 = tpu.memref_slice %arg16[%add3A_168, %dma_wait3A_266] : memref<10112x24xf32, #tpu.memory_space<vmem_shared>> -> memref<79x24xf32, #tpu.memory_space<vmem_shared>>
        tpu.wait_dma2 semaphore(%run_scoped3A : memref<!tpu.dma_semaphore, #tpu.memory_space<semaphore_mem>>) src(%dma_wait3A_267 : memref<79x24xf32, #tpu.memory_space<vmem_shared>>) dst(%arg12 : memref<79x24xf32, #tpu.memory_space<vmem>>)
        tpu.yield
      }) : () -> ()
      "tpu.region"() ({
        %run_scoped3A = tpu.sem_alloc : memref<!tpu.dma_semaphore, #tpu.memory_space<semaphore_mem>>
        %dma_start3A_260 = arith.constant 0 : i32
        %dma_start3A_261 = tpu.memref_slice %arg17[%add3A_168, %dma_start3A_260] : memref<10112x24xf32, #tpu.memory_space<vmem_shared>> -> memref<79x24xf32, #tpu.memory_space<vmem_shared>>
        %dma_start3A_262 = arith.constant 0 : i32
        %dma_start3A_263 = tpu.memref_slice %arg17[%add3A_168, %dma_start3A_262] : memref<10112x24xf32, #tpu.memory_space<vmem_shared>> -> memref<79x24xf32, #tpu.memory_space<vmem_shared>>
        tpu.enqueue_dma source(%dma_start3A_263 : memref<79x24xf32, #tpu.memory_space<vmem_shared>>) target(%arg13 : memref<79x24xf32, #tpu.memory_space<vmem>>) target_semaphore(%run_scoped3A : memref<!tpu.dma_semaphore, #tpu.memory_space<semaphore_mem>>)
        %dma_wait3A_264 = arith.constant 0 : i32
        %dma_wait3A_265 = tpu.memref_slice %arg17[%add3A_168, %dma_wait3A_264] : memref<10112x24xf32, #tpu.memory_space<vmem_shared>> -> memref<79x24xf32, #tpu.memory_space<vmem_shared>>
        %dma_wait3A_266 = arith.constant 0 : i32
        %dma_wait3A_267 = tpu.memref_slice %arg17[%add3A_168, %dma_wait3A_266] : memref<10112x24xf32, #tpu.memory_space<vmem_shared>> -> memref<79x24xf32, #tpu.memory_space<vmem_shared>>
        tpu.wait_dma2 semaphore(%run_scoped3A : memref<!tpu.dma_semaphore, #tpu.memory_space<semaphore_mem>>) src(%dma_wait3A_267 : memref<79x24xf32, #tpu.memory_space<vmem_shared>>) dst(%arg13 : memref<79x24xf32, #tpu.memory_space<vmem>>)
        tpu.yield
      }) : () -> ()
      %dma_start3A_169 = arith.constant 0 : i32
      %dma_start3A_170 = tpu.memref_slice %arg16[%add3A_168, %dma_start3A_169] : memref<10112x24xf32, #tpu.memory_space<vmem_shared>> -> memref<79x24xf32, #tpu.memory_space<vmem_shared>>
      %dma_start3A_171 = arith.constant 0 : i32
      %dma_start3A_172 = tpu.memref_slice %arg7[%add3A_168, %dma_start3A_171] : memref<10112x24xf32, #tpu.memory_space<hbm>> -> memref<79x24xf32, #tpu.memory_space<hbm>>
      tpu.enqueue_dma source(%dma_start3A_172 : memref<79x24xf32, #tpu.memory_space<hbm>>) target(%dma_start3A_170 : memref<79x24xf32, #tpu.memory_space<vmem_shared>>) target_semaphore(%arg20 : memref<!tpu.dma_semaphore, #tpu.memory_space<semaphore_mem>>)
      %scan3A_173 = arith.constant 0 : i32
      %scan3A_174 = arith.constant 0 : i32
      %scan3A_175 = arith.constant 79 : i32
      %scan3A_176 = arith.addi %scan3A_174, %scan3A_175 : i32
      %scan3A_177 = arith.constant 1 : i32
      scf.for %scan3A_260 = %scan3A_174 to %scan3A_176 step %scan3A_177  : i32 {
        %add3A_261 = arith.constant 237 : i32
        %add3A_262 = arith.addi %add3A_261, %scan3A_260 : i32
        %get3A = arith.index_cast %add3A_262 : i32 to index
        %get3A_263 = arith.constant 0 : index
        %get3A_264 = tpu.vector_load %arg15[%get3A, %get3A_263] {strides = array<i32>} : memref<632x24xf32, #tpu.memory_space<vmem>>, vector<1x16xf32>,
        %get3A_265 = vector.shape_cast %get3A_264 : vector<1x16xf32> to vector<16xf32>
        %get3A_266 = arith.index_cast %scan3A_260 : i32 to index
        %get3A_267 = arith.constant 0 : index
        %get3A_268 = tpu.vector_load %arg12[%get3A_266, %get3A_267] {strides = array<i32>} : memref<79x24xf32, #tpu.memory_space<vmem>>, vector<1x16xf32>,
        %get3A_269 = vector.shape_cast %get3A_268 : vector<1x16xf32> to vector<16xf32>
        %get3A_270 = arith.index_cast %scan3A_260 : i32 to index
        %get3A_271 = arith.constant 0 : index
        %get3A_272 = tpu.vector_load %arg13[%get3A_270, %get3A_271] {strides = array<i32>} : memref<79x24xf32, #tpu.memory_space<vmem>>, vector<1x16xf32>,
        %get3A_273 = vector.shape_cast %get3A_272 : vector<1x16xf32> to vector<16xf32>
        %add3A_274 = arith.addf %get3A_269, %get3A_273 : vector<16xf32>
        %mul3A_275 = arith.mulf %get3A_265, %add3A_274 : vector<16xf32>
        %get3A_276 = arith.index_cast %add3A_262 : i32 to index
        %get3A_277 = arith.constant 0 : index
        %get3A_278 = tpu.vector_load %arg14[%get3A_276, %get3A_277] {strides = array<i32>} : memref<632x24xf32, #tpu.memory_space<vmem>>, vector<1x16xf32>,
        %get3A_279 = vector.shape_cast %get3A_278 : vector<1x16xf32> to vector<16xf32>
        %add3A_280 = arith.addf %mul3A_275, %get3A_279 : vector<16xf32>
        %get3A_281 = arith.index_cast %add3A_262 : i32 to index
        %get3A_282 = arith.constant 8 : index
        %get3A_283 = tpu.vector_load %arg15[%get3A_281, %get3A_282] {strides = array<i32>} : memref<632x24xf32, #tpu.memory_space<vmem>>, vector<1x16xf32>,
        %get3A_284 = vector.shape_cast %get3A_283 : vector<1x16xf32> to vector<16xf32>
        %get3A_285 = arith.index_cast %scan3A_260 : i32 to index
        %get3A_286 = arith.constant 8 : index
        %get3A_287 = tpu.vector_load %arg12[%get3A_285, %get3A_286] {strides = array<i32>} : memref<79x24xf32, #tpu.memory_space<vmem>>, vector<1x16xf32>,
        %get3A_288 = vector.shape_cast %get3A_287 : vector<1x16xf32> to vector<16xf32>
        %get3A_289 = arith.index_cast %scan3A_260 : i32 to index
        %get3A_290 = arith.constant 8 : index
        %get3A_291 = tpu.vector_load %arg13[%get3A_289, %get3A_290] {strides = array<i32>} : memref<79x24xf32, #tpu.memory_space<vmem>>, vector<1x16xf32>,
        %get3A_292 = vector.shape_cast %get3A_291 : vector<1x16xf32> to vector<16xf32>
        %add3A_293 = arith.addf %get3A_288, %get3A_292 : vector<16xf32>
        %mul3A_294 = arith.mulf %get3A_284, %add3A_293 : vector<16xf32>
        %get3A_295 = arith.index_cast %add3A_262 : i32 to index
        %get3A_296 = arith.constant 8 : index
        %get3A_297 = tpu.vector_load %arg14[%get3A_295, %get3A_296] {strides = array<i32>} : memref<632x24xf32, #tpu.memory_space<vmem>>, vector<1x16xf32>,
        %get3A_298 = vector.shape_cast %get3A_297 : vector<1x16xf32> to vector<16xf32>
        %add3A_299 = arith.addf %mul3A_294, %get3A_298 : vector<16xf32>
        %swap3A = arith.index_cast %scan3A_260 : i32 to index
        %swap3A_300 = arith.constant 0 : index
        %swap3A_301 = tpu.vector_load %arg13[%swap3A, %swap3A_300] {strides = array<i32>} : memref<79x24xf32, #tpu.memory_space<vmem>>, vector<1x16xf32>,
        %swap3A_302 = vector.shape_cast %swap3A_301 : vector<1x16xf32> to vector<16xf32>
        %swap3A_303 = vector.shape_cast %add3A_280 : vector<16xf32> to vector<1x16xf32>
        tpu.vector_store %arg13[%swap3A, %swap3A_300], %swap3A_303 {strides = array<i32>} : memref<79x24xf32, #tpu.memory_space<vmem>>, vector<1x16xf32>,
        %swap3A_304 = arith.index_cast %scan3A_260 : i32 to index
        %swap3A_305 = arith.constant 8 : index
        %swap3A_306 = tpu.vector_load %arg13[%swap3A_304, %swap3A_305] {strides = array<i32>} : memref<79x24xf32, #tpu.memory_space<vmem>>, vector<1x16xf32>,
        %swap3A_307 = vector.shape_cast %swap3A_306 : vector<1x16xf32> to vector<16xf32>
        %swap3A_308 = vector.shape_cast %add3A_299 : vector<16xf32> to vector<1x16xf32>
        tpu.vector_store %arg13[%swap3A_304, %swap3A_305], %swap3A_308 {strides = array<i32>} : memref<79x24xf32, #tpu.memory_space<vmem>>, vector<1x16xf32>,
      }
      %scan3A_178 = arith.constant 79 : i32
      "tpu.region"() ({
        %run_scoped3A = tpu.sem_alloc : memref<!tpu.dma_semaphore, #tpu.memory_space<semaphore_mem>>
        %dma_start3A_260 = arith.constant 0 : i32
        %dma_start3A_261 = tpu.memref_slice %arg17[%add3A_168, %dma_start3A_260] : memref<10112x24xf32, #tpu.memory_space<vmem_shared>> -> memref<79x24xf32, #tpu.memory_space<vmem_shared>>
        %dma_start3A_262 = arith.constant 0 : i32
        %dma_start3A_263 = tpu.memref_slice %arg17[%add3A_168, %dma_start3A_262] : memref<10112x24xf32, #tpu.memory_space<vmem_shared>> -> memref<79x24xf32, #tpu.memory_space<vmem_shared>>
        tpu.enqueue_dma source(%arg13 : memref<79x24xf32, #tpu.memory_space<vmem>>) target(%dma_start3A_263 : memref<79x24xf32, #tpu.memory_space<vmem_shared>>) target_semaphore(%run_scoped3A : memref<!tpu.dma_semaphore, #tpu.memory_space<semaphore_mem>>)
        %dma_wait3A_264 = arith.constant 0 : i32
        %dma_wait3A_265 = tpu.memref_slice %arg17[%add3A_168, %dma_wait3A_264] : memref<10112x24xf32, #tpu.memory_space<vmem_shared>> -> memref<79x24xf32, #tpu.memory_space<vmem_shared>>
        %dma_wait3A_266 = arith.constant 0 : i32
        %dma_wait3A_267 = tpu.memref_slice %arg17[%add3A_168, %dma_wait3A_266] : memref<10112x24xf32, #tpu.memory_space<vmem_shared>> -> memref<79x24xf32, #tpu.memory_space<vmem_shared>>
        tpu.wait_dma2 semaphore(%run_scoped3A : memref<!tpu.dma_semaphore, #tpu.memory_space<semaphore_mem>>) src(%arg13 : memref<79x24xf32, #tpu.memory_space<vmem>>) dst(%dma_wait3A_267 : memref<79x24xf32, #tpu.memory_space<vmem_shared>>)
        tpu.yield
      }) : () -> ()
      %add3A_179 = arith.constant 316 : i32
      %add3A_180 = arith.addi %mul3A_0, %add3A_179 : i32
      "tpu.region"() ({
        %run_scoped3A = tpu.sem_alloc : memref<!tpu.dma_semaphore, #tpu.memory_space<semaphore_mem>>
        %dma_start3A_260 = arith.constant 0 : i32
        %dma_start3A_261 = tpu.memref_slice %arg16[%add3A_180, %dma_start3A_260] : memref<10112x24xf32, #tpu.memory_space<vmem_shared>> -> memref<79x24xf32, #tpu.memory_space<vmem_shared>>
        %dma_start3A_262 = arith.constant 0 : i32
        %dma_start3A_263 = tpu.memref_slice %arg16[%add3A_180, %dma_start3A_262] : memref<10112x24xf32, #tpu.memory_space<vmem_shared>> -> memref<79x24xf32, #tpu.memory_space<vmem_shared>>
        tpu.enqueue_dma source(%dma_start3A_263 : memref<79x24xf32, #tpu.memory_space<vmem_shared>>) target(%arg12 : memref<79x24xf32, #tpu.memory_space<vmem>>) target_semaphore(%run_scoped3A : memref<!tpu.dma_semaphore, #tpu.memory_space<semaphore_mem>>)
        %dma_wait3A_264 = arith.constant 0 : i32
        %dma_wait3A_265 = tpu.memref_slice %arg16[%add3A_180, %dma_wait3A_264] : memref<10112x24xf32, #tpu.memory_space<vmem_shared>> -> memref<79x24xf32, #tpu.memory_space<vmem_shared>>
        %dma_wait3A_266 = arith.constant 0 : i32
        %dma_wait3A_267 = tpu.memref_slice %arg16[%add3A_180, %dma_wait3A_266] : memref<10112x24xf32, #tpu.memory_space<vmem_shared>> -> memref<79x24xf32, #tpu.memory_space<vmem_shared>>
        tpu.wait_dma2 semaphore(%run_scoped3A : memref<!tpu.dma_semaphore, #tpu.memory_space<semaphore_mem>>) src(%dma_wait3A_267 : memref<79x24xf32, #tpu.memory_space<vmem_shared>>) dst(%arg12 : memref<79x24xf32, #tpu.memory_space<vmem>>)
        tpu.yield
      }) : () -> ()
      "tpu.region"() ({
        %run_scoped3A = tpu.sem_alloc : memref<!tpu.dma_semaphore, #tpu.memory_space<semaphore_mem>>
        %dma_start3A_260 = arith.constant 0 : i32
        %dma_start3A_261 = tpu.memref_slice %arg17[%add3A_180, %dma_start3A_260] : memref<10112x24xf32, #tpu.memory_space<vmem_shared>> -> memref<79x24xf32, #tpu.memory_space<vmem_shared>>
        %dma_start3A_262 = arith.constant 0 : i32
        %dma_start3A_263 = tpu.memref_slice %arg17[%add3A_180, %dma_start3A_262] : memref<10112x24xf32, #tpu.memory_space<vmem_shared>> -> memref<79x24xf32, #tpu.memory_space<vmem_shared>>
        tpu.enqueue_dma source(%dma_start3A_263 : memref<79x24xf32, #tpu.memory_space<vmem_shared>>) target(%arg13 : memref<79x24xf32, #tpu.memory_space<vmem>>) target_semaphore(%run_scoped3A : memref<!tpu.dma_semaphore, #tpu.memory_space<semaphore_mem>>)
        %dma_wait3A_264 = arith.constant 0 : i32
        %dma_wait3A_265 = tpu.memref_slice %arg17[%add3A_180, %dma_wait3A_264] : memref<10112x24xf32, #tpu.memory_space<vmem_shared>> -> memref<79x24xf32, #tpu.memory_space<vmem_shared>>
        %dma_wait3A_266 = arith.constant 0 : i32
        %dma_wait3A_267 = tpu.memref_slice %arg17[%add3A_180, %dma_wait3A_266] : memref<10112x24xf32, #tpu.memory_space<vmem_shared>> -> memref<79x24xf32, #tpu.memory_space<vmem_shared>>
        tpu.wait_dma2 semaphore(%run_scoped3A : memref<!tpu.dma_semaphore, #tpu.memory_space<semaphore_mem>>) src(%dma_wait3A_267 : memref<79x24xf32, #tpu.memory_space<vmem_shared>>) dst(%arg13 : memref<79x24xf32, #tpu.memory_space<vmem>>)
        tpu.yield
      }) : () -> ()
      %dma_start3A_181 = arith.constant 0 : i32
      %dma_start3A_182 = tpu.memref_slice %arg16[%add3A_180, %dma_start3A_181] : memref<10112x24xf32, #tpu.memory_space<vmem_shared>> -> memref<79x24xf32, #tpu.memory_space<vmem_shared>>
      %dma_start3A_183 = arith.constant 0 : i32
      %dma_start3A_184 = tpu.memref_slice %arg7[%add3A_180, %dma_start3A_183] : memref<10112x24xf32, #tpu.memory_space<hbm>> -> memref<79x24xf32, #tpu.memory_space<hbm>>
      tpu.enqueue_dma source(%dma_start3A_184 : memref<79x24xf32, #tpu.memory_space<hbm>>) target(%dma_start3A_182 : memref<79x24xf32, #tpu.memory_space<vmem_shared>>) target_semaphore(%arg20 : memref<!tpu.dma_semaphore, #tpu.memory_space<semaphore_mem>>)
      %scan3A_185 = arith.constant 0 : i32
      %scan3A_186 = arith.constant 0 : i32
      %scan3A_187 = arith.constant 79 : i32
      %scan3A_188 = arith.addi %scan3A_186, %scan3A_187 : i32
      %scan3A_189 = arith.constant 1 : i32
      scf.for %scan3A_260 = %scan3A_186 to %scan3A_188 step %scan3A_189  : i32 {
        %add3A_261 = arith.constant 316 : i32
        %add3A_262 = arith.addi %add3A_261, %scan3A_260 : i32
        %get3A = arith.index_cast %add3A_262 : i32 to index
        %get3A_263 = arith.constant 0 : index
        %get3A_264 = tpu.vector_load %arg15[%get3A, %get3A_263] {strides = array<i32>} : memref<632x24xf32, #tpu.memory_space<vmem>>, vector<1x16xf32>,
        %get3A_265 = vector.shape_cast %get3A_264 : vector<1x16xf32> to vector<16xf32>
        %get3A_266 = arith.index_cast %scan3A_260 : i32 to index
        %get3A_267 = arith.constant 0 : index
        %get3A_268 = tpu.vector_load %arg12[%get3A_266, %get3A_267] {strides = array<i32>} : memref<79x24xf32, #tpu.memory_space<vmem>>, vector<1x16xf32>,
        %get3A_269 = vector.shape_cast %get3A_268 : vector<1x16xf32> to vector<16xf32>
        %get3A_270 = arith.index_cast %scan3A_260 : i32 to index
        %get3A_271 = arith.constant 0 : index
        %get3A_272 = tpu.vector_load %arg13[%get3A_270, %get3A_271] {strides = array<i32>} : memref<79x24xf32, #tpu.memory_space<vmem>>, vector<1x16xf32>,
        %get3A_273 = vector.shape_cast %get3A_272 : vector<1x16xf32> to vector<16xf32>
        %add3A_274 = arith.addf %get3A_269, %get3A_273 : vector<16xf32>
        %mul3A_275 = arith.mulf %get3A_265, %add3A_274 : vector<16xf32>
        %get3A_276 = arith.index_cast %add3A_262 : i32 to index
        %get3A_277 = arith.constant 0 : index
        %get3A_278 = tpu.vector_load %arg14[%get3A_276, %get3A_277] {strides = array<i32>} : memref<632x24xf32, #tpu.memory_space<vmem>>, vector<1x16xf32>,
        %get3A_279 = vector.shape_cast %get3A_278 : vector<1x16xf32> to vector<16xf32>
        %add3A_280 = arith.addf %mul3A_275, %get3A_279 : vector<16xf32>
        %get3A_281 = arith.index_cast %add3A_262 : i32 to index
        %get3A_282 = arith.constant 8 : index
        %get3A_283 = tpu.vector_load %arg15[%get3A_281, %get3A_282] {strides = array<i32>} : memref<632x24xf32, #tpu.memory_space<vmem>>, vector<1x16xf32>,
        %get3A_284 = vector.shape_cast %get3A_283 : vector<1x16xf32> to vector<16xf32>
        %get3A_285 = arith.index_cast %scan3A_260 : i32 to index
        %get3A_286 = arith.constant 8 : index
        %get3A_287 = tpu.vector_load %arg12[%get3A_285, %get3A_286] {strides = array<i32>} : memref<79x24xf32, #tpu.memory_space<vmem>>, vector<1x16xf32>,
        %get3A_288 = vector.shape_cast %get3A_287 : vector<1x16xf32> to vector<16xf32>
        %get3A_289 = arith.index_cast %scan3A_260 : i32 to index
        %get3A_290 = arith.constant 8 : index
        %get3A_291 = tpu.vector_load %arg13[%get3A_289, %get3A_290] {strides = array<i32>} : memref<79x24xf32, #tpu.memory_space<vmem>>, vector<1x16xf32>,
        %get3A_292 = vector.shape_cast %get3A_291 : vector<1x16xf32> to vector<16xf32>
        %add3A_293 = arith.addf %get3A_288, %get3A_292 : vector<16xf32>
        %mul3A_294 = arith.mulf %get3A_284, %add3A_293 : vector<16xf32>
        %get3A_295 = arith.index_cast %add3A_262 : i32 to index
        %get3A_296 = arith.constant 8 : index
        %get3A_297 = tpu.vector_load %arg14[%get3A_295, %get3A_296] {strides = array<i32>} : memref<632x24xf32, #tpu.memory_space<vmem>>, vector<1x16xf32>,
        %get3A_298 = vector.shape_cast %get3A_297 : vector<1x16xf32> to vector<16xf32>
        %add3A_299 = arith.addf %mul3A_294, %get3A_298 : vector<16xf32>
        %swap3A = arith.index_cast %scan3A_260 : i32 to index
        %swap3A_300 = arith.constant 0 : index
        %swap3A_301 = tpu.vector_load %arg13[%swap3A, %swap3A_300] {strides = array<i32>} : memref<79x24xf32, #tpu.memory_space<vmem>>, vector<1x16xf32>,
        %swap3A_302 = vector.shape_cast %swap3A_301 : vector<1x16xf32> to vector<16xf32>
        %swap3A_303 = vector.shape_cast %add3A_280 : vector<16xf32> to vector<1x16xf32>
        tpu.vector_store %arg13[%swap3A, %swap3A_300], %swap3A_303 {strides = array<i32>} : memref<79x24xf32, #tpu.memory_space<vmem>>, vector<1x16xf32>,
        %swap3A_304 = arith.index_cast %scan3A_260 : i32 to index
        %swap3A_305 = arith.constant 8 : index
        %swap3A_306 = tpu.vector_load %arg13[%swap3A_304, %swap3A_305] {strides = array<i32>} : memref<79x24xf32, #tpu.memory_space<vmem>>, vector<1x16xf32>,
        %swap3A_307 = vector.shape_cast %swap3A_306 : vector<1x16xf32> to vector<16xf32>
        %swap3A_308 = vector.shape_cast %add3A_299 : vector<16xf32> to vector<1x16xf32>
        tpu.vector_store %arg13[%swap3A_304, %swap3A_305], %swap3A_308 {strides = array<i32>} : memref<79x24xf32, #tpu.memory_space<vmem>>, vector<1x16xf32>,
      }
      %scan3A_190 = arith.constant 79 : i32
      "tpu.region"() ({
        %run_scoped3A = tpu.sem_alloc : memref<!tpu.dma_semaphore, #tpu.memory_space<semaphore_mem>>
        %dma_start3A_260 = arith.constant 0 : i32
        %dma_start3A_261 = tpu.memref_slice %arg17[%add3A_180, %dma_start3A_260] : memref<10112x24xf32, #tpu.memory_space<vmem_shared>> -> memref<79x24xf32, #tpu.memory_space<vmem_shared>>
        %dma_start3A_262 = arith.constant 0 : i32
        %dma_start3A_263 = tpu.memref_slice %arg17[%add3A_180, %dma_start3A_262] : memref<10112x24xf32, #tpu.memory_space<vmem_shared>> -> memref<79x24xf32, #tpu.memory_space<vmem_shared>>
        tpu.enqueue_dma source(%arg13 : memref<79x24xf32, #tpu.memory_space<vmem>>) target(%dma_start3A_263 : memref<79x24xf32, #tpu.memory_space<vmem_shared>>) target_semaphore(%run_scoped3A : memref<!tpu.dma_semaphore, #tpu.memory_space<semaphore_mem>>)
        %dma_wait3A_264 = arith.constant 0 : i32
        %dma_wait3A_265 = tpu.memref_slice %arg17[%add3A_180, %dma_wait3A_264] : memref<10112x24xf32, #tpu.memory_space<vmem_shared>> -> memref<79x24xf32, #tpu.memory_space<vmem_shared>>
        %dma_wait3A_266 = arith.constant 0 : i32
        %dma_wait3A_267 = tpu.memref_slice %arg17[%add3A_180, %dma_wait3A_266] : memref<10112x24xf32, #tpu.memory_space<vmem_shared>> -> memref<79x24xf32, #tpu.memory_space<vmem_shared>>
        tpu.wait_dma2 semaphore(%run_scoped3A : memref<!tpu.dma_semaphore, #tpu.memory_space<semaphore_mem>>) src(%arg13 : memref<79x24xf32, #tpu.memory_space<vmem>>) dst(%dma_wait3A_267 : memref<79x24xf32, #tpu.memory_space<vmem_shared>>)
        tpu.yield
      }) : () -> ()
      %add3A_191 = arith.constant 395 : i32
      %add3A_192 = arith.addi %mul3A_0, %add3A_191 : i32
      "tpu.region"() ({
        %run_scoped3A = tpu.sem_alloc : memref<!tpu.dma_semaphore, #tpu.memory_space<semaphore_mem>>
        %dma_start3A_260 = arith.constant 0 : i32
        %dma_start3A_261 = tpu.memref_slice %arg16[%add3A_192, %dma_start3A_260] : memref<10112x24xf32, #tpu.memory_space<vmem_shared>> -> memref<79x24xf32, #tpu.memory_space<vmem_shared>>
        %dma_start3A_262 = arith.constant 0 : i32
        %dma_start3A_263 = tpu.memref_slice %arg16[%add3A_192, %dma_start3A_262] : memref<10112x24xf32, #tpu.memory_space<vmem_shared>> -> memref<79x24xf32, #tpu.memory_space<vmem_shared>>
        tpu.enqueue_dma source(%dma_start3A_263 : memref<79x24xf32, #tpu.memory_space<vmem_shared>>) target(%arg12 : memref<79x24xf32, #tpu.memory_space<vmem>>) target_semaphore(%run_scoped3A : memref<!tpu.dma_semaphore, #tpu.memory_space<semaphore_mem>>)
        %dma_wait3A_264 = arith.constant 0 : i32
        %dma_wait3A_265 = tpu.memref_slice %arg16[%add3A_192, %dma_wait3A_264] : memref<10112x24xf32, #tpu.memory_space<vmem_shared>> -> memref<79x24xf32, #tpu.memory_space<vmem_shared>>
        %dma_wait3A_266 = arith.constant 0 : i32
        %dma_wait3A_267 = tpu.memref_slice %arg16[%add3A_192, %dma_wait3A_266] : memref<10112x24xf32, #tpu.memory_space<vmem_shared>> -> memref<79x24xf32, #tpu.memory_space<vmem_shared>>
        tpu.wait_dma2 semaphore(%run_scoped3A : memref<!tpu.dma_semaphore, #tpu.memory_space<semaphore_mem>>) src(%dma_wait3A_267 : memref<79x24xf32, #tpu.memory_space<vmem_shared>>) dst(%arg12 : memref<79x24xf32, #tpu.memory_space<vmem>>)
        tpu.yield
      }) : () -> ()
      "tpu.region"() ({
        %run_scoped3A = tpu.sem_alloc : memref<!tpu.dma_semaphore, #tpu.memory_space<semaphore_mem>>
        %dma_start3A_260 = arith.constant 0 : i32
        %dma_start3A_261 = tpu.memref_slice %arg17[%add3A_192, %dma_start3A_260] : memref<10112x24xf32, #tpu.memory_space<vmem_shared>> -> memref<79x24xf32, #tpu.memory_space<vmem_shared>>
        %dma_start3A_262 = arith.constant 0 : i32
        %dma_start3A_263 = tpu.memref_slice %arg17[%add3A_192, %dma_start3A_262] : memref<10112x24xf32, #tpu.memory_space<vmem_shared>> -> memref<79x24xf32, #tpu.memory_space<vmem_shared>>
        tpu.enqueue_dma source(%dma_start3A_263 : memref<79x24xf32, #tpu.memory_space<vmem_shared>>) target(%arg13 : memref<79x24xf32, #tpu.memory_space<vmem>>) target_semaphore(%run_scoped3A : memref<!tpu.dma_semaphore, #tpu.memory_space<semaphore_mem>>)
        %dma_wait3A_264 = arith.constant 0 : i32
        %dma_wait3A_265 = tpu.memref_slice %arg17[%add3A_192, %dma_wait3A_264] : memref<10112x24xf32, #tpu.memory_space<vmem_shared>> -> memref<79x24xf32, #tpu.memory_space<vmem_shared>>
        %dma_wait3A_266 = arith.constant 0 : i32
        %dma_wait3A_267 = tpu.memref_slice %arg17[%add3A_192, %dma_wait3A_266] : memref<10112x24xf32, #tpu.memory_space<vmem_shared>> -> memref<79x24xf32, #tpu.memory_space<vmem_shared>>
        tpu.wait_dma2 semaphore(%run_scoped3A : memref<!tpu.dma_semaphore, #tpu.memory_space<semaphore_mem>>) src(%dma_wait3A_267 : memref<79x24xf32, #tpu.memory_space<vmem_shared>>) dst(%arg13 : memref<79x24xf32, #tpu.memory_space<vmem>>)
        tpu.yield
      }) : () -> ()
      %dma_start3A_193 = arith.constant 0 : i32
      %dma_start3A_194 = tpu.memref_slice %arg16[%add3A_192, %dma_start3A_193] : memref<10112x24xf32, #tpu.memory_space<vmem_shared>> -> memref<79x24xf32, #tpu.memory_space<vmem_shared>>
      %dma_start3A_195 = arith.constant 0 : i32
      %dma_start3A_196 = tpu.memref_slice %arg7[%add3A_192, %dma_start3A_195] : memref<10112x24xf32, #tpu.memory_space<hbm>> -> memref<79x24xf32, #tpu.memory_space<hbm>>
      tpu.enqueue_dma source(%dma_start3A_196 : memref<79x24xf32, #tpu.memory_space<hbm>>) target(%dma_start3A_194 : memref<79x24xf32, #tpu.memory_space<vmem_shared>>) target_semaphore(%arg20 : memref<!tpu.dma_semaphore, #tpu.memory_space<semaphore_mem>>)
      %scan3A_197 = arith.constant 0 : i32
      %scan3A_198 = arith.constant 0 : i32
      %scan3A_199 = arith.constant 79 : i32
      %scan3A_200 = arith.addi %scan3A_198, %scan3A_199 : i32
      %scan3A_201 = arith.constant 1 : i32
      scf.for %scan3A_260 = %scan3A_198 to %scan3A_200 step %scan3A_201  : i32 {
        %add3A_261 = arith.constant 395 : i32
        %add3A_262 = arith.addi %add3A_261, %scan3A_260 : i32
        %get3A = arith.index_cast %add3A_262 : i32 to index
        %get3A_263 = arith.constant 0 : index
        %get3A_264 = tpu.vector_load %arg15[%get3A, %get3A_263] {strides = array<i32>} : memref<632x24xf32, #tpu.memory_space<vmem>>, vector<1x16xf32>,
        %get3A_265 = vector.shape_cast %get3A_264 : vector<1x16xf32> to vector<16xf32>
        %get3A_266 = arith.index_cast %scan3A_260 : i32 to index
        %get3A_267 = arith.constant 0 : index
        %get3A_268 = tpu.vector_load %arg12[%get3A_266, %get3A_267] {strides = array<i32>} : memref<79x24xf32, #tpu.memory_space<vmem>>, vector<1x16xf32>,
        %get3A_269 = vector.shape_cast %get3A_268 : vector<1x16xf32> to vector<16xf32>
        %get3A_270 = arith.index_cast %scan3A_260 : i32 to index
        %get3A_271 = arith.constant 0 : index
        %get3A_272 = tpu.vector_load %arg13[%get3A_270, %get3A_271] {strides = array<i32>} : memref<79x24xf32, #tpu.memory_space<vmem>>, vector<1x16xf32>,
        %get3A_273 = vector.shape_cast %get3A_272 : vector<1x16xf32> to vector<16xf32>
        %add3A_274 = arith.addf %get3A_269, %get3A_273 : vector<16xf32>
        %mul3A_275 = arith.mulf %get3A_265, %add3A_274 : vector<16xf32>
        %get3A_276 = arith.index_cast %add3A_262 : i32 to index
        %get3A_277 = arith.constant 0 : index
        %get3A_278 = tpu.vector_load %arg14[%get3A_276, %get3A_277] {strides = array<i32>} : memref<632x24xf32, #tpu.memory_space<vmem>>, vector<1x16xf32>,
        %get3A_279 = vector.shape_cast %get3A_278 : vector<1x16xf32> to vector<16xf32>
        %add3A_280 = arith.addf %mul3A_275, %get3A_279 : vector<16xf32>
        %get3A_281 = arith.index_cast %add3A_262 : i32 to index
        %get3A_282 = arith.constant 8 : index
        %get3A_283 = tpu.vector_load %arg15[%get3A_281, %get3A_282] {strides = array<i32>} : memref<632x24xf32, #tpu.memory_space<vmem>>, vector<1x16xf32>,
        %get3A_284 = vector.shape_cast %get3A_283 : vector<1x16xf32> to vector<16xf32>
        %get3A_285 = arith.index_cast %scan3A_260 : i32 to index
        %get3A_286 = arith.constant 8 : index
        %get3A_287 = tpu.vector_load %arg12[%get3A_285, %get3A_286] {strides = array<i32>} : memref<79x24xf32, #tpu.memory_space<vmem>>, vector<1x16xf32>,
        %get3A_288 = vector.shape_cast %get3A_287 : vector<1x16xf32> to vector<16xf32>
        %get3A_289 = arith.index_cast %scan3A_260 : i32 to index
        %get3A_290 = arith.constant 8 : index
        %get3A_291 = tpu.vector_load %arg13[%get3A_289, %get3A_290] {strides = array<i32>} : memref<79x24xf32, #tpu.memory_space<vmem>>, vector<1x16xf32>,
        %get3A_292 = vector.shape_cast %get3A_291 : vector<1x16xf32> to vector<16xf32>
        %add3A_293 = arith.addf %get3A_288, %get3A_292 : vector<16xf32>
        %mul3A_294 = arith.mulf %get3A_284, %add3A_293 : vector<16xf32>
        %get3A_295 = arith.index_cast %add3A_262 : i32 to index
        %get3A_296 = arith.constant 8 : index
        %get3A_297 = tpu.vector_load %arg14[%get3A_295, %get3A_296] {strides = array<i32>} : memref<632x24xf32, #tpu.memory_space<vmem>>, vector<1x16xf32>,
        %get3A_298 = vector.shape_cast %get3A_297 : vector<1x16xf32> to vector<16xf32>
        %add3A_299 = arith.addf %mul3A_294, %get3A_298 : vector<16xf32>
        %swap3A = arith.index_cast %scan3A_260 : i32 to index
        %swap3A_300 = arith.constant 0 : index
        %swap3A_301 = tpu.vector_load %arg13[%swap3A, %swap3A_300] {strides = array<i32>} : memref<79x24xf32, #tpu.memory_space<vmem>>, vector<1x16xf32>,
        %swap3A_302 = vector.shape_cast %swap3A_301 : vector<1x16xf32> to vector<16xf32>
        %swap3A_303 = vector.shape_cast %add3A_280 : vector<16xf32> to vector<1x16xf32>
        tpu.vector_store %arg13[%swap3A, %swap3A_300], %swap3A_303 {strides = array<i32>} : memref<79x24xf32, #tpu.memory_space<vmem>>, vector<1x16xf32>,
        %swap3A_304 = arith.index_cast %scan3A_260 : i32 to index
        %swap3A_305 = arith.constant 8 : index
        %swap3A_306 = tpu.vector_load %arg13[%swap3A_304, %swap3A_305] {strides = array<i32>} : memref<79x24xf32, #tpu.memory_space<vmem>>, vector<1x16xf32>,
        %swap3A_307 = vector.shape_cast %swap3A_306 : vector<1x16xf32> to vector<16xf32>
        %swap3A_308 = vector.shape_cast %add3A_299 : vector<16xf32> to vector<1x16xf32>
        tpu.vector_store %arg13[%swap3A_304, %swap3A_305], %swap3A_308 {strides = array<i32>} : memref<79x24xf32, #tpu.memory_space<vmem>>, vector<1x16xf32>,
      }
      %scan3A_202 = arith.constant 79 : i32
      "tpu.region"() ({
        %run_scoped3A = tpu.sem_alloc : memref<!tpu.dma_semaphore, #tpu.memory_space<semaphore_mem>>
        %dma_start3A_260 = arith.constant 0 : i32
        %dma_start3A_261 = tpu.memref_slice %arg17[%add3A_192, %dma_start3A_260] : memref<10112x24xf32, #tpu.memory_space<vmem_shared>> -> memref<79x24xf32, #tpu.memory_space<vmem_shared>>
        %dma_start3A_262 = arith.constant 0 : i32
        %dma_start3A_263 = tpu.memref_slice %arg17[%add3A_192, %dma_start3A_262] : memref<10112x24xf32, #tpu.memory_space<vmem_shared>> -> memref<79x24xf32, #tpu.memory_space<vmem_shared>>
        tpu.enqueue_dma source(%arg13 : memref<79x24xf32, #tpu.memory_space<vmem>>) target(%dma_start3A_263 : memref<79x24xf32, #tpu.memory_space<vmem_shared>>) target_semaphore(%run_scoped3A : memref<!tpu.dma_semaphore, #tpu.memory_space<semaphore_mem>>)
        %dma_wait3A_264 = arith.constant 0 : i32
        %dma_wait3A_265 = tpu.memref_slice %arg17[%add3A_192, %dma_wait3A_264] : memref<10112x24xf32, #tpu.memory_space<vmem_shared>> -> memref<79x24xf32, #tpu.memory_space<vmem_shared>>
        %dma_wait3A_266 = arith.constant 0 : i32
        %dma_wait3A_267 = tpu.memref_slice %arg17[%add3A_192, %dma_wait3A_266] : memref<10112x24xf32, #tpu.memory_space<vmem_shared>> -> memref<79x24xf32, #tpu.memory_space<vmem_shared>>
        tpu.wait_dma2 semaphore(%run_scoped3A : memref<!tpu.dma_semaphore, #tpu.memory_space<semaphore_mem>>) src(%arg13 : memref<79x24xf32, #tpu.memory_space<vmem>>) dst(%dma_wait3A_267 : memref<79x24xf32, #tpu.memory_space<vmem_shared>>)
        tpu.yield
      }) : () -> ()
      %add3A_203 = arith.constant 474 : i32
      %add3A_204 = arith.addi %mul3A_0, %add3A_203 : i32
      "tpu.region"() ({
        %run_scoped3A = tpu.sem_alloc : memref<!tpu.dma_semaphore, #tpu.memory_space<semaphore_mem>>
        %dma_start3A_260 = arith.constant 0 : i32
        %dma_start3A_261 = tpu.memref_slice %arg16[%add3A_204, %dma_start3A_260] : memref<10112x24xf32, #tpu.memory_space<vmem_shared>> -> memref<79x24xf32, #tpu.memory_space<vmem_shared>>
        %dma_start3A_262 = arith.constant 0 : i32
        %dma_start3A_263 = tpu.memref_slice %arg16[%add3A_204, %dma_start3A_262] : memref<10112x24xf32, #tpu.memory_space<vmem_shared>> -> memref<79x24xf32, #tpu.memory_space<vmem_shared>>
        tpu.enqueue_dma source(%dma_start3A_263 : memref<79x24xf32, #tpu.memory_space<vmem_shared>>) target(%arg12 : memref<79x24xf32, #tpu.memory_space<vmem>>) target_semaphore(%run_scoped3A : memref<!tpu.dma_semaphore, #tpu.memory_space<semaphore_mem>>)
        %dma_wait3A_264 = arith.constant 0 : i32
        %dma_wait3A_265 = tpu.memref_slice %arg16[%add3A_204, %dma_wait3A_264] : memref<10112x24xf32, #tpu.memory_space<vmem_shared>> -> memref<79x24xf32, #tpu.memory_space<vmem_shared>>
        %dma_wait3A_266 = arith.constant 0 : i32
        %dma_wait3A_267 = tpu.memref_slice %arg16[%add3A_204, %dma_wait3A_266] : memref<10112x24xf32, #tpu.memory_space<vmem_shared>> -> memref<79x24xf32, #tpu.memory_space<vmem_shared>>
        tpu.wait_dma2 semaphore(%run_scoped3A : memref<!tpu.dma_semaphore, #tpu.memory_space<semaphore_mem>>) src(%dma_wait3A_267 : memref<79x24xf32, #tpu.memory_space<vmem_shared>>) dst(%arg12 : memref<79x24xf32, #tpu.memory_space<vmem>>)
        tpu.yield
      }) : () -> ()
      "tpu.region"() ({
        %run_scoped3A = tpu.sem_alloc : memref<!tpu.dma_semaphore, #tpu.memory_space<semaphore_mem>>
        %dma_start3A_260 = arith.constant 0 : i32
        %dma_start3A_261 = tpu.memref_slice %arg17[%add3A_204, %dma_start3A_260] : memref<10112x24xf32, #tpu.memory_space<vmem_shared>> -> memref<79x24xf32, #tpu.memory_space<vmem_shared>>
        %dma_start3A_262 = arith.constant 0 : i32
        %dma_start3A_263 = tpu.memref_slice %arg17[%add3A_204, %dma_start3A_262] : memref<10112x24xf32, #tpu.memory_space<vmem_shared>> -> memref<79x24xf32, #tpu.memory_space<vmem_shared>>
        tpu.enqueue_dma source(%dma_start3A_263 : memref<79x24xf32, #tpu.memory_space<vmem_shared>>) target(%arg13 : memref<79x24xf32, #tpu.memory_space<vmem>>) target_semaphore(%run_scoped3A : memref<!tpu.dma_semaphore, #tpu.memory_space<semaphore_mem>>)
        %dma_wait3A_264 = arith.constant 0 : i32
        %dma_wait3A_265 = tpu.memref_slice %arg17[%add3A_204, %dma_wait3A_264] : memref<10112x24xf32, #tpu.memory_space<vmem_shared>> -> memref<79x24xf32, #tpu.memory_space<vmem_shared>>
        %dma_wait3A_266 = arith.constant 0 : i32
        %dma_wait3A_267 = tpu.memref_slice %arg17[%add3A_204, %dma_wait3A_266] : memref<10112x24xf32, #tpu.memory_space<vmem_shared>> -> memref<79x24xf32, #tpu.memory_space<vmem_shared>>
        tpu.wait_dma2 semaphore(%run_scoped3A : memref<!tpu.dma_semaphore, #tpu.memory_space<semaphore_mem>>) src(%dma_wait3A_267 : memref<79x24xf32, #tpu.memory_space<vmem_shared>>) dst(%arg13 : memref<79x24xf32, #tpu.memory_space<vmem>>)
        tpu.yield
      }) : () -> ()
      %dma_start3A_205 = arith.constant 0 : i32
      %dma_start3A_206 = tpu.memref_slice %arg16[%add3A_204, %dma_start3A_205] : memref<10112x24xf32, #tpu.memory_space<vmem_shared>> -> memref<79x24xf32, #tpu.memory_space<vmem_shared>>
      %dma_start3A_207 = arith.constant 0 : i32
      %dma_start3A_208 = tpu.memref_slice %arg7[%add3A_204, %dma_start3A_207] : memref<10112x24xf32, #tpu.memory_space<hbm>> -> memref<79x24xf32, #tpu.memory_space<hbm>>
      tpu.enqueue_dma source(%dma_start3A_208 : memref<79x24xf32, #tpu.memory_space<hbm>>) target(%dma_start3A_206 : memref<79x24xf32, #tpu.memory_space<vmem_shared>>) target_semaphore(%arg20 : memref<!tpu.dma_semaphore, #tpu.memory_space<semaphore_mem>>)
      %scan3A_209 = arith.constant 0 : i32
      %scan3A_210 = arith.constant 0 : i32
      %scan3A_211 = arith.constant 79 : i32
      %scan3A_212 = arith.addi %scan3A_210, %scan3A_211 : i32
      %scan3A_213 = arith.constant 1 : i32
      scf.for %scan3A_260 = %scan3A_210 to %scan3A_212 step %scan3A_213  : i32 {
        %add3A_261 = arith.constant 474 : i32
        %add3A_262 = arith.addi %add3A_261, %scan3A_260 : i32
        %get3A = arith.index_cast %add3A_262 : i32 to index
        %get3A_263 = arith.constant 0 : index
        %get3A_264 = tpu.vector_load %arg15[%get3A, %get3A_263] {strides = array<i32>} : memref<632x24xf32, #tpu.memory_space<vmem>>, vector<1x16xf32>,
        %get3A_265 = vector.shape_cast %get3A_264 : vector<1x16xf32> to vector<16xf32>
        %get3A_266 = arith.index_cast %scan3A_260 : i32 to index
        %get3A_267 = arith.constant 0 : index
        %get3A_268 = tpu.vector_load %arg12[%get3A_266, %get3A_267] {strides = array<i32>} : memref<79x24xf32, #tpu.memory_space<vmem>>, vector<1x16xf32>,
        %get3A_269 = vector.shape_cast %get3A_268 : vector<1x16xf32> to vector<16xf32>
        %get3A_270 = arith.index_cast %scan3A_260 : i32 to index
        %get3A_271 = arith.constant 0 : index
        %get3A_272 = tpu.vector_load %arg13[%get3A_270, %get3A_271] {strides = array<i32>} : memref<79x24xf32, #tpu.memory_space<vmem>>, vector<1x16xf32>,
        %get3A_273 = vector.shape_cast %get3A_272 : vector<1x16xf32> to vector<16xf32>
        %add3A_274 = arith.addf %get3A_269, %get3A_273 : vector<16xf32>
        %mul3A_275 = arith.mulf %get3A_265, %add3A_274 : vector<16xf32>
        %get3A_276 = arith.index_cast %add3A_262 : i32 to index
        %get3A_277 = arith.constant 0 : index
        %get3A_278 = tpu.vector_load %arg14[%get3A_276, %get3A_277] {strides = array<i32>} : memref<632x24xf32, #tpu.memory_space<vmem>>, vector<1x16xf32>,
        %get3A_279 = vector.shape_cast %get3A_278 : vector<1x16xf32> to vector<16xf32>
        %add3A_280 = arith.addf %mul3A_275, %get3A_279 : vector<16xf32>
        %get3A_281 = arith.index_cast %add3A_262 : i32 to index
        %get3A_282 = arith.constant 8 : index
        %get3A_283 = tpu.vector_load %arg15[%get3A_281, %get3A_282] {strides = array<i32>} : memref<632x24xf32, #tpu.memory_space<vmem>>, vector<1x16xf32>,
        %get3A_284 = vector.shape_cast %get3A_283 : vector<1x16xf32> to vector<16xf32>
        %get3A_285 = arith.index_cast %scan3A_260 : i32 to index
        %get3A_286 = arith.constant 8 : index
        %get3A_287 = tpu.vector_load %arg12[%get3A_285, %get3A_286] {strides = array<i32>} : memref<79x24xf32, #tpu.memory_space<vmem>>, vector<1x16xf32>,
        %get3A_288 = vector.shape_cast %get3A_287 : vector<1x16xf32> to vector<16xf32>
        %get3A_289 = arith.index_cast %scan3A_260 : i32 to index
        %get3A_290 = arith.constant 8 : index
        %get3A_291 = tpu.vector_load %arg13[%get3A_289, %get3A_290] {strides = array<i32>} : memref<79x24xf32, #tpu.memory_space<vmem>>, vector<1x16xf32>,
        %get3A_292 = vector.shape_cast %get3A_291 : vector<1x16xf32> to vector<16xf32>
        %add3A_293 = arith.addf %get3A_288, %get3A_292 : vector<16xf32>
        %mul3A_294 = arith.mulf %get3A_284, %add3A_293 : vector<16xf32>
        %get3A_295 = arith.index_cast %add3A_262 : i32 to index
        %get3A_296 = arith.constant 8 : index
        %get3A_297 = tpu.vector_load %arg14[%get3A_295, %get3A_296] {strides = array<i32>} : memref<632x24xf32, #tpu.memory_space<vmem>>, vector<1x16xf32>,
        %get3A_298 = vector.shape_cast %get3A_297 : vector<1x16xf32> to vector<16xf32>
        %add3A_299 = arith.addf %mul3A_294, %get3A_298 : vector<16xf32>
        %swap3A = arith.index_cast %scan3A_260 : i32 to index
        %swap3A_300 = arith.constant 0 : index
        %swap3A_301 = tpu.vector_load %arg13[%swap3A, %swap3A_300] {strides = array<i32>} : memref<79x24xf32, #tpu.memory_space<vmem>>, vector<1x16xf32>,
        %swap3A_302 = vector.shape_cast %swap3A_301 : vector<1x16xf32> to vector<16xf32>
        %swap3A_303 = vector.shape_cast %add3A_280 : vector<16xf32> to vector<1x16xf32>
        tpu.vector_store %arg13[%swap3A, %swap3A_300], %swap3A_303 {strides = array<i32>} : memref<79x24xf32, #tpu.memory_space<vmem>>, vector<1x16xf32>,
        %swap3A_304 = arith.index_cast %scan3A_260 : i32 to index
        %swap3A_305 = arith.constant 8 : index
        %swap3A_306 = tpu.vector_load %arg13[%swap3A_304, %swap3A_305] {strides = array<i32>} : memref<79x24xf32, #tpu.memory_space<vmem>>, vector<1x16xf32>,
        %swap3A_307 = vector.shape_cast %swap3A_306 : vector<1x16xf32> to vector<16xf32>
        %swap3A_308 = vector.shape_cast %add3A_299 : vector<16xf32> to vector<1x16xf32>
        tpu.vector_store %arg13[%swap3A_304, %swap3A_305], %swap3A_308 {strides = array<i32>} : memref<79x24xf32, #tpu.memory_space<vmem>>, vector<1x16xf32>,
      }
      %scan3A_214 = arith.constant 79 : i32
      "tpu.region"() ({
        %run_scoped3A = tpu.sem_alloc : memref<!tpu.dma_semaphore, #tpu.memory_space<semaphore_mem>>
        %dma_start3A_260 = arith.constant 0 : i32
        %dma_start3A_261 = tpu.memref_slice %arg17[%add3A_204, %dma_start3A_260] : memref<10112x24xf32, #tpu.memory_space<vmem_shared>> -> memref<79x24xf32, #tpu.memory_space<vmem_shared>>
        %dma_start3A_262 = arith.constant 0 : i32
        %dma_start3A_263 = tpu.memref_slice %arg17[%add3A_204, %dma_start3A_262] : memref<10112x24xf32, #tpu.memory_space<vmem_shared>> -> memref<79x24xf32, #tpu.memory_space<vmem_shared>>
        tpu.enqueue_dma source(%arg13 : memref<79x24xf32, #tpu.memory_space<vmem>>) target(%dma_start3A_263 : memref<79x24xf32, #tpu.memory_space<vmem_shared>>) target_semaphore(%run_scoped3A : memref<!tpu.dma_semaphore, #tpu.memory_space<semaphore_mem>>)
        %dma_wait3A_264 = arith.constant 0 : i32
        %dma_wait3A_265 = tpu.memref_slice %arg17[%add3A_204, %dma_wait3A_264] : memref<10112x24xf32, #tpu.memory_space<vmem_shared>> -> memref<79x24xf32, #tpu.memory_space<vmem_shared>>
        %dma_wait3A_266 = arith.constant 0 : i32
        %dma_wait3A_267 = tpu.memref_slice %arg17[%add3A_204, %dma_wait3A_266] : memref<10112x24xf32, #tpu.memory_space<vmem_shared>> -> memref<79x24xf32, #tpu.memory_space<vmem_shared>>
        tpu.wait_dma2 semaphore(%run_scoped3A : memref<!tpu.dma_semaphore, #tpu.memory_space<semaphore_mem>>) src(%arg13 : memref<79x24xf32, #tpu.memory_space<vmem>>) dst(%dma_wait3A_267 : memref<79x24xf32, #tpu.memory_space<vmem_shared>>)
        tpu.yield
      }) : () -> ()
      %add3A_215 = arith.constant 553 : i32
      %add3A_216 = arith.addi %mul3A_0, %add3A_215 : i32
      "tpu.region"() ({
        %run_scoped3A = tpu.sem_alloc : memref<!tpu.dma_semaphore, #tpu.memory_space<semaphore_mem>>
        %dma_start3A_260 = arith.constant 0 : i32
        %dma_start3A_261 = tpu.memref_slice %arg16[%add3A_216, %dma_start3A_260] : memref<10112x24xf32, #tpu.memory_space<vmem_shared>> -> memref<79x24xf32, #tpu.memory_space<vmem_shared>>
        %dma_start3A_262 = arith.constant 0 : i32
        %dma_start3A_263 = tpu.memref_slice %arg16[%add3A_216, %dma_start3A_262] : memref<10112x24xf32, #tpu.memory_space<vmem_shared>> -> memref<79x24xf32, #tpu.memory_space<vmem_shared>>
        tpu.enqueue_dma source(%dma_start3A_263 : memref<79x24xf32, #tpu.memory_space<vmem_shared>>) target(%arg12 : memref<79x24xf32, #tpu.memory_space<vmem>>) target_semaphore(%run_scoped3A : memref<!tpu.dma_semaphore, #tpu.memory_space<semaphore_mem>>)
        %dma_wait3A_264 = arith.constant 0 : i32
        %dma_wait3A_265 = tpu.memref_slice %arg16[%add3A_216, %dma_wait3A_264] : memref<10112x24xf32, #tpu.memory_space<vmem_shared>> -> memref<79x24xf32, #tpu.memory_space<vmem_shared>>
        %dma_wait3A_266 = arith.constant 0 : i32
        %dma_wait3A_267 = tpu.memref_slice %arg16[%add3A_216, %dma_wait3A_266] : memref<10112x24xf32, #tpu.memory_space<vmem_shared>> -> memref<79x24xf32, #tpu.memory_space<vmem_shared>>
        tpu.wait_dma2 semaphore(%run_scoped3A : memref<!tpu.dma_semaphore, #tpu.memory_space<semaphore_mem>>) src(%dma_wait3A_267 : memref<79x24xf32, #tpu.memory_space<vmem_shared>>) dst(%arg12 : memref<79x24xf32, #tpu.memory_space<vmem>>)
        tpu.yield
      }) : () -> ()
      "tpu.region"() ({
        %run_scoped3A = tpu.sem_alloc : memref<!tpu.dma_semaphore, #tpu.memory_space<semaphore_mem>>
        %dma_start3A_260 = arith.constant 0 : i32
        %dma_start3A_261 = tpu.memref_slice %arg17[%add3A_216, %dma_start3A_260] : memref<10112x24xf32, #tpu.memory_space<vmem_shared>> -> memref<79x24xf32, #tpu.memory_space<vmem_shared>>
        %dma_start3A_262 = arith.constant 0 : i32
        %dma_start3A_263 = tpu.memref_slice %arg17[%add3A_216, %dma_start3A_262] : memref<10112x24xf32, #tpu.memory_space<vmem_shared>> -> memref<79x24xf32, #tpu.memory_space<vmem_shared>>
        tpu.enqueue_dma source(%dma_start3A_263 : memref<79x24xf32, #tpu.memory_space<vmem_shared>>) target(%arg13 : memref<79x24xf32, #tpu.memory_space<vmem>>) target_semaphore(%run_scoped3A : memref<!tpu.dma_semaphore, #tpu.memory_space<semaphore_mem>>)
        %dma_wait3A_264 = arith.constant 0 : i32
        %dma_wait3A_265 = tpu.memref_slice %arg17[%add3A_216, %dma_wait3A_264] : memref<10112x24xf32, #tpu.memory_space<vmem_shared>> -> memref<79x24xf32, #tpu.memory_space<vmem_shared>>
        %dma_wait3A_266 = arith.constant 0 : i32
        %dma_wait3A_267 = tpu.memref_slice %arg17[%add3A_216, %dma_wait3A_266] : memref<10112x24xf32, #tpu.memory_space<vmem_shared>> -> memref<79x24xf32, #tpu.memory_space<vmem_shared>>
        tpu.wait_dma2 semaphore(%run_scoped3A : memref<!tpu.dma_semaphore, #tpu.memory_space<semaphore_mem>>) src(%dma_wait3A_267 : memref<79x24xf32, #tpu.memory_space<vmem_shared>>) dst(%arg13 : memref<79x24xf32, #tpu.memory_space<vmem>>)
        tpu.yield
      }) : () -> ()
      %dma_start3A_217 = arith.constant 0 : i32
      %dma_start3A_218 = tpu.memref_slice %arg16[%add3A_216, %dma_start3A_217] : memref<10112x24xf32, #tpu.memory_space<vmem_shared>> -> memref<79x24xf32, #tpu.memory_space<vmem_shared>>
      %dma_start3A_219 = arith.constant 0 : i32
      %dma_start3A_220 = tpu.memref_slice %arg7[%add3A_216, %dma_start3A_219] : memref<10112x24xf32, #tpu.memory_space<hbm>> -> memref<79x24xf32, #tpu.memory_space<hbm>>
      tpu.enqueue_dma source(%dma_start3A_220 : memref<79x24xf32, #tpu.memory_space<hbm>>) target(%dma_start3A_218 : memref<79x24xf32, #tpu.memory_space<vmem_shared>>) target_semaphore(%arg20 : memref<!tpu.dma_semaphore, #tpu.memory_space<semaphore_mem>>)
      %scan3A_221 = arith.constant 0 : i32
      %scan3A_222 = arith.constant 0 : i32
      %scan3A_223 = arith.constant 79 : i32
      %scan3A_224 = arith.addi %scan3A_222, %scan3A_223 : i32
      %scan3A_225 = arith.constant 1 : i32
      scf.for %scan3A_260 = %scan3A_222 to %scan3A_224 step %scan3A_225  : i32 {
        %add3A_261 = arith.constant 553 : i32
        %add3A_262 = arith.addi %add3A_261, %scan3A_260 : i32
        %get3A = arith.index_cast %add3A_262 : i32 to index
        %get3A_263 = arith.constant 0 : index
        %get3A_264 = tpu.vector_load %arg15[%get3A, %get3A_263] {strides = array<i32>} : memref<632x24xf32, #tpu.memory_space<vmem>>, vector<1x16xf32>,
        %get3A_265 = vector.shape_cast %get3A_264 : vector<1x16xf32> to vector<16xf32>
        %get3A_266 = arith.index_cast %scan3A_260 : i32 to index
        %get3A_267 = arith.constant 0 : index
        %get3A_268 = tpu.vector_load %arg12[%get3A_266, %get3A_267] {strides = array<i32>} : memref<79x24xf32, #tpu.memory_space<vmem>>, vector<1x16xf32>,
        %get3A_269 = vector.shape_cast %get3A_268 : vector<1x16xf32> to vector<16xf32>
        %get3A_270 = arith.index_cast %scan3A_260 : i32 to index
        %get3A_271 = arith.constant 0 : index
        %get3A_272 = tpu.vector_load %arg13[%get3A_270, %get3A_271] {strides = array<i32>} : memref<79x24xf32, #tpu.memory_space<vmem>>, vector<1x16xf32>,
        %get3A_273 = vector.shape_cast %get3A_272 : vector<1x16xf32> to vector<16xf32>
        %add3A_274 = arith.addf %get3A_269, %get3A_273 : vector<16xf32>
        %mul3A_275 = arith.mulf %get3A_265, %add3A_274 : vector<16xf32>
        %get3A_276 = arith.index_cast %add3A_262 : i32 to index
        %get3A_277 = arith.constant 0 : index
        %get3A_278 = tpu.vector_load %arg14[%get3A_276, %get3A_277] {strides = array<i32>} : memref<632x24xf32, #tpu.memory_space<vmem>>, vector<1x16xf32>,
        %get3A_279 = vector.shape_cast %get3A_278 : vector<1x16xf32> to vector<16xf32>
        %add3A_280 = arith.addf %mul3A_275, %get3A_279 : vector<16xf32>
        %get3A_281 = arith.index_cast %add3A_262 : i32 to index
        %get3A_282 = arith.constant 8 : index
        %get3A_283 = tpu.vector_load %arg15[%get3A_281, %get3A_282] {strides = array<i32>} : memref<632x24xf32, #tpu.memory_space<vmem>>, vector<1x16xf32>,
        %get3A_284 = vector.shape_cast %get3A_283 : vector<1x16xf32> to vector<16xf32>
        %get3A_285 = arith.index_cast %scan3A_260 : i32 to index
        %get3A_286 = arith.constant 8 : index
        %get3A_287 = tpu.vector_load %arg12[%get3A_285, %get3A_286] {strides = array<i32>} : memref<79x24xf32, #tpu.memory_space<vmem>>, vector<1x16xf32>,
        %get3A_288 = vector.shape_cast %get3A_287 : vector<1x16xf32> to vector<16xf32>
        %get3A_289 = arith.index_cast %scan3A_260 : i32 to index
        %get3A_290 = arith.constant 8 : index
        %get3A_291 = tpu.vector_load %arg13[%get3A_289, %get3A_290] {strides = array<i32>} : memref<79x24xf32, #tpu.memory_space<vmem>>, vector<1x16xf32>,
        %get3A_292 = vector.shape_cast %get3A_291 : vector<1x16xf32> to vector<16xf32>
        %add3A_293 = arith.addf %get3A_288, %get3A_292 : vector<16xf32>
        %mul3A_294 = arith.mulf %get3A_284, %add3A_293 : vector<16xf32>
        %get3A_295 = arith.index_cast %add3A_262 : i32 to index
        %get3A_296 = arith.constant 8 : index
        %get3A_297 = tpu.vector_load %arg14[%get3A_295, %get3A_296] {strides = array<i32>} : memref<632x24xf32, #tpu.memory_space<vmem>>, vector<1x16xf32>,
        %get3A_298 = vector.shape_cast %get3A_297 : vector<1x16xf32> to vector<16xf32>
        %add3A_299 = arith.addf %mul3A_294, %get3A_298 : vector<16xf32>
        %swap3A = arith.index_cast %scan3A_260 : i32 to index
        %swap3A_300 = arith.constant 0 : index
        %swap3A_301 = tpu.vector_load %arg13[%swap3A, %swap3A_300] {strides = array<i32>} : memref<79x24xf32, #tpu.memory_space<vmem>>, vector<1x16xf32>,
        %swap3A_302 = vector.shape_cast %swap3A_301 : vector<1x16xf32> to vector<16xf32>
        %swap3A_303 = vector.shape_cast %add3A_280 : vector<16xf32> to vector<1x16xf32>
        tpu.vector_store %arg13[%swap3A, %swap3A_300], %swap3A_303 {strides = array<i32>} : memref<79x24xf32, #tpu.memory_space<vmem>>, vector<1x16xf32>,
        %swap3A_304 = arith.index_cast %scan3A_260 : i32 to index
        %swap3A_305 = arith.constant 8 : index
        %swap3A_306 = tpu.vector_load %arg13[%swap3A_304, %swap3A_305] {strides = array<i32>} : memref<79x24xf32, #tpu.memory_space<vmem>>, vector<1x16xf32>,
        %swap3A_307 = vector.shape_cast %swap3A_306 : vector<1x16xf32> to vector<16xf32>
        %swap3A_308 = vector.shape_cast %add3A_299 : vector<16xf32> to vector<1x16xf32>
        tpu.vector_store %arg13[%swap3A_304, %swap3A_305], %swap3A_308 {strides = array<i32>} : memref<79x24xf32, #tpu.memory_space<vmem>>, vector<1x16xf32>,
      }
      %scan3A_226 = arith.constant 79 : i32
      "tpu.region"() ({
        %run_scoped3A = tpu.sem_alloc : memref<!tpu.dma_semaphore, #tpu.memory_space<semaphore_mem>>
        %dma_start3A_260 = arith.constant 0 : i32
        %dma_start3A_261 = tpu.memref_slice %arg17[%add3A_216, %dma_start3A_260] : memref<10112x24xf32, #tpu.memory_space<vmem_shared>> -> memref<79x24xf32, #tpu.memory_space<vmem_shared>>
        %dma_start3A_262 = arith.constant 0 : i32
        %dma_start3A_263 = tpu.memref_slice %arg17[%add3A_216, %dma_start3A_262] : memref<10112x24xf32, #tpu.memory_space<vmem_shared>> -> memref<79x24xf32, #tpu.memory_space<vmem_shared>>
        tpu.enqueue_dma source(%arg13 : memref<79x24xf32, #tpu.memory_space<vmem>>) target(%dma_start3A_263 : memref<79x24xf32, #tpu.memory_space<vmem_shared>>) target_semaphore(%run_scoped3A : memref<!tpu.dma_semaphore, #tpu.memory_space<semaphore_mem>>)
        %dma_wait3A_264 = arith.constant 0 : i32
        %dma_wait3A_265 = tpu.memref_slice %arg17[%add3A_216, %dma_wait3A_264] : memref<10112x24xf32, #tpu.memory_space<vmem_shared>> -> memref<79x24xf32, #tpu.memory_space<vmem_shared>>
        %dma_wait3A_266 = arith.constant 0 : i32
        %dma_wait3A_267 = tpu.memref_slice %arg17[%add3A_216, %dma_wait3A_266] : memref<10112x24xf32, #tpu.memory_space<vmem_shared>> -> memref<79x24xf32, #tpu.memory_space<vmem_shared>>
        tpu.wait_dma2 semaphore(%run_scoped3A : memref<!tpu.dma_semaphore, #tpu.memory_space<semaphore_mem>>) src(%arg13 : memref<79x24xf32, #tpu.memory_space<vmem>>) dst(%dma_wait3A_267 : memref<79x24xf32, #tpu.memory_space<vmem_shared>>)
        tpu.yield
      }) : () -> ()
      %dma_wait3A_227 = arith.constant 0 : i32
      %dma_wait3A_228 = tpu.memref_slice %arg16[%mul3A_0, %dma_wait3A_227] : memref<10112x24xf32, #tpu.memory_space<vmem_shared>> -> memref<79x24xf32, #tpu.memory_space<vmem_shared>>
      %dma_wait3A_229 = arith.constant 0 : i32
      %dma_wait3A_230 = tpu.memref_slice %arg7[%mul3A_0, %dma_wait3A_229] : memref<10112x24xf32, #tpu.memory_space<hbm>> -> memref<79x24xf32, #tpu.memory_space<hbm>>
      tpu.wait_dma2 semaphore(%arg20 : memref<!tpu.dma_semaphore, #tpu.memory_space<semaphore_mem>>) src(%dma_wait3A_230 : memref<79x24xf32, #tpu.memory_space<hbm>>) dst(%dma_wait3A_228 : memref<79x24xf32, #tpu.memory_space<vmem_shared>>)
      %dma_wait3A_231 = arith.constant 0 : i32
      %dma_wait3A_232 = tpu.memref_slice %arg16[%mul3A_0, %dma_wait3A_231] : memref<10112x24xf32, #tpu.memory_space<vmem_shared>> -> memref<79x24xf32, #tpu.memory_space<vmem_shared>>
      %dma_wait3A_233 = arith.constant 0 : i32
      %dma_wait3A_234 = tpu.memref_slice %arg7[%mul3A_0, %dma_wait3A_233] : memref<10112x24xf32, #tpu.memory_space<hbm>> -> memref<79x24xf32, #tpu.memory_space<hbm>>
      tpu.wait_dma2 semaphore(%arg20 : memref<!tpu.dma_semaphore, #tpu.memory_space<semaphore_mem>>) src(%dma_wait3A_234 : memref<79x24xf32, #tpu.memory_space<hbm>>) dst(%dma_wait3A_232 : memref<79x24xf32, #tpu.memory_space<vmem_shared>>)
      %dma_wait3A_235 = arith.constant 0 : i32
      %dma_wait3A_236 = tpu.memref_slice %arg16[%mul3A_0, %dma_wait3A_235] : memref<10112x24xf32, #tpu.memory_space<vmem_shared>> -> memref<79x24xf32, #tpu.memory_space<vmem_shared>>
      %dma_wait3A_237 = arith.constant 0 : i32
      %dma_wait3A_238 = tpu.memref_slice %arg7[%mul3A_0, %dma_wait3A_237] : memref<10112x24xf32, #tpu.memory_space<hbm>> -> memref<79x24xf32, #tpu.memory_space<hbm>>
      tpu.wait_dma2 semaphore(%arg20 : memref<!tpu.dma_semaphore, #tpu.memory_space<semaphore_mem>>) src(%dma_wait3A_238 : memref<79x24xf32, #tpu.memory_space<hbm>>) dst(%dma_wait3A_236 : memref<79x24xf32, #tpu.memory_space<vmem_shared>>)
      %dma_wait3A_239 = arith.constant 0 : i32
      %dma_wait3A_240 = tpu.memref_slice %arg16[%mul3A_0, %dma_wait3A_239] : memref<10112x24xf32, #tpu.memory_space<vmem_shared>> -> memref<79x24xf32, #tpu.memory_space<vmem_shared>>
      %dma_wait3A_241 = arith.constant 0 : i32
      %dma_wait3A_242 = tpu.memref_slice %arg7[%mul3A_0, %dma_wait3A_241] : memref<10112x24xf32, #tpu.memory_space<hbm>> -> memref<79x24xf32, #tpu.memory_space<hbm>>
      tpu.wait_dma2 semaphore(%arg20 : memref<!tpu.dma_semaphore, #tpu.memory_space<semaphore_mem>>) src(%dma_wait3A_242 : memref<79x24xf32, #tpu.memory_space<hbm>>) dst(%dma_wait3A_240 : memref<79x24xf32, #tpu.memory_space<vmem_shared>>)
      %dma_wait3A_243 = arith.constant 0 : i32
      %dma_wait3A_244 = tpu.memref_slice %arg16[%mul3A_0, %dma_wait3A_243] : memref<10112x24xf32, #tpu.memory_space<vmem_shared>> -> memref<79x24xf32, #tpu.memory_space<vmem_shared>>
      %dma_wait3A_245 = arith.constant 0 : i32
      %dma_wait3A_246 = tpu.memref_slice %arg7[%mul3A_0, %dma_wait3A_245] : memref<10112x24xf32, #tpu.memory_space<hbm>> -> memref<79x24xf32, #tpu.memory_space<hbm>>
      tpu.wait_dma2 semaphore(%arg20 : memref<!tpu.dma_semaphore, #tpu.memory_space<semaphore_mem>>) src(%dma_wait3A_246 : memref<79x24xf32, #tpu.memory_space<hbm>>) dst(%dma_wait3A_244 : memref<79x24xf32, #tpu.memory_space<vmem_shared>>)
      %dma_wait3A_247 = arith.constant 0 : i32
      %dma_wait3A_248 = tpu.memref_slice %arg16[%mul3A_0, %dma_wait3A_247] : memref<10112x24xf32, #tpu.memory_space<vmem_shared>> -> memref<79x24xf32, #tpu.memory_space<vmem_shared>>
      %dma_wait3A_249 = arith.constant 0 : i32
      %dma_wait3A_250 = tpu.memref_slice %arg7[%mul3A_0, %dma_wait3A_249] : memref<10112x24xf32, #tpu.memory_space<hbm>> -> memref<79x24xf32, #tpu.memory_space<hbm>>
      tpu.wait_dma2 semaphore(%arg20 : memref<!tpu.dma_semaphore, #tpu.memory_space<semaphore_mem>>) src(%dma_wait3A_250 : memref<79x24xf32, #tpu.memory_space<hbm>>) dst(%dma_wait3A_248 : memref<79x24xf32, #tpu.memory_space<vmem_shared>>)
      %dma_wait3A_251 = arith.constant 0 : i32
      %dma_wait3A_252 = tpu.memref_slice %arg16[%mul3A_0, %dma_wait3A_251] : memref<10112x24xf32, #tpu.memory_space<vmem_shared>> -> memref<79x24xf32, #tpu.memory_space<vmem_shared>>
      %dma_wait3A_253 = arith.constant 0 : i32
      %dma_wait3A_254 = tpu.memref_slice %arg7[%mul3A_0, %dma_wait3A_253] : memref<10112x24xf32, #tpu.memory_space<hbm>> -> memref<79x24xf32, #tpu.memory_space<hbm>>
      tpu.wait_dma2 semaphore(%arg20 : memref<!tpu.dma_semaphore, #tpu.memory_space<semaphore_mem>>) src(%dma_wait3A_254 : memref<79x24xf32, #tpu.memory_space<hbm>>) dst(%dma_wait3A_252 : memref<79x24xf32, #tpu.memory_space<vmem_shared>>)
      %dma_wait3A_255 = arith.constant 0 : i32
      %dma_wait3A_256 = tpu.memref_slice %arg16[%mul3A_0, %dma_wait3A_255] : memref<10112x24xf32, #tpu.memory_space<vmem_shared>> -> memref<79x24xf32, #tpu.memory_space<vmem_shared>>
      %dma_wait3A_257 = arith.constant 0 : i32
      %dma_wait3A_258 = tpu.memref_slice %arg7[%mul3A_0, %dma_wait3A_257] : memref<10112x24xf32, #tpu.memory_space<hbm>> -> memref<79x24xf32, #tpu.memory_space<hbm>>
      tpu.wait_dma2 semaphore(%arg20 : memref<!tpu.dma_semaphore, #tpu.memory_space<semaphore_mem>>) src(%dma_wait3A_258 : memref<79x24xf32, #tpu.memory_space<hbm>>) dst(%dma_wait3A_256 : memref<79x24xf32, #tpu.memory_space<vmem_shared>>)
      %barrier3A_259 = arith.constant 0 : index
      tpu.barrier barrier_id(%barrier3A_259)
    }
    %scan3A_5 = arith.constant 10 : i32
    "tpu.region"() ({
      %run_scoped3A = tpu.sem_alloc : memref<!tpu.dma_semaphore, #tpu.memory_space<semaphore_mem>>
      %dma_start3A = arith.constant 0 : i32
      %dma_start3A_6 = tpu.memref_slice %arg8[%arg0, %mul3A_0, %dma_start3A] : memref<2x10112x24xf32, #tpu.memory_space<hbm>> -> memref<1x632x24xf32, #tpu.memory_space<hbm>>
      %dma_start3A_7 = tpu.memref_squeeze %dma_start3A_6 : memref<1x632x24xf32, #tpu.memory_space<hbm>> -> memref<632x24xf32, #tpu.memory_space<hbm>>
      %dma_start3A_8 = arith.constant 0 : i32
      %dma_start3A_9 = tpu.memref_slice %arg17[%mul3A_0, %dma_start3A_8] : memref<10112x24xf32, #tpu.memory_space<vmem_shared>> -> memref<632x24xf32, #tpu.memory_space<vmem_shared>>
      tpu.enqueue_dma source(%dma_start3A_9 : memref<632x24xf32, #tpu.memory_space<vmem_shared>>) target(%dma_start3A_7 : memref<632x24xf32, #tpu.memory_space<hbm>>) target_semaphore(%run_scoped3A : memref<!tpu.dma_semaphore, #tpu.memory_space<semaphore_mem>>)
      %dma_wait3A = arith.constant 0 : i32
      %dma_wait3A_10 = tpu.memref_slice %arg8[%arg0, %mul3A_0, %dma_wait3A] : memref<2x10112x24xf32, #tpu.memory_space<hbm>> -> memref<1x632x24xf32, #tpu.memory_space<hbm>>
      %dma_wait3A_11 = tpu.memref_squeeze %dma_wait3A_10 : memref<1x632x24xf32, #tpu.memory_space<hbm>> -> memref<632x24xf32, #tpu.memory_space<hbm>>
      %dma_wait3A_12 = arith.constant 0 : i32
      %dma_wait3A_13 = tpu.memref_slice %arg17[%mul3A_0, %dma_wait3A_12] : memref<10112x24xf32, #tpu.memory_space<vmem_shared>> -> memref<632x24xf32, #tpu.memory_space<vmem_shared>>
      tpu.wait_dma2 semaphore(%run_scoped3A : memref<!tpu.dma_semaphore, #tpu.memory_space<semaphore_mem>>) src(%dma_wait3A_13 : memref<632x24xf32, #tpu.memory_space<vmem_shared>>) dst(%dma_wait3A_11 : memref<632x24xf32, #tpu.memory_space<hbm>>)
      tpu.yield
    }) : () -> ()
    return
  }
}

module attributes {stable_mosaic.version = 14 : i64} {
  func.func @_lin_body(%arg0: i32, %arg1: memref<128x128xf32, #tpu.memory_space<vmem>>, %arg2: memref<128x48xf32, #tpu.memory_space<vmem>>, %arg3: memref<1x48xf32, #tpu.memory_space<vmem>>, %arg4: memref<128x48xf32, #tpu.memory_space<vmem>>) attributes {dimension_semantics = [#tpu.dimension_semantics<arbitrary>], iteration_bounds = array<i64: 79>, scalar_prefetch = 0 : i64, scratch_operands = 0 : i64, tpu.core_type = #tpu.core_type<tc>, window_params = [{transform_indices = @transform_0, window_bounds = array<i64: 128, 128>}, {pipeline_mode = #tpu.pipeline_mode<synchronous>, transform_indices = @transform_1, window_bounds = array<i64: 128, 48>}, {pipeline_mode = #tpu.pipeline_mode<synchronous>, transform_indices = @transform_2, window_bounds = array<i64: 1, 48>}, {transform_indices = @transform_3, window_bounds = array<i64: 128, 48>}]} {
    %get3A = arith.constant 0 : index
    %get3A_0 = arith.constant 0 : index
    %get3A_1 = vector.load %arg1[%get3A, %get3A_0] : memref<128x128xf32, #tpu.memory_space<vmem>>, vector<128x128xf32>
    %get3A_2 = arith.constant 0 : index
    %get3A_3 = arith.constant 0 : index
    %get3A_4 = vector.load %arg2[%get3A_2, %get3A_3] : memref<128x48xf32, #tpu.memory_space<vmem>>, vector<128x48xf32>
    %dot_general3A = arith.constant dense<0.000000e+00> : vector<128x48xf32>
    %dot_general3A_5 = tpu.matmul %get3A_1, %get3A_4, %dot_general3A {dimension_numbers = #tpu.dot_dimension_numbers<[1], [0], [0], [1], [0, 0, 1, 1], [], []>, transpose_lhs_hint = false} : vector<128x128xf32>, vector<128x48xf32>, vector<128x48xf32> -> vector<128x48xf32>
    %get3A_6 = arith.constant 0 : index
    %get3A_7 = arith.constant 0 : index
    %get3A_8 = vector.load %arg3[%get3A_6, %get3A_7] : memref<1x48xf32, #tpu.memory_space<vmem>>, vector<1x48xf32>
    %add3A = vector.broadcast %get3A_8 : vector<1x48xf32> to vector<128x48xf32>
    %add3A_9 = arith.addf %dot_general3A_5, %add3A : vector<128x48xf32>
    %max3A = arith.constant 0.000000e+00 : f32
    %max3A_10 = vector.broadcast %max3A : f32 to vector<128x48xf32>
    %max3A_11 = arith.maximumf %add3A_9, %max3A_10 : vector<128x48xf32>
    %swap3A = arith.constant 0 : index
    %swap3A_12 = arith.constant 0 : index
    %swap3A_13 = vector.load %arg4[%swap3A, %swap3A_12] : memref<128x48xf32, #tpu.memory_space<vmem>>, vector<128x48xf32>
    tpu.vector_store %arg4[%swap3A, %swap3A_12], %max3A_11 {strides = array<i32>} : memref<128x48xf32, #tpu.memory_space<vmem>>, vector<128x48xf32>,
    return
  }
  func.func @transform_0(%arg0: i32) -> (i32, i32) {
    %c0_i32 = arith.constant 0 : i32
    %c0_i32_0 = arith.constant 0 : i32
    return %arg0, %c0_i32 : i32, i32
  }
  func.func @transform_1(%arg0: i32) -> (i32, i32) {
    %c0_i32 = arith.constant 0 : i32
    %c0_i32_0 = arith.constant 0 : i32
    %c0_i32_1 = arith.constant 0 : i32
    return %c0_i32, %c0_i32_0 : i32, i32
  }
  func.func @transform_2(%arg0: i32) -> (i32, i32) {
    %c0_i32 = arith.constant 0 : i32
    %c0_i32_0 = arith.constant 0 : i32
    %c0_i32_1 = arith.constant 0 : i32
    return %c0_i32, %c0_i32_0 : i32, i32
  }
  func.func @transform_3(%arg0: i32) -> (i32, i32) {
    %c0_i32 = arith.constant 0 : i32
    %c0_i32_0 = arith.constant 0 : i32
    return %arg0, %c0_i32 : i32, i32
  }
}

module attributes {stable_mosaic.version = 14 : i64} {
  func.func @_init_body(%arg0: i32, %arg1: memref<128x16xf32, #tpu.memory_space<vmem>>, %arg2: memref<128x16xf32, #tpu.memory_space<vmem>>, %arg3: memref<128x48xf32, #tpu.memory_space<vmem>>, %arg4: memref<2x128x24xf32, #tpu.memory_space<vmem>>, %arg5: memref<2x128x24xf32, #tpu.memory_space<vmem>>, %arg6: memref<128x24xf32, #tpu.memory_space<vmem>>, %arg7: memref<128x48xf32, #tpu.memory_space<vmem>>) attributes {dimension_semantics = [#tpu.dimension_semantics<arbitrary>], iteration_bounds = array<i64: 79>, scalar_prefetch = 0 : i64, scratch_operands = 0 : i64, tpu.core_type = #tpu.core_type<tc>, window_params = [{transform_indices = @transform_0, window_bounds = array<i64: 128, 16>}, {transform_indices = @transform_1, window_bounds = array<i64: 128, 16>}, {transform_indices = @transform_2, window_bounds = array<i64: 128, 48>}, {transform_indices = @transform_3, window_bounds = array<i64: 2, 128, 24>}, {transform_indices = @transform_4, window_bounds = array<i64: 2, 128, 24>}, {transform_indices = @transform_5, window_bounds = array<i64: 128, 24>}, {transform_indices = @transform_6, window_bounds = array<i64: 128, 48>}]} {
    %get3A = arith.constant 0 : index
    %get3A_0 = arith.constant 0 : index
    %get3A_1 = vector.load %arg1[%get3A, %get3A_0] : memref<128x16xf32, #tpu.memory_space<vmem>>, vector<128x16xf32>
    %slice3A = vector.extract_strided_slice %get3A_1 {offsets = [0, 0], sizes = [128, 1], strides = [1, 1]} : vector<128x16xf32> to vector<128x1xf32>
    %get3A_2 = arith.constant 0 : index
    %get3A_3 = arith.constant 0 : index
    %get3A_4 = vector.load %arg2[%get3A_2, %get3A_3] : memref<128x16xf32, #tpu.memory_space<vmem>>, vector<128x16xf32>
    %slice3A_5 = vector.extract_strided_slice %get3A_4 {offsets = [0, 0], sizes = [128, 1], strides = [1, 1]} : vector<128x16xf32> to vector<128x1xf32>
    %add3A = arith.addf %slice3A, %slice3A_5 : vector<128x1xf32>
    %add3A_6 = arith.constant 1.000000e+00 : f32
    %add3A_7 = vector.broadcast %add3A_6 : f32 to vector<128x1xf32>
    %add3A_8 = arith.addf %add3A, %add3A_7 : vector<128x1xf32>
    %rsqrt3A = math.rsqrt %add3A_8 : vector<128x1xf32>
    %get3A_9 = arith.constant 0 : index
    %get3A_10 = arith.constant 0 : index
    %get3A_11 = vector.load %arg3[%get3A_9, %get3A_10] : memref<128x48xf32, #tpu.memory_space<vmem>>, vector<128x48xf32>
    %mul3A = vector.broadcast %rsqrt3A : vector<128x1xf32> to vector<128x48xf32>
    %mul3A_12 = arith.mulf %mul3A, %get3A_11 : vector<128x48xf32>
    %slice3A_13 = vector.extract_strided_slice %mul3A_12 {offsets = [0, 0], sizes = [128, 24], strides = [1, 1]} : vector<128x48xf32> to vector<128x24xf32>
    %swap3A = arith.constant 0 : index
    %swap3A_14 = arith.constant 0 : index
    %swap3A_15 = arith.constant 0 : index
    %swap3A_16 = vector.load %arg4[%swap3A, %swap3A_14, %swap3A_15] : memref<2x128x24xf32, #tpu.memory_space<vmem>>, vector<1x128x24xf32>
    %swap3A_17 = vector.shape_cast %swap3A_16 : vector<1x128x24xf32> to vector<128x24xf32>
    %swap3A_18 = vector.shape_cast %slice3A_13 : vector<128x24xf32> to vector<1x128x24xf32>
    tpu.vector_store %arg4[%swap3A, %swap3A_14, %swap3A_15], %swap3A_18 {strides = array<i32>} : memref<2x128x24xf32, #tpu.memory_space<vmem>>, vector<1x128x24xf32>,
    %slice3A_19 = vector.extract_strided_slice %mul3A_12 {offsets = [0, 24], sizes = [128, 24], strides = [1, 1]} : vector<128x48xf32> to vector<128x24xf32>
    %swap3A_20 = arith.constant 1 : index
    %swap3A_21 = arith.constant 0 : index
    %swap3A_22 = arith.constant 0 : index
    %swap3A_23 = vector.load %arg4[%swap3A_20, %swap3A_21, %swap3A_22] : memref<2x128x24xf32, #tpu.memory_space<vmem>>, vector<1x128x24xf32>
    %swap3A_24 = vector.shape_cast %swap3A_23 : vector<1x128x24xf32> to vector<128x24xf32>
    %swap3A_25 = vector.shape_cast %slice3A_19 : vector<128x24xf32> to vector<1x128x24xf32>
    tpu.vector_store %arg4[%swap3A_20, %swap3A_21, %swap3A_22], %swap3A_25 {strides = array<i32>} : memref<2x128x24xf32, #tpu.memory_space<vmem>>, vector<1x128x24xf32>,
    %slice3A_26 = vector.extract_strided_slice %mul3A_12 {offsets = [0, 0], sizes = [128, 24], strides = [1, 1]} : vector<128x48xf32> to vector<128x24xf32>
    %mul3A_27 = arith.constant 1.000000e-01 : f32
    %mul3A_28 = vector.broadcast %mul3A_27 : f32 to vector<128x24xf32>
    %mul3A_29 = arith.mulf %mul3A_28, %slice3A_26 : vector<128x24xf32>
    %swap3A_30 = arith.constant 0 : index
    %swap3A_31 = arith.constant 0 : index
    %swap3A_32 = arith.constant 0 : index
    %swap3A_33 = vector.load %arg5[%swap3A_30, %swap3A_31, %swap3A_32] : memref<2x128x24xf32, #tpu.memory_space<vmem>>, vector<1x128x24xf32>
    %swap3A_34 = vector.shape_cast %swap3A_33 : vector<1x128x24xf32> to vector<128x24xf32>
    %swap3A_35 = vector.shape_cast %mul3A_29 : vector<128x24xf32> to vector<1x128x24xf32>
    tpu.vector_store %arg5[%swap3A_30, %swap3A_31, %swap3A_32], %swap3A_35 {strides = array<i32>} : memref<2x128x24xf32, #tpu.memory_space<vmem>>, vector<1x128x24xf32>,
    %slice3A_36 = vector.extract_strided_slice %mul3A_12 {offsets = [0, 24], sizes = [128, 24], strides = [1, 1]} : vector<128x48xf32> to vector<128x24xf32>
    %mul3A_37 = arith.constant 1.000000e-01 : f32
    %mul3A_38 = vector.broadcast %mul3A_37 : f32 to vector<128x24xf32>
    %mul3A_39 = arith.mulf %mul3A_38, %slice3A_36 : vector<128x24xf32>
    %swap3A_40 = arith.constant 1 : index
    %swap3A_41 = arith.constant 0 : index
    %swap3A_42 = arith.constant 0 : index
    %swap3A_43 = vector.load %arg5[%swap3A_40, %swap3A_41, %swap3A_42] : memref<2x128x24xf32, #tpu.memory_space<vmem>>, vector<1x128x24xf32>
    %swap3A_44 = vector.shape_cast %swap3A_43 : vector<1x128x24xf32> to vector<128x24xf32>
    %swap3A_45 = vector.shape_cast %mul3A_39 : vector<128x24xf32> to vector<1x128x24xf32>
    tpu.vector_store %arg5[%swap3A_40, %swap3A_41, %swap3A_42], %swap3A_45 {strides = array<i32>} : memref<2x128x24xf32, #tpu.memory_space<vmem>>, vector<1x128x24xf32>,
    %mul3A_46 = arith.constant 0.899999976 : f32
    %mul3A_47 = vector.broadcast %mul3A_46 : f32 to vector<128x1xf32>
    %mul3A_48 = arith.mulf %mul3A_47, %rsqrt3A : vector<128x1xf32>
    %mul3A_49 = arith.mulf %mul3A_48, %rsqrt3A : vector<128x1xf32>
    %broadcast_in_dim3A = vector.shape_cast %mul3A_49 : vector<128x1xf32> to vector<128x1xf32>
    %broadcast_in_dim3A_50 = vector.broadcast %broadcast_in_dim3A : vector<128x1xf32> to vector<128x24xf32>
    %swap3A_51 = arith.constant 0 : index
    %swap3A_52 = arith.constant 0 : index
    %swap3A_53 = vector.load %arg6[%swap3A_51, %swap3A_52] : memref<128x24xf32, #tpu.memory_space<vmem>>, vector<128x24xf32>
    tpu.vector_store %arg6[%swap3A_51, %swap3A_52], %broadcast_in_dim3A_50 {strides = array<i32>} : memref<128x24xf32, #tpu.memory_space<vmem>>, vector<128x24xf32>,
    %broadcast_in_dim3A_54 = vector.shape_cast %rsqrt3A : vector<128x1xf32> to vector<128x1xf32>
    %broadcast_in_dim3A_55 = vector.broadcast %broadcast_in_dim3A_54 : vector<128x1xf32> to vector<128x48xf32>
    %swap3A_56 = arith.constant 0 : index
    %swap3A_57 = arith.constant 0 : index
    %swap3A_58 = vector.load %arg7[%swap3A_56, %swap3A_57] : memref<128x48xf32, #tpu.memory_space<vmem>>, vector<128x48xf32>
    tpu.vector_store %arg7[%swap3A_56, %swap3A_57], %broadcast_in_dim3A_55 {strides = array<i32>} : memref<128x48xf32, #tpu.memory_space<vmem>>, vector<128x48xf32>,
    return
  }
  func.func @transform_0(%arg0: i32) -> (i32, i32) {
    %c0_i32 = arith.constant 0 : i32
    %c0_i32_0 = arith.constant 0 : i32
    return %arg0, %c0_i32 : i32, i32
  }
  func.func @transform_1(%arg0: i32) -> (i32, i32) {
    %c0_i32 = arith.constant 0 : i32
    %c0_i32_0 = arith.constant 0 : i32
    return %arg0, %c0_i32 : i32, i32
  }
  func.func @transform_2(%arg0: i32) -> (i32, i32) {
    %c0_i32 = arith.constant 0 : i32
    %c0_i32_0 = arith.constant 0 : i32
    return %arg0, %c0_i32 : i32, i32
  }
  func.func @transform_3(%arg0: i32) -> (i32, i32, i32) {
    %c0_i32 = arith.constant 0 : i32
    %c0_i32_0 = arith.constant 0 : i32
    %c0_i32_1 = arith.constant 0 : i32
    return %c0_i32, %arg0, %c0_i32_0 : i32, i32, i32
  }
  func.func @transform_4(%arg0: i32) -> (i32, i32, i32) {
    %c0_i32 = arith.constant 0 : i32
    %c0_i32_0 = arith.constant 0 : i32
    %c0_i32_1 = arith.constant 0 : i32
    return %c0_i32, %arg0, %c0_i32_0 : i32, i32, i32
  }
  func.func @transform_5(%arg0: i32) -> (i32, i32) {
    %c0_i32 = arith.constant 0 : i32
    %c0_i32_0 = arith.constant 0 : i32
    return %arg0, %c0_i32 : i32, i32
  }
  func.func @transform_6(%arg0: i32) -> (i32, i32) {
    %c0_i32 = arith.constant 0 : i32
    %c0_i32_0 = arith.constant 0 : i32
    return %arg0, %c0_i32 : i32, i32
  }
}

module attributes {stable_mosaic.version = 14 : i64} {
  func.func @_final_body(%arg0: i32, %arg1: memref<2x128x24xf32, #tpu.memory_space<vmem>>, %arg2: memref<128x48xf32, #tpu.memory_space<vmem>>, %arg3: memref<128x48xf32, #tpu.memory_space<vmem>>) attributes {dimension_semantics = [#tpu.dimension_semantics<arbitrary>], iteration_bounds = array<i64: 79>, scalar_prefetch = 0 : i64, scratch_operands = 0 : i64, tpu.core_type = #tpu.core_type<tc>, window_params = [{transform_indices = @transform_0, window_bounds = array<i64: 2, 128, 24>}, {transform_indices = @transform_1, window_bounds = array<i64: 128, 48>}, {transform_indices = @transform_2, window_bounds = array<i64: 128, 48>}]} {
    %get3A = arith.constant 0 : index
    %get3A_0 = arith.constant 0 : index
    %get3A_1 = arith.constant 0 : index
    %get3A_2 = vector.load %arg1[%get3A, %get3A_0, %get3A_1] : memref<2x128x24xf32, #tpu.memory_space<vmem>>, vector<1x128x24xf32>
    %get3A_3 = vector.shape_cast %get3A_2 : vector<1x128x24xf32> to vector<128x24xf32>
    %get3A_4 = arith.constant 1 : index
    %get3A_5 = arith.constant 0 : index
    %get3A_6 = arith.constant 0 : index
    %get3A_7 = vector.load %arg1[%get3A_4, %get3A_5, %get3A_6] : memref<2x128x24xf32, #tpu.memory_space<vmem>>, vector<1x128x24xf32>
    %get3A_8 = vector.shape_cast %get3A_7 : vector<1x128x24xf32> to vector<128x24xf32>
    %concatenate3A = tpu.concatenate %get3A_3, %get3A_8 in 1 : vector<128x24xf32>, vector<128x24xf32> -> vector<128x48xf32>
    %get3A_9 = arith.constant 0 : index
    %get3A_10 = arith.constant 0 : index
    %get3A_11 = vector.load %arg2[%get3A_9, %get3A_10] : memref<128x48xf32, #tpu.memory_space<vmem>>, vector<128x48xf32>
    %div3A = arith.divf %concatenate3A, %get3A_11 : vector<128x48xf32>
    %iota3A = tpu.iota {dimensions = array<i32: 1>} : vector<128x48xi32>
    %lt3A = arith.constant 40 : i32
    %lt3A_12 = vector.broadcast %lt3A : i32 to vector<128x48xi32>
    %lt3A_13 = arith.cmpi slt, %iota3A, %lt3A_12 : vector<128x48xi32>
    %jit3A = arith.constant -1.000000e+30 : f32
    %broadcast_in_dim3A = vector.broadcast %jit3A : f32 to vector<128x48xf32>
    %select_n3A = arith.select %lt3A_13, %div3A, %broadcast_in_dim3A : vector<128x48xi1>, vector<128x48xf32>
    %reduce_max3A = arith.constant dense<0xFF800000> : vector<128xf32>
    %reduce_max3A_14 = vector.multi_reduction <maximumf>, %select_n3A, %reduce_max3A [1] : vector<128x48xf32> to vector<128xf32>
    %broadcast_in_dim3A_15 = vector.shape_cast %reduce_max3A_14 : vector<128xf32> to vector<128x1xf32>
    %sub3A = vector.broadcast %broadcast_in_dim3A_15 : vector<128x1xf32> to vector<128x48xf32>
    %sub3A_16 = arith.subf %select_n3A, %sub3A : vector<128x48xf32>
    %exp3A = math.exp %sub3A_16 : vector<128x48xf32>
    %reduce_sum3A = arith.constant dense<0.000000e+00> : vector<128xf32>
    %reduce_sum3A_17 = vector.multi_reduction <add>, %exp3A, %reduce_sum3A [1] : vector<128x48xf32> to vector<128xf32>
    %broadcast_in_dim3A_18 = vector.shape_cast %reduce_sum3A_17 : vector<128xf32> to vector<128x1xf32>
    %log3A = math.log %broadcast_in_dim3A_18 : vector<128x1xf32>
    %add3A = arith.addf %log3A, %broadcast_in_dim3A_15 : vector<128x1xf32>
    %sub3A_19 = vector.broadcast %add3A : vector<128x1xf32> to vector<128x48xf32>
    %sub3A_20 = arith.subf %select_n3A, %sub3A_19 : vector<128x48xf32>
    %swap3A = arith.constant 0 : index
    %swap3A_21 = arith.constant 0 : index
    %swap3A_22 = vector.load %arg3[%swap3A, %swap3A_21] : memref<128x48xf32, #tpu.memory_space<vmem>>, vector<128x48xf32>
    tpu.vector_store %arg3[%swap3A, %swap3A_21], %sub3A_20 {strides = array<i32>} : memref<128x48xf32, #tpu.memory_space<vmem>>, vector<128x48xf32>,
    return
  }
  func.func @transform_0(%arg0: i32) -> (i32, i32, i32) {
    %c0_i32 = arith.constant 0 : i32
    %c0_i32_0 = arith.constant 0 : i32
    %c0_i32_1 = arith.constant 0 : i32
    return %c0_i32, %arg0, %c0_i32_0 : i32, i32, i32
  }
  func.func @transform_1(%arg0: i32) -> (i32, i32) {
    %c0_i32 = arith.constant 0 : i32
    %c0_i32_0 = arith.constant 0 : i32
    return %arg0, %c0_i32 : i32, i32
  }
  func.func @transform_2(%arg0: i32) -> (i32, i32) {
    %c0_i32 = arith.constant 0 : i32
    %c0_i32_0 = arith.constant 0 : i32
    return %arg0, %c0_i32 : i32, i32
  }
}

</mosaic_0001>

<sc_bundles>
// kernel: kernel.10.cloned.1.call-start
scs
__scs_entry_jumppad:
0x0: {  	(pc) =	sbr.rel $0x88, $3  }
0x1: {  	(tag) =	ssettag $0x0;
	lr =	simm.s32 $0x1  }
0x2: {  	[smem:$0x3F9D] =	sst lr;
	_ =	strace $0xD0000000  }
0x3: {  	_ = 	snop  }
0x4: {  	_ = 	snop  }
0x5: {  	_ = 	snop  }
0x6: {  	_ = 	snop  }
0x7: {  	_ = 	snop  }
__scs_overlays_trampoline_lowered:
0x8: {  	[smem:$0x3FAC] =	sst s0  }
0x9: {  	[smem:$0x3FAD] =	sst s1  }
0xa: {  	[smem:$0x3FAE] =	sst s2  }
0xb: {  	[smem:$0x3FAF] =	sst s3  }
0xc: {  	[smem:$0x3FB0] =	sst s4  }
0xd: {  	[smem:$0x3FB1] =	sst s5  }
0xe: {  	[smem:$0x3FB2] =	sst s6  }
0xf: {  	[smem:$0x3FB3] =	sst s7  }
0x10: {  	[smem:$0x3FB4] =	sst s8  }
0x11: {  	[smem:$0x3FB5] =	sst s9;
	s0 =	simm.s32 @!p0 $0x0  }
0x12: {  	s1 =	sld [smem:$0x3F9B];
	s0 =	simm.s32 @p0 $0x1  }
0x13: {  	[smem:$0x3FB6] =	sst s0;
	s0 =	simm.s32 @!p1 $0x0  }
0x14: {  	s2 =	sld [smem:$0x3F9A];
	s0 =	simm.s32 @p1 $0x1  }
0x15: {  	[smem:$0x3FB7] =	sst s0;
	s0 =	simm.s32 @!p2 $0x0  }
0x16: {  	s3 =	sld [smem:$0x3FDB];
	s0 =	simm.s32 @p2 $0x1  }
0x17: {  	s4 =	simm.s32 $0x1BF5;
	[smem:$0x3FB9] =	sst s0  }
0x18: {  	s0 =	sld [smem:$0x3F9C];
	_ =	swait.ge [sflag:s4], $0x0  }
0x19: {  	s7 =	sld [smem:$0x3F9D]  }
0x1a: {  	s8 =	sadd.s32 $0xFFFFE003, lr  }
0x1b: {  	s9 =	sadd.s32 $0xFFFFFEF7, lr;
	s5 =	simm.s32 $0xFFFFFFFF;
	p2 =	slt.u32 s8, $0xFFFFF086  }
0x1c: {  	p1 =	slt.u32 s9, $0xF7A;
	s5 =	simm.s32 @!p2 $0x0  }
0x1d: {  	s5 =	simm.s32 @p1 $0x1;
	p0 =	seq.s32 s7, s2  }
0x1e: {  	s7 =	smul.u32 @!p0 $0xF7A, s2;
	p2 =	seq.s32 @!p0 s5, $0x0  }
0x1f: {  	s9 =	smul.u32 $0xF7A, s1;
	s8 =	simm.s32 @!p0 $0x1BF5;
	p2 =	por !p2, p0  }
0x20: {  	[sflag:s8] =	ssyncset.s32 @!p0 $0xFFFFF086;
	s6 =	sadd.s32 @!p0 s3, s7;
	s7 =	simm.s32 @!p0 $0x108  }
0x21: {  	s3 =	sadd.s32 s3, s9;
	s6 =	sadd.s32 @!p0 $0x88, s6;
	s7 =	simm.s32 @p2 $0x1082  }
0x22: {  	[simem:s7], [sflag:s8] =	dma.local @!p0 [hbm:s6], $0xF7A  }
0x23: {  	s9 =	sor.u32 $0xD0000000, s2;
	s6 =	simm.s32 $0x108;
	_ =	swait.ge @!p0 [sflag:s8], $0x0  }
0x24: {  	s3 =	sadd.s32 $0x88, s3;
	s6 =	simm.s32 @!p1 $0x1082;
	[sflag:s4] =	ssyncset.s32 $0xFFFFF086  }
0x25: {  	[simem:s6], [sflag:s4] =	dma.local [hbm:s3], $0xF7A  }
0x26: {  	[smem:$0x3F9D] =	sst s1;
	(tag) =	ssettag s2;
	_ =	strace s9  }
0x27: {  	s1 =	sld [smem:$0x3FAD]  }
0x28: {  	s2 =	sld [smem:$0x3FAE]  }
0x29: {  	s4 =	sld [smem:$0x3FB0]  }
0x2a: {  	p0 =	seq.s32 s5, $0x0;
	s5 =	sld [smem:$0x3FB1]  }
0x2b: {  	s6 =	sld [smem:$0x3FB2]  }
0x2c: {  	s7 =	sld [smem:$0x3FB3]  }
0x2d: {  	s3 =	simm.s32 $0x108;
	s8 =	sld [smem:$0x3FB4]  }
0x2e: {  	s3 =	simm.s32 @!p0 $0x1082;
	s9 =	sld [smem:$0x3FB5]  }
0x2f: {  	lr =	sadd.s32 s0, s3;
	s0 =	sld [smem:$0x3FAC]  }
0x30: {  	s3 =	sld [smem:$0x3FAF]  }
0x31: {  	[smem:$0x3FB8] =	sst s10  }
0x32: {  	s10 =	sld [smem:$0x3FB6];
	_ =	sdelay $0x3  }
0x33: {  	p0 =	seq.s32 s10, $0x1;
	s10 =	sld [smem:$0x3FB8];
	_ =	sdelay $0x3  }
0x34: {  	[smem:$0x3FB8] =	sst s10  }
0x35: {  	s10 =	sld [smem:$0x3FB7];
	_ =	sdelay $0x3  }
0x36: {  	p1 =	seq.s32 s10, $0x1;
	s10 =	sld [smem:$0x3FB8];
	_ =	sdelay $0x3  }
0x37: {  	[smem:$0x3FB8] =	sst s10  }
0x38: {  	s10 =	sld [smem:$0x3FB9]  }
0x39: {  	_ = 	snop;
	(pc) =	sbr.ind lr, $3  }
0x3a: {  	_ = 	snop  }
0x3b: {  	_ = 	snop  }
0x3c: {  	p2 =	seq.s32 s10, $0x1;
	s10 =	sld [smem:$0x3FB8]  }
0x3d: {  	_ =	shalt  }
0x3e: {  	_ =	shalt  }
0x3f: {  	_ =	shalt  }
0x40: {  	_ =	shalt  }
0x41: {  	_ =	shalt  }
0x42: {  	_ =	shalt  }
0x43: {  	_ =	shalt  }
0x44: {  	_ =	shalt  }
0x45: {  	_ =	shalt  }
0x46: {  	_ =	shalt  }
0x47: {  	_ =	shalt  }
0x48: {  	_ =	shalt  }
0x49: {  	_ =	shalt  }
0x4a: {  	_ =	shalt  }
0x4b: {  	_ =	shalt  }
0x4c: {  	_ =	shalt  }
0x4d: {  	_ =	shalt  }
0x4e: {  	_ =	shalt  }
0x4f: {  	_ =	shalt  }
0x50: {  	_ =	shalt  }
0x51: {  	_ =	shalt  }
0x52: {  	_ =	shalt  }
0x53: {  	_ =	shalt  }
0x54: {  	_ =	shalt  }
0x55: {  	_ =	shalt  }
0x56: {  	_ =	shalt  }
0x57: {  	_ =	shalt  }
0x58: {  	_ =	shalt  }
0x59: {  	_ =	shalt  }
0x5a: {  	_ =	shalt  }
0x5b: {  	_ =	shalt  }
0x5c: {  	_ =	shalt  }
0x5d: {  	_ =	shalt  }
0x5e: {  	_ =	shalt  }
0x5f: {  	_ =	shalt  }
0x60: {  	_ =	shalt  }
0x61: {  	_ =	shalt  }
0x62: {  	_ =	shalt  }
0x63: {  	_ =	shalt  }
0x64: {  	_ =	shalt  }
0x65: {  	_ =	shalt  }
0x66: {  	_ =	shalt  }
0x67: {  	_ =	shalt  }
0x68: {  	_ =	shalt  }
0x69: {  	_ =	shalt  }
0x6a: {  	_ =	shalt  }
0x6b: {  	_ =	shalt  }
0x6c: {  	_ =	shalt  }
0x6d: {  	_ =	shalt  }
0x6e: {  	_ =	shalt  }
0x6f: {  	_ =	shalt  }
0x70: {  	_ =	shalt  }
0x71: {  	_ =	shalt  }
0x72: {  	_ =	shalt  }
0x73: {  	_ =	shalt  }
0x74: {  	_ =	shalt  }
0x75: {  	_ =	shalt  }
0x76: {  	_ =	shalt  }
0x77: {  	_ =	shalt  }
0x78: {  	_ =	shalt  }
0x79: {  	_ =	shalt  }
0x7a: {  	_ =	shalt  }
0x7b: {  	_ =	shalt  }
0x7c: {  	_ =	shalt  }
0x7d: {  	_ =	shalt  }
0x7e: {  	_ =	shalt  }
0x7f: {  	_ =	shalt  }
0x80: {  	_ =	shalt  }
0x81: {  	_ =	shalt  }
0x82: {  	_ =	shalt  }
0x83: {  	_ =	shalt  }
0x84: {  	_ =	shalt  }
0x85: {  	_ =	shalt  }
0x86: {  	_ =	shalt  }
0x87: {  	_ =	shalt  }
.Lfunc_end0:
.L_simem_size_0:
called_computation.1_lowered:
.L_overlay_start_0:
0x88: {  	s2 =	sld [smem:$0x3FD9]  }
0x89: {  	s3 =	sld [smem:$0x3FFE];
	_ =	sdelay $0x1  }
0x8a: {  	s1 =	srdreg.scid  }
0x8b: {  	s0 =	sand.u32 $0x1, s1  }
0x8c: {  	s17 =	sshll.u32 s0, $0xA;
	s2 =	sadd.s32 s3, s2  }
0x8d: {  	s2 =	sadd.s32 s2, s17  }
0x8e: {  	[smem:$0x3FC4] =	sst s2  }
0x8f: {  	_ = 	snop  }
0x90: {  	s2 =	sld [smem:$0x3FD0];
	(tm) =	ssettm $0x1  }
0x91: {  	s18 =	sld [smem:$0x3FFB];
	_ =	sdelay $0x3  }
0x92: {  	_ =	strace s18  }
0x93: {  	s3 =	sld [smem:$0x3FFC];
	_ =	sdelay $0x3  }
0x94: {  	_ =	strace s3  }
0x95: {  	s3 =	sld [smem:$0x3FFD];
	_ =	sdelay $0x3  }
0x96: {  	_ =	strace s3  }
0x97: {  	_ =	strace $0x8FFFFFFF  }
0x98: {  	s19 =	sld [smem:$0x3FDB];
	_ =	sdelay $0x1  }
0x99: {  	s4 =	simm.s32 $_scs_section_size  }
0x9a: {  	s5 =	simm.s32 $_size__tile_overlayer_lowered;
	s6 =	simm.s32 $_tile_overlayer_lowered  }
0x9b: {  	s22 =	simm.s32 $0x1BFF;
	s21 =	sshll.u32 s6, $0x1;
	s3 =	sadd.s32 s4, s19  }
0x9c: {  	s7 =	simm.s32 $0x0;
	s20 =	sshll.u32 s5, $0x1;
	s5 =	sadd.s32 s21, s3  }
0x9d: {  	[timem:s7], [sflag:s22] =	dma.local [hbm:s5], s20  }
0x9e: {  	_ =	swait.ge [sflag:s22], s20  }
0x9f: {  	s4 =	ssub.s32 $0x0, s20;
	[sflag:s22] =	ssyncset.done $0x0  }
0xa0: {  	[sflag:s22] =	ssyncadd.s32 s4;
	_ =	sdelay $0x1  }
0xa1: {  	s23 =	simm.s32 $0x1B8B  }
0xa2: {  	_ =	swait.ge [sflag:s23], $0x1  }
0xa3: {  	[sflag:s23] =	ssyncset.done $0x0  }
0xa4: {  	s25 =	simm.s32 $0x1B8E;
	s24 =	sld [smem:$0x3FFE];
	[sflag:s23] =	ssyncadd.s32 $0xFFFFFFFF  }
0xa5: {  	s26 =	simm.s32 $execute0_lowered;
	[smem:$0x3FD2] =	sst s25  }
0xa6: {  	s5 =	sshll.u32 s26, $0x1;
	_ =	strace $0x80000049;
	[dreg:$0x1] =	wrdreg $0xFFFFFFFF  }
0xa7: {  	s28 =	simm.s32 $_size_execute0_lowered;
	s3 =	sadd.s32 s3, s5;
	[dreg:$0x0] =	wrdreg $0x0  }
0xa8: {  	s5 =	sshll.u32 s28, $0x1;
	[dreg:$0x2] =	wrdreg s3  }
0xa9: {  	[dreg:$0x3] =	wrdreg s5  }
0xaa: {  	[dreg:$0x4] =	wrdreg $0xC0  }
0xab: {  	_ =	task [dreg:s7], $0x5FFFF  }
0xac: {  	[dreg:$0x1] =	wrdreg $0xFFFFFFFF  }
0xad: {  	[dreg:$0x0] =	wrdreg $0x60  }
0xae: {  	[dreg:$0x2] =	wrdreg s24  }
0xaf: {  	[dreg:$0x3] =	wrdreg s2  }
0xb0: {  	[dreg:$0x4] =	wrdreg $0x1C0900  }
0xb1: {  	[dreg:$0x5] =	wrdreg $0x185500  }
0xb2: {  	[dreg:$0x6] =	wrdreg $0x9  }
0xb3: {  	_ =	task.clear_ibuf [dreg:s7], $0x7FFFF;
	_ =	strace $0x90000049  }
0xb4: {  	s29 =	simm.s32 $0x9;
	_ =	strace $0x8000004B  }
0xb5: {  	_ =	swait.ge [sflag:s29], $0x1  }
0xb6: {  	[sflag:s29] =	ssyncadd.s32 $0xFFFFFFFF  }
0xb7: {  	_ =	strace $0x9000004B  }
0xb8: {  	_ =	sfence  }
0xb9: {  	s30 =	sld [smem:$0x0];
	_ =	sdelay $0x2  }
0xba: {  	s31 =	sshll.u32 s1, $0xD;
	s1 =	sshrl.u32 s1, $0x2  }
0xbb: {  	s3 =	sand.u32 $0x4000, s31;
	s1 =	sadd.s32 s1, s30  }
0xbc: {  	s0 =	sor.u32 s3, s0;
	s1 =	sshll.u32 s1, $0x11  }
0xbd: {  	s0 =	sor.u32 s1, s0  }
0xbe: {  	s0 =	sadd.s32 $0x8F2B, s0  }
0xbf: {  	[sflag:s0] =	ssyncadd.remote.s32 $0x1  }
0xc0: {  	_ =	sfence.sel $0xFFFF  }
0xc1: {  	[dreg:$0x0] =	wrdreg $0xFFFFFFFF;
	(pc) =	sbr.abs _section_cstart, $3  }
0xc2: {  	[dreg:$0x1] =	wrdreg $0xFFFFFFFF  }
0xc3: {  	_ =	task.clear_ibuf [dreg:s7], $0x2FFFF;
	_ =	strace $0x9FFFFFFF  }
0xc4: {  	(tm) =	ssettm $0x7FFFFFFF  }
0xc5: {  	_ =	shalt  }
tec
execute0_lowered:
.L_overlay_start_1:
0x0: {  	(tag) =	ssettag $0x1  }
0x1: {  	s0 =	rddreg [dreg:$0x0]  }
0x2: {  	s1 =	rddreg [dreg:$0x1]  }
0x3: {  	s2 =	rddreg [dreg:$0x2];
	s6 =	stileid.u32  }
0x4: {  	s3 =	rddreg [dreg:$0x3];
	s4 =	smul.u32 $0x3B40, s6  }
0x5: {  	s5 =	srdreg.scid;
	s9 =	simm.s32 $0x0;
	s6 =	smul.u32 $0xA00, s6  }
0x6: {  	s5 =	sand.u32 $0x1, s5;
	[smem:$0x7FF] =	sst s9;
	s11 =	sadd.s32 $0x30A00, s0  }
0x7: {  	s8 =	smul.u32 $0x3B400, s5;
	s7 =	sshrl.u32 s4, $0x3;
	s10 =	sadd.s32 s6, s0  }
0x8: {  	s28 =	sadd.s32 $0x768, s4;
	s1 =	sadd.s32 s1, s6;
	s19 =	sadd.s32 $0xED0, s4  }
0x9: {  	s20 =	sadd.s32 $0x1638, s4;
	s13 =	sadd.s32 $0x1DA0, s4;
	s25 =	sadd.s32 $0x2508, s4  }
0xa: {  	s26 =	sadd.s32 $0x2C70, s4;
	s16 =	sadd.s32 $0x33D8, s4;
	s9 =	sadd.s32 s7, s0  }
0xb: {  	[dreg:$0x5] =	wrdreg s1;
	s17 =	sadd.s32 s11, s7;
	s18 =	sshrl.u32 s28, $0x3  }
0xc: {  	s21 =	sshrl.u32 s19, $0x3;
	[dreg:$0x6] =	wrdreg s17;
	s1 =	sadd.s32 s11, s18  }
0xd: {  	s22 =	sshrl.u32 s20, $0x3;
	s7 =	sadd.s32 s11, s21;
	[dreg:$0x7] =	wrdreg s1  }
0xe: {  	s14 =	sshrl.u32 s25, $0x3;
	s23 =	sadd.s32 s11, s22;
	[dreg:$0x8] =	wrdreg s7  }
0xf: {  	s15 =	sshrl.u32 s26, $0x3;
	s14 =	sadd.s32 s11, s14;
	[dreg:$0x9] =	wrdreg s23  }
0x10: {  	s24 =	sshrl.u32 s13, $0x3;
	s29 =	sadd.s32 s11, s15;
	[dreg:$0xb] =	wrdreg s14  }
0x11: {  	s30 =	sshrl.u32 s16, $0x3;
	s7 =	sadd.s32 s11, s24;
	[dreg:$0xc] =	wrdreg s29  }
0x12: {  	s31 =	sadd.s32 s4, s2;
	s11 =	sadd.s32 s11, s30;
	[dreg:$0xa] =	wrdreg s7  }
0x13: {  	s8 =	sadd.s32 s4, s8;
	s10 =	sadd.s32 $0x10400, s10;
	[dreg:$0xd] =	wrdreg s11  }
0x14: {  	s4 =	sadd.s32 s4, s3;
	_ =	strace $0x8000004A;
	[dreg:$0xe] =	wrdreg s10  }
0x15: {  	s11 =	sadd.s32 s28, s3;
	[dreg:$0xf] =	wrdreg s4  }
0x16: {  	s14 =	sadd.s32 s19, s3;
	[dreg:$0x11] =	wrdreg s11  }
0x17: {  	s5 =	ssub.s32 $0x2, s5;
	s1 =	sadd.s32 s19, s2;
	[dreg:$0x13] =	wrdreg s14  }
0x18: {  	s12 =	sshrl.u32 s5, $0x1;
	s15 =	sadd.s32 s20, s3;
	[dreg:$0x14] =	wrdreg s1  }
0x19: {  	s6 =	simm.s32 $0x4;
	s17 =	sadd.s32 s20, s2;
	[dreg:$0x15] =	wrdreg s15  }
0x1a: {  	s5 =	ssub.s32 s5, s12;
	s18 =	sadd.s32 s13, s3;
	[dreg:$0x16] =	wrdreg s17  }
0x1b: {  	s12 =	simm.s32 $0x3;
	s19 =	sadd.s32 s13, s2;
	[dreg:$0x17] =	wrdreg s18  }
0x1c: {  	s8 =	sshrl.u32 s8, $0x3;
	s20 =	sadd.s32 s25, s3;
	[dreg:$0x18] =	wrdreg s19  }
0x1d: {  	s21 =	sadd.s32 s25, s2;
	s22 =	sadd.s32 s26, s3;
	[dreg:$0x19] =	wrdreg s20  }
0x1e: {  	s0 =	sadd.s32 s8, s0;
	s23 =	sadd.s32 s26, s2;
	[dreg:$0x1a] =	wrdreg s21  }
0x1f: {  	s24 =	sadd.s32 s16, s3;
	s30 =	sadd.s32 s16, s2;
	[dreg:$0x1b] =	wrdreg s22  }
0x20: {  	s29 =	smax.u32 s5, $0x1;
	s5 =	simm.s32 $0x80;
	[dreg:$0x1c] =	wrdreg s23  }
0x21: {  	s8 =	simm.s32 $0x1;
	s25 =	sadd.s32 $0x1A400, s0;
	[dreg:$0x1d] =	wrdreg s24  }
0x22: {  	s13 =	simm.s32 $0xE800;
	s26 =	sadd.s32 $0x1400, s0;
	[dreg:$0x1f] =	wrdreg s25  }
0x23: {  	s16 =	simm.s32 $0xF400;
	s0 =	sadd.s32 $0x38200, s0;
	[smem:$0x7FB] =	sst s26  }
0x24: {  	s28 =	sadd.s32 s28, s2;
	s7 =	simm.s32 $0xC400;
	[smem:$0x7FC] =	sst s0  }
0x25: {  	s10 =	sadd.s32 $0x29200, s9;
	[smem:$0x7FD] =	sst s29;
	s0 =	simm.s32 $0x12  }
0x26: {  	s14 =	simm.s32 $0xA000;
	s17 =	simm.s32 $0xAC00;
	s4 =	simm.s32 $0xB800  }
0x27: {  	s9 =	simm.s32 $0xD000;
	s11 =	simm.s32 $0xDC00;
	s18 =	simm.s32 $0x5  }
0x28: {  	s19 =	simm.s32 $0x9;
	s20 =	simm.s32 $0x7;
	s21 =	simm.s32 $0xB  }
0x29: {  	s22 =	simm.s32 $0x8;
	s23 =	simm.s32 $0xC;
	[dreg:$0x12] =	wrdreg s28  }
0x2a: {  	s25 =	simm.s32 $0x10768;
	s26 =	simm.s32 $0x11;
	[dreg:$0x1e] =	wrdreg s30  }
0x2b: {  	s15 =	simm.s32 $0x0;
	[dreg:$0x10] =	wrdreg s10;
	s10 =	simm.s32 $0x2  }
.LBB2_1:
0x2c: {  	[smem:$0x7F6] =	sst s15  }
0x2d: {  	s15 =	simm.s32 $0x0;
	s1 =	rddreg [dreg:$0xe]  }
0x2e: {  	[tilespmem:s15], [sflag:$0x12] =	stream.linear.gather [hbm4b:s1+s15], $0x5000, $0x38;
	[tilespmem:$0x1FBD0] =	vst v63  }
0x2f: {  	_ =	swait.ge [sflag:s0], $0x5000  }
0x30: {  	[sflag:s0] =	ssyncset.done $0x0  }
0x31: {  	s24 =	simm.s32 $0x5000;
	s30 =	rddreg [dreg:$0x5];
	[sflag:s0] =	ssyncadd.s32 $0xFFFFB000  }
0x32: {  	[tilespmem:s24], [sflag:$0x12] =	stream.linear.gather [hbm4b:s30+s15], $0x5000, $0x38;
	[tilespmem:$0x1FBD0] =	vst v63  }
0x33: {  	s24 =	stileid.u32  }
0x34: {  	_ =	swait.ge [sflag:s0], $0x5000;
	s1 =	sshll.u32 s24, $0x6  }
0x35: {  	[smem:$0x7F7] =	sst s1  }
0x36: {  	s29 =	sshrl.u32 s31, $0x3;
	[sflag:s0] =	ssyncset.done $0x0;
	s28 =	rddreg [dreg:$0x1f]  }
0x37: {  	s24 =	sor.u32 $0x1C12, s1;
	[smem:$0x7F8] =	sst s29;
	[sflag:s0] =	ssyncadd.s32 $0xFFFFB000  }
0x38: {  	[spmem:s29], [sflag:s24] =	dma.local [hbm:s28], $0x768  }
0x39: {  	_ =	swait.ge [sflag:s0], $0x768  }
0x3a: {  	s30 =	rddreg [dreg:$0xf]  }
0x3b: {  	[smem:$0x7F9] =	sst s24  }
0x3c: {  	[sflag:s0] =	ssyncset.done $0x0;
	s28 =	sshrl.u32 s30, $0x3;
	s30 =	rddreg [dreg:$0x6]  }
0x3d: {  	[sflag:s0] =	ssyncadd.s32 $0xFFFFF898;
	[smem:$0x7FA] =	sst s28  }
0x3e: {  	[spmem:s28], [sflag:s24] =	dma.local [hbm:s30], $0x768  }
0x3f: {  	_ =	swait.ge [sflag:s0], $0x768  }
0x40: {  	s24 =	sld [smem:$0x7FB]  }
0x41: {  	[sflag:s0] =	ssyncset.done $0x0  }
0x42: {  	s28 =	simm.s32 $0x10ED0;
	[sflag:s0] =	ssyncadd.s32 $0xFFFFF898  }
0x43: {  	[tilespmem:s28], [sflag:$0x12] =	stream.linear.gather [hbm4b:s24+s15], $0x3B40, $0x38;
	[tilespmem:$0x1FBD0] =	vst v63  }
0x44: {  	_ =	swait.ge [sflag:s0], $0x3B40  }
0x45: {  	[sflag:s0] =	ssyncset.done $0x0  }
0x46: {  	s30 =	simm.s32 $0x14A10;
	s29 =	rddreg [dreg:$0x10];
	[sflag:s0] =	ssyncadd.s32 $0xFFFFC4C0  }
0x47: {  	[tilespmem:s30], [sflag:$0x12] =	stream.linear.gather [hbm4b:s29+s15], $0x3B40, $0x38;
	[tilespmem:$0x1FBD0] =	vst v63  }
0x48: {  	_ =	swait.ge [sflag:s0], $0x3B40  }
0x49: {  	[sflag:s0] =	ssyncset.done $0x0  }
0x4a: {  	[sflag:s0] =	ssyncadd.s32 $0xFFFFC4C0  }
0x4b: {  	s1 =	simm.s32 $0x0;
	[bflag:$0x0] =	sbarrier.arrive $0xFFFF  }
.LBB2_2:
0x4c: {  	s15 =	simm.s32 $0x0  }
0x4d: {  	[tilespmem:s14], [sflag:$0x1] =	stream.indirect.gather [spmem:s2], $0x18, s15, s5, $0xb8;
	[tilespmem:$0x1FBD0] =	vst v63  }
0x4e: {  	_ = 	snop  }
0x4f: {  	[tilespmem:s17], [sflag:$0x2] =	stream.indirect.gather [spmem:s2], $0x18, s5, s5, $0xb8;
	[tilespmem:$0x1FBD0] =	vst v63  }
0x50: {  	s30 =	simm.s32 $0x100  }
0x51: {  	[tilespmem:s4], [sflag:$0x3] =	stream.indirect.gather [spmem:s2], $0x18, s30, s5, $0xb8;
	[tilespmem:$0x1FBD0] =	vst v63  }
0x52: {  	[smem:$0x7F5] =	sst s1;
	s28 =	smov.u32 s31;
	s31 =	simm.s32 $0x180  }
0x53: {  	[tilespmem:s7], [sflag:$0x4] =	stream.indirect.gather [spmem:s2], $0x18, s31, s5, $0xb8;
	[tilespmem:$0x1FBD0] =	vst v63  }
.LBB2_3:
0x54: {  	_ =	swait.ge [sflag:s8], $0xC00  }
0x55: {  	s29 =	sshra.s32 s15, $0x2;
	[sflag:s8] =	ssyncset.done $0x0  }
0x56: {  	p0 =	seq.s32 s15, $0x0;
	s30 =	sadd.s32 $0x5000, s29;
	[sflag:s8] =	ssyncadd.s32 $0xFFFFF400  }
0x57: {  	[spmem:s3] =	stream.indirect.scatter.add.f32 [tilespmem:s14], [sflag:$0x9], $0x18, s30, s5, $0xb8;
	[tilespmem:$0x1FBD0] =	vst v63  }
0x58: {  	s30 =	simm.s32 @!p0 $0xD  }
0x59: {  	_ =	swait.ge @!p0 [sflag:s30], $0xC00  }
0x5a: {  	[sflag:s30] =	ssyncset.done @!p0 $0x0  }
0x5b: {  	[sflag:s30] =	ssyncadd.s32 @!p0 $0xFFFFF400;
	s30 =	sadd.s32 $0x200, s29  }
0x5c: {  	[tilespmem:s9], [sflag:$0x5] =	stream.indirect.gather [spmem:s2], $0x18, s30, s5, $0xb8;
	[tilespmem:$0x1FBD0] =	vst v63  }
0x5d: {  	_ =	swait.ge [sflag:s10], $0xC00  }
0x5e: {  	[sflag:s10] =	ssyncset.done $0x0  }
0x5f: {  	s30 =	sadd.s32 $0x5080, s29;
	[sflag:s10] =	ssyncadd.s32 $0xFFFFF400  }
0x60: {  	[spmem:s3] =	stream.indirect.scatter.add.f32 [tilespmem:s17], [sflag:$0xA], $0x18, s30, s5, $0xb8;
	[tilespmem:$0x1FBD0] =	vst v63  }
0x61: {  	s30 =	simm.s32 @!p0 $0xE  }
0x62: {  	_ =	swait.ge @!p0 [sflag:s30], $0xC00  }
0x63: {  	[sflag:s30] =	ssyncset.done @!p0 $0x0  }
0x64: {  	[sflag:s30] =	ssyncadd.s32 @!p0 $0xFFFFF400;
	s30 =	sadd.s32 $0x280, s29  }
0x65: {  	[tilespmem:s11], [sflag:$0x6] =	stream.indirect.gather [spmem:s2], $0x18, s30, s5, $0xb8;
	[tilespmem:$0x1FBD0] =	vst v63  }
0x66: {  	_ =	swait.ge [sflag:s12], $0xC00  }
0x67: {  	[sflag:s12] =	ssyncset.done $0x0  }
0x68: {  	s30 =	sadd.s32 $0x5100, s29;
	[sflag:s12] =	ssyncadd.s32 $0xFFFFF400  }
0x69: {  	[spmem:s3] =	stream.indirect.scatter.add.f32 [tilespmem:s4], [sflag:$0xB], $0x18, s30, s5, $0xb8;
	[tilespmem:$0x1FBD0] =	vst v63  }
0x6a: {  	s30 =	simm.s32 @!p0 $0xF  }
0x6b: {  	_ =	swait.ge @!p0 [sflag:s30], $0xC00  }
0x6c: {  	[sflag:s30] =	ssyncset.done @!p0 $0x0  }
0x6d: {  	[sflag:s30] =	ssyncadd.s32 @!p0 $0xFFFFF400;
	s30 =	sadd.s32 $0x300, s29  }
0x6e: {  	[tilespmem:s13], [sflag:$0x7] =	stream.indirect.gather [spmem:s2], $0x18, s30, s5, $0xb8;
	[tilespmem:$0x1FBD0] =	vst v63  }
0x6f: {  	_ =	swait.ge [sflag:s6], $0xC00  }
0x70: {  	[sflag:s6] =	ssyncset.done $0x0  }
0x71: {  	s30 =	sadd.s32 $0x5180, s29;
	[sflag:s6] =	ssyncadd.s32 $0xFFFFF400  }
0x72: {  	[spmem:s3] =	stream.indirect.scatter.add.f32 [tilespmem:s7], [sflag:$0xC], $0x18, s30, s5, $0xb8;
	[tilespmem:$0x1FBD0] =	vst v63  }
0x73: {  	s30 =	simm.s32 @!p0 $0x10  }
0x74: {  	_ =	swait.ge @!p0 [sflag:s30], $0xC00  }
0x75: {  	[sflag:s30] =	ssyncset.done @!p0 $0x0  }
0x76: {  	[sflag:s30] =	ssyncadd.s32 @!p0 $0xFFFFF400;
	s30 =	sadd.s32 $0x380, s29  }
0x77: {  	[tilespmem:s16], [sflag:$0x8] =	stream.indirect.gather [spmem:s2], $0x18, s30, s5, $0xb8;
	[tilespmem:$0x1FBD0] =	vst v63  }
0x78: {  	_ =	swait.ge [sflag:s18], $0xC00  }
0x79: {  	[sflag:s18] =	ssyncset.done $0x0  }
0x7a: {  	s30 =	sadd.s32 $0x5200, s29;
	[sflag:s18] =	ssyncadd.s32 $0xFFFFF400  }
0x7b: {  	[spmem:s3] =	stream.indirect.scatter.add.f32 [tilespmem:s9], [sflag:$0xD], $0x18, s30, s5, $0xb8;
	[tilespmem:$0x1FBD0] =	vst v63  }
0x7c: {  	_ =	swait.ge [sflag:s19], $0xC00  }
0x7d: {  	p0 =	seq.s32 s15, $0x13000;
	[sflag:s19] =	ssyncset.done $0x0  }
0x7e: {  	s30 =	simm.s32 @p0 $0x6;
	[sflag:s19] =	ssyncadd.s32 $0xFFFFF400  }
0x7f: {  	_ =	swait.ge @p0 [sflag:s30], $0xC00  }
0x80: {  	[sflag:s30] =	ssyncset.done @p0 $0x0  }
0x81: {  	[sflag:s30] =	ssyncadd.s32 @p0 $0xFFFFF400;
	s30 =	sshra.s32 @p0 s15, $0x2  }
0x82: {  	s31 =	simm.s32 @p0 $0x80;
	s1 =	simm.s32 @p0 $0xDC00;
	s30 =	sadd.s32 @p0 $0x5280, s30  }
0x83: {  	[spmem:s3] =	stream.indirect.scatter.add.f32 @p0 [tilespmem:s1], [sflag:$0xE], $0x18, s30, s31, $0xb8;
	[tilespmem:$0x1FBD0] =	vst v63  }
0x84: {  	s1 =	simm.s32 @p0 $0xA  }
0x85: {  	_ =	swait.ge @p0 [sflag:s1], $0xC00  }
0x86: {  	[sflag:s1] =	ssyncset.done @p0 $0x0  }
0x87: {  	[sflag:s1] =	ssyncadd.s32 @p0 $0xFFFFF400;
	s1 =	sshra.s32 @!p0 s15, $0x2  }
0x88: {  	s24 =	simm.s32 @!p0 $0xA000;
	s31 =	simm.s32 @!p0 $0x80;
	s30 =	sadd.s32 @!p0 $0x400, s1  }
0x89: {  	[tilespmem:s24], [sflag:$0x1] =	stream.indirect.gather @!p0 [spmem:s2], $0x18, s30, s31, $0xb8;
	[tilespmem:$0x1FBD0] =	vst v63  }
0x8a: {  	s24 =	simm.s32 @!p0 $0x6  }
0x8b: {  	_ =	swait.ge @!p0 [sflag:s24], $0xC00  }
0x8c: {  	[sflag:s24] =	ssyncset.done @!p0 $0x0  }
0x8d: {  	s30 =	simm.s32 @!p0 $0xDC00;
	[sflag:s24] =	ssyncadd.s32 @!p0 $0xFFFFF400;
	s24 =	sadd.s32 @!p0 $0x5280, s1  }
0x8e: {  	[spmem:s3] =	stream.indirect.scatter.add.f32 @!p0 [tilespmem:s30], [sflag:$0xE], $0x18, s24, s31, $0xb8;
	[tilespmem:$0x1FBD0] =	vst v63  }
0x8f: {  	s24 =	simm.s32 @!p0 $0xA  }
0x90: {  	_ =	swait.ge @!p0 [sflag:s24], $0xC00  }
0x91: {  	[sflag:s24] =	ssyncset.done @!p0 $0x0  }
0x92: {  	s1 =	sadd.s32 @!p0 $0x480, s1;
	[sflag:s24] =	ssyncadd.s32 @!p0 $0xFFFFF400;
	s24 =	simm.s32 @!p0 $0xAC00  }
0x93: {  	[tilespmem:s24], [sflag:$0x2] =	stream.indirect.gather @!p0 [spmem:s2], $0x18, s1, s31, $0xb8;
	[tilespmem:$0x1FBD0] =	vst v63  }
0x94: {  	_ =	swait.ge [sflag:s20], $0xC00  }
0x95: {  	[sflag:s20] =	ssyncset.done $0x0  }
.Ltmp0:
0x96: {  	s31 =	sadd.s32 $0x5300, s29;
	[sflag:s20] =	ssyncadd.s32 $0xFFFFF400;
	(pc) =	sbr.rel @p0 .LBB2_5-.Ltmp0, $4  }
0x97: {  	[spmem:s3] =	stream.indirect.scatter.add.f32 [tilespmem:s13], [sflag:$0xF], $0x18, s31, s5, $0xb8;
	[tilespmem:$0x1FBD0] =	vst v63  }
0x98: {  	_ =	swait.ge [sflag:s21], $0xC00  }
0x99: {  	[sflag:s21] =	ssyncset.done $0x0  }
0x9a: {  	s30 =	sadd.s32 $0x5380, s29;
	[sflag:s21] =	ssyncadd.s32 $0xFFFFF400  }
0x9b: {  	s1 =	sadd.s32 $0x500, s29  }
0x9c: {  	[tilespmem:s4], [sflag:$0x3] =	stream.indirect.gather [spmem:s2], $0x18, s1, s5, $0xb8;
	[tilespmem:$0x1FBD0] =	vst v63  }
0x9d: {  	_ =	swait.ge [sflag:s22], $0xC00  }
0x9e: {  	[sflag:s22] =	ssyncset.done $0x0  }
0x9f: {  	[sflag:s22] =	ssyncadd.s32 $0xFFFFF400  }
0xa0: {  	[spmem:s3] =	stream.indirect.scatter.add.f32 [tilespmem:s16], [sflag:$0x10], $0x18, s30, s5, $0xb8;
	[tilespmem:$0x1FBD0] =	vst v63  }
.Ltmp1:
0xa1: {  	_ = 	snop;
	(pc) =	sbr.rel .LBB2_3-.Ltmp1, $4  }
0xa2: {  	_ =	swait.ge [sflag:s23], $0xC00  }
0xa3: {  	[sflag:s23] =	ssyncset.done $0x0  }
0xa4: {  	s31 =	sadd.s32 $0x580, s29;
	s15 =	sadd.s32 $0x1000, s15;
	[sflag:s23] =	ssyncadd.s32 $0xFFFFF400  }
0xa5: {  	[tilespmem:s7], [sflag:$0x4] =	stream.indirect.gather [spmem:s2], $0x18, s31, s5, $0xb8;
	[tilespmem:$0x1FBD0] =	vst v63  }
.LBB2_5:
0xa6: {  	_ =	swait.ge [sflag:s22], $0xC00  }
0xa7: {  	[sflag:s22] =	ssyncset.done $0x0  }
0xa8: {  	[sflag:s22] =	ssyncadd.s32 $0xFFFFF400  }
0xa9: {  	[spmem:s3] =	stream.indirect.scatter.add.f32 [tilespmem:s16], [sflag:$0x10], $0x18, s30, s5, $0xb8;
	[tilespmem:$0x1FBD0] =	vst v63  }
0xaa: {  	_ =	swait.ge [sflag:s23], $0xC00  }
0xab: {  	[sflag:s23] =	ssyncset.done $0x0  }
0xac: {  	s1 =	simm.s32 $0xD;
	[sflag:s23] =	ssyncadd.s32 $0xFFFFF400  }
0xad: {  	_ =	swait.ge [sflag:s1], $0xC00  }
0xae: {  	[sflag:s1] =	ssyncset.done $0x0  }
0xaf: {  	s15 =	simm.s32 $0xE;
	[sflag:s1] =	ssyncadd.s32 $0xFFFFF400  }
0xb0: {  	_ =	swait.ge [sflag:s15], $0xC00  }
0xb1: {  	[sflag:s15] =	ssyncset.done $0x0  }
0xb2: {  	s24 =	simm.s32 $0xF;
	[sflag:s15] =	ssyncadd.s32 $0xFFFFF400  }
0xb3: {  	_ =	swait.ge [sflag:s24], $0xC00  }
0xb4: {  	[sflag:s24] =	ssyncset.done $0x0  }
0xb5: {  	s15 =	simm.s32 $0x10;
	[sflag:s24] =	ssyncadd.s32 $0xFFFFF400  }
0xb6: {  	_ =	swait.ge [sflag:s15], $0xC00  }
0xb7: {  	[sflag:s15] =	ssyncset.done $0x0  }
0xb8: {  	[sflag:s15] =	ssyncadd.s32 $0xFFFFF400  }
0xb9: {  	[bflag:$0x0] =	sbarrier.arrive $0xFFFF  }
0xba: {  	s15 =	simm.s32 $0x10000;
	s24 =	rddreg [dreg:$0xf]  }
0xbb: {  	[tilespmem:s15], [sflag:$0x12] =	stream.linear.gather [spmem:s24], $0x768, $0x38;
	[tilespmem:$0x1FBD0] =	vst v63  }
0xbc: {  	_ =	swait.ge [sflag:s0], $0x768  }
0xbd: {  	[sflag:s0] =	ssyncset.done $0x0  }
0xbe: {  	[sflag:s0] =	ssyncadd.s32 $0xFFFFF898  }
0xbf: {  	[tilespmem:s25], [sflag:$0x12] =	stream.linear.gather [spmem:s28], $0x768, $0x38;
	[tilespmem:$0x1FBD0] =	vst v63  }
0xc0: {  	_ =	swait.ge [sflag:s0], $0x768  }
0xc1: {  	s24 =	sld [smem:$0x7F7];
	_ =	sdelay $0x2  }
0xc2: {  	s15 =	sor.u32 $0x1C11, s24;
	s24 =	sld [smem:$0x7FA]  }
0xc3: {  	s31 =	smov.u32 s28;
	[sflag:s0] =	ssyncset.done $0x0  }
0xc4: {  	s29 =	simm.s32 $0x0;
	s28 =	rddreg [dreg:$0x6];
	[sflag:s0] =	ssyncadd.s32 $0xFFFFF898  }
0xc5: {  	[spmem:s24], [sflag:s15] =	dma.local [hbm:s28], $0xED  }
0xc6: {  	v1 =	vld [tilespmem:s29+$0x10000]  }
0xc7: {  	v0 =	vld [tilespmem:s29+$0x10008]  }
0xc8: {  	s30 =	simm.s32 $0x60;
	v2 =	vld [tilespmem:s29+$0x10768]  }
.LBB2_6:
0xc9: {  	p0 =	sne.s32 s30, $0x1D40;
	v3 =	vld [tilespmem:s29+$0x10770]  }
0xca: {  	v4 =	vld [tilespmem:s29+$0x14A10]  }
0xcb: {  	v5 =	vld [tilespmem:s29+$0x14A18]  }
0xcc: {  	v6 =	vld [tilespmem:s29+$0x10ED0]  }
0xcd: {  	v1 =	vadd.f32 v2, v1;
	v2 =	vld [tilespmem:s29+$0x10ED8]  }
0xce: {  	v0 =	vadd.f32 v3, v0  }
0xcf: {  	v1 =	vmul.f32 v1, v4  }
0xd0: {  	v0 =	vmul.f32 v0, v5  }
.Ltmp2:
0xd1: {  	v3 =	vadd.f32 v1, v6;
	(pc) =	sbr.rel @p0 .LBB2_6-.Ltmp2, $4  }
0xd2: {  	s1 =	sshra.s32 s30, $0x2;
	v2 =	vadd.f32 v0, v2  }
0xd3: {  	v1 =	vld [tilespmem:s1+$0x10000];
	[tilespmem:s29+$0x10768] =	vst v3  }
0xd4: {  	v0 =	vld [tilespmem:s1+$0x10008];
	[tilespmem:s29+$0x10770] =	vst v2;
	s29 =	smov.u32 s1  }
0xd5: {  	s30 =	sadd.s32 $0x60, s30;
	v2 =	vld [tilespmem:s29+$0x10768]  }
0xd6: {  	v3 =	vld [tilespmem:s29+$0x10770]  }
0xd7: {  	v4 =	vld [tilespmem:s29+$0x14A10]  }
0xd8: {  	v5 =	vld [tilespmem:s29+$0x14A18]  }
0xd9: {  	v6 =	vld [tilespmem:s29+$0x10ED0]  }
0xda: {  	v1 =	vadd.f32 v2, v1;
	v2 =	vld [tilespmem:s29+$0x10ED8]  }
0xdb: {  	v0 =	vadd.f32 v3, v0  }
0xdc: {  	v1 =	vmul.f32 v1, v4  }
0xdd: {  	v0 =	vmul.f32 v0, v5  }
0xde: {  	v1 =	vadd.f32 v1, v6  }
0xdf: {  	v0 =	vadd.f32 v0, v2  }
0xe0: {  	[tilespmem:s29+$0x10768] =	vst v1  }
0xe1: {  	[tilespmem:s29+$0x10770] =	vst v0  }
0xe2: {  	[spmem:s31] =	stream.linear.scatter [tilespmem:s25], [sflag:$0x12], $0x768, $0x38;
	[tilespmem:$0x1FBD0] =	vst v63  }
0xe3: {  	_ =	swait.ge [sflag:s0], $0x768  }
0xe4: {  	[sflag:s0] =	ssyncset.done $0x0  }
0xe5: {  	s24 =	simm.s32 $0x10000;
	s1 =	rddreg [dreg:$0x11];
	[sflag:s0] =	ssyncadd.s32 $0xFFFFF898  }
0xe6: {  	[tilespmem:s24], [sflag:$0x12] =	stream.linear.gather [spmem:s1], $0x768, $0x38;
	[tilespmem:$0x1FBD0] =	vst v63  }
0xe7: {  	_ =	swait.ge [sflag:s0], $0x768  }
0xe8: {  	[sflag:s0] =	ssyncset.done $0x0  }
0xe9: {  	s28 =	rddreg [dreg:$0x12];
	[sflag:s0] =	ssyncadd.s32 $0xFFFFF898  }
0xea: {  	[tilespmem:s25], [sflag:$0x12] =	stream.linear.gather [spmem:s28], $0x768, $0x38;
	[tilespmem:$0x1FBD0] =	vst v63  }
0xeb: {  	_ =	swait.ge [sflag:s0], $0x768  }
0xec: {  	s29 =	simm.s32 $0x0;
	[sflag:s0] =	ssyncset.done $0x0  }
0xed: {  	s1 =	sshrl.u32 s1, $0x3;
	s24 =	rddreg [dreg:$0x7];
	[sflag:s0] =	ssyncadd.s32 $0xFFFFF898  }
0xee: {  	[spmem:s1], [sflag:s15] =	dma.local [hbm:s24], $0xED  }
0xef: {  	v1 =	vld [tilespmem:s29+$0x10000]  }
0xf0: {  	v0 =	vld [tilespmem:s29+$0x10008]  }
0xf1: {  	s30 =	simm.s32 $0x60;
	v2 =	vld [tilespmem:s29+$0x10768]  }
.LBB2_8:
0xf2: {  	p0 =	sne.s32 s30, $0x1D40;
	v3 =	vld [tilespmem:s29+$0x10770]  }
0xf3: {  	v4 =	vld [tilespmem:s29+$0x15178]  }
0xf4: {  	v5 =	vld [tilespmem:s29+$0x15180]  }
0xf5: {  	v6 =	vld [tilespmem:s29+$0x11638]  }
0xf6: {  	v1 =	vadd.f32 v2, v1;
	v2 =	vld [tilespmem:s29+$0x11640]  }
0xf7: {  	v0 =	vadd.f32 v3, v0  }
0xf8: {  	v1 =	vmul.f32 v1, v4  }
0xf9: {  	v0 =	vmul.f32 v0, v5  }
.Ltmp3:
0xfa: {  	v3 =	vadd.f32 v1, v6;
	(pc) =	sbr.rel @p0 .LBB2_8-.Ltmp3, $4  }
0xfb: {  	s1 =	sshra.s32 s30, $0x2;
	v2 =	vadd.f32 v0, v2  }
0xfc: {  	v1 =	vld [tilespmem:s1+$0x10000];
	[tilespmem:s29+$0x10768] =	vst v3  }
0xfd: {  	v0 =	vld [tilespmem:s1+$0x10008];
	[tilespmem:s29+$0x10770] =	vst v2;
	s29 =	smov.u32 s1  }
0xfe: {  	s30 =	sadd.s32 $0x60, s30;
	v2 =	vld [tilespmem:s29+$0x10768]  }
0xff: {  	v3 =	vld [tilespmem:s29+$0x10770]  }
0x100: {  	v4 =	vld [tilespmem:s29+$0x15178]  }
0x101: {  	v5 =	vld [tilespmem:s29+$0x15180]  }
0x102: {  	v6 =	vld [tilespmem:s29+$0x11638]  }
0x103: {  	v1 =	vadd.f32 v2, v1;
	v2 =	vld [tilespmem:s29+$0x11640]  }
0x104: {  	v0 =	vadd.f32 v3, v0  }
0x105: {  	v1 =	vmul.f32 v1, v4  }
0x106: {  	v0 =	vmul.f32 v0, v5  }
0x107: {  	v1 =	vadd.f32 v1, v6  }
0x108: {  	v0 =	vadd.f32 v0, v2  }
0x109: {  	[tilespmem:s29+$0x10768] =	vst v1  }
0x10a: {  	[tilespmem:s29+$0x10770] =	vst v0  }
0x10b: {  	[spmem:s28] =	stream.linear.scatter [tilespmem:s25], [sflag:$0x12], $0x768, $0x38;
	[tilespmem:$0x1FBD0] =	vst v63  }
0x10c: {  	_ =	swait.ge [sflag:s0], $0x768  }
0x10d: {  	[sflag:s0] =	ssyncset.done $0x0  }
0x10e: {  	s24 =	simm.s32 $0x10000;
	s1 =	rddreg [dreg:$0x13];
	[sflag:s0] =	ssyncadd.s32 $0xFFFFF898  }
0x10f: {  	[tilespmem:s24], [sflag:$0x12] =	stream.linear.gather [spmem:s1], $0x768, $0x38;
	[tilespmem:$0x1FBD0] =	vst v63  }
0x110: {  	_ =	swait.ge [sflag:s0], $0x768  }
0x111: {  	[sflag:s0] =	ssyncset.done $0x0  }
0x112: {  	s28 =	rddreg [dreg:$0x14];
	[sflag:s0] =	ssyncadd.s32 $0xFFFFF898  }
0x113: {  	[tilespmem:s25], [sflag:$0x12] =	stream.linear.gather [spmem:s28], $0x768, $0x38;
	[tilespmem:$0x1FBD0] =	vst v63  }
0x114: {  	_ =	swait.ge [sflag:s0], $0x768  }
0x115: {  	s29 =	simm.s32 $0x0;
	[sflag:s0] =	ssyncset.done $0x0  }
0x116: {  	s1 =	sshrl.u32 s1, $0x3;
	s28 =	rddreg [dreg:$0x8];
	[sflag:s0] =	ssyncadd.s32 $0xFFFFF898  }
0x117: {  	[spmem:s1], [sflag:s15] =	dma.local [hbm:s28], $0xED  }
0x118: {  	v1 =	vld [tilespmem:s29+$0x10000]  }
0x119: {  	v0 =	vld [tilespmem:s29+$0x10008]  }
0x11a: {  	s30 =	simm.s32 $0x60;
	v2 =	vld [tilespmem:s29+$0x10768]  }
.LBB2_10:
0x11b: {  	p0 =	sne.s32 s30, $0x1D40;
	v3 =	vld [tilespmem:s29+$0x10770]  }
0x11c: {  	v4 =	vld [tilespmem:s29+$0x158E0]  }
0x11d: {  	v5 =	vld [tilespmem:s29+$0x158E8]  }
0x11e: {  	v6 =	vld [tilespmem:s29+$0x11DA0]  }
0x11f: {  	v1 =	vadd.f32 v2, v1;
	v2 =	vld [tilespmem:s29+$0x11DA8]  }
0x120: {  	v0 =	vadd.f32 v3, v0  }
0x121: {  	v1 =	vmul.f32 v1, v4  }
0x122: {  	v0 =	vmul.f32 v0, v5  }
.Ltmp4:
0x123: {  	v3 =	vadd.f32 v1, v6;
	(pc) =	sbr.rel @p0 .LBB2_10-.Ltmp4, $4  }
0x124: {  	s1 =	sshra.s32 s30, $0x2;
	v2 =	vadd.f32 v0, v2  }
0x125: {  	v1 =	vld [tilespmem:s1+$0x10000];
	[tilespmem:s29+$0x10768] =	vst v3  }
0x126: {  	v0 =	vld [tilespmem:s1+$0x10008];
	[tilespmem:s29+$0x10770] =	vst v2;
	s29 =	smov.u32 s1  }
0x127: {  	s30 =	sadd.s32 $0x60, s30;
	v2 =	vld [tilespmem:s29+$0x10768]  }
0x128: {  	v3 =	vld [tilespmem:s29+$0x10770]  }
0x129: {  	v4 =	vld [tilespmem:s29+$0x158E0]  }
0x12a: {  	v5 =	vld [tilespmem:s29+$0x158E8]  }
0x12b: {  	v6 =	vld [tilespmem:s29+$0x11DA0]  }
0x12c: {  	v1 =	vadd.f32 v2, v1;
	v2 =	vld [tilespmem:s29+$0x11DA8]  }
0x12d: {  	v0 =	vadd.f32 v3, v0  }
0x12e: {  	v1 =	vmul.f32 v1, v4  }
0x12f: {  	v0 =	vmul.f32 v0, v5  }
0x130: {  	v1 =	vadd.f32 v1, v6  }
0x131: {  	v0 =	vadd.f32 v0, v2  }
0x132: {  	[tilespmem:s29+$0x10768] =	vst v1  }
0x133: {  	s1 =	rddreg [dreg:$0x14];
	[tilespmem:s29+$0x10770] =	vst v0  }
0x134: {  	[spmem:s1] =	stream.linear.scatter [tilespmem:s25], [sflag:$0x12], $0x768, $0x38;
	[tilespmem:$0x1FBD0] =	vst v63  }
0x135: {  	_ =	swait.ge [sflag:s0], $0x768  }
0x136: {  	[sflag:s0] =	ssyncset.done $0x0  }
0x137: {  	s24 =	simm.s32 $0x10000;
	s1 =	rddreg [dreg:$0x15];
	[sflag:s0] =	ssyncadd.s32 $0xFFFFF898  }
0x138: {  	[tilespmem:s24], [sflag:$0x12] =	stream.linear.gather [spmem:s1], $0x768, $0x38;
	[tilespmem:$0x1FBD0] =	vst v63  }
0x139: {  	_ =	swait.ge [sflag:s0], $0x768  }
0x13a: {  	[sflag:s0] =	ssyncset.done $0x0  }
0x13b: {  	s28 =	rddreg [dreg:$0x16];
	[sflag:s0] =	ssyncadd.s32 $0xFFFFF898  }
0x13c: {  	[tilespmem:s25], [sflag:$0x12] =	stream.linear.gather [spmem:s28], $0x768, $0x38;
	[tilespmem:$0x1FBD0] =	vst v63  }
0x13d: {  	_ =	swait.ge [sflag:s0], $0x768  }
0x13e: {  	s29 =	simm.s32 $0x0;
	[sflag:s0] =	ssyncset.done $0x0  }
0x13f: {  	s1 =	sshrl.u32 s1, $0x3;
	s28 =	rddreg [dreg:$0x9];
	[sflag:s0] =	ssyncadd.s32 $0xFFFFF898  }
0x140: {  	[spmem:s1], [sflag:s15] =	dma.local [hbm:s28], $0xED  }
0x141: {  	v1 =	vld [tilespmem:s29+$0x10000]  }
0x142: {  	v0 =	vld [tilespmem:s29+$0x10008]  }
0x143: {  	s30 =	simm.s32 $0x60;
	v2 =	vld [tilespmem:s29+$0x10768]  }
.LBB2_12:
0x144: {  	p0 =	sne.s32 s30, $0x1D40;
	v3 =	vld [tilespmem:s29+$0x10770]  }
0x145: {  	v4 =	vld [tilespmem:s29+$0x16048]  }
0x146: {  	v5 =	vld [tilespmem:s29+$0x16050]  }
0x147: {  	v6 =	vld [tilespmem:s29+$0x12508]  }
0x148: {  	v1 =	vadd.f32 v2, v1;
	v2 =	vld [tilespmem:s29+$0x12510]  }
0x149: {  	v0 =	vadd.f32 v3, v0  }
0x14a: {  	v1 =	vmul.f32 v1, v4  }
0x14b: {  	v0 =	vmul.f32 v0, v5  }
.Ltmp5:
0x14c: {  	v3 =	vadd.f32 v1, v6;
	(pc) =	sbr.rel @p0 .LBB2_12-.Ltmp5, $4  }
0x14d: {  	s1 =	sshra.s32 s30, $0x2;
	v2 =	vadd.f32 v0, v2  }
0x14e: {  	v1 =	vld [tilespmem:s1+$0x10000];
	[tilespmem:s29+$0x10768] =	vst v3  }
0x14f: {  	v0 =	vld [tilespmem:s1+$0x10008];
	[tilespmem:s29+$0x10770] =	vst v2;
	s29 =	smov.u32 s1  }
0x150: {  	s30 =	sadd.s32 $0x60, s30;
	v2 =	vld [tilespmem:s29+$0x10768]  }
0x151: {  	v3 =	vld [tilespmem:s29+$0x10770]  }
0x152: {  	v4 =	vld [tilespmem:s29+$0x16048]  }
0x153: {  	v5 =	vld [tilespmem:s29+$0x16050]  }
0x154: {  	v6 =	vld [tilespmem:s29+$0x12508]  }
0x155: {  	v1 =	vadd.f32 v2, v1;
	v2 =	vld [tilespmem:s29+$0x12510]  }
0x156: {  	v0 =	vadd.f32 v3, v0  }
0x157: {  	v1 =	vmul.f32 v1, v4  }
0x158: {  	v0 =	vmul.f32 v0, v5  }
0x159: {  	v1 =	vadd.f32 v1, v6  }
0x15a: {  	v0 =	vadd.f32 v0, v2  }
0x15b: {  	[tilespmem:s29+$0x10768] =	vst v1  }
0x15c: {  	s1 =	rddreg [dreg:$0x16];
	[tilespmem:s29+$0x10770] =	vst v0  }
0x15d: {  	[spmem:s1] =	stream.linear.scatter [tilespmem:s25], [sflag:$0x12], $0x768, $0x38;
	[tilespmem:$0x1FBD0] =	vst v63  }
0x15e: {  	_ =	swait.ge [sflag:s0], $0x768  }
0x15f: {  	[sflag:s0] =	ssyncset.done $0x0  }
0x160: {  	s24 =	simm.s32 $0x10000;
	s1 =	rddreg [dreg:$0x17];
	[sflag:s0] =	ssyncadd.s32 $0xFFFFF898  }
0x161: {  	[tilespmem:s24], [sflag:$0x12] =	stream.linear.gather [spmem:s1], $0x768, $0x38;
	[tilespmem:$0x1FBD0] =	vst v63  }
0x162: {  	_ =	swait.ge [sflag:s0], $0x768  }
0x163: {  	[sflag:s0] =	ssyncset.done $0x0  }
0x164: {  	s28 =	rddreg [dreg:$0x18];
	[sflag:s0] =	ssyncadd.s32 $0xFFFFF898  }
0x165: {  	[tilespmem:s25], [sflag:$0x12] =	stream.linear.gather [spmem:s28], $0x768, $0x38;
	[tilespmem:$0x1FBD0] =	vst v63  }
0x166: {  	_ =	swait.ge [sflag:s0], $0x768  }
0x167: {  	s29 =	simm.s32 $0x0;
	[sflag:s0] =	ssyncset.done $0x0  }
0x168: {  	s1 =	sshrl.u32 s1, $0x3;
	s28 =	rddreg [dreg:$0xa];
	[sflag:s0] =	ssyncadd.s32 $0xFFFFF898  }
0x169: {  	[spmem:s1], [sflag:s15] =	dma.local [hbm:s28], $0xED  }
0x16a: {  	v1 =	vld [tilespmem:s29+$0x10000]  }
0x16b: {  	v0 =	vld [tilespmem:s29+$0x10008]  }
0x16c: {  	s30 =	simm.s32 $0x60;
	v2 =	vld [tilespmem:s29+$0x10768]  }
.LBB2_14:
0x16d: {  	p0 =	sne.s32 s30, $0x1D40;
	v3 =	vld [tilespmem:s29+$0x10770]  }
0x16e: {  	v4 =	vld [tilespmem:s29+$0x167B0]  }
0x16f: {  	v5 =	vld [tilespmem:s29+$0x167B8]  }
0x170: {  	v6 =	vld [tilespmem:s29+$0x12C70]  }
0x171: {  	v1 =	vadd.f32 v2, v1;
	v2 =	vld [tilespmem:s29+$0x12C78]  }
0x172: {  	v0 =	vadd.f32 v3, v0  }
0x173: {  	v1 =	vmul.f32 v1, v4  }
0x174: {  	v0 =	vmul.f32 v0, v5  }
.Ltmp6:
0x175: {  	v3 =	vadd.f32 v1, v6;
	(pc) =	sbr.rel @p0 .LBB2_14-.Ltmp6, $4  }
0x176: {  	s1 =	sshra.s32 s30, $0x2;
	v2 =	vadd.f32 v0, v2  }
0x177: {  	v1 =	vld [tilespmem:s1+$0x10000];
	[tilespmem:s29+$0x10768] =	vst v3  }
0x178: {  	v0 =	vld [tilespmem:s1+$0x10008];
	[tilespmem:s29+$0x10770] =	vst v2;
	s29 =	smov.u32 s1  }
0x179: {  	s30 =	sadd.s32 $0x60, s30;
	v2 =	vld [tilespmem:s29+$0x10768]  }
0x17a: {  	v3 =	vld [tilespmem:s29+$0x10770]  }
0x17b: {  	v4 =	vld [tilespmem:s29+$0x167B0]  }
0x17c: {  	v5 =	vld [tilespmem:s29+$0x167B8]  }
0x17d: {  	v6 =	vld [tilespmem:s29+$0x12C70]  }
0x17e: {  	v1 =	vadd.f32 v2, v1;
	v2 =	vld [tilespmem:s29+$0x12C78]  }
0x17f: {  	v0 =	vadd.f32 v3, v0  }
0x180: {  	v1 =	vmul.f32 v1, v4  }
0x181: {  	v0 =	vmul.f32 v0, v5  }
0x182: {  	v1 =	vadd.f32 v1, v6  }
0x183: {  	v0 =	vadd.f32 v0, v2  }
0x184: {  	[tilespmem:s29+$0x10768] =	vst v1  }
0x185: {  	s1 =	rddreg [dreg:$0x18];
	[tilespmem:s29+$0x10770] =	vst v0  }
0x186: {  	[spmem:s1] =	stream.linear.scatter [tilespmem:s25], [sflag:$0x12], $0x768, $0x38;
	[tilespmem:$0x1FBD0] =	vst v63  }
0x187: {  	_ =	swait.ge [sflag:s0], $0x768  }
0x188: {  	[sflag:s0] =	ssyncset.done $0x0  }
0x189: {  	s24 =	simm.s32 $0x10000;
	s1 =	rddreg [dreg:$0x19];
	[sflag:s0] =	ssyncadd.s32 $0xFFFFF898  }
0x18a: {  	[tilespmem:s24], [sflag:$0x12] =	stream.linear.gather [spmem:s1], $0x768, $0x38;
	[tilespmem:$0x1FBD0] =	vst v63  }
0x18b: {  	_ =	swait.ge [sflag:s0], $0x768  }
0x18c: {  	[sflag:s0] =	ssyncset.done $0x0  }
0x18d: {  	s28 =	rddreg [dreg:$0x1a];
	[sflag:s0] =	ssyncadd.s32 $0xFFFFF898  }
0x18e: {  	[tilespmem:s25], [sflag:$0x12] =	stream.linear.gather [spmem:s28], $0x768, $0x38;
	[tilespmem:$0x1FBD0] =	vst v63  }
0x18f: {  	_ =	swait.ge [sflag:s0], $0x768  }
0x190: {  	s29 =	simm.s32 $0x0;
	[sflag:s0] =	ssyncset.done $0x0  }
0x191: {  	s1 =	sshrl.u32 s1, $0x3;
	s28 =	rddreg [dreg:$0xb];
	[sflag:s0] =	ssyncadd.s32 $0xFFFFF898  }
0x192: {  	[spmem:s1], [sflag:s15] =	dma.local [hbm:s28], $0xED  }
0x193: {  	v1 =	vld [tilespmem:s29+$0x10000]  }
0x194: {  	v0 =	vld [tilespmem:s29+$0x10008]  }
0x195: {  	s30 =	simm.s32 $0x60;
	v2 =	vld [tilespmem:s29+$0x10768]  }
.LBB2_16:
0x196: {  	p0 =	sne.s32 s30, $0x1D40;
	v3 =	vld [tilespmem:s29+$0x10770]  }
0x197: {  	v4 =	vld [tilespmem:s29+$0x16F18]  }
0x198: {  	v5 =	vld [tilespmem:s29+$0x16F20]  }
0x199: {  	v6 =	vld [tilespmem:s29+$0x133D8]  }
0x19a: {  	v1 =	vadd.f32 v2, v1;
	v2 =	vld [tilespmem:s29+$0x133E0]  }
0x19b: {  	v0 =	vadd.f32 v3, v0  }
0x19c: {  	v1 =	vmul.f32 v1, v4  }
0x19d: {  	v0 =	vmul.f32 v0, v5  }
.Ltmp7:
0x19e: {  	v3 =	vadd.f32 v1, v6;
	(pc) =	sbr.rel @p0 .LBB2_16-.Ltmp7, $4  }
0x19f: {  	s1 =	sshra.s32 s30, $0x2;
	v2 =	vadd.f32 v0, v2  }
0x1a0: {  	v1 =	vld [tilespmem:s1+$0x10000];
	[tilespmem:s29+$0x10768] =	vst v3  }
0x1a1: {  	v0 =	vld [tilespmem:s1+$0x10008];
	[tilespmem:s29+$0x10770] =	vst v2;
	s29 =	smov.u32 s1  }
0x1a2: {  	s30 =	sadd.s32 $0x60, s30;
	v2 =	vld [tilespmem:s29+$0x10768]  }
0x1a3: {  	v3 =	vld [tilespmem:s29+$0x10770]  }
0x1a4: {  	v4 =	vld [tilespmem:s29+$0x16F18]  }
0x1a5: {  	v5 =	vld [tilespmem:s29+$0x16F20]  }
0x1a6: {  	v6 =	vld [tilespmem:s29+$0x133D8]  }
0x1a7: {  	v1 =	vadd.f32 v2, v1;
	v2 =	vld [tilespmem:s29+$0x133E0]  }
0x1a8: {  	v0 =	vadd.f32 v3, v0  }
0x1a9: {  	v1 =	vmul.f32 v1, v4  }
0x1aa: {  	v0 =	vmul.f32 v0, v5  }
0x1ab: {  	v1 =	vadd.f32 v1, v6  }
0x1ac: {  	v0 =	vadd.f32 v0, v2  }
0x1ad: {  	[tilespmem:s29+$0x10768] =	vst v1  }
0x1ae: {  	s1 =	rddreg [dreg:$0x1a];
	[tilespmem:s29+$0x10770] =	vst v0  }
0x1af: {  	[spmem:s1] =	stream.linear.scatter [tilespmem:s25], [sflag:$0x12], $0x768, $0x38;
	[tilespmem:$0x1FBD0] =	vst v63  }
0x1b0: {  	_ =	swait.ge [sflag:s0], $0x768  }
0x1b1: {  	[sflag:s0] =	ssyncset.done $0x0  }
0x1b2: {  	s24 =	simm.s32 $0x10000;
	s1 =	rddreg [dreg:$0x1b];
	[sflag:s0] =	ssyncadd.s32 $0xFFFFF898  }
0x1b3: {  	[tilespmem:s24], [sflag:$0x12] =	stream.linear.gather [spmem:s1], $0x768, $0x38;
	[tilespmem:$0x1FBD0] =	vst v63  }
0x1b4: {  	_ =	swait.ge [sflag:s0], $0x768  }
0x1b5: {  	[sflag:s0] =	ssyncset.done $0x0  }
0x1b6: {  	s28 =	rddreg [dreg:$0x1c];
	[sflag:s0] =	ssyncadd.s32 $0xFFFFF898  }
0x1b7: {  	[tilespmem:s25], [sflag:$0x12] =	stream.linear.gather [spmem:s28], $0x768, $0x38;
	[tilespmem:$0x1FBD0] =	vst v63  }
0x1b8: {  	_ =	swait.ge [sflag:s0], $0x768  }
0x1b9: {  	s29 =	simm.s32 $0x0;
	[sflag:s0] =	ssyncset.done $0x0  }
0x1ba: {  	s1 =	sshrl.u32 s1, $0x3;
	s28 =	rddreg [dreg:$0xc];
	[sflag:s0] =	ssyncadd.s32 $0xFFFFF898  }
0x1bb: {  	[spmem:s1], [sflag:s15] =	dma.local [hbm:s28], $0xED  }
0x1bc: {  	v1 =	vld [tilespmem:s29+$0x10000]  }
0x1bd: {  	v0 =	vld [tilespmem:s29+$0x10008]  }
0x1be: {  	s30 =	simm.s32 $0x60;
	v2 =	vld [tilespmem:s29+$0x10768]  }
.LBB2_18:
0x1bf: {  	p0 =	sne.s32 s30, $0x1D40;
	v3 =	vld [tilespmem:s29+$0x10770]  }
0x1c0: {  	v4 =	vld [tilespmem:s29+$0x17680]  }
0x1c1: {  	v5 =	vld [tilespmem:s29+$0x17688]  }
0x1c2: {  	v6 =	vld [tilespmem:s29+$0x13B40]  }
0x1c3: {  	v1 =	vadd.f32 v2, v1;
	v2 =	vld [tilespmem:s29+$0x13B48]  }
0x1c4: {  	v0 =	vadd.f32 v3, v0  }
0x1c5: {  	v1 =	vmul.f32 v1, v4  }
0x1c6: {  	v0 =	vmul.f32 v0, v5  }
.Ltmp8:
0x1c7: {  	v3 =	vadd.f32 v1, v6;
	(pc) =	sbr.rel @p0 .LBB2_18-.Ltmp8, $4  }
0x1c8: {  	s1 =	sshra.s32 s30, $0x2;
	v2 =	vadd.f32 v0, v2  }
0x1c9: {  	v1 =	vld [tilespmem:s1+$0x10000];
	[tilespmem:s29+$0x10768] =	vst v3  }
0x1ca: {  	v0 =	vld [tilespmem:s1+$0x10008];
	[tilespmem:s29+$0x10770] =	vst v2;
	s29 =	smov.u32 s1  }
0x1cb: {  	s30 =	sadd.s32 $0x60, s30;
	v2 =	vld [tilespmem:s29+$0x10768]  }
0x1cc: {  	v3 =	vld [tilespmem:s29+$0x10770]  }
0x1cd: {  	v4 =	vld [tilespmem:s29+$0x17680]  }
0x1ce: {  	v5 =	vld [tilespmem:s29+$0x17688]  }
0x1cf: {  	v6 =	vld [tilespmem:s29+$0x13B40]  }
0x1d0: {  	v1 =	vadd.f32 v2, v1;
	v2 =	vld [tilespmem:s29+$0x13B48]  }
0x1d1: {  	v0 =	vadd.f32 v3, v0  }
0x1d2: {  	v1 =	vmul.f32 v1, v4  }
0x1d3: {  	v0 =	vmul.f32 v0, v5  }
0x1d4: {  	v1 =	vadd.f32 v1, v6  }
0x1d5: {  	v0 =	vadd.f32 v0, v2  }
0x1d6: {  	[tilespmem:s29+$0x10768] =	vst v1  }
0x1d7: {  	s1 =	rddreg [dreg:$0x1c];
	[tilespmem:s29+$0x10770] =	vst v0  }
0x1d8: {  	[spmem:s1] =	stream.linear.scatter [tilespmem:s25], [sflag:$0x12], $0x768, $0x38;
	[tilespmem:$0x1FBD0] =	vst v63  }
0x1d9: {  	_ =	swait.ge [sflag:s0], $0x768  }
0x1da: {  	[sflag:s0] =	ssyncset.done $0x0  }
0x1db: {  	s24 =	simm.s32 $0x10000;
	s28 =	rddreg [dreg:$0x1d];
	[sflag:s0] =	ssyncadd.s32 $0xFFFFF898  }
0x1dc: {  	[tilespmem:s24], [sflag:$0x12] =	stream.linear.gather [spmem:s28], $0x768, $0x38;
	[tilespmem:$0x1FBD0] =	vst v63  }
0x1dd: {  	_ =	swait.ge [sflag:s0], $0x768  }
0x1de: {  	[sflag:s0] =	ssyncset.done $0x0  }
0x1df: {  	s30 =	rddreg [dreg:$0x1e];
	[sflag:s0] =	ssyncadd.s32 $0xFFFFF898  }
0x1e0: {  	[tilespmem:s25], [sflag:$0x12] =	stream.linear.gather [spmem:s30], $0x768, $0x38;
	[tilespmem:$0x1FBD0] =	vst v63  }
0x1e1: {  	_ =	swait.ge [sflag:s0], $0x768  }
0x1e2: {  	[sflag:s0] =	ssyncset.done $0x0  }
0x1e3: {  	s1 =	sshrl.u32 s28, $0x3;
	s28 =	rddreg [dreg:$0xd];
	[sflag:s0] =	ssyncadd.s32 $0xFFFFF898  }
0x1e4: {  	[spmem:s1], [sflag:s15] =	dma.local [hbm:s28], $0xED  }
0x1e5: {  	s15 =	simm.s32 $0x0  }
0x1e6: {  	v1 =	vld [tilespmem:s15+$0x10000]  }
0x1e7: {  	v0 =	vld [tilespmem:s15+$0x10008]  }
0x1e8: {  	s29 =	simm.s32 $0x60;
	v2 =	vld [tilespmem:s15+$0x10768]  }
.LBB2_20:
0x1e9: {  	p0 =	sne.s32 s29, $0x1D40;
	v3 =	vld [tilespmem:s15+$0x10770]  }
0x1ea: {  	v4 =	vld [tilespmem:s15+$0x17DE8]  }
0x1eb: {  	v5 =	vld [tilespmem:s15+$0x17DF0]  }
0x1ec: {  	v6 =	vld [tilespmem:s15+$0x142A8]  }
0x1ed: {  	v1 =	vadd.f32 v2, v1;
	v2 =	vld [tilespmem:s15+$0x142B0]  }
0x1ee: {  	v0 =	vadd.f32 v3, v0  }
0x1ef: {  	v1 =	vmul.f32 v1, v4  }
0x1f0: {  	v0 =	vmul.f32 v0, v5  }
.Ltmp9:
0x1f1: {  	v3 =	vadd.f32 v1, v6;
	(pc) =	sbr.rel @p0 .LBB2_20-.Ltmp9, $4  }
0x1f2: {  	s1 =	sshra.s32 s29, $0x2;
	v2 =	vadd.f32 v0, v2  }
0x1f3: {  	v1 =	vld [tilespmem:s1+$0x10000];
	[tilespmem:s15+$0x10768] =	vst v3  }
0x1f4: {  	v0 =	vld [tilespmem:s1+$0x10008];
	[tilespmem:s15+$0x10770] =	vst v2;
	s15 =	smov.u32 s1  }
0x1f5: {  	s29 =	sadd.s32 $0x60, s29;
	v2 =	vld [tilespmem:s15+$0x10768]  }
0x1f6: {  	v3 =	vld [tilespmem:s15+$0x10770]  }
0x1f7: {  	v4 =	vld [tilespmem:s15+$0x17DE8]  }
0x1f8: {  	v5 =	vld [tilespmem:s15+$0x17DF0]  }
0x1f9: {  	v6 =	vld [tilespmem:s15+$0x142A8]  }
0x1fa: {  	v63 =	vld [tilespmem:s15+$0x142B0];
	v1 =	vadd.f32 v2, v1  }
0x1fb: {  	v0 =	vadd.f32 v3, v0  }
0x1fc: {  	v1 =	vmul.f32 v1, v4  }
0x1fd: {  	v0 =	vmul.f32 v0, v5  }
0x1fe: {  	v1 =	vadd.f32 v1, v6  }
0x1ff: {  	v0 =	vadd.f32 v0, v63  }
0x200: {  	[tilespmem:s15+$0x10768] =	vst v1  }
0x201: {  	[tilespmem:s15+$0x10770] =	vst v0  }
0x202: {  	[spmem:s30] =	stream.linear.scatter [tilespmem:s25], [sflag:$0x12], $0x768, $0x38;
	[tilespmem:$0x1FBD0] =	vst v63  }
0x203: {  	_ =	swait.ge [sflag:s0], $0x768  }
0x204: {  	[sflag:s0] =	ssyncset.done $0x0  }
0x205: {  	[sflag:s0] =	ssyncadd.s32 $0xFFFFF898  }
0x206: {  	_ =	swait.ge [sflag:s26], $0xED  }
0x207: {  	[sflag:s26] =	ssyncset.done $0x0  }
0x208: {  	[sflag:s26] =	ssyncadd.s32 $0xFFFFFF13  }
0x209: {  	_ =	swait.ge [sflag:s26], $0xED  }
0x20a: {  	[sflag:s26] =	ssyncset.done $0x0  }
0x20b: {  	[sflag:s26] =	ssyncadd.s32 $0xFFFFFF13  }
0x20c: {  	_ =	swait.ge [sflag:s26], $0xED  }
0x20d: {  	[sflag:s26] =	ssyncset.done $0x0  }
0x20e: {  	[sflag:s26] =	ssyncadd.s32 $0xFFFFFF13  }
0x20f: {  	_ =	swait.ge [sflag:s26], $0xED  }
0x210: {  	[sflag:s26] =	ssyncset.done $0x0  }
0x211: {  	[sflag:s26] =	ssyncadd.s32 $0xFFFFFF13  }
0x212: {  	_ =	swait.ge [sflag:s26], $0xED  }
0x213: {  	[sflag:s26] =	ssyncset.done $0x0  }
0x214: {  	[sflag:s26] =	ssyncadd.s32 $0xFFFFFF13  }
0x215: {  	_ =	swait.ge [sflag:s26], $0xED  }
0x216: {  	[sflag:s26] =	ssyncset.done $0x0  }
0x217: {  	[sflag:s26] =	ssyncadd.s32 $0xFFFFFF13  }
0x218: {  	_ =	swait.ge [sflag:s26], $0xED  }
0x219: {  	[sflag:s26] =	ssyncset.done $0x0  }
0x21a: {  	[sflag:s26] =	ssyncadd.s32 $0xFFFFFF13  }
0x21b: {  	_ =	swait.ge [sflag:s26], $0xED  }
0x21c: {  	s1 =	sld [smem:$0x7F5];
	_ =	sdelay $0x2  }
0x21d: {  	s1 =	sadd.s32 $0x1, s1  }
0x21e: {  	p0 =	sne.s32 s1, $0xA  }
.Ltmp10:
0x21f: {  	_ = 	snop;
	(pc) =	sbr.rel @p0 .LBB2_2-.Ltmp10, $3  }
0x220: {  	[sflag:s26] =	ssyncset.done $0x0  }
0x221: {  	[sflag:s26] =	ssyncadd.s32 $0xFFFFFF13  }
0x222: {  	[bflag:$0x0] =	sbarrier.arrive $0xFFFF;
	_ =	sdelay $0x1  }
0x223: {  	s1 =	sld [smem:$0x7FC]  }
0x224: {  	s15 =	sld [smem:$0x7F9]  }
0x225: {  	s24 =	sld [smem:$0x7F8];
	_ =	sdelay $0x2  }
0x226: {  	[hbm:s1], [sflag:s15] =	dma.local [spmem:s24], $0x768  }
0x227: {  	_ =	swait.ge [sflag:s0], $0x768  }
0x228: {  	s29 =	sld [smem:$0x7F6]  }
0x229: {  	s30 =	sld [smem:$0x7FD];
	_ =	sdelay $0x1  }
0x22a: {  	s15 =	sadd.s32 $0x1, s29  }
0x22b: {  	p0 =	sne.s32 s15, s30  }
.Ltmp11:
0x22c: {  	_ = 	snop;
	(pc) =	sbr.rel @p0 .LBB2_1-.Ltmp11, $3  }
0x22d: {  	_ =	sdelay $0x1  }
0x22e: {  	[sflag:s0] =	ssyncset.done $0x0  }
0x22f: {  	[sflag:s0] =	ssyncadd.s32 $0xFFFFF898  }
0x230: {  	_ =	sfence.sel $0x180000  }
0x231: {  	[bflag:$0x0] =	sbarrier.arrive $0xFFFF  }
0x232: {  	_ =	strace $0x9000004A  }
0x233: {  	s0 =	stileid.u32;
	[bflag:$0x2] =	sbarrier.arrive $0xFFFF  }
0x234: {  	p0 =	sne.s32 s0, $0x0;
	s0 =	rddreg [dreg:$0x4]  }
0x235: {  	s0 =	sadd.s32 @!p0 $0x100000, s0  }
0x236: {  	[sflag:s0] =	ssyncadd.tile.s32 @!p0 $0x1;
	_ =	shalt  }
.Lfunc_end2:
_tile_overlayer_lowered:
.L_overlay_start_2:
0x237: {  	(tag) =	ssettag $0x2  }
0x238: {  	s0 =	rddreg [dreg:$0x0];
	s2 =	stileid.u32  }
0x239: {  	s1 =	rddreg [dreg:$0x1];
	p0 =	sne.s32 s2, $0x0  }
0x23a: {  	s3 =	rddreg [dreg:$0x2];
	[bflag:$0x3] =	sbarrier.arrive $0xFFFF;
	s2 =	simm.s32 @!p0 $0x1C12  }
0x23b: {  	[timem:s3], [sflag:s2] =	dma.local @!p0 [hbm:s0], s1  }
0x23c: {  	s0 =	simm.s32 @!p0 $0x12  }
0x23d: {  	_ =	swait.ge @!p0 [sflag:s0], s1  }
0x23e: {  	s1 =	ssub.s32 @!p0 $0x0, s1;
	[sflag:s0] =	ssyncset.done @!p0 $0x0  }
0x23f: {  	[sflag:s0] =	ssyncadd.s32 @!p0 s1  }
0x240: {  	[bflag:$0x3] =	sbarrier.arrive $0xFFFF  }
0x241: {  	_ =	shalt  }

// kernel: kernel.7.cloned.1.call-start
scs
__scs_entry_jumppad:
0x0: {  	(pc) =	sbr.rel $0x88, $3  }
0x1: {  	(tag) =	ssettag $0x0;
	lr =	simm.s32 $0x1  }
0x2: {  	[smem:$0x3F9D] =	sst lr;
	_ =	strace $0xD0000000  }
0x3: {  	_ = 	snop  }
0x4: {  	_ = 	snop  }
0x5: {  	_ = 	snop  }
0x6: {  	_ = 	snop  }
0x7: {  	_ = 	snop  }
__scs_overlays_trampoline_lowered:
0x8: {  	[smem:$0x3FAC] =	sst s0  }
0x9: {  	[smem:$0x3FAD] =	sst s1  }
0xa: {  	[smem:$0x3FAE] =	sst s2  }
0xb: {  	[smem:$0x3FAF] =	sst s3  }
0xc: {  	[smem:$0x3FB0] =	sst s4  }
0xd: {  	[smem:$0x3FB1] =	sst s5  }
0xe: {  	[smem:$0x3FB2] =	sst s6  }
0xf: {  	[smem:$0x3FB3] =	sst s7  }
0x10: {  	[smem:$0x3FB4] =	sst s8  }
0x11: {  	[smem:$0x3FB5] =	sst s9;
	s0 =	simm.s32 @!p0 $0x0  }
0x12: {  	s1 =	sld [smem:$0x3F9B];
	s0 =	simm.s32 @p0 $0x1  }
0x13: {  	[smem:$0x3FB6] =	sst s0;
	s0 =	simm.s32 @!p1 $0x0  }
0x14: {  	s2 =	sld [smem:$0x3F9A];
	s0 =	simm.s32 @p1 $0x1  }
0x15: {  	[smem:$0x3FB7] =	sst s0;
	s0 =	simm.s32 @!p2 $0x0  }
0x16: {  	s3 =	sld [smem:$0x3FDB];
	s0 =	simm.s32 @p2 $0x1  }
0x17: {  	s4 =	simm.s32 $0x1BF5;
	[smem:$0x3FB9] =	sst s0  }
0x18: {  	s0 =	sld [smem:$0x3F9C];
	_ =	swait.ge [sflag:s4], $0x0  }
0x19: {  	s7 =	sld [smem:$0x3F9D]  }
0x1a: {  	s8 =	sadd.s32 $0xFFFFE003, lr  }
0x1b: {  	s9 =	sadd.s32 $0xFFFFFEF7, lr;
	s5 =	simm.s32 $0xFFFFFFFF;
	p2 =	slt.u32 s8, $0xFFFFF086  }
0x1c: {  	p1 =	slt.u32 s9, $0xF7A;
	s5 =	simm.s32 @!p2 $0x0  }
0x1d: {  	s5 =	simm.s32 @p1 $0x1;
	p0 =	seq.s32 s7, s2  }
0x1e: {  	s7 =	smul.u32 @!p0 $0xF7A, s2;
	p2 =	seq.s32 @!p0 s5, $0x0  }
0x1f: {  	s9 =	smul.u32 $0xF7A, s1;
	s8 =	simm.s32 @!p0 $0x1BF5;
	p2 =	por !p2, p0  }
0x20: {  	[sflag:s8] =	ssyncset.s32 @!p0 $0xFFFFF086;
	s6 =	sadd.s32 @!p0 s3, s7;
	s7 =	simm.s32 @!p0 $0x108  }
0x21: {  	s3 =	sadd.s32 s3, s9;
	s6 =	sadd.s32 @!p0 $0x88, s6;
	s7 =	simm.s32 @p2 $0x1082  }
0x22: {  	[simem:s7], [sflag:s8] =	dma.local @!p0 [hbm:s6], $0xF7A  }
0x23: {  	s9 =	sor.u32 $0xD0000000, s2;
	s6 =	simm.s32 $0x108;
	_ =	swait.ge @!p0 [sflag:s8], $0x0  }
0x24: {  	s3 =	sadd.s32 $0x88, s3;
	s6 =	simm.s32 @!p1 $0x1082;
	[sflag:s4] =	ssyncset.s32 $0xFFFFF086  }
0x25: {  	[simem:s6], [sflag:s4] =	dma.local [hbm:s3], $0xF7A  }
0x26: {  	[smem:$0x3F9D] =	sst s1;
	(tag) =	ssettag s2;
	_ =	strace s9  }
0x27: {  	s1 =	sld [smem:$0x3FAD]  }
0x28: {  	s2 =	sld [smem:$0x3FAE]  }
0x29: {  	s4 =	sld [smem:$0x3FB0]  }
0x2a: {  	p0 =	seq.s32 s5, $0x0;
	s5 =	sld [smem:$0x3FB1]  }
0x2b: {  	s6 =	sld [smem:$0x3FB2]  }
0x2c: {  	s7 =	sld [smem:$0x3FB3]  }
0x2d: {  	s3 =	simm.s32 $0x108;
	s8 =	sld [smem:$0x3FB4]  }
0x2e: {  	s3 =	simm.s32 @!p0 $0x1082;
	s9 =	sld [smem:$0x3FB5]  }
0x2f: {  	lr =	sadd.s32 s0, s3;
	s0 =	sld [smem:$0x3FAC]  }
0x30: {  	s3 =	sld [smem:$0x3FAF]  }
0x31: {  	[smem:$0x3FB8] =	sst s10  }
0x32: {  	s10 =	sld [smem:$0x3FB6];
	_ =	sdelay $0x3  }
0x33: {  	p0 =	seq.s32 s10, $0x1;
	s10 =	sld [smem:$0x3FB8];
	_ =	sdelay $0x3  }
0x34: {  	[smem:$0x3FB8] =	sst s10  }
0x35: {  	s10 =	sld [smem:$0x3FB7];
	_ =	sdelay $0x3  }
0x36: {  	p1 =	seq.s32 s10, $0x1;
	s10 =	sld [smem:$0x3FB8];
	_ =	sdelay $0x3  }
0x37: {  	[smem:$0x3FB8] =	sst s10  }
0x38: {  	s10 =	sld [smem:$0x3FB9]  }
0x39: {  	_ = 	snop;
	(pc) =	sbr.ind lr, $3  }
0x3a: {  	_ = 	snop  }
0x3b: {  	_ = 	snop  }
0x3c: {  	p2 =	seq.s32 s10, $0x1;
	s10 =	sld [smem:$0x3FB8]  }
0x3d: {  	_ =	shalt  }
0x3e: {  	_ =	shalt  }
0x3f: {  	_ =	shalt  }
0x40: {  	_ =	shalt  }
0x41: {  	_ =	shalt  }
0x42: {  	_ =	shalt  }
0x43: {  	_ =	shalt  }
0x44: {  	_ =	shalt  }
0x45: {  	_ =	shalt  }
0x46: {  	_ =	shalt  }
0x47: {  	_ =	shalt  }
0x48: {  	_ =	shalt  }
0x49: {  	_ =	shalt  }
0x4a: {  	_ =	shalt  }
0x4b: {  	_ =	shalt  }
0x4c: {  	_ =	shalt  }
0x4d: {  	_ =	shalt  }
0x4e: {  	_ =	shalt  }
0x4f: {  	_ =	shalt  }
0x50: {  	_ =	shalt  }
0x51: {  	_ =	shalt  }
0x52: {  	_ =	shalt  }
0x53: {  	_ =	shalt  }
0x54: {  	_ =	shalt  }
0x55: {  	_ =	shalt  }
0x56: {  	_ =	shalt  }
0x57: {  	_ =	shalt  }
0x58: {  	_ =	shalt  }
0x59: {  	_ =	shalt  }
0x5a: {  	_ =	shalt  }
0x5b: {  	_ =	shalt  }
0x5c: {  	_ =	shalt  }
0x5d: {  	_ =	shalt  }
0x5e: {  	_ =	shalt  }
0x5f: {  	_ =	shalt  }
0x60: {  	_ =	shalt  }
0x61: {  	_ =	shalt  }
0x62: {  	_ =	shalt  }
0x63: {  	_ =	shalt  }
0x64: {  	_ =	shalt  }
0x65: {  	_ =	shalt  }
0x66: {  	_ =	shalt  }
0x67: {  	_ =	shalt  }
0x68: {  	_ =	shalt  }
0x69: {  	_ =	shalt  }
0x6a: {  	_ =	shalt  }
0x6b: {  	_ =	shalt  }
0x6c: {  	_ =	shalt  }
0x6d: {  	_ =	shalt  }
0x6e: {  	_ =	shalt  }
0x6f: {  	_ =	shalt  }
0x70: {  	_ =	shalt  }
0x71: {  	_ =	shalt  }
0x72: {  	_ =	shalt  }
0x73: {  	_ =	shalt  }
0x74: {  	_ =	shalt  }
0x75: {  	_ =	shalt  }
0x76: {  	_ =	shalt  }
0x77: {  	_ =	shalt  }
0x78: {  	_ =	shalt  }
0x79: {  	_ =	shalt  }
0x7a: {  	_ =	shalt  }
0x7b: {  	_ =	shalt  }
0x7c: {  	_ =	shalt  }
0x7d: {  	_ =	shalt  }
0x7e: {  	_ =	shalt  }
0x7f: {  	_ =	shalt  }
0x80: {  	_ =	shalt  }
0x81: {  	_ =	shalt  }
0x82: {  	_ =	shalt  }
0x83: {  	_ =	shalt  }
0x84: {  	_ =	shalt  }
0x85: {  	_ =	shalt  }
0x86: {  	_ =	shalt  }
0x87: {  	_ =	shalt  }
.Lfunc_end0:
.L_simem_size_0:
called_computation_lowered:
.L_overlay_start_0:
0x88: {  	s2 =	sld [smem:$0x3FD9]  }
0x89: {  	s3 =	sld [smem:$0x3FFE];
	_ =	sdelay $0x1  }
0x8a: {  	s1 =	srdreg.scid  }
0x8b: {  	s0 =	sand.u32 $0x1, s1  }
0x8c: {  	s17 =	sshll.u32 s0, $0xA;
	s2 =	sadd.s32 s3, s2  }
0x8d: {  	s2 =	sadd.s32 s2, s17  }
0x8e: {  	[smem:$0x3FC4] =	sst s2  }
0x8f: {  	_ = 	snop  }
0x90: {  	s2 =	sld [smem:$0x3FD0];
	(tm) =	ssettm $0x1  }
0x91: {  	s18 =	sld [smem:$0x3FFB];
	_ =	sdelay $0x3  }
0x92: {  	_ =	strace s18  }
0x93: {  	s3 =	sld [smem:$0x3FFC];
	_ =	sdelay $0x3  }
0x94: {  	_ =	strace s3  }
0x95: {  	s3 =	sld [smem:$0x3FFD];
	_ =	sdelay $0x3  }
0x96: {  	_ =	strace s3  }
0x97: {  	_ =	strace $0x8FFFFFFF  }
0x98: {  	s19 =	sld [smem:$0x3FDB];
	_ =	sdelay $0x1  }
0x99: {  	s4 =	simm.s32 $_scs_section_size  }
0x9a: {  	s5 =	simm.s32 $_size__tile_overlayer_lowered;
	s6 =	simm.s32 $_tile_overlayer_lowered  }
0x9b: {  	s22 =	simm.s32 $0x1BFF;
	s21 =	sshll.u32 s6, $0x1;
	s3 =	sadd.s32 s4, s19  }
0x9c: {  	s7 =	simm.s32 $0x0;
	s20 =	sshll.u32 s5, $0x1;
	s5 =	sadd.s32 s21, s3  }
0x9d: {  	[timem:s7], [sflag:s22] =	dma.local [hbm:s5], s20  }
0x9e: {  	_ =	swait.ge [sflag:s22], s20  }
0x9f: {  	s4 =	ssub.s32 $0x0, s20;
	[sflag:s22] =	ssyncset.done $0x0  }
0xa0: {  	[sflag:s22] =	ssyncadd.s32 s4;
	_ =	sdelay $0x1  }
0xa1: {  	s23 =	simm.s32 $0x1B8B  }
0xa2: {  	_ =	swait.ge [sflag:s23], $0x1  }
0xa3: {  	[sflag:s23] =	ssyncset.done $0x0  }
0xa4: {  	s25 =	simm.s32 $0x1B8E;
	s24 =	sld [smem:$0x3FFE];
	[sflag:s23] =	ssyncadd.s32 $0xFFFFFFFF  }
0xa5: {  	s26 =	simm.s32 $execute0_lowered;
	[smem:$0x3FD2] =	sst s25  }
0xa6: {  	s5 =	sshll.u32 s26, $0x1;
	_ =	strace $0x80000046;
	[dreg:$0x1] =	wrdreg $0xFFFFFFFF  }
0xa7: {  	s28 =	simm.s32 $_size_execute0_lowered;
	s3 =	sadd.s32 s3, s5;
	[dreg:$0x0] =	wrdreg $0x0  }
0xa8: {  	s5 =	sshll.u32 s28, $0x1;
	[dreg:$0x2] =	wrdreg s3  }
0xa9: {  	[dreg:$0x3] =	wrdreg s5  }
0xaa: {  	[dreg:$0x4] =	wrdreg $0xC0  }
0xab: {  	_ =	task [dreg:s7], $0x5FFFF  }
0xac: {  	[dreg:$0x1] =	wrdreg $0xFFFFFFFF  }
0xad: {  	[dreg:$0x0] =	wrdreg $0x60  }
0xae: {  	[dreg:$0x2] =	wrdreg s2  }
0xaf: {  	[dreg:$0x3] =	wrdreg s24  }
0xb0: {  	[dreg:$0x4] =	wrdreg $0x30000  }
0xb1: {  	[dreg:$0x5] =	wrdreg $0x9  }
0xb2: {  	_ =	task.clear_ibuf [dreg:s7], $0x6FFFF;
	_ =	strace $0x90000046  }
0xb3: {  	s29 =	simm.s32 $0x9;
	_ =	strace $0x80000048  }
0xb4: {  	_ =	swait.ge [sflag:s29], $0x1  }
0xb5: {  	[sflag:s29] =	ssyncadd.s32 $0xFFFFFFFF  }
0xb6: {  	_ =	strace $0x90000048  }
0xb7: {  	_ =	sfence  }
0xb8: {  	s30 =	sld [smem:$0x0];
	_ =	sdelay $0x2  }
0xb9: {  	s31 =	sshll.u32 s1, $0xD;
	s1 =	sshrl.u32 s1, $0x2  }
0xba: {  	s3 =	sand.u32 $0x4000, s31;
	s1 =	sadd.s32 s1, s30  }
0xbb: {  	s0 =	sor.u32 s3, s0;
	s1 =	sshll.u32 s1, $0x11  }
0xbc: {  	s0 =	sor.u32 s1, s0  }
0xbd: {  	s0 =	sadd.s32 $0x8F2B, s0  }
0xbe: {  	[sflag:s0] =	ssyncadd.remote.s32 $0x1  }
0xbf: {  	_ =	sfence.sel $0xFFFF  }
0xc0: {  	[dreg:$0x0] =	wrdreg $0xFFFFFFFF;
	(pc) =	sbr.abs _section_cstart, $3  }
0xc1: {  	[dreg:$0x1] =	wrdreg $0xFFFFFFFF  }
0xc2: {  	_ =	task.clear_ibuf [dreg:s7], $0x2FFFF;
	_ =	strace $0x9FFFFFFF  }
0xc3: {  	(tm) =	ssettm $0x7FFFFFFF  }
tec
execute0_lowered:
.L_overlay_start_1:
0x0: {  	(tag) =	ssettag $0x1  }
0x1: {  	s5 =	rddreg [dreg:$0x0]  }
0x2: {  	s6 =	rddreg [dreg:$0x1]  }
0x3: {  	s2 =	rddreg [dreg:$0x2]  }
0x4: {  	s0 =	rddreg [dreg:$0x3]  }
0x5: {  	s3 =	simm.s32 $0x0;
	s1 =	stileid.u32;
	s4 =	srdreg.scid  }
0x6: {  	s13 =	simm.s32 $0x80;
	s14 =	simm.s32 $0x100;
	s15 =	simm.s32 $0x180  }
0x7: {  	s16 =	simm.s32 $0x200;
	s17 =	simm.s32 $0x280;
	s18 =	simm.s32 $0x300  }
0x8: {  	s19 =	simm.s32 $0x380;
	s20 =	simm.s32 $0x1;
	s21 =	simm.s32 $0x0  }
0x9: {  	[smem:$0x7FF] =	sst s3;
	s7 =	smul.u32 $0x2780, s1;
	s8 =	sand.u32 $0x1, s4  }
0xa: {  	s4 =	sadd.s32 $0x6400, s6;
	s31 =	sshll.u32 s1, $0x6;
	_ =	strace $0x80000047  }
0xb: {  	s9 =	smul.u32 $0x27800, s8;
	s10 =	sshll.u32 s8, $0x4;
	s8 =	ssub.s32 $0x2, s8  }
0xc: {  	s11 =	sshrl.u32 s7, $0x3;
	s10 =	sor.u32 s1, s10;
	s12 =	sshrl.u32 s8, $0x1  }
0xd: {  	s30 =	sadd.s32 s7, s2;
	s9 =	sadd.s32 s7, s9;
	s10 =	smul.u32 $0x500, s10  }
0xe: {  	s11 =	sadd.s32 s11, s6;
	s8 =	ssub.s32 s8, s12;
	s9 =	sshrl.u32 s9, $0x3  }
0xf: {  	s12 =	sshrl.u32 s30, $0x3;
	s8 =	smax.u32 s8, $0x1;
	s9 =	sadd.s32 s9, s6  }
0x10: {  	s5 =	sadd.s32 s5, s10;
	s6 =	sadd.s32 $0x1400, s11;
	s10 =	simm.s32 $0x2800  }
0x11: {  	s11 =	sor.u32 $0x1C02, s31;
	s7 =	sadd.s32 $0x6600, s9;
	s9 =	simm.s32 $0x2  }
.LBB2_1:
0x12: {  	[tilespmem:s3], [sflag:$0x2] =	stream.linear.gather [hbm4b:s5+s3], $0x2800, $0x38;
	[tilespmem:$0x5780] =	vst v63  }
0x13: {  	_ =	swait.ge [sflag:s9], $0x2800  }
0x14: {  	[sflag:s9] =	ssyncset.done $0x0  }
0x15: {  	[sflag:s9] =	ssyncadd.s32 $0xFFFFD800  }
0x16: {  	[tilespmem:s10], [sflag:$0x2] =	stream.linear.gather [hbm4b:s4+s3], $0x800, $0x38;
	[tilespmem:$0x5780] =	vst v63  }
0x17: {  	_ =	swait.ge [sflag:s9], $0x800  }
0x18: {  	[sflag:s9] =	ssyncset.done $0x0  }
0x19: {  	[sflag:s9] =	ssyncadd.s32 $0xFFFFF800  }
0x1a: {  	[spmem:s12], [sflag:s11] =	dma.local [hbm:s6], $0x4F0  }
0x1b: {  	_ =	swait.ge [sflag:s9], $0x4F0  }
0x1c: {  	[sflag:s9] =	ssyncset.done $0x0  }
0x1d: {  	[sflag:s9] =	ssyncadd.s32 $0xFFFFFB10  }
0x1e: {  	[bflag:$0x0] =	sbarrier.arrive $0xFFFF  }
0x1f: {  	[spmem:s2] =	stream.indirect.scatter.add.f32 [tilespmem:s10], [sflag:$0x1], $0x10, s3, s13, $0xb8;
	[tilespmem:$0x5780] =	vst v63  }
0x20: {  	_ = 	snop  }
0x21: {  	[spmem:s2] =	stream.indirect.scatter.add.f32 [tilespmem:s10], [sflag:$0x1], $0x10, s13, s13, $0xb8;
	[tilespmem:$0x5780] =	vst v63  }
0x22: {  	_ = 	snop  }
0x23: {  	[spmem:s2] =	stream.indirect.scatter.add.f32 [tilespmem:s10], [sflag:$0x1], $0x10, s14, s13, $0xb8;
	[tilespmem:$0x5780] =	vst v63  }
0x24: {  	_ = 	snop  }
0x25: {  	[spmem:s2] =	stream.indirect.scatter.add.f32 [tilespmem:s10], [sflag:$0x1], $0x10, s15, s13, $0xb8;
	[tilespmem:$0x5780] =	vst v63  }
0x26: {  	_ = 	snop  }
0x27: {  	[spmem:s2] =	stream.indirect.scatter.add.f32 [tilespmem:s10], [sflag:$0x1], $0x10, s16, s13, $0xb8;
	[tilespmem:$0x5780] =	vst v63  }
0x28: {  	_ = 	snop  }
0x29: {  	[spmem:s2] =	stream.indirect.scatter.add.f32 [tilespmem:s10], [sflag:$0x1], $0x10, s17, s13, $0xb8;
	[tilespmem:$0x5780] =	vst v63  }
0x2a: {  	_ = 	snop  }
0x2b: {  	[spmem:s2] =	stream.indirect.scatter.add.f32 [tilespmem:s10], [sflag:$0x1], $0x10, s18, s13, $0xb8;
	[tilespmem:$0x5780] =	vst v63  }
0x2c: {  	_ = 	snop  }
0x2d: {  	[spmem:s2] =	stream.indirect.scatter.add.f32 [tilespmem:s10], [sflag:$0x1], $0x10, s19, s13, $0xb8;
	[tilespmem:$0x5780] =	vst v63  }
0x2e: {  	_ =	swait.ge [sflag:s20], $0x800  }
0x2f: {  	[sflag:s20] =	ssyncset.done $0x0  }
0x30: {  	s22 =	simm.s32 $0x400;
	[sflag:s20] =	ssyncadd.s32 $0xFFFFF800  }
0x31: {  	[spmem:s2] =	stream.indirect.scatter.add.f32 [tilespmem:s10], [sflag:$0x1], $0x10, s22, s13, $0xb8;
	[tilespmem:$0x5780] =	vst v63  }
0x32: {  	_ =	swait.ge [sflag:s20], $0x800  }
0x33: {  	[sflag:s20] =	ssyncset.done $0x0  }
0x34: {  	s25 =	simm.s32 $0x480;
	[sflag:s20] =	ssyncadd.s32 $0xFFFFF800  }
0x35: {  	[spmem:s2] =	stream.indirect.scatter.add.f32 [tilespmem:s10], [sflag:$0x1], $0x10, s25, s13, $0xb8;
	[tilespmem:$0x5780] =	vst v63  }
0x36: {  	_ =	swait.ge [sflag:s20], $0x800  }
0x37: {  	[sflag:s20] =	ssyncset.done $0x0  }
0x38: {  	s26 =	simm.s32 $0x500;
	[sflag:s20] =	ssyncadd.s32 $0xFFFFF800  }
0x39: {  	[spmem:s2] =	stream.indirect.scatter.add.f32 [tilespmem:s10], [sflag:$0x1], $0x10, s26, s13, $0xb8;
	[tilespmem:$0x5780] =	vst v63  }
0x3a: {  	_ =	swait.ge [sflag:s20], $0x800  }
0x3b: {  	[sflag:s20] =	ssyncset.done $0x0  }
0x3c: {  	s28 =	simm.s32 $0x580;
	[sflag:s20] =	ssyncadd.s32 $0xFFFFF800  }
0x3d: {  	[spmem:s2] =	stream.indirect.scatter.add.f32 [tilespmem:s10], [sflag:$0x1], $0x10, s28, s13, $0xb8;
	[tilespmem:$0x5780] =	vst v63  }
0x3e: {  	_ =	swait.ge [sflag:s20], $0x800  }
0x3f: {  	[sflag:s20] =	ssyncset.done $0x0  }
0x40: {  	s29 =	simm.s32 $0x600;
	[sflag:s20] =	ssyncadd.s32 $0xFFFFF800  }
0x41: {  	[spmem:s2] =	stream.indirect.scatter.add.f32 [tilespmem:s10], [sflag:$0x1], $0x10, s29, s13, $0xb8;
	[tilespmem:$0x5780] =	vst v63  }
0x42: {  	_ =	swait.ge [sflag:s20], $0x800  }
0x43: {  	[sflag:s20] =	ssyncset.done $0x0  }
0x44: {  	s30 =	simm.s32 $0x680;
	[sflag:s20] =	ssyncadd.s32 $0xFFFFF800  }
0x45: {  	[spmem:s2] =	stream.indirect.scatter.add.f32 [tilespmem:s10], [sflag:$0x1], $0x10, s30, s13, $0xb8;
	[tilespmem:$0x5780] =	vst v63  }
0x46: {  	_ =	swait.ge [sflag:s20], $0x800  }
0x47: {  	[sflag:s20] =	ssyncset.done $0x0  }
0x48: {  	s31 =	simm.s32 $0x700;
	[sflag:s20] =	ssyncadd.s32 $0xFFFFF800  }
0x49: {  	[spmem:s2] =	stream.indirect.scatter.add.f32 [tilespmem:s10], [sflag:$0x1], $0x10, s31, s13, $0xb8;
	[tilespmem:$0x5780] =	vst v63  }
0x4a: {  	_ =	swait.ge [sflag:s20], $0x800  }
0x4b: {  	[sflag:s20] =	ssyncset.done $0x0  }
0x4c: {  	s23 =	simm.s32 $0x780;
	s22 =	simm.s32 $0x1000;
	[sflag:s20] =	ssyncadd.s32 $0xFFFFF800  }
.LBB2_2:
0x4d: {  	[spmem:s2] =	stream.indirect.scatter.add.f32 [tilespmem:s10], [sflag:$0x1], $0x10, s23, s13, $0xb8;
	[tilespmem:$0x5780] =	vst v63  }
0x4e: {  	s23 =	smov.u32 s22  }
0x4f: {  	p0 =	sne.s32 s22, $0x8000;
	s22 =	sadd.s32 $0x1000, s22;
	_ =	swait.ge [sflag:s20], $0x800  }
0x50: {  	s23 =	sshra.s32 s23, $0x2;
	[sflag:s20] =	ssyncset.done $0x0  }
0x51: {  	s24 =	sadd.s32 $0x400, s23;
	[sflag:s20] =	ssyncadd.s32 $0xFFFFF800  }
0x52: {  	[spmem:s2] =	stream.indirect.scatter.add.f32 [tilespmem:s10], [sflag:$0x1], $0x10, s24, s13, $0xb8;
	[tilespmem:$0x5780] =	vst v63  }
0x53: {  	_ =	swait.ge [sflag:s20], $0x800  }
0x54: {  	[sflag:s20] =	ssyncset.done $0x0  }
0x55: {  	s24 =	sadd.s32 $0x480, s23;
	[sflag:s20] =	ssyncadd.s32 $0xFFFFF800  }
0x56: {  	[spmem:s2] =	stream.indirect.scatter.add.f32 [tilespmem:s10], [sflag:$0x1], $0x10, s24, s13, $0xb8;
	[tilespmem:$0x5780] =	vst v63  }
0x57: {  	_ =	swait.ge [sflag:s20], $0x800  }
0x58: {  	[sflag:s20] =	ssyncset.done $0x0  }
0x59: {  	s24 =	sadd.s32 $0x500, s23;
	[sflag:s20] =	ssyncadd.s32 $0xFFFFF800  }
0x5a: {  	[spmem:s2] =	stream.indirect.scatter.add.f32 [tilespmem:s10], [sflag:$0x1], $0x10, s24, s13, $0xb8;
	[tilespmem:$0x5780] =	vst v63  }
0x5b: {  	_ =	swait.ge [sflag:s20], $0x800  }
0x5c: {  	[sflag:s20] =	ssyncset.done $0x0  }
0x5d: {  	s24 =	sadd.s32 $0x580, s23;
	[sflag:s20] =	ssyncadd.s32 $0xFFFFF800  }
0x5e: {  	[spmem:s2] =	stream.indirect.scatter.add.f32 [tilespmem:s10], [sflag:$0x1], $0x10, s24, s13, $0xb8;
	[tilespmem:$0x5780] =	vst v63  }
0x5f: {  	_ =	swait.ge [sflag:s20], $0x800  }
0x60: {  	[sflag:s20] =	ssyncset.done $0x0  }
0x61: {  	s24 =	sadd.s32 $0x600, s23;
	[sflag:s20] =	ssyncadd.s32 $0xFFFFF800  }
0x62: {  	[spmem:s2] =	stream.indirect.scatter.add.f32 [tilespmem:s10], [sflag:$0x1], $0x10, s24, s13, $0xb8;
	[tilespmem:$0x5780] =	vst v63  }
0x63: {  	_ =	swait.ge [sflag:s20], $0x800  }
0x64: {  	[sflag:s20] =	ssyncset.done $0x0  }
0x65: {  	s24 =	sadd.s32 $0x680, s23;
	[sflag:s20] =	ssyncadd.s32 $0xFFFFF800  }
0x66: {  	[spmem:s2] =	stream.indirect.scatter.add.f32 [tilespmem:s10], [sflag:$0x1], $0x10, s24, s13, $0xb8;
	[tilespmem:$0x5780] =	vst v63  }
0x67: {  	_ =	swait.ge [sflag:s20], $0x800  }
0x68: {  	[sflag:s20] =	ssyncset.done $0x0  }
.Ltmp0:
0x69: {  	s24 =	sadd.s32 $0x700, s23;
	[sflag:s20] =	ssyncadd.s32 $0xFFFFF800;
	(pc) =	sbr.rel @p0 .LBB2_2-.Ltmp0, $4  }
0x6a: {  	[spmem:s2] =	stream.indirect.scatter.add.f32 [tilespmem:s10], [sflag:$0x1], $0x10, s24, s13, $0xb8;
	[tilespmem:$0x5780] =	vst v63  }
0x6b: {  	_ =	swait.ge [sflag:s20], $0x800  }
0x6c: {  	[sflag:s20] =	ssyncset.done $0x0  }
0x6d: {  	s23 =	sadd.s32 $0x780, s23;
	[sflag:s20] =	ssyncadd.s32 $0xFFFFF800  }
0x6e: {  	[spmem:s2] =	stream.indirect.scatter.add.f32 [tilespmem:s10], [sflag:$0x1], $0x10, s23, s13, $0xb8;
	[tilespmem:$0x5780] =	vst v63  }
0x6f: {  	_ =	swait.ge [sflag:s20], $0x800  }
0x70: {  	[sflag:s20] =	ssyncset.done $0x0  }
0x71: {  	[sflag:s20] =	ssyncadd.s32 $0xFFFFF800  }
0x72: {  	_ =	swait.ge [sflag:s20], $0x800  }
0x73: {  	[sflag:s20] =	ssyncset.done $0x0  }
0x74: {  	[sflag:s20] =	ssyncadd.s32 $0xFFFFF800  }
0x75: {  	_ =	swait.ge [sflag:s20], $0x800  }
0x76: {  	[sflag:s20] =	ssyncset.done $0x0  }
0x77: {  	[sflag:s20] =	ssyncadd.s32 $0xFFFFF800  }
0x78: {  	_ =	swait.ge [sflag:s20], $0x800  }
0x79: {  	[sflag:s20] =	ssyncset.done $0x0  }
0x7a: {  	[sflag:s20] =	ssyncadd.s32 $0xFFFFF800  }
0x7b: {  	_ =	swait.ge [sflag:s20], $0x800  }
0x7c: {  	[sflag:s20] =	ssyncset.done $0x0  }
0x7d: {  	[sflag:s20] =	ssyncadd.s32 $0xFFFFF800  }
0x7e: {  	_ =	swait.ge [sflag:s20], $0x800  }
0x7f: {  	[sflag:s20] =	ssyncset.done $0x0  }
0x80: {  	[sflag:s20] =	ssyncadd.s32 $0xFFFFF800  }
0x81: {  	_ =	swait.ge [sflag:s20], $0x800  }
0x82: {  	[sflag:s20] =	ssyncset.done $0x0  }
0x83: {  	[sflag:s20] =	ssyncadd.s32 $0xFFFFF800  }
0x84: {  	_ =	swait.ge [sflag:s20], $0x800  }
0x85: {  	s21 =	sadd.s32 $0x1, s21;
	[sflag:s20] =	ssyncset.done $0x0  }
0x86: {  	p0 =	sne.s32 s21, s8;
	[sflag:s20] =	ssyncadd.s32 $0xFFFFF800  }
.Ltmp1:
0x87: {  	[bflag:$0x0] =	sbarrier.arrive $0xFFFF;
	(pc) =	sbr.rel @p0 .LBB2_1-.Ltmp1, $4  }
0x88: {  	[hbm:s7], [sflag:s11] =	dma.local [spmem:s12], $0x4F0  }
0x89: {  	_ =	swait.ge [sflag:s9], $0x4F0  }
0x8a: {  	[sflag:s9] =	ssyncset.done $0x0  }
0x8b: {  	[sflag:s9] =	ssyncadd.s32 $0xFFFFFB10  }
0x8c: {  	_ =	sfence.sel $0x180000  }
0x8d: {  	[bflag:$0x0] =	sbarrier.arrive $0xFFFF  }
0x8e: {  	p0 =	sne.s32 s1, $0x0;
	_ =	strace $0x90000047  }
0x8f: {  	s0 =	sadd.s32 @!p0 $0x100000, s0;
	[bflag:$0x2] =	sbarrier.arrive $0xFFFF  }
0x90: {  	[sflag:s0] =	ssyncadd.tile.s32 @!p0 $0x1;
	_ =	shalt  }
.Lfunc_end2:
_tile_overlayer_lowered:
.L_overlay_start_2:
0x91: {  	(tag) =	ssettag $0x2  }
0x92: {  	s0 =	rddreg [dreg:$0x0];
	s2 =	stileid.u32  }
0x93: {  	s1 =	rddreg [dreg:$0x1];
	p0 =	sne.s32 s2, $0x0  }
0x94: {  	s3 =	rddreg [dreg:$0x2];
	[bflag:$0x3] =	sbarrier.arrive $0xFFFF;
	s2 =	simm.s32 @!p0 $0x1C02  }
0x95: {  	[timem:s3], [sflag:s2] =	dma.local @!p0 [hbm:s0], s1  }
0x96: {  	s0 =	simm.s32 @!p0 $0x2  }
0x97: {  	_ =	swait.ge @!p0 [sflag:s0], s1  }
0x98: {  	s1 =	ssub.s32 @!p0 $0x0, s1;
	[sflag:s0] =	ssyncset.done @!p0 $0x0  }
0x99: {  	[sflag:s0] =	ssyncadd.s32 @!p0 s1  }
0x9a: {  	[bflag:$0x3] =	sbarrier.arrive $0xFFFF  }
0x9b: {  	_ =	shalt  }

</sc_bundles>
